<compile_context>
chip_gen: v7x
topology: tpu7x:2x2x1
jax: 0.10.2.dev20260603
libtpu: 0.0.44.dev20260713+nightly
codegen_flags: <defaults>
</compile_context>

<pallas_src>
import functools

import jax
import jax.numpy as jnp
from jax import lax
from jax.experimental import pallas as pl
from jax.experimental.pallas import tpu as pltpu
from jax.experimental.pallas import tpu_sc as plsc

N = 10000
E = 320000
M = 10000
DI = 128
DH = 128
DO = 10
G = 64

NP = 10240
RPT = NP // 16
K = 128
EP = 327680
NB = 2

CH = 80
PPT = CH * K

DPT = EP // 32
HB = 12288
CPT = HB // 32


def _sc_pass_body(src_hbm, gidx_hbm, sidx_hbm, z_hbm, out_hbm,
                  gidx_v, rows_v, sq0, sq1, acc_sh, gsem, ssem):
    cid = lax.axis_index("c")
    sid = lax.axis_index("s")
    wid = sid * 2 + cid
    sq = (sq0, sq1)

    pltpu.sync_copy(gidx_hbm.at[pl.ds(wid * PPT, PPT)], gidx_v)

    base = sid * RPT
    for k in range(RPT // K):
        pltpu.sync_copy(z_hbm, acc_sh.at[pl.ds(base + k * K, K)])
    plsc.subcore_barrier()

    def g_start(c, b):
        pltpu.async_copy(src_hbm.at[gidx_v.at[pl.ds(c * K, K)]],
                         rows_v.at[b], gsem.at[b])

    def g_wait(c, b):
        pltpu.make_async_copy(src_hbm.at[gidx_v.at[pl.ds(c * K, K)]],
                              rows_v.at[b], gsem.at[b]).wait()

    def s_load(c, b):
        pltpu.async_copy(sidx_hbm.at[pl.ds(wid * PPT + c * K, K)],
                         sq[b], ssem.at[b])

    def s_wait(c, b):
        pltpu.make_async_copy(sidx_hbm.at[pl.ds(wid * PPT + c * K, K)],
                              sq[b], ssem.at[b]).wait()

    for b in range(NB):
        g_start(b, b)
        s_load(b, b)

    def body(i, carry):
        for b in range(NB):
            c = i * NB + b
            g_wait(c, b)
            s_wait(c, b)
            pltpu.sync_copy(rows_v.at[b], acc_sh.at[sq[b]], add=True)
            c2 = jnp.minimum(c + NB, CH - 1)
            g_start(c2, b)
            s_load(c2, b)
        return carry

    lax.fori_loop(0, CH // NB, body, 0)
    for b in range(NB):
        g_wait(CH - 1, b)
        s_wait(CH - 1, b)

    plsc.subcore_barrier()
    for k in range(RPT // K):
        pltpu.sync_copy(acc_sh.at[pl.ds(base + k * K, K)],
                        out_hbm.at[cid, pl.ds(base + k * K, K)])


_sc_pass = functools.partial(
    pl.kernel,
    out_type=jax.ShapeDtypeStruct((2, NP, DH), jnp.float32),
    mesh=plsc.VectorSubcoreMesh(core_axis_name="c", subcore_axis_name="s",
                                num_cores=2, num_subcores=16),
    scratch_types=[
        pltpu.VMEM((PPT,), jnp.int32),
        pltpu.VMEM((NB, K, DH), jnp.float32),
        pltpu.VMEM((K,), jnp.int32),
        pltpu.VMEM((K,), jnp.int32),
        pltpu.VMEM_SHARED((NP, DH), jnp.float32),
        pltpu.SemaphoreType.DMA((NB,)),
        pltpu.SemaphoreType.DMA((NB,)),
    ],
    compiler_params=pltpu.CompilerParams(needs_layout_passes=False),
)(_sc_pass_body)


def _sc_deg_body(nidx_hbm, hidx_hbm, dcnt_hbm, bcnt_hbm,
                 nidx_v, hidx_v, hist_n, hist_m, red_v, ob_v, sh_n, sh_m):
    cid = lax.axis_index("c")
    sid = lax.axis_index("s")
    wid = sid * 2 + cid

    pltpu.sync_copy(nidx_hbm.at[pl.ds(wid * DPT, DPT)], nidx_v)
    pltpu.sync_copy(hidx_hbm.at[pl.ds(wid * DPT, DPT)], hidx_v)

    zero16 = jnp.zeros((16,), jnp.float32)

    def zbody(i, carry):
        hist_n[pl.ds(i * 16, 16)] = zero16
        hist_m[pl.ds(i * 16, 16)] = zero16
        return carry

    lax.fori_loop(0, HB // 16, zbody, 0)

    ones16 = jnp.ones((16,), jnp.float32)

    def hbody(i, carry):
        plsc.addupdate_scatter(hist_n, [nidx_v[pl.ds(i * 16, 16)]], ones16)
        plsc.addupdate_scatter(hist_m, [hidx_v[pl.ds(i * 16, 16)]], ones16)
        return carry

    lax.fori_loop(0, DPT // 16, hbody, 0)

    pltpu.sync_copy(hist_n, sh_n.at[pl.ds(sid * HB, HB)])
    pltpu.sync_copy(hist_m, sh_m.at[pl.ds(sid * HB, HB)])
    plsc.subcore_barrier()

    col = sid * CPT
    for sh, out_hbm in ((sh_n, dcnt_hbm), (sh_m, bcnt_hbm)):
        for r in range(16):
            pltpu.sync_copy(sh.at[pl.ds(r * HB + col, CPT)],
                            red_v.at[pl.ds(r * CPT, CPT)])

        def rbody(k, carry):
            acc = red_v[pl.ds(k * 16, 16)]
            for r in range(1, 16):
                acc = acc + red_v[pl.ds(r * CPT + k * 16, 16)]
            ob_v[pl.ds(k * 16, 16)] = acc
            return carry

        lax.fori_loop(0, CPT // 16, rbody, 0)
        pltpu.sync_copy(ob_v, out_hbm.at[pl.ds(cid * HB + col, CPT)])


_sc_deg = functools.partial(
    pl.kernel,
    out_type=(jax.ShapeDtypeStruct((2 * HB,), jnp.float32),
              jax.ShapeDtypeStruct((2 * HB,), jnp.float32)),
    mesh=plsc.VectorSubcoreMesh(core_axis_name="c", subcore_axis_name="s",
                                num_cores=2, num_subcores=16),
    scratch_types=[
        pltpu.VMEM((DPT,), jnp.int32),
        pltpu.VMEM((DPT,), jnp.int32),
        pltpu.VMEM((HB,), jnp.float32),
        pltpu.VMEM((HB,), jnp.float32),
        pltpu.VMEM((16 * CPT,), jnp.float32),
        pltpu.VMEM((CPT,), jnp.float32),
        pltpu.VMEM_SHARED((16 * HB,), jnp.float32),
        pltpu.VMEM_SHARED((16 * HB,), jnp.float32),
    ],
    compiler_params=pltpu.CompilerParams(needs_layout_passes=False),
)(_sc_deg_body)


def _mm_body(x_ref, w_ref, o_ref):
    o_ref[...] = jnp.dot(x_ref[...], w_ref[...],
                         preferred_element_type=jnp.float32)


def _tc_mm(x, w):
    return pl.pallas_call(
        _mm_body,
        out_shape=jax.ShapeDtypeStruct((x.shape[0], w.shape[1]), jnp.float32),
    )(x, w)


def _inv_counts(cnt_ref):
    c = cnt_ref[...]
    tot = c[:, 0:1] + c[:, 1:2]
    return jnp.where(tot > 0, 1.0 / tot, 0.0)[:NP]


def _scale_body(s_ref, cnt_ref, o_ref):
    o_ref[...] = (s_ref[0] + s_ref[1]) * _inv_counts(cnt_ref)


def _tc_scale(s, cnt_t):
    return pl.pallas_call(
        _scale_body,
        out_shape=jax.ShapeDtypeStruct((NP, DH), jnp.float32),
    )(s, cnt_t)


def _relu_mm_body(u_ref, cnt_ref, b_ref, w_ref, o_ref):
    h = jnp.maximum((u_ref[0] + u_ref[1]) * _inv_counts(cnt_ref)
                    + b_ref[...], 0.0)
    rows = lax.broadcasted_iota(jnp.int32, (NP, 1), 0)
    h = jnp.where(rows < N, h, 0.0)
    o_ref[...] = jnp.dot(h, w_ref[...], preferred_element_type=jnp.float32)


def _tc_relu_mm(u, cnt_t, b, w):
    return pl.pallas_call(
        _relu_mm_body,
        out_shape=jax.ShapeDtypeStruct((NP, DH), jnp.float32),
    )(u, cnt_t, b, w)


def _final_body(u_ref, cnt_ref, b_ref, batch_ref, wfc_ref, bfc_ref, o_ref):
    h = jnp.maximum((u_ref[0] + u_ref[1]) * _inv_counts(cnt_ref)
                    + b_ref[...], 0.0)
    rows = lax.broadcasted_iota(jnp.int32, (NP, 1), 0)
    h = jnp.where(rows < N, h, 0.0)

    bb = batch_ref[...]
    gids = lax.broadcasted_iota(jnp.int32, (G, NP), 0)
    oh = jnp.where(gids == bb, 1.0, 0.0)
    pooled = jnp.dot(oh, h, preferred_element_type=jnp.float32)
    counts = jnp.sum(oh, axis=1, keepdims=True)
    gm = pooled / jnp.maximum(counts, 1.0)
    logits = jnp.dot(gm, wfc_ref[...],
                     preferred_element_type=jnp.float32) + bfc_ref[...]
    mx = jnp.max(logits, axis=1, keepdims=True)
    shl = logits - mx
    o_ref[...] = shl - jnp.log(jnp.sum(jnp.exp(shl), axis=1, keepdims=True))


def _tc_final(u, cnt_t, b, batch_p, wfc, bfc):
    return pl.pallas_call(
        _final_body,
        out_shape=jax.ShapeDtypeStruct((G, DO), jnp.float32),
    )(u, cnt_t, b, batch_p, wfc, bfc)


def kernel(x, edge_index, batch, W1, b1, W2, b2, Wfc, bfc):
    x_pad = jnp.zeros((NP, DI), jnp.float32).at[:N, :].set(x)
    pad = (jnp.arange(EP - E, dtype=jnp.int32) % (NP - N)) + N
    nidx = jnp.concatenate([edge_index[0], pad])
    hidx = jnp.concatenate([edge_index[1], pad])
    z128 = jnp.zeros((K, DH), jnp.float32)
    batch_p = jnp.concatenate(
        [batch, jnp.full((NP - N,), G, jnp.int32)]).reshape(1, NP)

    dcnt, bcnt = _sc_deg(nidx, hidx)
    dcnt_t = dcnt.reshape(2, HB).T
    bcnt_t = bcnt.reshape(2, HB).T

    t1 = _tc_mm(x_pad, W1)
    s1 = _sc_pass(t1, nidx, hidx, z128)
    he1 = _tc_scale(s1, bcnt_t)
    u1 = _sc_pass(he1, hidx, nidx, z128)
    t2 = _tc_relu_mm(u1, dcnt_t, b1.reshape(1, DH), W2)
    s2 = _sc_pass(t2, nidx, hidx, z128)
    he2 = _tc_scale(s2, bcnt_t)
    u2 = _sc_pass(he2, hidx, nidx, z128)
    return _tc_final(u2, dcnt_t, b2.reshape(1, DH), batch_p, Wfc,
                     bfc.reshape(1, DO))

# --- scband reference (transcript-rebuilt; emitter-appended) ---
"""Pipeline reference for scband-hgcn-32212254720551 (READ-ONLY COPY).

The authoritative reference and input builder live on the scoring server;
editing this copy changes nothing except your own understanding.
"""

import jax, jax.numpy as jnp
import numpy as np

N = 10000          # nodes
E = 320000         # incidence entries (node, hyperedge) pairs
M = 10000          # hyperedges
D_IN = 128
D_HID = 128
D_OUT = 10
G = 64             # graphs in batch


def setup_inputs(seed: int = 0) -> dict:
    key = jax.random.key(seed)
    ks = jax.random.split(key, 10)
    x = jax.random.normal(ks[0], (N, D_IN), dtype=jnp.float32)
    edge_index = jax.random.randint(ks[1], (2, E), 0, N, dtype=jnp.int32)
    batch = jnp.sort(jax.random.randint(ks[2], (N,), 0, G, dtype=jnp.int32))
    s1 = 1.0 / np.sqrt(D_IN)
    s2 = 1.0 / np.sqrt(D_HID)
    W1 = jax.random.uniform(ks[3], (D_IN, D_HID), jnp.float32, -s1, s1)
    b1 = jax.random.uniform(ks[4], (D_HID,), jnp.float32, -s1, s1)
    W2 = jax.random.uniform(ks[5], (D_HID, D_HID), jnp.float32, -s2, s2)
    b2 = jax.random.uniform(ks[6], (D_HID,), jnp.float32, -s2, s2)
    Wfc = jax.random.uniform(ks[7], (D_HID, D_OUT), jnp.float32, -s2, s2)
    bfc = jax.random.uniform(ks[8], (D_OUT,), jnp.float32, -s2, s2)
    return {"x": x, "edge_index": edge_index, "batch": batch,
            "W1": W1, "b1": b1, "W2": W2, "b2": b2, "Wfc": Wfc, "bfc": bfc}


def _hypergraph_conv(x, edge_index, W, b):
    # PyG HypergraphConv (use_attention=False, unit hyperedge weights):
    #   X' = D^{-1} H B^{-1} H^T (X Theta) + bias
    x = x @ W
    node_idx = edge_index[0]
    he_idx = edge_index[1]
    ones = jnp.ones((edge_index.shape[1],), jnp.float32)
    D = jax.ops.segment_sum(ones, node_idx, num_segments=N)
    Dinv = jnp.where(D > 0, 1.0 / D, 0.0)
    B = jax.ops.segment_sum(ones, he_idx, num_segments=M)
    Binv = jnp.where(B > 0, 1.0 / B, 0.0)
    # nodes -> hyperedges: h_e = B_e^{-1} * sum_{v in e} x_v
    he_feat = jax.ops.segment_sum(Binv[he_idx][:, None] * x[node_idx], he_idx, num_segments=M)
    # hyperedges -> nodes: o_v = D_v^{-1} * sum_{e ni v} h_e
    out = jax.ops.segment_sum(Dinv[node_idx][:, None] * he_feat[he_idx], node_idx, num_segments=N)
    return out + b


def _global_mean_pool(x, batch):
    s = jax.ops.segment_sum(x, batch, num_segments=G)
    c = jax.ops.segment_sum(jnp.ones((x.shape[0],), jnp.float32), batch, num_segments=G)
    return s / jnp.maximum(c, 1.0)[:, None]


def reference(x, edge_index, batch, W1, b1, W2, b2, Wfc, bfc):
    h = jax.nn.relu(_hypergraph_conv(x, edge_index, W1, b1))
    h = _hypergraph_conv(h, edge_index, W2, b2)
    h = jax.nn.relu(h)
    g = _global_mean_pool(h, batch)
    logits = g @ Wfc + bfc
    return jax.nn.log_softmax(logits, axis=1)

if __name__ == "__main__":
    import jax
    _d = setup_inputs()
    print(jax.jit(kernel)(*tuple(_d.values())))

</pallas_src>

<mosaic_0001>
#map = affine_map<(d0, d1) -> (0, 0)>
#map1 = affine_map<(d0, d1) -> (0)>
#map2 = affine_map<(d0, d1) -> (0, 0, 0)>
module attributes {stable_mosaic.version = 14 : i64} {
  func.func @_sc_pass_body(%arg0: i32, %arg1: i32, %arg2: memref<10240x128xf32, #tpu.memory_space<hbm>>, %arg3: memref<327680xi32, #tpu.memory_space<hbm>>, %arg4: memref<327680xi32, #tpu.memory_space<hbm>>, %arg5: memref<128x128xf32, #tpu.memory_space<hbm>>, %arg6: memref<2x10240x128xf32, #tpu.memory_space<hbm>>, %arg7: memref<10240xi32, #tpu.memory_space<vmem>>, %arg8: memref<2x128x128xf32, #tpu.memory_space<vmem>>, %arg9: memref<128xi32, #tpu.memory_space<vmem>>, %arg10: memref<128xi32, #tpu.memory_space<vmem>>, %arg11: memref<10240x128xf32, #tpu.memory_space<vmem_shared>>, %arg12: memref<2x!tpu.dma_semaphore, #tpu.memory_space<semaphore_mem>>, %arg13: memref<2x!tpu.dma_semaphore, #tpu.memory_space<semaphore_mem>>) attributes {dimension_semantics = [#tpu.dimension_semantics<core_parallel>, #tpu.dimension_semantics<subcore_parallel>], iteration_bounds = array<i64: 2, 16>, scalar_prefetch = 0 : i64, scratch_operands = 7 : i64, tpu.core_type = #tpu.core_type<sc_vector_subcore>, window_params = [{transform_indices = #map}, {transform_indices = #map1}, {transform_indices = #map1}, {transform_indices = #map}, {transform_indices = #map2}]} {
    %mul3A = arith.constant 2 : i32
    %mul3A_0 = arith.muli %arg1, %mul3A : i32
    %add3A = arith.addi %mul3A_0, %arg0 : i32
    %mul3A_1 = arith.constant 10240 : i32
    %mul3A_2 = arith.muli %add3A, %mul3A_1 : i32
    "tpu.region"() ({
      %run_scoped3A = tpu.sem_alloc : memref<!tpu.dma_semaphore, #tpu.memory_space<semaphore_mem>>
      %dma_start3A_127 = tpu.memref_slice %arg3[%mul3A_2] : memref<327680xi32, #tpu.memory_space<hbm>> -> memref<10240xi32, #tpu.memory_space<hbm>>
      %dma_start3A_128 = tpu.memref_slice %arg3[%mul3A_2] : memref<327680xi32, #tpu.memory_space<hbm>> -> memref<10240xi32, #tpu.memory_space<hbm>>
      tpu.enqueue_dma source(%dma_start3A_128 : memref<10240xi32, #tpu.memory_space<hbm>>) target(%arg7 : memref<10240xi32, #tpu.memory_space<vmem>>) target_semaphore(%run_scoped3A : memref<!tpu.dma_semaphore, #tpu.memory_space<semaphore_mem>>)
      %dma_wait3A_129 = tpu.memref_slice %arg3[%mul3A_2] : memref<327680xi32, #tpu.memory_space<hbm>> -> memref<10240xi32, #tpu.memory_space<hbm>>
      %dma_wait3A_130 = tpu.memref_slice %arg3[%mul3A_2] : memref<327680xi32, #tpu.memory_space<hbm>> -> memref<10240xi32, #tpu.memory_space<hbm>>
      tpu.wait_dma2 semaphore(%run_scoped3A : memref<!tpu.dma_semaphore, #tpu.memory_space<semaphore_mem>>) src(%dma_wait3A_130 : memref<10240xi32, #tpu.memory_space<hbm>>) dst(%arg7 : memref<10240xi32, #tpu.memory_space<vmem>>)
      tpu.yield
    }) : () -> ()
    %mul3A_3 = arith.constant 640 : i32
    %mul3A_4 = arith.muli %arg1, %mul3A_3 : i32
    %add3A_5 = arith.constant 0 : i32
    %add3A_6 = arith.addi %mul3A_4, %add3A_5 : i32
    "tpu.region"() ({
      %run_scoped3A = tpu.sem_alloc : memref<!tpu.dma_semaphore, #tpu.memory_space<semaphore_mem>>
      %dma_start3A_127 = arith.constant 0 : i32
      %dma_start3A_128 = tpu.memref_slice %arg11[%add3A_6, %dma_start3A_127] : memref<10240x128xf32, #tpu.memory_space<vmem_shared>> -> memref<128x128xf32, #tpu.memory_space<vmem_shared>>
      tpu.enqueue_dma source(%arg5 : memref<128x128xf32, #tpu.memory_space<hbm>>) target(%dma_start3A_128 : memref<128x128xf32, #tpu.memory_space<vmem_shared>>) target_semaphore(%run_scoped3A : memref<!tpu.dma_semaphore, #tpu.memory_space<semaphore_mem>>)
      %dma_wait3A_129 = arith.constant 0 : i32
      %dma_wait3A_130 = tpu.memref_slice %arg11[%add3A_6, %dma_wait3A_129] : memref<10240x128xf32, #tpu.memory_space<vmem_shared>> -> memref<128x128xf32, #tpu.memory_space<vmem_shared>>
      tpu.wait_dma2 semaphore(%run_scoped3A : memref<!tpu.dma_semaphore, #tpu.memory_space<semaphore_mem>>) src(%arg5 : memref<128x128xf32, #tpu.memory_space<hbm>>) dst(%dma_wait3A_130 : memref<128x128xf32, #tpu.memory_space<vmem_shared>>)
      tpu.yield
    }) : () -> ()
    %add3A_7 = arith.constant 128 : i32
    %add3A_8 = arith.addi %mul3A_4, %add3A_7 : i32
    "tpu.region"() ({
      %run_scoped3A = tpu.sem_alloc : memref<!tpu.dma_semaphore, #tpu.memory_space<semaphore_mem>>
      %dma_start3A_127 = arith.constant 0 : i32
      %dma_start3A_128 = tpu.memref_slice %arg11[%add3A_8, %dma_start3A_127] : memref<10240x128xf32, #tpu.memory_space<vmem_shared>> -> memref<128x128xf32, #tpu.memory_space<vmem_shared>>
      tpu.enqueue_dma source(%arg5 : memref<128x128xf32, #tpu.memory_space<hbm>>) target(%dma_start3A_128 : memref<128x128xf32, #tpu.memory_space<vmem_shared>>) target_semaphore(%run_scoped3A : memref<!tpu.dma_semaphore, #tpu.memory_space<semaphore_mem>>)
      %dma_wait3A_129 = arith.constant 0 : i32
      %dma_wait3A_130 = tpu.memref_slice %arg11[%add3A_8, %dma_wait3A_129] : memref<10240x128xf32, #tpu.memory_space<vmem_shared>> -> memref<128x128xf32, #tpu.memory_space<vmem_shared>>
      tpu.wait_dma2 semaphore(%run_scoped3A : memref<!tpu.dma_semaphore, #tpu.memory_space<semaphore_mem>>) src(%arg5 : memref<128x128xf32, #tpu.memory_space<hbm>>) dst(%dma_wait3A_130 : memref<128x128xf32, #tpu.memory_space<vmem_shared>>)
      tpu.yield
    }) : () -> ()
    %add3A_9 = arith.constant 256 : i32
    %add3A_10 = arith.addi %mul3A_4, %add3A_9 : i32
    "tpu.region"() ({
      %run_scoped3A = tpu.sem_alloc : memref<!tpu.dma_semaphore, #tpu.memory_space<semaphore_mem>>
      %dma_start3A_127 = arith.constant 0 : i32
      %dma_start3A_128 = tpu.memref_slice %arg11[%add3A_10, %dma_start3A_127] : memref<10240x128xf32, #tpu.memory_space<vmem_shared>> -> memref<128x128xf32, #tpu.memory_space<vmem_shared>>
      tpu.enqueue_dma source(%arg5 : memref<128x128xf32, #tpu.memory_space<hbm>>) target(%dma_start3A_128 : memref<128x128xf32, #tpu.memory_space<vmem_shared>>) target_semaphore(%run_scoped3A : memref<!tpu.dma_semaphore, #tpu.memory_space<semaphore_mem>>)
      %dma_wait3A_129 = arith.constant 0 : i32
      %dma_wait3A_130 = tpu.memref_slice %arg11[%add3A_10, %dma_wait3A_129] : memref<10240x128xf32, #tpu.memory_space<vmem_shared>> -> memref<128x128xf32, #tpu.memory_space<vmem_shared>>
      tpu.wait_dma2 semaphore(%run_scoped3A : memref<!tpu.dma_semaphore, #tpu.memory_space<semaphore_mem>>) src(%arg5 : memref<128x128xf32, #tpu.memory_space<hbm>>) dst(%dma_wait3A_130 : memref<128x128xf32, #tpu.memory_space<vmem_shared>>)
      tpu.yield
    }) : () -> ()
    %add3A_11 = arith.constant 384 : i32
    %add3A_12 = arith.addi %mul3A_4, %add3A_11 : i32
    "tpu.region"() ({
      %run_scoped3A = tpu.sem_alloc : memref<!tpu.dma_semaphore, #tpu.memory_space<semaphore_mem>>
      %dma_start3A_127 = arith.constant 0 : i32
      %dma_start3A_128 = tpu.memref_slice %arg11[%add3A_12, %dma_start3A_127] : memref<10240x128xf32, #tpu.memory_space<vmem_shared>> -> memref<128x128xf32, #tpu.memory_space<vmem_shared>>
      tpu.enqueue_dma source(%arg5 : memref<128x128xf32, #tpu.memory_space<hbm>>) target(%dma_start3A_128 : memref<128x128xf32, #tpu.memory_space<vmem_shared>>) target_semaphore(%run_scoped3A : memref<!tpu.dma_semaphore, #tpu.memory_space<semaphore_mem>>)
      %dma_wait3A_129 = arith.constant 0 : i32
      %dma_wait3A_130 = tpu.memref_slice %arg11[%add3A_12, %dma_wait3A_129] : memref<10240x128xf32, #tpu.memory_space<vmem_shared>> -> memref<128x128xf32, #tpu.memory_space<vmem_shared>>
      tpu.wait_dma2 semaphore(%run_scoped3A : memref<!tpu.dma_semaphore, #tpu.memory_space<semaphore_mem>>) src(%arg5 : memref<128x128xf32, #tpu.memory_space<hbm>>) dst(%dma_wait3A_130 : memref<128x128xf32, #tpu.memory_space<vmem_shared>>)
      tpu.yield
    }) : () -> ()
    %add3A_13 = arith.constant 512 : i32
    %add3A_14 = arith.addi %mul3A_4, %add3A_13 : i32
    "tpu.region"() ({
      %run_scoped3A = tpu.sem_alloc : memref<!tpu.dma_semaphore, #tpu.memory_space<semaphore_mem>>
      %dma_start3A_127 = arith.constant 0 : i32
      %dma_start3A_128 = tpu.memref_slice %arg11[%add3A_14, %dma_start3A_127] : memref<10240x128xf32, #tpu.memory_space<vmem_shared>> -> memref<128x128xf32, #tpu.memory_space<vmem_shared>>
      tpu.enqueue_dma source(%arg5 : memref<128x128xf32, #tpu.memory_space<hbm>>) target(%dma_start3A_128 : memref<128x128xf32, #tpu.memory_space<vmem_shared>>) target_semaphore(%run_scoped3A : memref<!tpu.dma_semaphore, #tpu.memory_space<semaphore_mem>>)
      %dma_wait3A_129 = arith.constant 0 : i32
      %dma_wait3A_130 = tpu.memref_slice %arg11[%add3A_14, %dma_wait3A_129] : memref<10240x128xf32, #tpu.memory_space<vmem_shared>> -> memref<128x128xf32, #tpu.memory_space<vmem_shared>>
      tpu.wait_dma2 semaphore(%run_scoped3A : memref<!tpu.dma_semaphore, #tpu.memory_space<semaphore_mem>>) src(%arg5 : memref<128x128xf32, #tpu.memory_space<hbm>>) dst(%dma_wait3A_130 : memref<128x128xf32, #tpu.memory_space<vmem_shared>>)
      tpu.yield
    }) : () -> ()
    %barrier3A = arith.constant 0 : index
    tpu.barrier barrier_id(%barrier3A)
    %dma_start3A = arith.constant 0 : i32
    %dma_start3A_15 = arith.constant 0 : i32
    %dma_start3A_16 = arith.constant 0 : i32
    %dma_start3A_17 = arith.constant 0 : i32
    %dma_start3A_18 = tpu.memref_slice %arg8[%dma_start3A, %dma_start3A_16, %dma_start3A_17] : memref<2x128x128xf32, #tpu.memory_space<vmem>> -> memref<1x128x128xf32, #tpu.memory_space<vmem>>
    %dma_start3A_19 = tpu.memref_squeeze %dma_start3A_18 : memref<1x128x128xf32, #tpu.memory_space<vmem>> -> memref<128x128xf32, #tpu.memory_space<vmem>>
    %dma_start3A_20 = arith.constant 0 : i32
    %dma_start3A_21 = tpu.memref_slice %arg7[%dma_start3A_20] : memref<10240xi32, #tpu.memory_space<vmem>> -> memref<128xi32, #tpu.memory_space<vmem>>
    %dma_start3A_22 = arith.constant 0 : i32
    %dma_start3A_23 = arith.constant 0 : i32
    %dma_start3A_24 = tpu.memref_slice %arg2[%dma_start3A_22, %dma_start3A_23] : memref<10240x128xf32, #tpu.memory_space<hbm>> -> memref<10240x128xf32, #tpu.memory_space<hbm>>
    %dma_start3A_25 = tpu.memref_slice %arg12[%dma_start3A_15] : memref<2x!tpu.dma_semaphore, #tpu.memory_space<semaphore_mem>> -> memref<1x!tpu.dma_semaphore, #tpu.memory_space<semaphore_mem>>
    %dma_start3A_26 = tpu.memref_squeeze %dma_start3A_25 : memref<1x!tpu.dma_semaphore, #tpu.memory_space<semaphore_mem>> -> memref<!tpu.dma_semaphore, #tpu.memory_space<semaphore_mem>>
    tpu.enqueue_indirect_dma source(%dma_start3A_24 : memref<10240x128xf32, #tpu.memory_space<hbm>>) target(%dma_start3A_19 : memref<128x128xf32, #tpu.memory_space<vmem>>) offsets(%dma_start3A_21 : memref<128xi32, #tpu.memory_space<vmem>>) semaphore(%dma_start3A_26 : memref<!tpu.dma_semaphore, #tpu.memory_space<semaphore_mem>>)
    %mul3A_27 = arith.constant 10240 : i32
    %mul3A_28 = arith.muli %add3A, %mul3A_27 : i32
    %add3A_29 = arith.constant 0 : i32
    %add3A_30 = arith.addi %mul3A_28, %add3A_29 : i32
    %dma_start3A_31 = arith.constant 0 : i32
    %dma_start3A_32 = tpu.memref_slice %arg4[%add3A_30] : memref<327680xi32, #tpu.memory_space<hbm>> -> memref<128xi32, #tpu.memory_space<hbm>>
    %dma_start3A_33 = tpu.memref_slice %arg13[%dma_start3A_31] : memref<2x!tpu.dma_semaphore, #tpu.memory_space<semaphore_mem>> -> memref<1x!tpu.dma_semaphore, #tpu.memory_space<semaphore_mem>>
    %dma_start3A_34 = tpu.memref_squeeze %dma_start3A_33 : memref<1x!tpu.dma_semaphore, #tpu.memory_space<semaphore_mem>> -> memref<!tpu.dma_semaphore, #tpu.memory_space<semaphore_mem>>
    %dma_start3A_35 = tpu.memref_slice %arg4[%add3A_30] : memref<327680xi32, #tpu.memory_space<hbm>> -> memref<128xi32, #tpu.memory_space<hbm>>
    tpu.enqueue_dma source(%dma_start3A_35 : memref<128xi32, #tpu.memory_space<hbm>>) target(%arg9 : memref<128xi32, #tpu.memory_space<vmem>>) target_semaphore(%dma_start3A_34 : memref<!tpu.dma_semaphore, #tpu.memory_space<semaphore_mem>>)
    %dma_start3A_36 = arith.constant 1 : i32
    %dma_start3A_37 = arith.constant 1 : i32
    %dma_start3A_38 = arith.constant 0 : i32
    %dma_start3A_39 = arith.constant 0 : i32
    %dma_start3A_40 = tpu.memref_slice %arg8[%dma_start3A_36, %dma_start3A_38, %dma_start3A_39] : memref<2x128x128xf32, #tpu.memory_space<vmem>> -> memref<1x128x128xf32, #tpu.memory_space<vmem>>
    %dma_start3A_41 = tpu.memref_squeeze %dma_start3A_40 : memref<1x128x128xf32, #tpu.memory_space<vmem>> -> memref<128x128xf32, #tpu.memory_space<vmem>>
    %dma_start3A_42 = arith.constant 128 : i32
    %dma_start3A_43 = tpu.memref_slice %arg7[%dma_start3A_42] : memref<10240xi32, #tpu.memory_space<vmem>> -> memref<128xi32, #tpu.memory_space<vmem>>
    %dma_start3A_44 = arith.constant 0 : i32
    %dma_start3A_45 = arith.constant 0 : i32
    %dma_start3A_46 = tpu.memref_slice %arg2[%dma_start3A_44, %dma_start3A_45] : memref<10240x128xf32, #tpu.memory_space<hbm>> -> memref<10240x128xf32, #tpu.memory_space<hbm>>
    %dma_start3A_47 = tpu.memref_slice %arg12[%dma_start3A_37] : memref<2x!tpu.dma_semaphore, #tpu.memory_space<semaphore_mem>> -> memref<1x!tpu.dma_semaphore, #tpu.memory_space<semaphore_mem>>
    %dma_start3A_48 = tpu.memref_squeeze %dma_start3A_47 : memref<1x!tpu.dma_semaphore, #tpu.memory_space<semaphore_mem>> -> memref<!tpu.dma_semaphore, #tpu.memory_space<semaphore_mem>>
    tpu.enqueue_indirect_dma source(%dma_start3A_46 : memref<10240x128xf32, #tpu.memory_space<hbm>>) target(%dma_start3A_41 : memref<128x128xf32, #tpu.memory_space<vmem>>) offsets(%dma_start3A_43 : memref<128xi32, #tpu.memory_space<vmem>>) semaphore(%dma_start3A_48 : memref<!tpu.dma_semaphore, #tpu.memory_space<semaphore_mem>>)
    %mul3A_49 = arith.constant 10240 : i32
    %mul3A_50 = arith.muli %add3A, %mul3A_49 : i32
    %add3A_51 = arith.constant 128 : i32
    %add3A_52 = arith.addi %mul3A_50, %add3A_51 : i32
    %dma_start3A_53 = arith.constant 1 : i32
    %dma_start3A_54 = tpu.memref_slice %arg4[%add3A_52] : memref<327680xi32, #tpu.memory_space<hbm>> -> memref<128xi32, #tpu.memory_space<hbm>>
    %dma_start3A_55 = tpu.memref_slice %arg13[%dma_start3A_53] : memref<2x!tpu.dma_semaphore, #tpu.memory_space<semaphore_mem>> -> memref<1x!tpu.dma_semaphore, #tpu.memory_space<semaphore_mem>>
    %dma_start3A_56 = tpu.memref_squeeze %dma_start3A_55 : memref<1x!tpu.dma_semaphore, #tpu.memory_space<semaphore_mem>> -> memref<!tpu.dma_semaphore, #tpu.memory_space<semaphore_mem>>
    %dma_start3A_57 = tpu.memref_slice %arg4[%add3A_52] : memref<327680xi32, #tpu.memory_space<hbm>> -> memref<128xi32, #tpu.memory_space<hbm>>
    tpu.enqueue_dma source(%dma_start3A_57 : memref<128xi32, #tpu.memory_space<hbm>>) target(%arg10 : memref<128xi32, #tpu.memory_space<vmem>>) target_semaphore(%dma_start3A_56 : memref<!tpu.dma_semaphore, #tpu.memory_space<semaphore_mem>>)
    %scan3A = arith.constant 0 : i32
    %scan3A_58 = arith.constant 0 : i32
    %scan3A_59 = arith.constant 40 : i32
    %scan3A_60 = arith.addi %scan3A_58, %scan3A_59 : i32
    %scan3A_61 = arith.constant 1 : i32
    scf.for %scan3A_127 = %scan3A_58 to %scan3A_60 step %scan3A_61  : i32 {
      %mul3A_128 = arith.constant 2 : i32
      %mul3A_129 = arith.muli %scan3A_127, %mul3A_128 : i32
      %add3A_130 = arith.constant 0 : i32
      %add3A_131 = arith.addi %mul3A_129, %add3A_130 : i32
      %mul3A_132 = arith.constant 128 : i32
      %mul3A_133 = arith.muli %add3A_131, %mul3A_132 : i32
      %dma_wait3A_134 = arith.constant 0 : i32
      %dma_wait3A_135 = arith.constant 0 : i32
      %dma_wait3A_136 = arith.constant 0 : i32
      %dma_wait3A_137 = arith.constant 0 : i32
      %dma_wait3A_138 = tpu.memref_slice %arg8[%dma_wait3A_134, %dma_wait3A_136, %dma_wait3A_137] : memref<2x128x128xf32, #tpu.memory_space<vmem>> -> memref<1x128x128xf32, #tpu.memory_space<vmem>>
      %dma_wait3A_139 = tpu.memref_squeeze %dma_wait3A_138 : memref<1x128x128xf32, #tpu.memory_space<vmem>> -> memref<128x128xf32, #tpu.memory_space<vmem>>
      %dma_wait3A_140 = tpu.memref_slice %arg7[%mul3A_133] : memref<10240xi32, #tpu.memory_space<vmem>> -> memref<128xi32, #tpu.memory_space<vmem>>
      %dma_wait3A_141 = arith.constant 0 : i32
      %dma_wait3A_142 = arith.constant 0 : i32
      %dma_wait3A_143 = tpu.memref_slice %arg2[%dma_wait3A_141, %dma_wait3A_142] : memref<10240x128xf32, #tpu.memory_space<hbm>> -> memref<10240x128xf32, #tpu.memory_space<hbm>>
      %dma_wait3A_144 = tpu.memref_slice %arg12[%dma_wait3A_135] : memref<2x!tpu.dma_semaphore, #tpu.memory_space<semaphore_mem>> -> memref<1x!tpu.dma_semaphore, #tpu.memory_space<semaphore_mem>>
      %dma_wait3A_145 = tpu.memref_squeeze %dma_wait3A_144 : memref<1x!tpu.dma_semaphore, #tpu.memory_space<semaphore_mem>> -> memref<!tpu.dma_semaphore, #tpu.memory_space<semaphore_mem>>
      tpu.wait_indirect_dma semaphore(%dma_wait3A_145 : memref<!tpu.dma_semaphore, #tpu.memory_space<semaphore_mem>>) src(%dma_wait3A_143 : memref<10240x128xf32, #tpu.memory_space<hbm>>) dst(%dma_wait3A_139 : memref<128x128xf32, #tpu.memory_space<vmem>>)
      %mul3A_146 = arith.constant 10240 : i32
      %mul3A_147 = arith.muli %add3A, %mul3A_146 : i32
      %mul3A_148 = arith.constant 128 : i32
      %mul3A_149 = arith.muli %add3A_131, %mul3A_148 : i32
      %add3A_150 = arith.addi %mul3A_147, %mul3A_149 : i32
      %dma_wait3A_151 = arith.constant 0 : i32
      %dma_wait3A_152 = tpu.memref_slice %arg4[%add3A_150] : memref<327680xi32, #tpu.memory_space<hbm>> -> memref<128xi32, #tpu.memory_space<hbm>>
      %dma_wait3A_153 = tpu.memref_slice %arg13[%dma_wait3A_151] : memref<2x!tpu.dma_semaphore, #tpu.memory_space<semaphore_mem>> -> memref<1x!tpu.dma_semaphore, #tpu.memory_space<semaphore_mem>>
      %dma_wait3A_154 = tpu.memref_squeeze %dma_wait3A_153 : memref<1x!tpu.dma_semaphore, #tpu.memory_space<semaphore_mem>> -> memref<!tpu.dma_semaphore, #tpu.memory_space<semaphore_mem>>
      %dma_wait3A_155 = tpu.memref_slice %arg4[%add3A_150] : memref<327680xi32, #tpu.memory_space<hbm>> -> memref<128xi32, #tpu.memory_space<hbm>>
      tpu.wait_dma2 semaphore(%dma_wait3A_154 : memref<!tpu.dma_semaphore, #tpu.memory_space<semaphore_mem>>) src(%dma_wait3A_155 : memref<128xi32, #tpu.memory_space<hbm>>) dst(%arg9 : memref<128xi32, #tpu.memory_space<vmem>>)
      %run_scoped3A = arith.constant 0 : i32
      "tpu.region"() ({
        %run_scoped3A_240 = tpu.sem_alloc : memref<!tpu.dma_semaphore, #tpu.memory_space<semaphore_mem>>
        %dma_start3A_241 = arith.constant 0 : i32
        %dma_start3A_242 = arith.constant 0 : i32
        %dma_start3A_243 = tpu.memref_slice %arg8[%run_scoped3A, %dma_start3A_241, %dma_start3A_242] : memref<2x128x128xf32, #tpu.memory_space<vmem>> -> memref<1x128x128xf32, #tpu.memory_space<vmem>>
        %dma_start3A_244 = tpu.memref_squeeze %dma_start3A_243 : memref<1x128x128xf32, #tpu.memory_space<vmem>> -> memref<128x128xf32, #tpu.memory_space<vmem>>
        %dma_start3A_245 = arith.constant 0 : i32
        %dma_start3A_246 = arith.constant 0 : i32
        %dma_start3A_247 = tpu.memref_slice %arg11[%dma_start3A_245, %dma_start3A_246] : memref<10240x128xf32, #tpu.memory_space<vmem_shared>> -> memref<10240x128xf32, #tpu.memory_space<vmem_shared>>
        tpu.enqueue_indirect_dma source(%dma_start3A_244 : memref<128x128xf32, #tpu.memory_space<vmem>>) target(%dma_start3A_247 : memref<10240x128xf32, #tpu.memory_space<vmem_shared>>) offsets(%arg9 : memref<128xi32, #tpu.memory_space<vmem>>) semaphore(%run_scoped3A_240 : memref<!tpu.dma_semaphore, #tpu.memory_space<semaphore_mem>>) {add = true}
        %dma_wait3A_248 = arith.constant 0 : i32
        %dma_wait3A_249 = arith.constant 0 : i32
        %dma_wait3A_250 = tpu.memref_slice %arg8[%run_scoped3A, %dma_wait3A_248, %dma_wait3A_249] : memref<2x128x128xf32, #tpu.memory_space<vmem>> -> memref<1x128x128xf32, #tpu.memory_space<vmem>>
        %dma_wait3A_251 = tpu.memref_squeeze %dma_wait3A_250 : memref<1x128x128xf32, #tpu.memory_space<vmem>> -> memref<128x128xf32, #tpu.memory_space<vmem>>
        %dma_wait3A_252 = arith.constant 0 : i32
        %dma_wait3A_253 = arith.constant 0 : i32
        %dma_wait3A_254 = tpu.memref_slice %arg11[%dma_wait3A_252, %dma_wait3A_253] : memref<10240x128xf32, #tpu.memory_space<vmem_shared>> -> memref<10240x128xf32, #tpu.memory_space<vmem_shared>>
        tpu.wait_indirect_dma semaphore(%run_scoped3A_240 : memref<!tpu.dma_semaphore, #tpu.memory_space<semaphore_mem>>) src(%dma_wait3A_251 : memref<128x128xf32, #tpu.memory_space<vmem>>) dst(%dma_wait3A_254 : memref<10240x128xf32, #tpu.memory_space<vmem_shared>>)
        tpu.yield
      }) : () -> ()
      %add3A_156 = arith.constant 2 : i32
      %add3A_157 = arith.addi %add3A_131, %add3A_156 : i32
      %min3A = arith.constant 79 : i32
      %min3A_158 = arith.minsi %add3A_157, %min3A : i32
      %mul3A_159 = arith.constant 128 : i32
      %mul3A_160 = arith.muli %min3A_158, %mul3A_159 : i32
      %dma_start3A_161 = arith.constant 0 : i32
      %dma_start3A_162 = arith.constant 0 : i32
      %dma_start3A_163 = arith.constant 0 : i32
      %dma_start3A_164 = arith.constant 0 : i32
      %dma_start3A_165 = tpu.memref_slice %arg8[%dma_start3A_161, %dma_start3A_163, %dma_start3A_164] : memref<2x128x128xf32, #tpu.memory_space<vmem>> -> memref<1x128x128xf32, #tpu.memory_space<vmem>>
      %dma_start3A_166 = tpu.memref_squeeze %dma_start3A_165 : memref<1x128x128xf32, #tpu.memory_space<vmem>> -> memref<128x128xf32, #tpu.memory_space<vmem>>
      %dma_start3A_167 = tpu.memref_slice %arg7[%mul3A_160] : memref<10240xi32, #tpu.memory_space<vmem>> -> memref<128xi32, #tpu.memory_space<vmem>>
      %dma_start3A_168 = arith.constant 0 : i32
      %dma_start3A_169 = arith.constant 0 : i32
      %dma_start3A_170 = tpu.memref_slice %arg2[%dma_start3A_168, %dma_start3A_169] : memref<10240x128xf32, #tpu.memory_space<hbm>> -> memref<10240x128xf32, #tpu.memory_space<hbm>>
      %dma_start3A_171 = tpu.memref_slice %arg12[%dma_start3A_162] : memref<2x!tpu.dma_semaphore, #tpu.memory_space<semaphore_mem>> -> memref<1x!tpu.dma_semaphore, #tpu.memory_space<semaphore_mem>>
      %dma_start3A_172 = tpu.memref_squeeze %dma_start3A_171 : memref<1x!tpu.dma_semaphore, #tpu.memory_space<semaphore_mem>> -> memref<!tpu.dma_semaphore, #tpu.memory_space<semaphore_mem>>
      tpu.enqueue_indirect_dma source(%dma_start3A_170 : memref<10240x128xf32, #tpu.memory_space<hbm>>) target(%dma_start3A_166 : memref<128x128xf32, #tpu.memory_space<vmem>>) offsets(%dma_start3A_167 : memref<128xi32, #tpu.memory_space<vmem>>) semaphore(%dma_start3A_172 : memref<!tpu.dma_semaphore, #tpu.memory_space<semaphore_mem>>)
      %mul3A_173 = arith.constant 10240 : i32
      %mul3A_174 = arith.muli %add3A, %mul3A_173 : i32
      %mul3A_175 = arith.constant 128 : i32
      %mul3A_176 = arith.muli %min3A_158, %mul3A_175 : i32
      %add3A_177 = arith.addi %mul3A_174, %mul3A_176 : i32
      %dma_start3A_178 = arith.constant 0 : i32
      %dma_start3A_179 = tpu.memref_slice %arg4[%add3A_177] : memref<327680xi32, #tpu.memory_space<hbm>> -> memref<128xi32, #tpu.memory_space<hbm>>
      %dma_start3A_180 = tpu.memref_slice %arg13[%dma_start3A_178] : memref<2x!tpu.dma_semaphore, #tpu.memory_space<semaphore_mem>> -> memref<1x!tpu.dma_semaphore, #tpu.memory_space<semaphore_mem>>
      %dma_start3A_181 = tpu.memref_squeeze %dma_start3A_180 : memref<1x!tpu.dma_semaphore, #tpu.memory_space<semaphore_mem>> -> memref<!tpu.dma_semaphore, #tpu.memory_space<semaphore_mem>>
      %dma_start3A_182 = tpu.memref_slice %arg4[%add3A_177] : memref<327680xi32, #tpu.memory_space<hbm>> -> memref<128xi32, #tpu.memory_space<hbm>>
      tpu.enqueue_dma source(%dma_start3A_182 : memref<128xi32, #tpu.memory_space<hbm>>) target(%arg9 : memref<128xi32, #tpu.memory_space<vmem>>) target_semaphore(%dma_start3A_181 : memref<!tpu.dma_semaphore, #tpu.memory_space<semaphore_mem>>)
      %mul3A_183 = arith.constant 2 : i32
      %mul3A_184 = arith.muli %scan3A_127, %mul3A_183 : i32
      %add3A_185 = arith.constant 1 : i32
      %add3A_186 = arith.addi %mul3A_184, %add3A_185 : i32
      %mul3A_187 = arith.constant 128 : i32
      %mul3A_188 = arith.muli %add3A_186, %mul3A_187 : i32
      %dma_wait3A_189 = arith.constant 1 : i32
      %dma_wait3A_190 = arith.constant 1 : i32
      %dma_wait3A_191 = arith.constant 0 : i32
      %dma_wait3A_192 = arith.constant 0 : i32
      %dma_wait3A_193 = tpu.memref_slice %arg8[%dma_wait3A_189, %dma_wait3A_191, %dma_wait3A_192] : memref<2x128x128xf32, #tpu.memory_space<vmem>> -> memref<1x128x128xf32, #tpu.memory_space<vmem>>
      %dma_wait3A_194 = tpu.memref_squeeze %dma_wait3A_193 : memref<1x128x128xf32, #tpu.memory_space<vmem>> -> memref<128x128xf32, #tpu.memory_space<vmem>>
      %dma_wait3A_195 = tpu.memref_slice %arg7[%mul3A_188] : memref<10240xi32, #tpu.memory_space<vmem>> -> memref<128xi32, #tpu.memory_space<vmem>>
      %dma_wait3A_196 = arith.constant 0 : i32
      %dma_wait3A_197 = arith.constant 0 : i32
      %dma_wait3A_198 = tpu.memref_slice %arg2[%dma_wait3A_196, %dma_wait3A_197] : memref<10240x128xf32, #tpu.memory_space<hbm>> -> memref<10240x128xf32, #tpu.memory_space<hbm>>
      %dma_wait3A_199 = tpu.memref_slice %arg12[%dma_wait3A_190] : memref<2x!tpu.dma_semaphore, #tpu.memory_space<semaphore_mem>> -> memref<1x!tpu.dma_semaphore, #tpu.memory_space<semaphore_mem>>
      %dma_wait3A_200 = tpu.memref_squeeze %dma_wait3A_199 : memref<1x!tpu.dma_semaphore, #tpu.memory_space<semaphore_mem>> -> memref<!tpu.dma_semaphore, #tpu.memory_space<semaphore_mem>>
      tpu.wait_indirect_dma semaphore(%dma_wait3A_200 : memref<!tpu.dma_semaphore, #tpu.memory_space<semaphore_mem>>) src(%dma_wait3A_198 : memref<10240x128xf32, #tpu.memory_space<hbm>>) dst(%dma_wait3A_194 : memref<128x128xf32, #tpu.memory_space<vmem>>)
      %mul3A_201 = arith.constant 10240 : i32
      %mul3A_202 = arith.muli %add3A, %mul3A_201 : i32
      %mul3A_203 = arith.constant 128 : i32
      %mul3A_204 = arith.muli %add3A_186, %mul3A_203 : i32
      %add3A_205 = arith.addi %mul3A_202, %mul3A_204 : i32
      %dma_wait3A_206 = arith.constant 1 : i32
      %dma_wait3A_207 = tpu.memref_slice %arg4[%add3A_205] : memref<327680xi32, #tpu.memory_space<hbm>> -> memref<128xi32, #tpu.memory_space<hbm>>
      %dma_wait3A_208 = tpu.memref_slice %arg13[%dma_wait3A_206] : memref<2x!tpu.dma_semaphore, #tpu.memory_space<semaphore_mem>> -> memref<1x!tpu.dma_semaphore, #tpu.memory_space<semaphore_mem>>
      %dma_wait3A_209 = tpu.memref_squeeze %dma_wait3A_208 : memref<1x!tpu.dma_semaphore, #tpu.memory_space<semaphore_mem>> -> memref<!tpu.dma_semaphore, #tpu.memory_space<semaphore_mem>>
      %dma_wait3A_210 = tpu.memref_slice %arg4[%add3A_205] : memref<327680xi32, #tpu.memory_space<hbm>> -> memref<128xi32, #tpu.memory_space<hbm>>
      tpu.wait_dma2 semaphore(%dma_wait3A_209 : memref<!tpu.dma_semaphore, #tpu.memory_space<semaphore_mem>>) src(%dma_wait3A_210 : memref<128xi32, #tpu.memory_space<hbm>>) dst(%arg10 : memref<128xi32, #tpu.memory_space<vmem>>)
      %run_scoped3A_211 = arith.constant 1 : i32
      "tpu.region"() ({
        %run_scoped3A_240 = tpu.sem_alloc : memref<!tpu.dma_semaphore, #tpu.memory_space<semaphore_mem>>
        %dma_start3A_241 = arith.constant 0 : i32
        %dma_start3A_242 = arith.constant 0 : i32
        %dma_start3A_243 = tpu.memref_slice %arg8[%run_scoped3A_211, %dma_start3A_241, %dma_start3A_242] : memref<2x128x128xf32, #tpu.memory_space<vmem>> -> memref<1x128x128xf32, #tpu.memory_space<vmem>>
        %dma_start3A_244 = tpu.memref_squeeze %dma_start3A_243 : memref<1x128x128xf32, #tpu.memory_space<vmem>> -> memref<128x128xf32, #tpu.memory_space<vmem>>
        %dma_start3A_245 = arith.constant 0 : i32
        %dma_start3A_246 = arith.constant 0 : i32
        %dma_start3A_247 = tpu.memref_slice %arg11[%dma_start3A_245, %dma_start3A_246] : memref<10240x128xf32, #tpu.memory_space<vmem_shared>> -> memref<10240x128xf32, #tpu.memory_space<vmem_shared>>
        tpu.enqueue_indirect_dma source(%dma_start3A_244 : memref<128x128xf32, #tpu.memory_space<vmem>>) target(%dma_start3A_247 : memref<10240x128xf32, #tpu.memory_space<vmem_shared>>) offsets(%arg10 : memref<128xi32, #tpu.memory_space<vmem>>) semaphore(%run_scoped3A_240 : memref<!tpu.dma_semaphore, #tpu.memory_space<semaphore_mem>>) {add = true}
        %dma_wait3A_248 = arith.constant 0 : i32
        %dma_wait3A_249 = arith.constant 0 : i32
        %dma_wait3A_250 = tpu.memref_slice %arg8[%run_scoped3A_211, %dma_wait3A_248, %dma_wait3A_249] : memref<2x128x128xf32, #tpu.memory_space<vmem>> -> memref<1x128x128xf32, #tpu.memory_space<vmem>>
        %dma_wait3A_251 = tpu.memref_squeeze %dma_wait3A_250 : memref<1x128x128xf32, #tpu.memory_space<vmem>> -> memref<128x128xf32, #tpu.memory_space<vmem>>
        %dma_wait3A_252 = arith.constant 0 : i32
        %dma_wait3A_253 = arith.constant 0 : i32
        %dma_wait3A_254 = tpu.memref_slice %arg11[%dma_wait3A_252, %dma_wait3A_253] : memref<10240x128xf32, #tpu.memory_space<vmem_shared>> -> memref<10240x128xf32, #tpu.memory_space<vmem_shared>>
        tpu.wait_indirect_dma semaphore(%run_scoped3A_240 : memref<!tpu.dma_semaphore, #tpu.memory_space<semaphore_mem>>) src(%dma_wait3A_251 : memref<128x128xf32, #tpu.memory_space<vmem>>) dst(%dma_wait3A_254 : memref<10240x128xf32, #tpu.memory_space<vmem_shared>>)
        tpu.yield
      }) : () -> ()
      %add3A_212 = arith.constant 2 : i32
      %add3A_213 = arith.addi %add3A_186, %add3A_212 : i32
      %min3A_214 = arith.constant 79 : i32
      %min3A_215 = arith.minsi %add3A_213, %min3A_214 : i32
      %mul3A_216 = arith.constant 128 : i32
      %mul3A_217 = arith.muli %min3A_215, %mul3A_216 : i32
      %dma_start3A_218 = arith.constant 1 : i32
      %dma_start3A_219 = arith.constant 1 : i32
      %dma_start3A_220 = arith.constant 0 : i32
      %dma_start3A_221 = arith.constant 0 : i32
      %dma_start3A_222 = tpu.memref_slice %arg8[%dma_start3A_218, %dma_start3A_220, %dma_start3A_221] : memref<2x128x128xf32, #tpu.memory_space<vmem>> -> memref<1x128x128xf32, #tpu.memory_space<vmem>>
      %dma_start3A_223 = tpu.memref_squeeze %dma_start3A_222 : memref<1x128x128xf32, #tpu.memory_space<vmem>> -> memref<128x128xf32, #tpu.memory_space<vmem>>
      %dma_start3A_224 = tpu.memref_slice %arg7[%mul3A_217] : memref<10240xi32, #tpu.memory_space<vmem>> -> memref<128xi32, #tpu.memory_space<vmem>>
      %dma_start3A_225 = arith.constant 0 : i32
      %dma_start3A_226 = arith.constant 0 : i32
      %dma_start3A_227 = tpu.memref_slice %arg2[%dma_start3A_225, %dma_start3A_226] : memref<10240x128xf32, #tpu.memory_space<hbm>> -> memref<10240x128xf32, #tpu.memory_space<hbm>>
      %dma_start3A_228 = tpu.memref_slice %arg12[%dma_start3A_219] : memref<2x!tpu.dma_semaphore, #tpu.memory_space<semaphore_mem>> -> memref<1x!tpu.dma_semaphore, #tpu.memory_space<semaphore_mem>>
      %dma_start3A_229 = tpu.memref_squeeze %dma_start3A_228 : memref<1x!tpu.dma_semaphore, #tpu.memory_space<semaphore_mem>> -> memref<!tpu.dma_semaphore, #tpu.memory_space<semaphore_mem>>
      tpu.enqueue_indirect_dma source(%dma_start3A_227 : memref<10240x128xf32, #tpu.memory_space<hbm>>) target(%dma_start3A_223 : memref<128x128xf32, #tpu.memory_space<vmem>>) offsets(%dma_start3A_224 : memref<128xi32, #tpu.memory_space<vmem>>) semaphore(%dma_start3A_229 : memref<!tpu.dma_semaphore, #tpu.memory_space<semaphore_mem>>)
      %mul3A_230 = arith.constant 10240 : i32
      %mul3A_231 = arith.muli %add3A, %mul3A_230 : i32
      %mul3A_232 = arith.constant 128 : i32
      %mul3A_233 = arith.muli %min3A_215, %mul3A_232 : i32
      %add3A_234 = arith.addi %mul3A_231, %mul3A_233 : i32
      %dma_start3A_235 = arith.constant 1 : i32
      %dma_start3A_236 = tpu.memref_slice %arg4[%add3A_234] : memref<327680xi32, #tpu.memory_space<hbm>> -> memref<128xi32, #tpu.memory_space<hbm>>
      %dma_start3A_237 = tpu.memref_slice %arg13[%dma_start3A_235] : memref<2x!tpu.dma_semaphore, #tpu.memory_space<semaphore_mem>> -> memref<1x!tpu.dma_semaphore, #tpu.memory_space<semaphore_mem>>
      %dma_start3A_238 = tpu.memref_squeeze %dma_start3A_237 : memref<1x!tpu.dma_semaphore, #tpu.memory_space<semaphore_mem>> -> memref<!tpu.dma_semaphore, #tpu.memory_space<semaphore_mem>>
      %dma_start3A_239 = tpu.memref_slice %arg4[%add3A_234] : memref<327680xi32, #tpu.memory_space<hbm>> -> memref<128xi32, #tpu.memory_space<hbm>>
      tpu.enqueue_dma source(%dma_start3A_239 : memref<128xi32, #tpu.memory_space<hbm>>) target(%arg10 : memref<128xi32, #tpu.memory_space<vmem>>) target_semaphore(%dma_start3A_238 : memref<!tpu.dma_semaphore, #tpu.memory_space<semaphore_mem>>)
    }
    %scan3A_62 = arith.constant 40 : i32
    %dma_wait3A = arith.constant 0 : i32
    %dma_wait3A_63 = arith.constant 0 : i32
    %dma_wait3A_64 = arith.constant 0 : i32
    %dma_wait3A_65 = arith.constant 0 : i32
    %dma_wait3A_66 = tpu.memref_slice %arg8[%dma_wait3A, %dma_wait3A_64, %dma_wait3A_65] : memref<2x128x128xf32, #tpu.memory_space<vmem>> -> memref<1x128x128xf32, #tpu.memory_space<vmem>>
    %dma_wait3A_67 = tpu.memref_squeeze %dma_wait3A_66 : memref<1x128x128xf32, #tpu.memory_space<vmem>> -> memref<128x128xf32, #tpu.memory_space<vmem>>
    %dma_wait3A_68 = arith.constant 10112 : i32
    %dma_wait3A_69 = tpu.memref_slice %arg7[%dma_wait3A_68] : memref<10240xi32, #tpu.memory_space<vmem>> -> memref<128xi32, #tpu.memory_space<vmem>>
    %dma_wait3A_70 = arith.constant 0 : i32
    %dma_wait3A_71 = arith.constant 0 : i32
    %dma_wait3A_72 = tpu.memref_slice %arg2[%dma_wait3A_70, %dma_wait3A_71] : memref<10240x128xf32, #tpu.memory_space<hbm>> -> memref<10240x128xf32, #tpu.memory_space<hbm>>
    %dma_wait3A_73 = tpu.memref_slice %arg12[%dma_wait3A_63] : memref<2x!tpu.dma_semaphore, #tpu.memory_space<semaphore_mem>> -> memref<1x!tpu.dma_semaphore, #tpu.memory_space<semaphore_mem>>
    %dma_wait3A_74 = tpu.memref_squeeze %dma_wait3A_73 : memref<1x!tpu.dma_semaphore, #tpu.memory_space<semaphore_mem>> -> memref<!tpu.dma_semaphore, #tpu.memory_space<semaphore_mem>>
    tpu.wait_indirect_dma semaphore(%dma_wait3A_74 : memref<!tpu.dma_semaphore, #tpu.memory_space<semaphore_mem>>) src(%dma_wait3A_72 : memref<10240x128xf32, #tpu.memory_space<hbm>>) dst(%dma_wait3A_67 : memref<128x128xf32, #tpu.memory_space<vmem>>)
    %mul3A_75 = arith.constant 10240 : i32
    %mul3A_76 = arith.muli %add3A, %mul3A_75 : i32
    %add3A_77 = arith.constant 10112 : i32
    %add3A_78 = arith.addi %mul3A_76, %add3A_77 : i32
    %dma_wait3A_79 = arith.constant 0 : i32
    %dma_wait3A_80 = tpu.memref_slice %arg4[%add3A_78] : memref<327680xi32, #tpu.memory_space<hbm>> -> memref<128xi32, #tpu.memory_space<hbm>>
    %dma_wait3A_81 = tpu.memref_slice %arg13[%dma_wait3A_79] : memref<2x!tpu.dma_semaphore, #tpu.memory_space<semaphore_mem>> -> memref<1x!tpu.dma_semaphore, #tpu.memory_space<semaphore_mem>>
    %dma_wait3A_82 = tpu.memref_squeeze %dma_wait3A_81 : memref<1x!tpu.dma_semaphore, #tpu.memory_space<semaphore_mem>> -> memref<!tpu.dma_semaphore, #tpu.memory_space<semaphore_mem>>
    %dma_wait3A_83 = tpu.memref_slice %arg4[%add3A_78] : memref<327680xi32, #tpu.memory_space<hbm>> -> memref<128xi32, #tpu.memory_space<hbm>>
    tpu.wait_dma2 semaphore(%dma_wait3A_82 : memref<!tpu.dma_semaphore, #tpu.memory_space<semaphore_mem>>) src(%dma_wait3A_83 : memref<128xi32, #tpu.memory_space<hbm>>) dst(%arg9 : memref<128xi32, #tpu.memory_space<vmem>>)
    %dma_wait3A_84 = arith.constant 1 : i32
    %dma_wait3A_85 = arith.constant 1 : i32
    %dma_wait3A_86 = arith.constant 0 : i32
    %dma_wait3A_87 = arith.constant 0 : i32
    %dma_wait3A_88 = tpu.memref_slice %arg8[%dma_wait3A_84, %dma_wait3A_86, %dma_wait3A_87] : memref<2x128x128xf32, #tpu.memory_space<vmem>> -> memref<1x128x128xf32, #tpu.memory_space<vmem>>
    %dma_wait3A_89 = tpu.memref_squeeze %dma_wait3A_88 : memref<1x128x128xf32, #tpu.memory_space<vmem>> -> memref<128x128xf32, #tpu.memory_space<vmem>>
    %dma_wait3A_90 = arith.constant 10112 : i32
    %dma_wait3A_91 = tpu.memref_slice %arg7[%dma_wait3A_90] : memref<10240xi32, #tpu.memory_space<vmem>> -> memref<128xi32, #tpu.memory_space<vmem>>
    %dma_wait3A_92 = arith.constant 0 : i32
    %dma_wait3A_93 = arith.constant 0 : i32
    %dma_wait3A_94 = tpu.memref_slice %arg2[%dma_wait3A_92, %dma_wait3A_93] : memref<10240x128xf32, #tpu.memory_space<hbm>> -> memref<10240x128xf32, #tpu.memory_space<hbm>>
    %dma_wait3A_95 = tpu.memref_slice %arg12[%dma_wait3A_85] : memref<2x!tpu.dma_semaphore, #tpu.memory_space<semaphore_mem>> -> memref<1x!tpu.dma_semaphore, #tpu.memory_space<semaphore_mem>>
    %dma_wait3A_96 = tpu.memref_squeeze %dma_wait3A_95 : memref<1x!tpu.dma_semaphore, #tpu.memory_space<semaphore_mem>> -> memref<!tpu.dma_semaphore, #tpu.memory_space<semaphore_mem>>
    tpu.wait_indirect_dma semaphore(%dma_wait3A_96 : memref<!tpu.dma_semaphore, #tpu.memory_space<semaphore_mem>>) src(%dma_wait3A_94 : memref<10240x128xf32, #tpu.memory_space<hbm>>) dst(%dma_wait3A_89 : memref<128x128xf32, #tpu.memory_space<vmem>>)
    %mul3A_97 = arith.constant 10240 : i32
    %mul3A_98 = arith.muli %add3A, %mul3A_97 : i32
    %add3A_99 = arith.constant 10112 : i32
    %add3A_100 = arith.addi %mul3A_98, %add3A_99 : i32
    %dma_wait3A_101 = arith.constant 1 : i32
    %dma_wait3A_102 = tpu.memref_slice %arg4[%add3A_100] : memref<327680xi32, #tpu.memory_space<hbm>> -> memref<128xi32, #tpu.memory_space<hbm>>
    %dma_wait3A_103 = tpu.memref_slice %arg13[%dma_wait3A_101] : memref<2x!tpu.dma_semaphore, #tpu.memory_space<semaphore_mem>> -> memref<1x!tpu.dma_semaphore, #tpu.memory_space<semaphore_mem>>
    %dma_wait3A_104 = tpu.memref_squeeze %dma_wait3A_103 : memref<1x!tpu.dma_semaphore, #tpu.memory_space<semaphore_mem>> -> memref<!tpu.dma_semaphore, #tpu.memory_space<semaphore_mem>>
    %dma_wait3A_105 = tpu.memref_slice %arg4[%add3A_100] : memref<327680xi32, #tpu.memory_space<hbm>> -> memref<128xi32, #tpu.memory_space<hbm>>
    tpu.wait_dma2 semaphore(%dma_wait3A_104 : memref<!tpu.dma_semaphore, #tpu.memory_space<semaphore_mem>>) src(%dma_wait3A_105 : memref<128xi32, #tpu.memory_space<hbm>>) dst(%arg10 : memref<128xi32, #tpu.memory_space<vmem>>)
    %barrier3A_106 = arith.constant 0 : index
    tpu.barrier barrier_id(%barrier3A_106)
    %add3A_107 = arith.constant 0 : i32
    %add3A_108 = arith.addi %mul3A_4, %add3A_107 : i32
    %add3A_109 = arith.constant 0 : i32
    %add3A_110 = arith.addi %mul3A_4, %add3A_109 : i32
    "tpu.region"() ({
      %run_scoped3A = tpu.sem_alloc : memref<!tpu.dma_semaphore, #tpu.memory_space<semaphore_mem>>
      %dma_start3A_127 = arith.constant 0 : i32
      %dma_start3A_128 = tpu.memref_slice %arg6[%arg0, %add3A_110, %dma_start3A_127] : memref<2x10240x128xf32, #tpu.memory_space<hbm>> -> memref<1x128x128xf32, #tpu.memory_space<hbm>>
      %dma_start3A_129 = tpu.memref_squeeze %dma_start3A_128 : memref<1x128x128xf32, #tpu.memory_space<hbm>> -> memref<128x128xf32, #tpu.memory_space<hbm>>
      %dma_start3A_130 = arith.constant 0 : i32
      %dma_start3A_131 = tpu.memref_slice %arg11[%add3A_108, %dma_start3A_130] : memref<10240x128xf32, #tpu.memory_space<vmem_shared>> -> memref<128x128xf32, #tpu.memory_space<vmem_shared>>
      tpu.enqueue_dma source(%dma_start3A_131 : memref<128x128xf32, #tpu.memory_space<vmem_shared>>) target(%dma_start3A_129 : memref<128x128xf32, #tpu.memory_space<hbm>>) target_semaphore(%run_scoped3A : memref<!tpu.dma_semaphore, #tpu.memory_space<semaphore_mem>>)
      %dma_wait3A_132 = arith.constant 0 : i32
      %dma_wait3A_133 = tpu.memref_slice %arg6[%arg0, %add3A_110, %dma_wait3A_132] : memref<2x10240x128xf32, #tpu.memory_space<hbm>> -> memref<1x128x128xf32, #tpu.memory_space<hbm>>
      %dma_wait3A_134 = tpu.memref_squeeze %dma_wait3A_133 : memref<1x128x128xf32, #tpu.memory_space<hbm>> -> memref<128x128xf32, #tpu.memory_space<hbm>>
      %dma_wait3A_135 = arith.constant 0 : i32
      %dma_wait3A_136 = tpu.memref_slice %arg11[%add3A_108, %dma_wait3A_135] : memref<10240x128xf32, #tpu.memory_space<vmem_shared>> -> memref<128x128xf32, #tpu.memory_space<vmem_shared>>
      tpu.wait_dma2 semaphore(%run_scoped3A : memref<!tpu.dma_semaphore, #tpu.memory_space<semaphore_mem>>) src(%dma_wait3A_136 : memref<128x128xf32, #tpu.memory_space<vmem_shared>>) dst(%dma_wait3A_134 : memref<128x128xf32, #tpu.memory_space<hbm>>)
      tpu.yield
    }) : () -> ()
    %add3A_111 = arith.constant 128 : i32
    %add3A_112 = arith.addi %mul3A_4, %add3A_111 : i32
    %add3A_113 = arith.constant 128 : i32
    %add3A_114 = arith.addi %mul3A_4, %add3A_113 : i32
    "tpu.region"() ({
      %run_scoped3A = tpu.sem_alloc : memref<!tpu.dma_semaphore, #tpu.memory_space<semaphore_mem>>
      %dma_start3A_127 = arith.constant 0 : i32
      %dma_start3A_128 = tpu.memref_slice %arg6[%arg0, %add3A_114, %dma_start3A_127] : memref<2x10240x128xf32, #tpu.memory_space<hbm>> -> memref<1x128x128xf32, #tpu.memory_space<hbm>>
      %dma_start3A_129 = tpu.memref_squeeze %dma_start3A_128 : memref<1x128x128xf32, #tpu.memory_space<hbm>> -> memref<128x128xf32, #tpu.memory_space<hbm>>
      %dma_start3A_130 = arith.constant 0 : i32
      %dma_start3A_131 = tpu.memref_slice %arg11[%add3A_112, %dma_start3A_130] : memref<10240x128xf32, #tpu.memory_space<vmem_shared>> -> memref<128x128xf32, #tpu.memory_space<vmem_shared>>
      tpu.enqueue_dma source(%dma_start3A_131 : memref<128x128xf32, #tpu.memory_space<vmem_shared>>) target(%dma_start3A_129 : memref<128x128xf32, #tpu.memory_space<hbm>>) target_semaphore(%run_scoped3A : memref<!tpu.dma_semaphore, #tpu.memory_space<semaphore_mem>>)
      %dma_wait3A_132 = arith.constant 0 : i32
      %dma_wait3A_133 = tpu.memref_slice %arg6[%arg0, %add3A_114, %dma_wait3A_132] : memref<2x10240x128xf32, #tpu.memory_space<hbm>> -> memref<1x128x128xf32, #tpu.memory_space<hbm>>
      %dma_wait3A_134 = tpu.memref_squeeze %dma_wait3A_133 : memref<1x128x128xf32, #tpu.memory_space<hbm>> -> memref<128x128xf32, #tpu.memory_space<hbm>>
      %dma_wait3A_135 = arith.constant 0 : i32
      %dma_wait3A_136 = tpu.memref_slice %arg11[%add3A_112, %dma_wait3A_135] : memref<10240x128xf32, #tpu.memory_space<vmem_shared>> -> memref<128x128xf32, #tpu.memory_space<vmem_shared>>
      tpu.wait_dma2 semaphore(%run_scoped3A : memref<!tpu.dma_semaphore, #tpu.memory_space<semaphore_mem>>) src(%dma_wait3A_136 : memref<128x128xf32, #tpu.memory_space<vmem_shared>>) dst(%dma_wait3A_134 : memref<128x128xf32, #tpu.memory_space<hbm>>)
      tpu.yield
    }) : () -> ()
    %add3A_115 = arith.constant 256 : i32
    %add3A_116 = arith.addi %mul3A_4, %add3A_115 : i32
    %add3A_117 = arith.constant 256 : i32
    %add3A_118 = arith.addi %mul3A_4, %add3A_117 : i32
    "tpu.region"() ({
      %run_scoped3A = tpu.sem_alloc : memref<!tpu.dma_semaphore, #tpu.memory_space<semaphore_mem>>
      %dma_start3A_127 = arith.constant 0 : i32
      %dma_start3A_128 = tpu.memref_slice %arg6[%arg0, %add3A_118, %dma_start3A_127] : memref<2x10240x128xf32, #tpu.memory_space<hbm>> -> memref<1x128x128xf32, #tpu.memory_space<hbm>>
      %dma_start3A_129 = tpu.memref_squeeze %dma_start3A_128 : memref<1x128x128xf32, #tpu.memory_space<hbm>> -> memref<128x128xf32, #tpu.memory_space<hbm>>
      %dma_start3A_130 = arith.constant 0 : i32
      %dma_start3A_131 = tpu.memref_slice %arg11[%add3A_116, %dma_start3A_130] : memref<10240x128xf32, #tpu.memory_space<vmem_shared>> -> memref<128x128xf32, #tpu.memory_space<vmem_shared>>
      tpu.enqueue_dma source(%dma_start3A_131 : memref<128x128xf32, #tpu.memory_space<vmem_shared>>) target(%dma_start3A_129 : memref<128x128xf32, #tpu.memory_space<hbm>>) target_semaphore(%run_scoped3A : memref<!tpu.dma_semaphore, #tpu.memory_space<semaphore_mem>>)
      %dma_wait3A_132 = arith.constant 0 : i32
      %dma_wait3A_133 = tpu.memref_slice %arg6[%arg0, %add3A_118, %dma_wait3A_132] : memref<2x10240x128xf32, #tpu.memory_space<hbm>> -> memref<1x128x128xf32, #tpu.memory_space<hbm>>
      %dma_wait3A_134 = tpu.memref_squeeze %dma_wait3A_133 : memref<1x128x128xf32, #tpu.memory_space<hbm>> -> memref<128x128xf32, #tpu.memory_space<hbm>>
      %dma_wait3A_135 = arith.constant 0 : i32
      %dma_wait3A_136 = tpu.memref_slice %arg11[%add3A_116, %dma_wait3A_135] : memref<10240x128xf32, #tpu.memory_space<vmem_shared>> -> memref<128x128xf32, #tpu.memory_space<vmem_shared>>
      tpu.wait_dma2 semaphore(%run_scoped3A : memref<!tpu.dma_semaphore, #tpu.memory_space<semaphore_mem>>) src(%dma_wait3A_136 : memref<128x128xf32, #tpu.memory_space<vmem_shared>>) dst(%dma_wait3A_134 : memref<128x128xf32, #tpu.memory_space<hbm>>)
      tpu.yield
    }) : () -> ()
    %add3A_119 = arith.constant 384 : i32
    %add3A_120 = arith.addi %mul3A_4, %add3A_119 : i32
    %add3A_121 = arith.constant 384 : i32
    %add3A_122 = arith.addi %mul3A_4, %add3A_121 : i32
    "tpu.region"() ({
      %run_scoped3A = tpu.sem_alloc : memref<!tpu.dma_semaphore, #tpu.memory_space<semaphore_mem>>
      %dma_start3A_127 = arith.constant 0 : i32
      %dma_start3A_128 = tpu.memref_slice %arg6[%arg0, %add3A_122, %dma_start3A_127] : memref<2x10240x128xf32, #tpu.memory_space<hbm>> -> memref<1x128x128xf32, #tpu.memory_space<hbm>>
      %dma_start3A_129 = tpu.memref_squeeze %dma_start3A_128 : memref<1x128x128xf32, #tpu.memory_space<hbm>> -> memref<128x128xf32, #tpu.memory_space<hbm>>
      %dma_start3A_130 = arith.constant 0 : i32
      %dma_start3A_131 = tpu.memref_slice %arg11[%add3A_120, %dma_start3A_130] : memref<10240x128xf32, #tpu.memory_space<vmem_shared>> -> memref<128x128xf32, #tpu.memory_space<vmem_shared>>
      tpu.enqueue_dma source(%dma_start3A_131 : memref<128x128xf32, #tpu.memory_space<vmem_shared>>) target(%dma_start3A_129 : memref<128x128xf32, #tpu.memory_space<hbm>>) target_semaphore(%run_scoped3A : memref<!tpu.dma_semaphore, #tpu.memory_space<semaphore_mem>>)
      %dma_wait3A_132 = arith.constant 0 : i32
      %dma_wait3A_133 = tpu.memref_slice %arg6[%arg0, %add3A_122, %dma_wait3A_132] : memref<2x10240x128xf32, #tpu.memory_space<hbm>> -> memref<1x128x128xf32, #tpu.memory_space<hbm>>
      %dma_wait3A_134 = tpu.memref_squeeze %dma_wait3A_133 : memref<1x128x128xf32, #tpu.memory_space<hbm>> -> memref<128x128xf32, #tpu.memory_space<hbm>>
      %dma_wait3A_135 = arith.constant 0 : i32
      %dma_wait3A_136 = tpu.memref_slice %arg11[%add3A_120, %dma_wait3A_135] : memref<10240x128xf32, #tpu.memory_space<vmem_shared>> -> memref<128x128xf32, #tpu.memory_space<vmem_shared>>
      tpu.wait_dma2 semaphore(%run_scoped3A : memref<!tpu.dma_semaphore, #tpu.memory_space<semaphore_mem>>) src(%dma_wait3A_136 : memref<128x128xf32, #tpu.memory_space<vmem_shared>>) dst(%dma_wait3A_134 : memref<128x128xf32, #tpu.memory_space<hbm>>)
      tpu.yield
    }) : () -> ()
    %add3A_123 = arith.constant 512 : i32
    %add3A_124 = arith.addi %mul3A_4, %add3A_123 : i32
    %add3A_125 = arith.constant 512 : i32
    %add3A_126 = arith.addi %mul3A_4, %add3A_125 : i32
    "tpu.region"() ({
      %run_scoped3A = tpu.sem_alloc : memref<!tpu.dma_semaphore, #tpu.memory_space<semaphore_mem>>
      %dma_start3A_127 = arith.constant 0 : i32
      %dma_start3A_128 = tpu.memref_slice %arg6[%arg0, %add3A_126, %dma_start3A_127] : memref<2x10240x128xf32, #tpu.memory_space<hbm>> -> memref<1x128x128xf32, #tpu.memory_space<hbm>>
      %dma_start3A_129 = tpu.memref_squeeze %dma_start3A_128 : memref<1x128x128xf32, #tpu.memory_space<hbm>> -> memref<128x128xf32, #tpu.memory_space<hbm>>
      %dma_start3A_130 = arith.constant 0 : i32
      %dma_start3A_131 = tpu.memref_slice %arg11[%add3A_124, %dma_start3A_130] : memref<10240x128xf32, #tpu.memory_space<vmem_shared>> -> memref<128x128xf32, #tpu.memory_space<vmem_shared>>
      tpu.enqueue_dma source(%dma_start3A_131 : memref<128x128xf32, #tpu.memory_space<vmem_shared>>) target(%dma_start3A_129 : memref<128x128xf32, #tpu.memory_space<hbm>>) target_semaphore(%run_scoped3A : memref<!tpu.dma_semaphore, #tpu.memory_space<semaphore_mem>>)
      %dma_wait3A_132 = arith.constant 0 : i32
      %dma_wait3A_133 = tpu.memref_slice %arg6[%arg0, %add3A_126, %dma_wait3A_132] : memref<2x10240x128xf32, #tpu.memory_space<hbm>> -> memref<1x128x128xf32, #tpu.memory_space<hbm>>
      %dma_wait3A_134 = tpu.memref_squeeze %dma_wait3A_133 : memref<1x128x128xf32, #tpu.memory_space<hbm>> -> memref<128x128xf32, #tpu.memory_space<hbm>>
      %dma_wait3A_135 = arith.constant 0 : i32
      %dma_wait3A_136 = tpu.memref_slice %arg11[%add3A_124, %dma_wait3A_135] : memref<10240x128xf32, #tpu.memory_space<vmem_shared>> -> memref<128x128xf32, #tpu.memory_space<vmem_shared>>
      tpu.wait_dma2 semaphore(%run_scoped3A : memref<!tpu.dma_semaphore, #tpu.memory_space<semaphore_mem>>) src(%dma_wait3A_136 : memref<128x128xf32, #tpu.memory_space<vmem_shared>>) dst(%dma_wait3A_134 : memref<128x128xf32, #tpu.memory_space<hbm>>)
      tpu.yield
    }) : () -> ()
    return
  }
}

#map = affine_map<(d0, d1) -> (0, 0)>
#map1 = affine_map<(d0, d1) -> (0)>
#map2 = affine_map<(d0, d1) -> (0, 0, 0)>
module attributes {stable_mosaic.version = 14 : i64} {
  func.func @_sc_pass_body(%arg0: i32, %arg1: i32, %arg2: memref<10240x128xf32, #tpu.memory_space<hbm>>, %arg3: memref<327680xi32, #tpu.memory_space<hbm>>, %arg4: memref<327680xi32, #tpu.memory_space<hbm>>, %arg5: memref<128x128xf32, #tpu.memory_space<hbm>>, %arg6: memref<2x10240x128xf32, #tpu.memory_space<hbm>>, %arg7: memref<10240xi32, #tpu.memory_space<vmem>>, %arg8: memref<2x128x128xf32, #tpu.memory_space<vmem>>, %arg9: memref<128xi32, #tpu.memory_space<vmem>>, %arg10: memref<128xi32, #tpu.memory_space<vmem>>, %arg11: memref<10240x128xf32, #tpu.memory_space<vmem_shared>>, %arg12: memref<2x!tpu.dma_semaphore, #tpu.memory_space<semaphore_mem>>, %arg13: memref<2x!tpu.dma_semaphore, #tpu.memory_space<semaphore_mem>>) attributes {dimension_semantics = [#tpu.dimension_semantics<core_parallel>, #tpu.dimension_semantics<subcore_parallel>], iteration_bounds = array<i64: 2, 16>, scalar_prefetch = 0 : i64, scratch_operands = 7 : i64, tpu.core_type = #tpu.core_type<sc_vector_subcore>, window_params = [{transform_indices = #map}, {transform_indices = #map1}, {transform_indices = #map1}, {transform_indices = #map}, {transform_indices = #map2}]} {
    %mul3A = arith.constant 2 : i32
    %mul3A_0 = arith.muli %arg1, %mul3A : i32
    %add3A = arith.addi %mul3A_0, %arg0 : i32
    %mul3A_1 = arith.constant 10240 : i32
    %mul3A_2 = arith.muli %add3A, %mul3A_1 : i32
    "tpu.region"() ({
      %run_scoped3A = tpu.sem_alloc : memref<!tpu.dma_semaphore, #tpu.memory_space<semaphore_mem>>
      %dma_start3A_127 = tpu.memref_slice %arg3[%mul3A_2] : memref<327680xi32, #tpu.memory_space<hbm>> -> memref<10240xi32, #tpu.memory_space<hbm>>
      %dma_start3A_128 = tpu.memref_slice %arg3[%mul3A_2] : memref<327680xi32, #tpu.memory_space<hbm>> -> memref<10240xi32, #tpu.memory_space<hbm>>
      tpu.enqueue_dma source(%dma_start3A_128 : memref<10240xi32, #tpu.memory_space<hbm>>) target(%arg7 : memref<10240xi32, #tpu.memory_space<vmem>>) target_semaphore(%run_scoped3A : memref<!tpu.dma_semaphore, #tpu.memory_space<semaphore_mem>>)
      %dma_wait3A_129 = tpu.memref_slice %arg3[%mul3A_2] : memref<327680xi32, #tpu.memory_space<hbm>> -> memref<10240xi32, #tpu.memory_space<hbm>>
      %dma_wait3A_130 = tpu.memref_slice %arg3[%mul3A_2] : memref<327680xi32, #tpu.memory_space<hbm>> -> memref<10240xi32, #tpu.memory_space<hbm>>
      tpu.wait_dma2 semaphore(%run_scoped3A : memref<!tpu.dma_semaphore, #tpu.memory_space<semaphore_mem>>) src(%dma_wait3A_130 : memref<10240xi32, #tpu.memory_space<hbm>>) dst(%arg7 : memref<10240xi32, #tpu.memory_space<vmem>>)
      tpu.yield
    }) : () -> ()
    %mul3A_3 = arith.constant 640 : i32
    %mul3A_4 = arith.muli %arg1, %mul3A_3 : i32
    %add3A_5 = arith.constant 0 : i32
    %add3A_6 = arith.addi %mul3A_4, %add3A_5 : i32
    "tpu.region"() ({
      %run_scoped3A = tpu.sem_alloc : memref<!tpu.dma_semaphore, #tpu.memory_space<semaphore_mem>>
      %dma_start3A_127 = arith.constant 0 : i32
      %dma_start3A_128 = tpu.memref_slice %arg11[%add3A_6, %dma_start3A_127] : memref<10240x128xf32, #tpu.memory_space<vmem_shared>> -> memref<128x128xf32, #tpu.memory_space<vmem_shared>>
      tpu.enqueue_dma source(%arg5 : memref<128x128xf32, #tpu.memory_space<hbm>>) target(%dma_start3A_128 : memref<128x128xf32, #tpu.memory_space<vmem_shared>>) target_semaphore(%run_scoped3A : memref<!tpu.dma_semaphore, #tpu.memory_space<semaphore_mem>>)
      %dma_wait3A_129 = arith.constant 0 : i32
      %dma_wait3A_130 = tpu.memref_slice %arg11[%add3A_6, %dma_wait3A_129] : memref<10240x128xf32, #tpu.memory_space<vmem_shared>> -> memref<128x128xf32, #tpu.memory_space<vmem_shared>>
      tpu.wait_dma2 semaphore(%run_scoped3A : memref<!tpu.dma_semaphore, #tpu.memory_space<semaphore_mem>>) src(%arg5 : memref<128x128xf32, #tpu.memory_space<hbm>>) dst(%dma_wait3A_130 : memref<128x128xf32, #tpu.memory_space<vmem_shared>>)
      tpu.yield
    }) : () -> ()
    %add3A_7 = arith.constant 128 : i32
    %add3A_8 = arith.addi %mul3A_4, %add3A_7 : i32
    "tpu.region"() ({
      %run_scoped3A = tpu.sem_alloc : memref<!tpu.dma_semaphore, #tpu.memory_space<semaphore_mem>>
      %dma_start3A_127 = arith.constant 0 : i32
      %dma_start3A_128 = tpu.memref_slice %arg11[%add3A_8, %dma_start3A_127] : memref<10240x128xf32, #tpu.memory_space<vmem_shared>> -> memref<128x128xf32, #tpu.memory_space<vmem_shared>>
      tpu.enqueue_dma source(%arg5 : memref<128x128xf32, #tpu.memory_space<hbm>>) target(%dma_start3A_128 : memref<128x128xf32, #tpu.memory_space<vmem_shared>>) target_semaphore(%run_scoped3A : memref<!tpu.dma_semaphore, #tpu.memory_space<semaphore_mem>>)
      %dma_wait3A_129 = arith.constant 0 : i32
      %dma_wait3A_130 = tpu.memref_slice %arg11[%add3A_8, %dma_wait3A_129] : memref<10240x128xf32, #tpu.memory_space<vmem_shared>> -> memref<128x128xf32, #tpu.memory_space<vmem_shared>>
      tpu.wait_dma2 semaphore(%run_scoped3A : memref<!tpu.dma_semaphore, #tpu.memory_space<semaphore_mem>>) src(%arg5 : memref<128x128xf32, #tpu.memory_space<hbm>>) dst(%dma_wait3A_130 : memref<128x128xf32, #tpu.memory_space<vmem_shared>>)
      tpu.yield
    }) : () -> ()
    %add3A_9 = arith.constant 256 : i32
    %add3A_10 = arith.addi %mul3A_4, %add3A_9 : i32
    "tpu.region"() ({
      %run_scoped3A = tpu.sem_alloc : memref<!tpu.dma_semaphore, #tpu.memory_space<semaphore_mem>>
      %dma_start3A_127 = arith.constant 0 : i32
      %dma_start3A_128 = tpu.memref_slice %arg11[%add3A_10, %dma_start3A_127] : memref<10240x128xf32, #tpu.memory_space<vmem_shared>> -> memref<128x128xf32, #tpu.memory_space<vmem_shared>>
      tpu.enqueue_dma source(%arg5 : memref<128x128xf32, #tpu.memory_space<hbm>>) target(%dma_start3A_128 : memref<128x128xf32, #tpu.memory_space<vmem_shared>>) target_semaphore(%run_scoped3A : memref<!tpu.dma_semaphore, #tpu.memory_space<semaphore_mem>>)
      %dma_wait3A_129 = arith.constant 0 : i32
      %dma_wait3A_130 = tpu.memref_slice %arg11[%add3A_10, %dma_wait3A_129] : memref<10240x128xf32, #tpu.memory_space<vmem_shared>> -> memref<128x128xf32, #tpu.memory_space<vmem_shared>>
      tpu.wait_dma2 semaphore(%run_scoped3A : memref<!tpu.dma_semaphore, #tpu.memory_space<semaphore_mem>>) src(%arg5 : memref<128x128xf32, #tpu.memory_space<hbm>>) dst(%dma_wait3A_130 : memref<128x128xf32, #tpu.memory_space<vmem_shared>>)
      tpu.yield
    }) : () -> ()
    %add3A_11 = arith.constant 384 : i32
    %add3A_12 = arith.addi %mul3A_4, %add3A_11 : i32
    "tpu.region"() ({
      %run_scoped3A = tpu.sem_alloc : memref<!tpu.dma_semaphore, #tpu.memory_space<semaphore_mem>>
      %dma_start3A_127 = arith.constant 0 : i32
      %dma_start3A_128 = tpu.memref_slice %arg11[%add3A_12, %dma_start3A_127] : memref<10240x128xf32, #tpu.memory_space<vmem_shared>> -> memref<128x128xf32, #tpu.memory_space<vmem_shared>>
      tpu.enqueue_dma source(%arg5 : memref<128x128xf32, #tpu.memory_space<hbm>>) target(%dma_start3A_128 : memref<128x128xf32, #tpu.memory_space<vmem_shared>>) target_semaphore(%run_scoped3A : memref<!tpu.dma_semaphore, #tpu.memory_space<semaphore_mem>>)
      %dma_wait3A_129 = arith.constant 0 : i32
      %dma_wait3A_130 = tpu.memref_slice %arg11[%add3A_12, %dma_wait3A_129] : memref<10240x128xf32, #tpu.memory_space<vmem_shared>> -> memref<128x128xf32, #tpu.memory_space<vmem_shared>>
      tpu.wait_dma2 semaphore(%run_scoped3A : memref<!tpu.dma_semaphore, #tpu.memory_space<semaphore_mem>>) src(%arg5 : memref<128x128xf32, #tpu.memory_space<hbm>>) dst(%dma_wait3A_130 : memref<128x128xf32, #tpu.memory_space<vmem_shared>>)
      tpu.yield
    }) : () -> ()
    %add3A_13 = arith.constant 512 : i32
    %add3A_14 = arith.addi %mul3A_4, %add3A_13 : i32
    "tpu.region"() ({
      %run_scoped3A = tpu.sem_alloc : memref<!tpu.dma_semaphore, #tpu.memory_space<semaphore_mem>>
      %dma_start3A_127 = arith.constant 0 : i32
      %dma_start3A_128 = tpu.memref_slice %arg11[%add3A_14, %dma_start3A_127] : memref<10240x128xf32, #tpu.memory_space<vmem_shared>> -> memref<128x128xf32, #tpu.memory_space<vmem_shared>>
      tpu.enqueue_dma source(%arg5 : memref<128x128xf32, #tpu.memory_space<hbm>>) target(%dma_start3A_128 : memref<128x128xf32, #tpu.memory_space<vmem_shared>>) target_semaphore(%run_scoped3A : memref<!tpu.dma_semaphore, #tpu.memory_space<semaphore_mem>>)
      %dma_wait3A_129 = arith.constant 0 : i32
      %dma_wait3A_130 = tpu.memref_slice %arg11[%add3A_14, %dma_wait3A_129] : memref<10240x128xf32, #tpu.memory_space<vmem_shared>> -> memref<128x128xf32, #tpu.memory_space<vmem_shared>>
      tpu.wait_dma2 semaphore(%run_scoped3A : memref<!tpu.dma_semaphore, #tpu.memory_space<semaphore_mem>>) src(%arg5 : memref<128x128xf32, #tpu.memory_space<hbm>>) dst(%dma_wait3A_130 : memref<128x128xf32, #tpu.memory_space<vmem_shared>>)
      tpu.yield
    }) : () -> ()
    %barrier3A = arith.constant 0 : index
    tpu.barrier barrier_id(%barrier3A)
    %dma_start3A = arith.constant 0 : i32
    %dma_start3A_15 = arith.constant 0 : i32
    %dma_start3A_16 = arith.constant 0 : i32
    %dma_start3A_17 = arith.constant 0 : i32
    %dma_start3A_18 = tpu.memref_slice %arg8[%dma_start3A, %dma_start3A_16, %dma_start3A_17] : memref<2x128x128xf32, #tpu.memory_space<vmem>> -> memref<1x128x128xf32, #tpu.memory_space<vmem>>
    %dma_start3A_19 = tpu.memref_squeeze %dma_start3A_18 : memref<1x128x128xf32, #tpu.memory_space<vmem>> -> memref<128x128xf32, #tpu.memory_space<vmem>>
    %dma_start3A_20 = arith.constant 0 : i32
    %dma_start3A_21 = tpu.memref_slice %arg7[%dma_start3A_20] : memref<10240xi32, #tpu.memory_space<vmem>> -> memref<128xi32, #tpu.memory_space<vmem>>
    %dma_start3A_22 = arith.constant 0 : i32
    %dma_start3A_23 = arith.constant 0 : i32
    %dma_start3A_24 = tpu.memref_slice %arg2[%dma_start3A_22, %dma_start3A_23] : memref<10240x128xf32, #tpu.memory_space<hbm>> -> memref<10240x128xf32, #tpu.memory_space<hbm>>
    %dma_start3A_25 = tpu.memref_slice %arg12[%dma_start3A_15] : memref<2x!tpu.dma_semaphore, #tpu.memory_space<semaphore_mem>> -> memref<1x!tpu.dma_semaphore, #tpu.memory_space<semaphore_mem>>
    %dma_start3A_26 = tpu.memref_squeeze %dma_start3A_25 : memref<1x!tpu.dma_semaphore, #tpu.memory_space<semaphore_mem>> -> memref<!tpu.dma_semaphore, #tpu.memory_space<semaphore_mem>>
    tpu.enqueue_indirect_dma source(%dma_start3A_24 : memref<10240x128xf32, #tpu.memory_space<hbm>>) target(%dma_start3A_19 : memref<128x128xf32, #tpu.memory_space<vmem>>) offsets(%dma_start3A_21 : memref<128xi32, #tpu.memory_space<vmem>>) semaphore(%dma_start3A_26 : memref<!tpu.dma_semaphore, #tpu.memory_space<semaphore_mem>>)
    %mul3A_27 = arith.constant 10240 : i32
    %mul3A_28 = arith.muli %add3A, %mul3A_27 : i32
    %add3A_29 = arith.constant 0 : i32
    %add3A_30 = arith.addi %mul3A_28, %add3A_29 : i32
    %dma_start3A_31 = arith.constant 0 : i32
    %dma_start3A_32 = tpu.memref_slice %arg4[%add3A_30] : memref<327680xi32, #tpu.memory_space<hbm>> -> memref<128xi32, #tpu.memory_space<hbm>>
    %dma_start3A_33 = tpu.memref_slice %arg13[%dma_start3A_31] : memref<2x!tpu.dma_semaphore, #tpu.memory_space<semaphore_mem>> -> memref<1x!tpu.dma_semaphore, #tpu.memory_space<semaphore_mem>>
    %dma_start3A_34 = tpu.memref_squeeze %dma_start3A_33 : memref<1x!tpu.dma_semaphore, #tpu.memory_space<semaphore_mem>> -> memref<!tpu.dma_semaphore, #tpu.memory_space<semaphore_mem>>
    %dma_start3A_35 = tpu.memref_slice %arg4[%add3A_30] : memref<327680xi32, #tpu.memory_space<hbm>> -> memref<128xi32, #tpu.memory_space<hbm>>
    tpu.enqueue_dma source(%dma_start3A_35 : memref<128xi32, #tpu.memory_space<hbm>>) target(%arg9 : memref<128xi32, #tpu.memory_space<vmem>>) target_semaphore(%dma_start3A_34 : memref<!tpu.dma_semaphore, #tpu.memory_space<semaphore_mem>>)
    %dma_start3A_36 = arith.constant 1 : i32
    %dma_start3A_37 = arith.constant 1 : i32
    %dma_start3A_38 = arith.constant 0 : i32
    %dma_start3A_39 = arith.constant 0 : i32
    %dma_start3A_40 = tpu.memref_slice %arg8[%dma_start3A_36, %dma_start3A_38, %dma_start3A_39] : memref<2x128x128xf32, #tpu.memory_space<vmem>> -> memref<1x128x128xf32, #tpu.memory_space<vmem>>
    %dma_start3A_41 = tpu.memref_squeeze %dma_start3A_40 : memref<1x128x128xf32, #tpu.memory_space<vmem>> -> memref<128x128xf32, #tpu.memory_space<vmem>>
    %dma_start3A_42 = arith.constant 128 : i32
    %dma_start3A_43 = tpu.memref_slice %arg7[%dma_start3A_42] : memref<10240xi32, #tpu.memory_space<vmem>> -> memref<128xi32, #tpu.memory_space<vmem>>
    %dma_start3A_44 = arith.constant 0 : i32
    %dma_start3A_45 = arith.constant 0 : i32
    %dma_start3A_46 = tpu.memref_slice %arg2[%dma_start3A_44, %dma_start3A_45] : memref<10240x128xf32, #tpu.memory_space<hbm>> -> memref<10240x128xf32, #tpu.memory_space<hbm>>
    %dma_start3A_47 = tpu.memref_slice %arg12[%dma_start3A_37] : memref<2x!tpu.dma_semaphore, #tpu.memory_space<semaphore_mem>> -> memref<1x!tpu.dma_semaphore, #tpu.memory_space<semaphore_mem>>
    %dma_start3A_48 = tpu.memref_squeeze %dma_start3A_47 : memref<1x!tpu.dma_semaphore, #tpu.memory_space<semaphore_mem>> -> memref<!tpu.dma_semaphore, #tpu.memory_space<semaphore_mem>>
    tpu.enqueue_indirect_dma source(%dma_start3A_46 : memref<10240x128xf32, #tpu.memory_space<hbm>>) target(%dma_start3A_41 : memref<128x128xf32, #tpu.memory_space<vmem>>) offsets(%dma_start3A_43 : memref<128xi32, #tpu.memory_space<vmem>>) semaphore(%dma_start3A_48 : memref<!tpu.dma_semaphore, #tpu.memory_space<semaphore_mem>>)
    %mul3A_49 = arith.constant 10240 : i32
    %mul3A_50 = arith.muli %add3A, %mul3A_49 : i32
    %add3A_51 = arith.constant 128 : i32
    %add3A_52 = arith.addi %mul3A_50, %add3A_51 : i32
    %dma_start3A_53 = arith.constant 1 : i32
    %dma_start3A_54 = tpu.memref_slice %arg4[%add3A_52] : memref<327680xi32, #tpu.memory_space<hbm>> -> memref<128xi32, #tpu.memory_space<hbm>>
    %dma_start3A_55 = tpu.memref_slice %arg13[%dma_start3A_53] : memref<2x!tpu.dma_semaphore, #tpu.memory_space<semaphore_mem>> -> memref<1x!tpu.dma_semaphore, #tpu.memory_space<semaphore_mem>>
    %dma_start3A_56 = tpu.memref_squeeze %dma_start3A_55 : memref<1x!tpu.dma_semaphore, #tpu.memory_space<semaphore_mem>> -> memref<!tpu.dma_semaphore, #tpu.memory_space<semaphore_mem>>
    %dma_start3A_57 = tpu.memref_slice %arg4[%add3A_52] : memref<327680xi32, #tpu.memory_space<hbm>> -> memref<128xi32, #tpu.memory_space<hbm>>
    tpu.enqueue_dma source(%dma_start3A_57 : memref<128xi32, #tpu.memory_space<hbm>>) target(%arg10 : memref<128xi32, #tpu.memory_space<vmem>>) target_semaphore(%dma_start3A_56 : memref<!tpu.dma_semaphore, #tpu.memory_space<semaphore_mem>>)
    %scan3A = arith.constant 0 : i32
    %scan3A_58 = arith.constant 0 : i32
    %scan3A_59 = arith.constant 40 : i32
    %scan3A_60 = arith.addi %scan3A_58, %scan3A_59 : i32
    %scan3A_61 = arith.constant 1 : i32
    scf.for %scan3A_127 = %scan3A_58 to %scan3A_60 step %scan3A_61  : i32 {
      %mul3A_128 = arith.constant 2 : i32
      %mul3A_129 = arith.muli %scan3A_127, %mul3A_128 : i32
      %add3A_130 = arith.constant 0 : i32
      %add3A_131 = arith.addi %mul3A_129, %add3A_130 : i32
      %mul3A_132 = arith.constant 128 : i32
      %mul3A_133 = arith.muli %add3A_131, %mul3A_132 : i32
      %dma_wait3A_134 = arith.constant 0 : i32
      %dma_wait3A_135 = arith.constant 0 : i32
      %dma_wait3A_136 = arith.constant 0 : i32
      %dma_wait3A_137 = arith.constant 0 : i32
      %dma_wait3A_138 = tpu.memref_slice %arg8[%dma_wait3A_134, %dma_wait3A_136, %dma_wait3A_137] : memref<2x128x128xf32, #tpu.memory_space<vmem>> -> memref<1x128x128xf32, #tpu.memory_space<vmem>>
      %dma_wait3A_139 = tpu.memref_squeeze %dma_wait3A_138 : memref<1x128x128xf32, #tpu.memory_space<vmem>> -> memref<128x128xf32, #tpu.memory_space<vmem>>
      %dma_wait3A_140 = tpu.memref_slice %arg7[%mul3A_133] : memref<10240xi32, #tpu.memory_space<vmem>> -> memref<128xi32, #tpu.memory_space<vmem>>
      %dma_wait3A_141 = arith.constant 0 : i32
      %dma_wait3A_142 = arith.constant 0 : i32
      %dma_wait3A_143 = tpu.memref_slice %arg2[%dma_wait3A_141, %dma_wait3A_142] : memref<10240x128xf32, #tpu.memory_space<hbm>> -> memref<10240x128xf32, #tpu.memory_space<hbm>>
      %dma_wait3A_144 = tpu.memref_slice %arg12[%dma_wait3A_135] : memref<2x!tpu.dma_semaphore, #tpu.memory_space<semaphore_mem>> -> memref<1x!tpu.dma_semaphore, #tpu.memory_space<semaphore_mem>>
      %dma_wait3A_145 = tpu.memref_squeeze %dma_wait3A_144 : memref<1x!tpu.dma_semaphore, #tpu.memory_space<semaphore_mem>> -> memref<!tpu.dma_semaphore, #tpu.memory_space<semaphore_mem>>
      tpu.wait_indirect_dma semaphore(%dma_wait3A_145 : memref<!tpu.dma_semaphore, #tpu.memory_space<semaphore_mem>>) src(%dma_wait3A_143 : memref<10240x128xf32, #tpu.memory_space<hbm>>) dst(%dma_wait3A_139 : memref<128x128xf32, #tpu.memory_space<vmem>>)
      %mul3A_146 = arith.constant 10240 : i32
      %mul3A_147 = arith.muli %add3A, %mul3A_146 : i32
      %mul3A_148 = arith.constant 128 : i32
      %mul3A_149 = arith.muli %add3A_131, %mul3A_148 : i32
      %add3A_150 = arith.addi %mul3A_147, %mul3A_149 : i32
      %dma_wait3A_151 = arith.constant 0 : i32
      %dma_wait3A_152 = tpu.memref_slice %arg4[%add3A_150] : memref<327680xi32, #tpu.memory_space<hbm>> -> memref<128xi32, #tpu.memory_space<hbm>>
      %dma_wait3A_153 = tpu.memref_slice %arg13[%dma_wait3A_151] : memref<2x!tpu.dma_semaphore, #tpu.memory_space<semaphore_mem>> -> memref<1x!tpu.dma_semaphore, #tpu.memory_space<semaphore_mem>>
      %dma_wait3A_154 = tpu.memref_squeeze %dma_wait3A_153 : memref<1x!tpu.dma_semaphore, #tpu.memory_space<semaphore_mem>> -> memref<!tpu.dma_semaphore, #tpu.memory_space<semaphore_mem>>
      %dma_wait3A_155 = tpu.memref_slice %arg4[%add3A_150] : memref<327680xi32, #tpu.memory_space<hbm>> -> memref<128xi32, #tpu.memory_space<hbm>>
      tpu.wait_dma2 semaphore(%dma_wait3A_154 : memref<!tpu.dma_semaphore, #tpu.memory_space<semaphore_mem>>) src(%dma_wait3A_155 : memref<128xi32, #tpu.memory_space<hbm>>) dst(%arg9 : memref<128xi32, #tpu.memory_space<vmem>>)
      %run_scoped3A = arith.constant 0 : i32
      "tpu.region"() ({
        %run_scoped3A_240 = tpu.sem_alloc : memref<!tpu.dma_semaphore, #tpu.memory_space<semaphore_mem>>
        %dma_start3A_241 = arith.constant 0 : i32
        %dma_start3A_242 = arith.constant 0 : i32
        %dma_start3A_243 = tpu.memref_slice %arg8[%run_scoped3A, %dma_start3A_241, %dma_start3A_242] : memref<2x128x128xf32, #tpu.memory_space<vmem>> -> memref<1x128x128xf32, #tpu.memory_space<vmem>>
        %dma_start3A_244 = tpu.memref_squeeze %dma_start3A_243 : memref<1x128x128xf32, #tpu.memory_space<vmem>> -> memref<128x128xf32, #tpu.memory_space<vmem>>
        %dma_start3A_245 = arith.constant 0 : i32
        %dma_start3A_246 = arith.constant 0 : i32
        %dma_start3A_247 = tpu.memref_slice %arg11[%dma_start3A_245, %dma_start3A_246] : memref<10240x128xf32, #tpu.memory_space<vmem_shared>> -> memref<10240x128xf32, #tpu.memory_space<vmem_shared>>
        tpu.enqueue_indirect_dma source(%dma_start3A_244 : memref<128x128xf32, #tpu.memory_space<vmem>>) target(%dma_start3A_247 : memref<10240x128xf32, #tpu.memory_space<vmem_shared>>) offsets(%arg9 : memref<128xi32, #tpu.memory_space<vmem>>) semaphore(%run_scoped3A_240 : memref<!tpu.dma_semaphore, #tpu.memory_space<semaphore_mem>>) {add = true}
        %dma_wait3A_248 = arith.constant 0 : i32
        %dma_wait3A_249 = arith.constant 0 : i32
        %dma_wait3A_250 = tpu.memref_slice %arg8[%run_scoped3A, %dma_wait3A_248, %dma_wait3A_249] : memref<2x128x128xf32, #tpu.memory_space<vmem>> -> memref<1x128x128xf32, #tpu.memory_space<vmem>>
        %dma_wait3A_251 = tpu.memref_squeeze %dma_wait3A_250 : memref<1x128x128xf32, #tpu.memory_space<vmem>> -> memref<128x128xf32, #tpu.memory_space<vmem>>
        %dma_wait3A_252 = arith.constant 0 : i32
        %dma_wait3A_253 = arith.constant 0 : i32
        %dma_wait3A_254 = tpu.memref_slice %arg11[%dma_wait3A_252, %dma_wait3A_253] : memref<10240x128xf32, #tpu.memory_space<vmem_shared>> -> memref<10240x128xf32, #tpu.memory_space<vmem_shared>>
        tpu.wait_indirect_dma semaphore(%run_scoped3A_240 : memref<!tpu.dma_semaphore, #tpu.memory_space<semaphore_mem>>) src(%dma_wait3A_251 : memref<128x128xf32, #tpu.memory_space<vmem>>) dst(%dma_wait3A_254 : memref<10240x128xf32, #tpu.memory_space<vmem_shared>>)
        tpu.yield
      }) : () -> ()
      %add3A_156 = arith.constant 2 : i32
      %add3A_157 = arith.addi %add3A_131, %add3A_156 : i32
      %min3A = arith.constant 79 : i32
      %min3A_158 = arith.minsi %add3A_157, %min3A : i32
      %mul3A_159 = arith.constant 128 : i32
      %mul3A_160 = arith.muli %min3A_158, %mul3A_159 : i32
      %dma_start3A_161 = arith.constant 0 : i32
      %dma_start3A_162 = arith.constant 0 : i32
      %dma_start3A_163 = arith.constant 0 : i32
      %dma_start3A_164 = arith.constant 0 : i32
      %dma_start3A_165 = tpu.memref_slice %arg8[%dma_start3A_161, %dma_start3A_163, %dma_start3A_164] : memref<2x128x128xf32, #tpu.memory_space<vmem>> -> memref<1x128x128xf32, #tpu.memory_space<vmem>>
      %dma_start3A_166 = tpu.memref_squeeze %dma_start3A_165 : memref<1x128x128xf32, #tpu.memory_space<vmem>> -> memref<128x128xf32, #tpu.memory_space<vmem>>
      %dma_start3A_167 = tpu.memref_slice %arg7[%mul3A_160] : memref<10240xi32, #tpu.memory_space<vmem>> -> memref<128xi32, #tpu.memory_space<vmem>>
      %dma_start3A_168 = arith.constant 0 : i32
      %dma_start3A_169 = arith.constant 0 : i32
      %dma_start3A_170 = tpu.memref_slice %arg2[%dma_start3A_168, %dma_start3A_169] : memref<10240x128xf32, #tpu.memory_space<hbm>> -> memref<10240x128xf32, #tpu.memory_space<hbm>>
      %dma_start3A_171 = tpu.memref_slice %arg12[%dma_start3A_162] : memref<2x!tpu.dma_semaphore, #tpu.memory_space<semaphore_mem>> -> memref<1x!tpu.dma_semaphore, #tpu.memory_space<semaphore_mem>>
      %dma_start3A_172 = tpu.memref_squeeze %dma_start3A_171 : memref<1x!tpu.dma_semaphore, #tpu.memory_space<semaphore_mem>> -> memref<!tpu.dma_semaphore, #tpu.memory_space<semaphore_mem>>
      tpu.enqueue_indirect_dma source(%dma_start3A_170 : memref<10240x128xf32, #tpu.memory_space<hbm>>) target(%dma_start3A_166 : memref<128x128xf32, #tpu.memory_space<vmem>>) offsets(%dma_start3A_167 : memref<128xi32, #tpu.memory_space<vmem>>) semaphore(%dma_start3A_172 : memref<!tpu.dma_semaphore, #tpu.memory_space<semaphore_mem>>)
      %mul3A_173 = arith.constant 10240 : i32
      %mul3A_174 = arith.muli %add3A, %mul3A_173 : i32
      %mul3A_175 = arith.constant 128 : i32
      %mul3A_176 = arith.muli %min3A_158, %mul3A_175 : i32
      %add3A_177 = arith.addi %mul3A_174, %mul3A_176 : i32
      %dma_start3A_178 = arith.constant 0 : i32
      %dma_start3A_179 = tpu.memref_slice %arg4[%add3A_177] : memref<327680xi32, #tpu.memory_space<hbm>> -> memref<128xi32, #tpu.memory_space<hbm>>
      %dma_start3A_180 = tpu.memref_slice %arg13[%dma_start3A_178] : memref<2x!tpu.dma_semaphore, #tpu.memory_space<semaphore_mem>> -> memref<1x!tpu.dma_semaphore, #tpu.memory_space<semaphore_mem>>
      %dma_start3A_181 = tpu.memref_squeeze %dma_start3A_180 : memref<1x!tpu.dma_semaphore, #tpu.memory_space<semaphore_mem>> -> memref<!tpu.dma_semaphore, #tpu.memory_space<semaphore_mem>>
      %dma_start3A_182 = tpu.memref_slice %arg4[%add3A_177] : memref<327680xi32, #tpu.memory_space<hbm>> -> memref<128xi32, #tpu.memory_space<hbm>>
      tpu.enqueue_dma source(%dma_start3A_182 : memref<128xi32, #tpu.memory_space<hbm>>) target(%arg9 : memref<128xi32, #tpu.memory_space<vmem>>) target_semaphore(%dma_start3A_181 : memref<!tpu.dma_semaphore, #tpu.memory_space<semaphore_mem>>)
      %mul3A_183 = arith.constant 2 : i32
      %mul3A_184 = arith.muli %scan3A_127, %mul3A_183 : i32
      %add3A_185 = arith.constant 1 : i32
      %add3A_186 = arith.addi %mul3A_184, %add3A_185 : i32
      %mul3A_187 = arith.constant 128 : i32
      %mul3A_188 = arith.muli %add3A_186, %mul3A_187 : i32
      %dma_wait3A_189 = arith.constant 1 : i32
      %dma_wait3A_190 = arith.constant 1 : i32
      %dma_wait3A_191 = arith.constant 0 : i32
      %dma_wait3A_192 = arith.constant 0 : i32
      %dma_wait3A_193 = tpu.memref_slice %arg8[%dma_wait3A_189, %dma_wait3A_191, %dma_wait3A_192] : memref<2x128x128xf32, #tpu.memory_space<vmem>> -> memref<1x128x128xf32, #tpu.memory_space<vmem>>
      %dma_wait3A_194 = tpu.memref_squeeze %dma_wait3A_193 : memref<1x128x128xf32, #tpu.memory_space<vmem>> -> memref<128x128xf32, #tpu.memory_space<vmem>>
      %dma_wait3A_195 = tpu.memref_slice %arg7[%mul3A_188] : memref<10240xi32, #tpu.memory_space<vmem>> -> memref<128xi32, #tpu.memory_space<vmem>>
      %dma_wait3A_196 = arith.constant 0 : i32
      %dma_wait3A_197 = arith.constant 0 : i32
      %dma_wait3A_198 = tpu.memref_slice %arg2[%dma_wait3A_196, %dma_wait3A_197] : memref<10240x128xf32, #tpu.memory_space<hbm>> -> memref<10240x128xf32, #tpu.memory_space<hbm>>
      %dma_wait3A_199 = tpu.memref_slice %arg12[%dma_wait3A_190] : memref<2x!tpu.dma_semaphore, #tpu.memory_space<semaphore_mem>> -> memref<1x!tpu.dma_semaphore, #tpu.memory_space<semaphore_mem>>
      %dma_wait3A_200 = tpu.memref_squeeze %dma_wait3A_199 : memref<1x!tpu.dma_semaphore, #tpu.memory_space<semaphore_mem>> -> memref<!tpu.dma_semaphore, #tpu.memory_space<semaphore_mem>>
      tpu.wait_indirect_dma semaphore(%dma_wait3A_200 : memref<!tpu.dma_semaphore, #tpu.memory_space<semaphore_mem>>) src(%dma_wait3A_198 : memref<10240x128xf32, #tpu.memory_space<hbm>>) dst(%dma_wait3A_194 : memref<128x128xf32, #tpu.memory_space<vmem>>)
      %mul3A_201 = arith.constant 10240 : i32
      %mul3A_202 = arith.muli %add3A, %mul3A_201 : i32
      %mul3A_203 = arith.constant 128 : i32
      %mul3A_204 = arith.muli %add3A_186, %mul3A_203 : i32
      %add3A_205 = arith.addi %mul3A_202, %mul3A_204 : i32
      %dma_wait3A_206 = arith.constant 1 : i32
      %dma_wait3A_207 = tpu.memref_slice %arg4[%add3A_205] : memref<327680xi32, #tpu.memory_space<hbm>> -> memref<128xi32, #tpu.memory_space<hbm>>
      %dma_wait3A_208 = tpu.memref_slice %arg13[%dma_wait3A_206] : memref<2x!tpu.dma_semaphore, #tpu.memory_space<semaphore_mem>> -> memref<1x!tpu.dma_semaphore, #tpu.memory_space<semaphore_mem>>
      %dma_wait3A_209 = tpu.memref_squeeze %dma_wait3A_208 : memref<1x!tpu.dma_semaphore, #tpu.memory_space<semaphore_mem>> -> memref<!tpu.dma_semaphore, #tpu.memory_space<semaphore_mem>>
      %dma_wait3A_210 = tpu.memref_slice %arg4[%add3A_205] : memref<327680xi32, #tpu.memory_space<hbm>> -> memref<128xi32, #tpu.memory_space<hbm>>
      tpu.wait_dma2 semaphore(%dma_wait3A_209 : memref<!tpu.dma_semaphore, #tpu.memory_space<semaphore_mem>>) src(%dma_wait3A_210 : memref<128xi32, #tpu.memory_space<hbm>>) dst(%arg10 : memref<128xi32, #tpu.memory_space<vmem>>)
      %run_scoped3A_211 = arith.constant 1 : i32
      "tpu.region"() ({
        %run_scoped3A_240 = tpu.sem_alloc : memref<!tpu.dma_semaphore, #tpu.memory_space<semaphore_mem>>
        %dma_start3A_241 = arith.constant 0 : i32
        %dma_start3A_242 = arith.constant 0 : i32
        %dma_start3A_243 = tpu.memref_slice %arg8[%run_scoped3A_211, %dma_start3A_241, %dma_start3A_242] : memref<2x128x128xf32, #tpu.memory_space<vmem>> -> memref<1x128x128xf32, #tpu.memory_space<vmem>>
        %dma_start3A_244 = tpu.memref_squeeze %dma_start3A_243 : memref<1x128x128xf32, #tpu.memory_space<vmem>> -> memref<128x128xf32, #tpu.memory_space<vmem>>
        %dma_start3A_245 = arith.constant 0 : i32
        %dma_start3A_246 = arith.constant 0 : i32
        %dma_start3A_247 = tpu.memref_slice %arg11[%dma_start3A_245, %dma_start3A_246] : memref<10240x128xf32, #tpu.memory_space<vmem_shared>> -> memref<10240x128xf32, #tpu.memory_space<vmem_shared>>
        tpu.enqueue_indirect_dma source(%dma_start3A_244 : memref<128x128xf32, #tpu.memory_space<vmem>>) target(%dma_start3A_247 : memref<10240x128xf32, #tpu.memory_space<vmem_shared>>) offsets(%arg10 : memref<128xi32, #tpu.memory_space<vmem>>) semaphore(%run_scoped3A_240 : memref<!tpu.dma_semaphore, #tpu.memory_space<semaphore_mem>>) {add = true}
        %dma_wait3A_248 = arith.constant 0 : i32
        %dma_wait3A_249 = arith.constant 0 : i32
        %dma_wait3A_250 = tpu.memref_slice %arg8[%run_scoped3A_211, %dma_wait3A_248, %dma_wait3A_249] : memref<2x128x128xf32, #tpu.memory_space<vmem>> -> memref<1x128x128xf32, #tpu.memory_space<vmem>>
        %dma_wait3A_251 = tpu.memref_squeeze %dma_wait3A_250 : memref<1x128x128xf32, #tpu.memory_space<vmem>> -> memref<128x128xf32, #tpu.memory_space<vmem>>
        %dma_wait3A_252 = arith.constant 0 : i32
        %dma_wait3A_253 = arith.constant 0 : i32
        %dma_wait3A_254 = tpu.memref_slice %arg11[%dma_wait3A_252, %dma_wait3A_253] : memref<10240x128xf32, #tpu.memory_space<vmem_shared>> -> memref<10240x128xf32, #tpu.memory_space<vmem_shared>>
        tpu.wait_indirect_dma semaphore(%run_scoped3A_240 : memref<!tpu.dma_semaphore, #tpu.memory_space<semaphore_mem>>) src(%dma_wait3A_251 : memref<128x128xf32, #tpu.memory_space<vmem>>) dst(%dma_wait3A_254 : memref<10240x128xf32, #tpu.memory_space<vmem_shared>>)
        tpu.yield
      }) : () -> ()
      %add3A_212 = arith.constant 2 : i32
      %add3A_213 = arith.addi %add3A_186, %add3A_212 : i32
      %min3A_214 = arith.constant 79 : i32
      %min3A_215 = arith.minsi %add3A_213, %min3A_214 : i32
      %mul3A_216 = arith.constant 128 : i32
      %mul3A_217 = arith.muli %min3A_215, %mul3A_216 : i32
      %dma_start3A_218 = arith.constant 1 : i32
      %dma_start3A_219 = arith.constant 1 : i32
      %dma_start3A_220 = arith.constant 0 : i32
      %dma_start3A_221 = arith.constant 0 : i32
      %dma_start3A_222 = tpu.memref_slice %arg8[%dma_start3A_218, %dma_start3A_220, %dma_start3A_221] : memref<2x128x128xf32, #tpu.memory_space<vmem>> -> memref<1x128x128xf32, #tpu.memory_space<vmem>>
      %dma_start3A_223 = tpu.memref_squeeze %dma_start3A_222 : memref<1x128x128xf32, #tpu.memory_space<vmem>> -> memref<128x128xf32, #tpu.memory_space<vmem>>
      %dma_start3A_224 = tpu.memref_slice %arg7[%mul3A_217] : memref<10240xi32, #tpu.memory_space<vmem>> -> memref<128xi32, #tpu.memory_space<vmem>>
      %dma_start3A_225 = arith.constant 0 : i32
      %dma_start3A_226 = arith.constant 0 : i32
      %dma_start3A_227 = tpu.memref_slice %arg2[%dma_start3A_225, %dma_start3A_226] : memref<10240x128xf32, #tpu.memory_space<hbm>> -> memref<10240x128xf32, #tpu.memory_space<hbm>>
      %dma_start3A_228 = tpu.memref_slice %arg12[%dma_start3A_219] : memref<2x!tpu.dma_semaphore, #tpu.memory_space<semaphore_mem>> -> memref<1x!tpu.dma_semaphore, #tpu.memory_space<semaphore_mem>>
      %dma_start3A_229 = tpu.memref_squeeze %dma_start3A_228 : memref<1x!tpu.dma_semaphore, #tpu.memory_space<semaphore_mem>> -> memref<!tpu.dma_semaphore, #tpu.memory_space<semaphore_mem>>
      tpu.enqueue_indirect_dma source(%dma_start3A_227 : memref<10240x128xf32, #tpu.memory_space<hbm>>) target(%dma_start3A_223 : memref<128x128xf32, #tpu.memory_space<vmem>>) offsets(%dma_start3A_224 : memref<128xi32, #tpu.memory_space<vmem>>) semaphore(%dma_start3A_229 : memref<!tpu.dma_semaphore, #tpu.memory_space<semaphore_mem>>)
      %mul3A_230 = arith.constant 10240 : i32
      %mul3A_231 = arith.muli %add3A, %mul3A_230 : i32
      %mul3A_232 = arith.constant 128 : i32
      %mul3A_233 = arith.muli %min3A_215, %mul3A_232 : i32
      %add3A_234 = arith.addi %mul3A_231, %mul3A_233 : i32
      %dma_start3A_235 = arith.constant 1 : i32
      %dma_start3A_236 = tpu.memref_slice %arg4[%add3A_234] : memref<327680xi32, #tpu.memory_space<hbm>> -> memref<128xi32, #tpu.memory_space<hbm>>
      %dma_start3A_237 = tpu.memref_slice %arg13[%dma_start3A_235] : memref<2x!tpu.dma_semaphore, #tpu.memory_space<semaphore_mem>> -> memref<1x!tpu.dma_semaphore, #tpu.memory_space<semaphore_mem>>
      %dma_start3A_238 = tpu.memref_squeeze %dma_start3A_237 : memref<1x!tpu.dma_semaphore, #tpu.memory_space<semaphore_mem>> -> memref<!tpu.dma_semaphore, #tpu.memory_space<semaphore_mem>>
      %dma_start3A_239 = tpu.memref_slice %arg4[%add3A_234] : memref<327680xi32, #tpu.memory_space<hbm>> -> memref<128xi32, #tpu.memory_space<hbm>>
      tpu.enqueue_dma source(%dma_start3A_239 : memref<128xi32, #tpu.memory_space<hbm>>) target(%arg10 : memref<128xi32, #tpu.memory_space<vmem>>) target_semaphore(%dma_start3A_238 : memref<!tpu.dma_semaphore, #tpu.memory_space<semaphore_mem>>)
    }
    %scan3A_62 = arith.constant 40 : i32
    %dma_wait3A = arith.constant 0 : i32
    %dma_wait3A_63 = arith.constant 0 : i32
    %dma_wait3A_64 = arith.constant 0 : i32
    %dma_wait3A_65 = arith.constant 0 : i32
    %dma_wait3A_66 = tpu.memref_slice %arg8[%dma_wait3A, %dma_wait3A_64, %dma_wait3A_65] : memref<2x128x128xf32, #tpu.memory_space<vmem>> -> memref<1x128x128xf32, #tpu.memory_space<vmem>>
    %dma_wait3A_67 = tpu.memref_squeeze %dma_wait3A_66 : memref<1x128x128xf32, #tpu.memory_space<vmem>> -> memref<128x128xf32, #tpu.memory_space<vmem>>
    %dma_wait3A_68 = arith.constant 10112 : i32
    %dma_wait3A_69 = tpu.memref_slice %arg7[%dma_wait3A_68] : memref<10240xi32, #tpu.memory_space<vmem>> -> memref<128xi32, #tpu.memory_space<vmem>>
    %dma_wait3A_70 = arith.constant 0 : i32
    %dma_wait3A_71 = arith.constant 0 : i32
    %dma_wait3A_72 = tpu.memref_slice %arg2[%dma_wait3A_70, %dma_wait3A_71] : memref<10240x128xf32, #tpu.memory_space<hbm>> -> memref<10240x128xf32, #tpu.memory_space<hbm>>
    %dma_wait3A_73 = tpu.memref_slice %arg12[%dma_wait3A_63] : memref<2x!tpu.dma_semaphore, #tpu.memory_space<semaphore_mem>> -> memref<1x!tpu.dma_semaphore, #tpu.memory_space<semaphore_mem>>
    %dma_wait3A_74 = tpu.memref_squeeze %dma_wait3A_73 : memref<1x!tpu.dma_semaphore, #tpu.memory_space<semaphore_mem>> -> memref<!tpu.dma_semaphore, #tpu.memory_space<semaphore_mem>>
    tpu.wait_indirect_dma semaphore(%dma_wait3A_74 : memref<!tpu.dma_semaphore, #tpu.memory_space<semaphore_mem>>) src(%dma_wait3A_72 : memref<10240x128xf32, #tpu.memory_space<hbm>>) dst(%dma_wait3A_67 : memref<128x128xf32, #tpu.memory_space<vmem>>)
    %mul3A_75 = arith.constant 10240 : i32
    %mul3A_76 = arith.muli %add3A, %mul3A_75 : i32
    %add3A_77 = arith.constant 10112 : i32
    %add3A_78 = arith.addi %mul3A_76, %add3A_77 : i32
    %dma_wait3A_79 = arith.constant 0 : i32
    %dma_wait3A_80 = tpu.memref_slice %arg4[%add3A_78] : memref<327680xi32, #tpu.memory_space<hbm>> -> memref<128xi32, #tpu.memory_space<hbm>>
    %dma_wait3A_81 = tpu.memref_slice %arg13[%dma_wait3A_79] : memref<2x!tpu.dma_semaphore, #tpu.memory_space<semaphore_mem>> -> memref<1x!tpu.dma_semaphore, #tpu.memory_space<semaphore_mem>>
    %dma_wait3A_82 = tpu.memref_squeeze %dma_wait3A_81 : memref<1x!tpu.dma_semaphore, #tpu.memory_space<semaphore_mem>> -> memref<!tpu.dma_semaphore, #tpu.memory_space<semaphore_mem>>
    %dma_wait3A_83 = tpu.memref_slice %arg4[%add3A_78] : memref<327680xi32, #tpu.memory_space<hbm>> -> memref<128xi32, #tpu.memory_space<hbm>>
    tpu.wait_dma2 semaphore(%dma_wait3A_82 : memref<!tpu.dma_semaphore, #tpu.memory_space<semaphore_mem>>) src(%dma_wait3A_83 : memref<128xi32, #tpu.memory_space<hbm>>) dst(%arg9 : memref<128xi32, #tpu.memory_space<vmem>>)
    %dma_wait3A_84 = arith.constant 1 : i32
    %dma_wait3A_85 = arith.constant 1 : i32
    %dma_wait3A_86 = arith.constant 0 : i32
    %dma_wait3A_87 = arith.constant 0 : i32
    %dma_wait3A_88 = tpu.memref_slice %arg8[%dma_wait3A_84, %dma_wait3A_86, %dma_wait3A_87] : memref<2x128x128xf32, #tpu.memory_space<vmem>> -> memref<1x128x128xf32, #tpu.memory_space<vmem>>
    %dma_wait3A_89 = tpu.memref_squeeze %dma_wait3A_88 : memref<1x128x128xf32, #tpu.memory_space<vmem>> -> memref<128x128xf32, #tpu.memory_space<vmem>>
    %dma_wait3A_90 = arith.constant 10112 : i32
    %dma_wait3A_91 = tpu.memref_slice %arg7[%dma_wait3A_90] : memref<10240xi32, #tpu.memory_space<vmem>> -> memref<128xi32, #tpu.memory_space<vmem>>
    %dma_wait3A_92 = arith.constant 0 : i32
    %dma_wait3A_93 = arith.constant 0 : i32
    %dma_wait3A_94 = tpu.memref_slice %arg2[%dma_wait3A_92, %dma_wait3A_93] : memref<10240x128xf32, #tpu.memory_space<hbm>> -> memref<10240x128xf32, #tpu.memory_space<hbm>>
    %dma_wait3A_95 = tpu.memref_slice %arg12[%dma_wait3A_85] : memref<2x!tpu.dma_semaphore, #tpu.memory_space<semaphore_mem>> -> memref<1x!tpu.dma_semaphore, #tpu.memory_space<semaphore_mem>>
    %dma_wait3A_96 = tpu.memref_squeeze %dma_wait3A_95 : memref<1x!tpu.dma_semaphore, #tpu.memory_space<semaphore_mem>> -> memref<!tpu.dma_semaphore, #tpu.memory_space<semaphore_mem>>
    tpu.wait_indirect_dma semaphore(%dma_wait3A_96 : memref<!tpu.dma_semaphore, #tpu.memory_space<semaphore_mem>>) src(%dma_wait3A_94 : memref<10240x128xf32, #tpu.memory_space<hbm>>) dst(%dma_wait3A_89 : memref<128x128xf32, #tpu.memory_space<vmem>>)
    %mul3A_97 = arith.constant 10240 : i32
    %mul3A_98 = arith.muli %add3A, %mul3A_97 : i32
    %add3A_99 = arith.constant 10112 : i32
    %add3A_100 = arith.addi %mul3A_98, %add3A_99 : i32
    %dma_wait3A_101 = arith.constant 1 : i32
    %dma_wait3A_102 = tpu.memref_slice %arg4[%add3A_100] : memref<327680xi32, #tpu.memory_space<hbm>> -> memref<128xi32, #tpu.memory_space<hbm>>
    %dma_wait3A_103 = tpu.memref_slice %arg13[%dma_wait3A_101] : memref<2x!tpu.dma_semaphore, #tpu.memory_space<semaphore_mem>> -> memref<1x!tpu.dma_semaphore, #tpu.memory_space<semaphore_mem>>
    %dma_wait3A_104 = tpu.memref_squeeze %dma_wait3A_103 : memref<1x!tpu.dma_semaphore, #tpu.memory_space<semaphore_mem>> -> memref<!tpu.dma_semaphore, #tpu.memory_space<semaphore_mem>>
    %dma_wait3A_105 = tpu.memref_slice %arg4[%add3A_100] : memref<327680xi32, #tpu.memory_space<hbm>> -> memref<128xi32, #tpu.memory_space<hbm>>
    tpu.wait_dma2 semaphore(%dma_wait3A_104 : memref<!tpu.dma_semaphore, #tpu.memory_space<semaphore_mem>>) src(%dma_wait3A_105 : memref<128xi32, #tpu.memory_space<hbm>>) dst(%arg10 : memref<128xi32, #tpu.memory_space<vmem>>)
    %barrier3A_106 = arith.constant 0 : index
    tpu.barrier barrier_id(%barrier3A_106)
    %add3A_107 = arith.constant 0 : i32
    %add3A_108 = arith.addi %mul3A_4, %add3A_107 : i32
    %add3A_109 = arith.constant 0 : i32
    %add3A_110 = arith.addi %mul3A_4, %add3A_109 : i32
    "tpu.region"() ({
      %run_scoped3A = tpu.sem_alloc : memref<!tpu.dma_semaphore, #tpu.memory_space<semaphore_mem>>
      %dma_start3A_127 = arith.constant 0 : i32
      %dma_start3A_128 = tpu.memref_slice %arg6[%arg0, %add3A_110, %dma_start3A_127] : memref<2x10240x128xf32, #tpu.memory_space<hbm>> -> memref<1x128x128xf32, #tpu.memory_space<hbm>>
      %dma_start3A_129 = tpu.memref_squeeze %dma_start3A_128 : memref<1x128x128xf32, #tpu.memory_space<hbm>> -> memref<128x128xf32, #tpu.memory_space<hbm>>
      %dma_start3A_130 = arith.constant 0 : i32
      %dma_start3A_131 = tpu.memref_slice %arg11[%add3A_108, %dma_start3A_130] : memref<10240x128xf32, #tpu.memory_space<vmem_shared>> -> memref<128x128xf32, #tpu.memory_space<vmem_shared>>
      tpu.enqueue_dma source(%dma_start3A_131 : memref<128x128xf32, #tpu.memory_space<vmem_shared>>) target(%dma_start3A_129 : memref<128x128xf32, #tpu.memory_space<hbm>>) target_semaphore(%run_scoped3A : memref<!tpu.dma_semaphore, #tpu.memory_space<semaphore_mem>>)
      %dma_wait3A_132 = arith.constant 0 : i32
      %dma_wait3A_133 = tpu.memref_slice %arg6[%arg0, %add3A_110, %dma_wait3A_132] : memref<2x10240x128xf32, #tpu.memory_space<hbm>> -> memref<1x128x128xf32, #tpu.memory_space<hbm>>
      %dma_wait3A_134 = tpu.memref_squeeze %dma_wait3A_133 : memref<1x128x128xf32, #tpu.memory_space<hbm>> -> memref<128x128xf32, #tpu.memory_space<hbm>>
      %dma_wait3A_135 = arith.constant 0 : i32
      %dma_wait3A_136 = tpu.memref_slice %arg11[%add3A_108, %dma_wait3A_135] : memref<10240x128xf32, #tpu.memory_space<vmem_shared>> -> memref<128x128xf32, #tpu.memory_space<vmem_shared>>
      tpu.wait_dma2 semaphore(%run_scoped3A : memref<!tpu.dma_semaphore, #tpu.memory_space<semaphore_mem>>) src(%dma_wait3A_136 : memref<128x128xf32, #tpu.memory_space<vmem_shared>>) dst(%dma_wait3A_134 : memref<128x128xf32, #tpu.memory_space<hbm>>)
      tpu.yield
    }) : () -> ()
    %add3A_111 = arith.constant 128 : i32
    %add3A_112 = arith.addi %mul3A_4, %add3A_111 : i32
    %add3A_113 = arith.constant 128 : i32
    %add3A_114 = arith.addi %mul3A_4, %add3A_113 : i32
    "tpu.region"() ({
      %run_scoped3A = tpu.sem_alloc : memref<!tpu.dma_semaphore, #tpu.memory_space<semaphore_mem>>
      %dma_start3A_127 = arith.constant 0 : i32
      %dma_start3A_128 = tpu.memref_slice %arg6[%arg0, %add3A_114, %dma_start3A_127] : memref<2x10240x128xf32, #tpu.memory_space<hbm>> -> memref<1x128x128xf32, #tpu.memory_space<hbm>>
      %dma_start3A_129 = tpu.memref_squeeze %dma_start3A_128 : memref<1x128x128xf32, #tpu.memory_space<hbm>> -> memref<128x128xf32, #tpu.memory_space<hbm>>
      %dma_start3A_130 = arith.constant 0 : i32
      %dma_start3A_131 = tpu.memref_slice %arg11[%add3A_112, %dma_start3A_130] : memref<10240x128xf32, #tpu.memory_space<vmem_shared>> -> memref<128x128xf32, #tpu.memory_space<vmem_shared>>
      tpu.enqueue_dma source(%dma_start3A_131 : memref<128x128xf32, #tpu.memory_space<vmem_shared>>) target(%dma_start3A_129 : memref<128x128xf32, #tpu.memory_space<hbm>>) target_semaphore(%run_scoped3A : memref<!tpu.dma_semaphore, #tpu.memory_space<semaphore_mem>>)
      %dma_wait3A_132 = arith.constant 0 : i32
      %dma_wait3A_133 = tpu.memref_slice %arg6[%arg0, %add3A_114, %dma_wait3A_132] : memref<2x10240x128xf32, #tpu.memory_space<hbm>> -> memref<1x128x128xf32, #tpu.memory_space<hbm>>
      %dma_wait3A_134 = tpu.memref_squeeze %dma_wait3A_133 : memref<1x128x128xf32, #tpu.memory_space<hbm>> -> memref<128x128xf32, #tpu.memory_space<hbm>>
      %dma_wait3A_135 = arith.constant 0 : i32
      %dma_wait3A_136 = tpu.memref_slice %arg11[%add3A_112, %dma_wait3A_135] : memref<10240x128xf32, #tpu.memory_space<vmem_shared>> -> memref<128x128xf32, #tpu.memory_space<vmem_shared>>
      tpu.wait_dma2 semaphore(%run_scoped3A : memref<!tpu.dma_semaphore, #tpu.memory_space<semaphore_mem>>) src(%dma_wait3A_136 : memref<128x128xf32, #tpu.memory_space<vmem_shared>>) dst(%dma_wait3A_134 : memref<128x128xf32, #tpu.memory_space<hbm>>)
      tpu.yield
    }) : () -> ()
    %add3A_115 = arith.constant 256 : i32
    %add3A_116 = arith.addi %mul3A_4, %add3A_115 : i32
    %add3A_117 = arith.constant 256 : i32
    %add3A_118 = arith.addi %mul3A_4, %add3A_117 : i32
    "tpu.region"() ({
      %run_scoped3A = tpu.sem_alloc : memref<!tpu.dma_semaphore, #tpu.memory_space<semaphore_mem>>
      %dma_start3A_127 = arith.constant 0 : i32
      %dma_start3A_128 = tpu.memref_slice %arg6[%arg0, %add3A_118, %dma_start3A_127] : memref<2x10240x128xf32, #tpu.memory_space<hbm>> -> memref<1x128x128xf32, #tpu.memory_space<hbm>>
      %dma_start3A_129 = tpu.memref_squeeze %dma_start3A_128 : memref<1x128x128xf32, #tpu.memory_space<hbm>> -> memref<128x128xf32, #tpu.memory_space<hbm>>
      %dma_start3A_130 = arith.constant 0 : i32
      %dma_start3A_131 = tpu.memref_slice %arg11[%add3A_116, %dma_start3A_130] : memref<10240x128xf32, #tpu.memory_space<vmem_shared>> -> memref<128x128xf32, #tpu.memory_space<vmem_shared>>
      tpu.enqueue_dma source(%dma_start3A_131 : memref<128x128xf32, #tpu.memory_space<vmem_shared>>) target(%dma_start3A_129 : memref<128x128xf32, #tpu.memory_space<hbm>>) target_semaphore(%run_scoped3A : memref<!tpu.dma_semaphore, #tpu.memory_space<semaphore_mem>>)
      %dma_wait3A_132 = arith.constant 0 : i32
      %dma_wait3A_133 = tpu.memref_slice %arg6[%arg0, %add3A_118, %dma_wait3A_132] : memref<2x10240x128xf32, #tpu.memory_space<hbm>> -> memref<1x128x128xf32, #tpu.memory_space<hbm>>
      %dma_wait3A_134 = tpu.memref_squeeze %dma_wait3A_133 : memref<1x128x128xf32, #tpu.memory_space<hbm>> -> memref<128x128xf32, #tpu.memory_space<hbm>>
      %dma_wait3A_135 = arith.constant 0 : i32
      %dma_wait3A_136 = tpu.memref_slice %arg11[%add3A_116, %dma_wait3A_135] : memref<10240x128xf32, #tpu.memory_space<vmem_shared>> -> memref<128x128xf32, #tpu.memory_space<vmem_shared>>
      tpu.wait_dma2 semaphore(%run_scoped3A : memref<!tpu.dma_semaphore, #tpu.memory_space<semaphore_mem>>) src(%dma_wait3A_136 : memref<128x128xf32, #tpu.memory_space<vmem_shared>>) dst(%dma_wait3A_134 : memref<128x128xf32, #tpu.memory_space<hbm>>)
      tpu.yield
    }) : () -> ()
    %add3A_119 = arith.constant 384 : i32
    %add3A_120 = arith.addi %mul3A_4, %add3A_119 : i32
    %add3A_121 = arith.constant 384 : i32
    %add3A_122 = arith.addi %mul3A_4, %add3A_121 : i32
    "tpu.region"() ({
      %run_scoped3A = tpu.sem_alloc : memref<!tpu.dma_semaphore, #tpu.memory_space<semaphore_mem>>
      %dma_start3A_127 = arith.constant 0 : i32
      %dma_start3A_128 = tpu.memref_slice %arg6[%arg0, %add3A_122, %dma_start3A_127] : memref<2x10240x128xf32, #tpu.memory_space<hbm>> -> memref<1x128x128xf32, #tpu.memory_space<hbm>>
      %dma_start3A_129 = tpu.memref_squeeze %dma_start3A_128 : memref<1x128x128xf32, #tpu.memory_space<hbm>> -> memref<128x128xf32, #tpu.memory_space<hbm>>
      %dma_start3A_130 = arith.constant 0 : i32
      %dma_start3A_131 = tpu.memref_slice %arg11[%add3A_120, %dma_start3A_130] : memref<10240x128xf32, #tpu.memory_space<vmem_shared>> -> memref<128x128xf32, #tpu.memory_space<vmem_shared>>
      tpu.enqueue_dma source(%dma_start3A_131 : memref<128x128xf32, #tpu.memory_space<vmem_shared>>) target(%dma_start3A_129 : memref<128x128xf32, #tpu.memory_space<hbm>>) target_semaphore(%run_scoped3A : memref<!tpu.dma_semaphore, #tpu.memory_space<semaphore_mem>>)
      %dma_wait3A_132 = arith.constant 0 : i32
      %dma_wait3A_133 = tpu.memref_slice %arg6[%arg0, %add3A_122, %dma_wait3A_132] : memref<2x10240x128xf32, #tpu.memory_space<hbm>> -> memref<1x128x128xf32, #tpu.memory_space<hbm>>
      %dma_wait3A_134 = tpu.memref_squeeze %dma_wait3A_133 : memref<1x128x128xf32, #tpu.memory_space<hbm>> -> memref<128x128xf32, #tpu.memory_space<hbm>>
      %dma_wait3A_135 = arith.constant 0 : i32
      %dma_wait3A_136 = tpu.memref_slice %arg11[%add3A_120, %dma_wait3A_135] : memref<10240x128xf32, #tpu.memory_space<vmem_shared>> -> memref<128x128xf32, #tpu.memory_space<vmem_shared>>
      tpu.wait_dma2 semaphore(%run_scoped3A : memref<!tpu.dma_semaphore, #tpu.memory_space<semaphore_mem>>) src(%dma_wait3A_136 : memref<128x128xf32, #tpu.memory_space<vmem_shared>>) dst(%dma_wait3A_134 : memref<128x128xf32, #tpu.memory_space<hbm>>)
      tpu.yield
    }) : () -> ()
    %add3A_123 = arith.constant 512 : i32
    %add3A_124 = arith.addi %mul3A_4, %add3A_123 : i32
    %add3A_125 = arith.constant 512 : i32
    %add3A_126 = arith.addi %mul3A_4, %add3A_125 : i32
    "tpu.region"() ({
      %run_scoped3A = tpu.sem_alloc : memref<!tpu.dma_semaphore, #tpu.memory_space<semaphore_mem>>
      %dma_start3A_127 = arith.constant 0 : i32
      %dma_start3A_128 = tpu.memref_slice %arg6[%arg0, %add3A_126, %dma_start3A_127] : memref<2x10240x128xf32, #tpu.memory_space<hbm>> -> memref<1x128x128xf32, #tpu.memory_space<hbm>>
      %dma_start3A_129 = tpu.memref_squeeze %dma_start3A_128 : memref<1x128x128xf32, #tpu.memory_space<hbm>> -> memref<128x128xf32, #tpu.memory_space<hbm>>
      %dma_start3A_130 = arith.constant 0 : i32
      %dma_start3A_131 = tpu.memref_slice %arg11[%add3A_124, %dma_start3A_130] : memref<10240x128xf32, #tpu.memory_space<vmem_shared>> -> memref<128x128xf32, #tpu.memory_space<vmem_shared>>
      tpu.enqueue_dma source(%dma_start3A_131 : memref<128x128xf32, #tpu.memory_space<vmem_shared>>) target(%dma_start3A_129 : memref<128x128xf32, #tpu.memory_space<hbm>>) target_semaphore(%run_scoped3A : memref<!tpu.dma_semaphore, #tpu.memory_space<semaphore_mem>>)
      %dma_wait3A_132 = arith.constant 0 : i32
      %dma_wait3A_133 = tpu.memref_slice %arg6[%arg0, %add3A_126, %dma_wait3A_132] : memref<2x10240x128xf32, #tpu.memory_space<hbm>> -> memref<1x128x128xf32, #tpu.memory_space<hbm>>
      %dma_wait3A_134 = tpu.memref_squeeze %dma_wait3A_133 : memref<1x128x128xf32, #tpu.memory_space<hbm>> -> memref<128x128xf32, #tpu.memory_space<hbm>>
      %dma_wait3A_135 = arith.constant 0 : i32
      %dma_wait3A_136 = tpu.memref_slice %arg11[%add3A_124, %dma_wait3A_135] : memref<10240x128xf32, #tpu.memory_space<vmem_shared>> -> memref<128x128xf32, #tpu.memory_space<vmem_shared>>
      tpu.wait_dma2 semaphore(%run_scoped3A : memref<!tpu.dma_semaphore, #tpu.memory_space<semaphore_mem>>) src(%dma_wait3A_136 : memref<128x128xf32, #tpu.memory_space<vmem_shared>>) dst(%dma_wait3A_134 : memref<128x128xf32, #tpu.memory_space<hbm>>)
      tpu.yield
    }) : () -> ()
    return
  }
}

#map = affine_map<(d0, d1) -> (0)>
module attributes {stable_mosaic.version = 14 : i64} {
  func.func @_sc_deg_body(%arg0: i32, %arg1: i32, %arg2: memref<327680xi32, #tpu.memory_space<hbm>>, %arg3: memref<327680xi32, #tpu.memory_space<hbm>>, %arg4: memref<24576xf32, #tpu.memory_space<hbm>>, %arg5: memref<24576xf32, #tpu.memory_space<hbm>>, %arg6: memref<10240xi32, #tpu.memory_space<vmem>>, %arg7: memref<10240xi32, #tpu.memory_space<vmem>>, %arg8: memref<12288xf32, #tpu.memory_space<vmem>>, %arg9: memref<12288xf32, #tpu.memory_space<vmem>>, %arg10: memref<6144xf32, #tpu.memory_space<vmem>>, %arg11: memref<384xf32, #tpu.memory_space<vmem>>, %arg12: memref<196608xf32, #tpu.memory_space<vmem_shared>>, %arg13: memref<196608xf32, #tpu.memory_space<vmem_shared>>) attributes {dimension_semantics = [#tpu.dimension_semantics<core_parallel>, #tpu.dimension_semantics<subcore_parallel>], iteration_bounds = array<i64: 2, 16>, scalar_prefetch = 0 : i64, scratch_operands = 8 : i64, tpu.core_type = #tpu.core_type<sc_vector_subcore>, window_params = [{transform_indices = #map}, {transform_indices = #map}, {transform_indices = #map}, {transform_indices = #map}]} {
    %mul3A = arith.constant 2 : i32
    %mul3A_0 = arith.muli %arg1, %mul3A : i32
    %add3A = arith.addi %mul3A_0, %arg0 : i32
    %mul3A_1 = arith.constant 10240 : i32
    %mul3A_2 = arith.muli %add3A, %mul3A_1 : i32
    "tpu.region"() ({
      %run_scoped3A = tpu.sem_alloc : memref<!tpu.dma_semaphore, #tpu.memory_space<semaphore_mem>>
      %dma_start3A = tpu.memref_slice %arg2[%mul3A_2] : memref<327680xi32, #tpu.memory_space<hbm>> -> memref<10240xi32, #tpu.memory_space<hbm>>
      %dma_start3A_107 = tpu.memref_slice %arg2[%mul3A_2] : memref<327680xi32, #tpu.memory_space<hbm>> -> memref<10240xi32, #tpu.memory_space<hbm>>
      tpu.enqueue_dma source(%dma_start3A_107 : memref<10240xi32, #tpu.memory_space<hbm>>) target(%arg6 : memref<10240xi32, #tpu.memory_space<vmem>>) target_semaphore(%run_scoped3A : memref<!tpu.dma_semaphore, #tpu.memory_space<semaphore_mem>>)
      %dma_wait3A = tpu.memref_slice %arg2[%mul3A_2] : memref<327680xi32, #tpu.memory_space<hbm>> -> memref<10240xi32, #tpu.memory_space<hbm>>
      %dma_wait3A_108 = tpu.memref_slice %arg2[%mul3A_2] : memref<327680xi32, #tpu.memory_space<hbm>> -> memref<10240xi32, #tpu.memory_space<hbm>>
      tpu.wait_dma2 semaphore(%run_scoped3A : memref<!tpu.dma_semaphore, #tpu.memory_space<semaphore_mem>>) src(%dma_wait3A_108 : memref<10240xi32, #tpu.memory_space<hbm>>) dst(%arg6 : memref<10240xi32, #tpu.memory_space<vmem>>)
      tpu.yield
    }) : () -> ()
    %mul3A_3 = arith.constant 10240 : i32
    %mul3A_4 = arith.muli %add3A, %mul3A_3 : i32
    "tpu.region"() ({
      %run_scoped3A = tpu.sem_alloc : memref<!tpu.dma_semaphore, #tpu.memory_space<semaphore_mem>>
      %dma_start3A = tpu.memref_slice %arg3[%mul3A_4] : memref<327680xi32, #tpu.memory_space<hbm>> -> memref<10240xi32, #tpu.memory_space<hbm>>
      %dma_start3A_107 = tpu.memref_slice %arg3[%mul3A_4] : memref<327680xi32, #tpu.memory_space<hbm>> -> memref<10240xi32, #tpu.memory_space<hbm>>
      tpu.enqueue_dma source(%dma_start3A_107 : memref<10240xi32, #tpu.memory_space<hbm>>) target(%arg7 : memref<10240xi32, #tpu.memory_space<vmem>>) target_semaphore(%run_scoped3A : memref<!tpu.dma_semaphore, #tpu.memory_space<semaphore_mem>>)
      %dma_wait3A = tpu.memref_slice %arg3[%mul3A_4] : memref<327680xi32, #tpu.memory_space<hbm>> -> memref<10240xi32, #tpu.memory_space<hbm>>
      %dma_wait3A_108 = tpu.memref_slice %arg3[%mul3A_4] : memref<327680xi32, #tpu.memory_space<hbm>> -> memref<10240xi32, #tpu.memory_space<hbm>>
      tpu.wait_dma2 semaphore(%run_scoped3A : memref<!tpu.dma_semaphore, #tpu.memory_space<semaphore_mem>>) src(%dma_wait3A_108 : memref<10240xi32, #tpu.memory_space<hbm>>) dst(%arg7 : memref<10240xi32, #tpu.memory_space<vmem>>)
      tpu.yield
    }) : () -> ()
    %broadcast_in_dim3A = arith.constant 0.000000e+00 : f32
    %broadcast_in_dim3A_5 = vector.broadcast %broadcast_in_dim3A : f32 to vector<16xf32>
    %scan3A = arith.constant 0 : i32
    %scan3A_6 = arith.constant 0 : i32
    %scan3A_7 = arith.constant 768 : i32
    %scan3A_8 = arith.addi %scan3A_6, %scan3A_7 : i32
    %scan3A_9 = arith.constant 1 : i32
    scf.for %scan3A_107 = %scan3A_6 to %scan3A_8 step %scan3A_9  : i32 {
      %mul3A_108 = arith.constant 16 : i32
      %mul3A_109 = arith.muli %scan3A_107, %mul3A_108 : i32
      %swap3A = arith.index_cast %mul3A_109 : i32 to index
      %swap3A_110 = tpu.vector_load %arg8[%swap3A] {strides = array<i32>} : memref<12288xf32, #tpu.memory_space<vmem>>, vector<16xf32>,
      tpu.vector_store %arg8[%swap3A], %broadcast_in_dim3A_5 {strides = array<i32>} : memref<12288xf32, #tpu.memory_space<vmem>>, vector<16xf32>,
      %mul3A_111 = arith.constant 16 : i32
      %mul3A_112 = arith.muli %scan3A_107, %mul3A_111 : i32
      %swap3A_113 = arith.index_cast %mul3A_112 : i32 to index
      %swap3A_114 = tpu.vector_load %arg9[%swap3A_113] {strides = array<i32>} : memref<12288xf32, #tpu.memory_space<vmem>>, vector<16xf32>,
      tpu.vector_store %arg9[%swap3A_113], %broadcast_in_dim3A_5 {strides = array<i32>} : memref<12288xf32, #tpu.memory_space<vmem>>, vector<16xf32>,
    }
    %scan3A_10 = arith.constant 768 : i32
    %broadcast_in_dim3A_11 = arith.constant 1.000000e+00 : f32
    %broadcast_in_dim3A_12 = vector.broadcast %broadcast_in_dim3A_11 : f32 to vector<16xf32>
    %scan3A_13 = arith.constant 0 : i32
    %scan3A_14 = arith.constant 0 : i32
    %scan3A_15 = arith.constant 640 : i32
    %scan3A_16 = arith.addi %scan3A_14, %scan3A_15 : i32
    %scan3A_17 = arith.constant 1 : i32
    scf.for %scan3A_107 = %scan3A_14 to %scan3A_16 step %scan3A_17  : i32 {
      %mul3A_108 = arith.constant 16 : i32
      %mul3A_109 = arith.muli %scan3A_107, %mul3A_108 : i32
      %get3A = arith.index_cast %mul3A_109 : i32 to index
      %get3A_110 = tpu.vector_load %arg6[%get3A] {strides = array<i32>} : memref<10240xi32, #tpu.memory_space<vmem>>, vector<16xi32>,
      tpu.vector_store_idx %arg8[%get3A_110], %broadcast_in_dim3A_12 {add = true} : memref<12288xf32, #tpu.memory_space<vmem>>[vector<16xi32>], vector<16xf32>,
      %mul3A_111 = arith.constant 16 : i32
      %mul3A_112 = arith.muli %scan3A_107, %mul3A_111 : i32
      %get3A_113 = arith.index_cast %mul3A_112 : i32 to index
      %get3A_114 = tpu.vector_load %arg7[%get3A_113] {strides = array<i32>} : memref<10240xi32, #tpu.memory_space<vmem>>, vector<16xi32>,
      tpu.vector_store_idx %arg9[%get3A_114], %broadcast_in_dim3A_12 {add = true} : memref<12288xf32, #tpu.memory_space<vmem>>[vector<16xi32>], vector<16xf32>,
    }
    %scan3A_18 = arith.constant 640 : i32
    %mul3A_19 = arith.constant 12288 : i32
    %mul3A_20 = arith.muli %arg1, %mul3A_19 : i32
    "tpu.region"() ({
      %run_scoped3A = tpu.sem_alloc : memref<!tpu.dma_semaphore, #tpu.memory_space<semaphore_mem>>
      %dma_start3A = tpu.memref_slice %arg12[%mul3A_20] : memref<196608xf32, #tpu.memory_space<vmem_shared>> -> memref<12288xf32, #tpu.memory_space<vmem_shared>>
      %dma_start3A_107 = tpu.memref_slice %arg12[%mul3A_20] : memref<196608xf32, #tpu.memory_space<vmem_shared>> -> memref<12288xf32, #tpu.memory_space<vmem_shared>>
      tpu.enqueue_dma source(%arg8 : memref<12288xf32, #tpu.memory_space<vmem>>) target(%dma_start3A_107 : memref<12288xf32, #tpu.memory_space<vmem_shared>>) target_semaphore(%run_scoped3A : memref<!tpu.dma_semaphore, #tpu.memory_space<semaphore_mem>>)
      %dma_wait3A = tpu.memref_slice %arg12[%mul3A_20] : memref<196608xf32, #tpu.memory_space<vmem_shared>> -> memref<12288xf32, #tpu.memory_space<vmem_shared>>
      %dma_wait3A_108 = tpu.memref_slice %arg12[%mul3A_20] : memref<196608xf32, #tpu.memory_space<vmem_shared>> -> memref<12288xf32, #tpu.memory_space<vmem_shared>>
      tpu.wait_dma2 semaphore(%run_scoped3A : memref<!tpu.dma_semaphore, #tpu.memory_space<semaphore_mem>>) src(%arg8 : memref<12288xf32, #tpu.memory_space<vmem>>) dst(%dma_wait3A_108 : memref<12288xf32, #tpu.memory_space<vmem_shared>>)
      tpu.yield
    }) : () -> ()
    %mul3A_21 = arith.constant 12288 : i32
    %mul3A_22 = arith.muli %arg1, %mul3A_21 : i32
    "tpu.region"() ({
      %run_scoped3A = tpu.sem_alloc : memref<!tpu.dma_semaphore, #tpu.memory_space<semaphore_mem>>
      %dma_start3A = tpu.memref_slice %arg13[%mul3A_22] : memref<196608xf32, #tpu.memory_space<vmem_shared>> -> memref<12288xf32, #tpu.memory_space<vmem_shared>>
      %dma_start3A_107 = tpu.memref_slice %arg13[%mul3A_22] : memref<196608xf32, #tpu.memory_space<vmem_shared>> -> memref<12288xf32, #tpu.memory_space<vmem_shared>>
      tpu.enqueue_dma source(%arg9 : memref<12288xf32, #tpu.memory_space<vmem>>) target(%dma_start3A_107 : memref<12288xf32, #tpu.memory_space<vmem_shared>>) target_semaphore(%run_scoped3A : memref<!tpu.dma_semaphore, #tpu.memory_space<semaphore_mem>>)
      %dma_wait3A = tpu.memref_slice %arg13[%mul3A_22] : memref<196608xf32, #tpu.memory_space<vmem_shared>> -> memref<12288xf32, #tpu.memory_space<vmem_shared>>
      %dma_wait3A_108 = tpu.memref_slice %arg13[%mul3A_22] : memref<196608xf32, #tpu.memory_space<vmem_shared>> -> memref<12288xf32, #tpu.memory_space<vmem_shared>>
      tpu.wait_dma2 semaphore(%run_scoped3A : memref<!tpu.dma_semaphore, #tpu.memory_space<semaphore_mem>>) src(%arg9 : memref<12288xf32, #tpu.memory_space<vmem>>) dst(%dma_wait3A_108 : memref<12288xf32, #tpu.memory_space<vmem_shared>>)
      tpu.yield
    }) : () -> ()
    %barrier3A = arith.constant 0 : index
    tpu.barrier barrier_id(%barrier3A)
    %mul3A_23 = arith.constant 384 : i32
    %mul3A_24 = arith.muli %arg1, %mul3A_23 : i32
    %add3A_25 = arith.constant 0 : i32
    %add3A_26 = arith.addi %add3A_25, %mul3A_24 : i32
    "tpu.region"() ({
      %run_scoped3A = tpu.sem_alloc : memref<!tpu.dma_semaphore, #tpu.memory_space<semaphore_mem>>
      %dma_start3A = arith.constant 0 : i32
      %dma_start3A_107 = tpu.memref_slice %arg10[%dma_start3A] : memref<6144xf32, #tpu.memory_space<vmem>> -> memref<384xf32, #tpu.memory_space<vmem>>
      %dma_start3A_108 = tpu.memref_slice %arg12[%add3A_26] : memref<196608xf32, #tpu.memory_space<vmem_shared>> -> memref<384xf32, #tpu.memory_space<vmem_shared>>
      %dma_start3A_109 = arith.constant 0 : i32
      %dma_start3A_110 = tpu.memref_slice %arg10[%dma_start3A_109] : memref<6144xf32, #tpu.memory_space<vmem>> -> memref<384xf32, #tpu.memory_space<vmem>>
      %dma_start3A_111 = tpu.memref_slice %arg12[%add3A_26] : memref<196608xf32, #tpu.memory_space<vmem_shared>> -> memref<384xf32, #tpu.memory_space<vmem_shared>>
      tpu.enqueue_dma source(%dma_start3A_111 : memref<384xf32, #tpu.memory_space<vmem_shared>>) target(%dma_start3A_110 : memref<384xf32, #tpu.memory_space<vmem>>) target_semaphore(%run_scoped3A : memref<!tpu.dma_semaphore, #tpu.memory_space<semaphore_mem>>)
      %dma_wait3A = arith.constant 0 : i32
      %dma_wait3A_112 = tpu.memref_slice %arg10[%dma_wait3A] : memref<6144xf32, #tpu.memory_space<vmem>> -> memref<384xf32, #tpu.memory_space<vmem>>
      %dma_wait3A_113 = tpu.memref_slice %arg12[%add3A_26] : memref<196608xf32, #tpu.memory_space<vmem_shared>> -> memref<384xf32, #tpu.memory_space<vmem_shared>>
      %dma_wait3A_114 = arith.constant 0 : i32
      %dma_wait3A_115 = tpu.memref_slice %arg10[%dma_wait3A_114] : memref<6144xf32, #tpu.memory_space<vmem>> -> memref<384xf32, #tpu.memory_space<vmem>>
      %dma_wait3A_116 = tpu.memref_slice %arg12[%add3A_26] : memref<196608xf32, #tpu.memory_space<vmem_shared>> -> memref<384xf32, #tpu.memory_space<vmem_shared>>
      tpu.wait_dma2 semaphore(%run_scoped3A : memref<!tpu.dma_semaphore, #tpu.memory_space<semaphore_mem>>) src(%dma_wait3A_116 : memref<384xf32, #tpu.memory_space<vmem_shared>>) dst(%dma_wait3A_115 : memref<384xf32, #tpu.memory_space<vmem>>)
      tpu.yield
    }) : () -> ()
    %add3A_27 = arith.constant 12288 : i32
    %add3A_28 = arith.addi %add3A_27, %mul3A_24 : i32
    "tpu.region"() ({
      %run_scoped3A = tpu.sem_alloc : memref<!tpu.dma_semaphore, #tpu.memory_space<semaphore_mem>>
      %dma_start3A = arith.constant 384 : i32
      %dma_start3A_107 = tpu.memref_slice %arg10[%dma_start3A] : memref<6144xf32, #tpu.memory_space<vmem>> -> memref<384xf32, #tpu.memory_space<vmem>>
      %dma_start3A_108 = tpu.memref_slice %arg12[%add3A_28] : memref<196608xf32, #tpu.memory_space<vmem_shared>> -> memref<384xf32, #tpu.memory_space<vmem_shared>>
      %dma_start3A_109 = arith.constant 384 : i32
      %dma_start3A_110 = tpu.memref_slice %arg10[%dma_start3A_109] : memref<6144xf32, #tpu.memory_space<vmem>> -> memref<384xf32, #tpu.memory_space<vmem>>
      %dma_start3A_111 = tpu.memref_slice %arg12[%add3A_28] : memref<196608xf32, #tpu.memory_space<vmem_shared>> -> memref<384xf32, #tpu.memory_space<vmem_shared>>
      tpu.enqueue_dma source(%dma_start3A_111 : memref<384xf32, #tpu.memory_space<vmem_shared>>) target(%dma_start3A_110 : memref<384xf32, #tpu.memory_space<vmem>>) target_semaphore(%run_scoped3A : memref<!tpu.dma_semaphore, #tpu.memory_space<semaphore_mem>>)
      %dma_wait3A = arith.constant 384 : i32
      %dma_wait3A_112 = tpu.memref_slice %arg10[%dma_wait3A] : memref<6144xf32, #tpu.memory_space<vmem>> -> memref<384xf32, #tpu.memory_space<vmem>>
      %dma_wait3A_113 = tpu.memref_slice %arg12[%add3A_28] : memref<196608xf32, #tpu.memory_space<vmem_shared>> -> memref<384xf32, #tpu.memory_space<vmem_shared>>
      %dma_wait3A_114 = arith.constant 384 : i32
      %dma_wait3A_115 = tpu.memref_slice %arg10[%dma_wait3A_114] : memref<6144xf32, #tpu.memory_space<vmem>> -> memref<384xf32, #tpu.memory_space<vmem>>
      %dma_wait3A_116 = tpu.memref_slice %arg12[%add3A_28] : memref<196608xf32, #tpu.memory_space<vmem_shared>> -> memref<384xf32, #tpu.memory_space<vmem_shared>>
      tpu.wait_dma2 semaphore(%run_scoped3A : memref<!tpu.dma_semaphore, #tpu.memory_space<semaphore_mem>>) src(%dma_wait3A_116 : memref<384xf32, #tpu.memory_space<vmem_shared>>) dst(%dma_wait3A_115 : memref<384xf32, #tpu.memory_space<vmem>>)
      tpu.yield
    }) : () -> ()
    %add3A_29 = arith.constant 24576 : i32
    %add3A_30 = arith.addi %add3A_29, %mul3A_24 : i32
    "tpu.region"() ({
      %run_scoped3A = tpu.sem_alloc : memref<!tpu.dma_semaphore, #tpu.memory_space<semaphore_mem>>
      %dma_start3A = arith.constant 768 : i32
      %dma_start3A_107 = tpu.memref_slice %arg10[%dma_start3A] : memref<6144xf32, #tpu.memory_space<vmem>> -> memref<384xf32, #tpu.memory_space<vmem>>
      %dma_start3A_108 = tpu.memref_slice %arg12[%add3A_30] : memref<196608xf32, #tpu.memory_space<vmem_shared>> -> memref<384xf32, #tpu.memory_space<vmem_shared>>
      %dma_start3A_109 = arith.constant 768 : i32
      %dma_start3A_110 = tpu.memref_slice %arg10[%dma_start3A_109] : memref<6144xf32, #tpu.memory_space<vmem>> -> memref<384xf32, #tpu.memory_space<vmem>>
      %dma_start3A_111 = tpu.memref_slice %arg12[%add3A_30] : memref<196608xf32, #tpu.memory_space<vmem_shared>> -> memref<384xf32, #tpu.memory_space<vmem_shared>>
      tpu.enqueue_dma source(%dma_start3A_111 : memref<384xf32, #tpu.memory_space<vmem_shared>>) target(%dma_start3A_110 : memref<384xf32, #tpu.memory_space<vmem>>) target_semaphore(%run_scoped3A : memref<!tpu.dma_semaphore, #tpu.memory_space<semaphore_mem>>)
      %dma_wait3A = arith.constant 768 : i32
      %dma_wait3A_112 = tpu.memref_slice %arg10[%dma_wait3A] : memref<6144xf32, #tpu.memory_space<vmem>> -> memref<384xf32, #tpu.memory_space<vmem>>
      %dma_wait3A_113 = tpu.memref_slice %arg12[%add3A_30] : memref<196608xf32, #tpu.memory_space<vmem_shared>> -> memref<384xf32, #tpu.memory_space<vmem_shared>>
      %dma_wait3A_114 = arith.constant 768 : i32
      %dma_wait3A_115 = tpu.memref_slice %arg10[%dma_wait3A_114] : memref<6144xf32, #tpu.memory_space<vmem>> -> memref<384xf32, #tpu.memory_space<vmem>>
      %dma_wait3A_116 = tpu.memref_slice %arg12[%add3A_30] : memref<196608xf32, #tpu.memory_space<vmem_shared>> -> memref<384xf32, #tpu.memory_space<vmem_shared>>
      tpu.wait_dma2 semaphore(%run_scoped3A : memref<!tpu.dma_semaphore, #tpu.memory_space<semaphore_mem>>) src(%dma_wait3A_116 : memref<384xf32, #tpu.memory_space<vmem_shared>>) dst(%dma_wait3A_115 : memref<384xf32, #tpu.memory_space<vmem>>)
      tpu.yield
    }) : () -> ()
    %add3A_31 = arith.constant 36864 : i32
    %add3A_32 = arith.addi %add3A_31, %mul3A_24 : i32
    "tpu.region"() ({
      %run_scoped3A = tpu.sem_alloc : memref<!tpu.dma_semaphore, #tpu.memory_space<semaphore_mem>>
      %dma_start3A = arith.constant 1152 : i32
      %dma_start3A_107 = tpu.memref_slice %arg10[%dma_start3A] : memref<6144xf32, #tpu.memory_space<vmem>> -> memref<384xf32, #tpu.memory_space<vmem>>
      %dma_start3A_108 = tpu.memref_slice %arg12[%add3A_32] : memref<196608xf32, #tpu.memory_space<vmem_shared>> -> memref<384xf32, #tpu.memory_space<vmem_shared>>
      %dma_start3A_109 = arith.constant 1152 : i32
      %dma_start3A_110 = tpu.memref_slice %arg10[%dma_start3A_109] : memref<6144xf32, #tpu.memory_space<vmem>> -> memref<384xf32, #tpu.memory_space<vmem>>
      %dma_start3A_111 = tpu.memref_slice %arg12[%add3A_32] : memref<196608xf32, #tpu.memory_space<vmem_shared>> -> memref<384xf32, #tpu.memory_space<vmem_shared>>
      tpu.enqueue_dma source(%dma_start3A_111 : memref<384xf32, #tpu.memory_space<vmem_shared>>) target(%dma_start3A_110 : memref<384xf32, #tpu.memory_space<vmem>>) target_semaphore(%run_scoped3A : memref<!tpu.dma_semaphore, #tpu.memory_space<semaphore_mem>>)
      %dma_wait3A = arith.constant 1152 : i32
      %dma_wait3A_112 = tpu.memref_slice %arg10[%dma_wait3A] : memref<6144xf32, #tpu.memory_space<vmem>> -> memref<384xf32, #tpu.memory_space<vmem>>
      %dma_wait3A_113 = tpu.memref_slice %arg12[%add3A_32] : memref<196608xf32, #tpu.memory_space<vmem_shared>> -> memref<384xf32, #tpu.memory_space<vmem_shared>>
      %dma_wait3A_114 = arith.constant 1152 : i32
      %dma_wait3A_115 = tpu.memref_slice %arg10[%dma_wait3A_114] : memref<6144xf32, #tpu.memory_space<vmem>> -> memref<384xf32, #tpu.memory_space<vmem>>
      %dma_wait3A_116 = tpu.memref_slice %arg12[%add3A_32] : memref<196608xf32, #tpu.memory_space<vmem_shared>> -> memref<384xf32, #tpu.memory_space<vmem_shared>>
      tpu.wait_dma2 semaphore(%run_scoped3A : memref<!tpu.dma_semaphore, #tpu.memory_space<semaphore_mem>>) src(%dma_wait3A_116 : memref<384xf32, #tpu.memory_space<vmem_shared>>) dst(%dma_wait3A_115 : memref<384xf32, #tpu.memory_space<vmem>>)
      tpu.yield
    }) : () -> ()
    %add3A_33 = arith.constant 49152 : i32
    %add3A_34 = arith.addi %add3A_33, %mul3A_24 : i32
    "tpu.region"() ({
      %run_scoped3A = tpu.sem_alloc : memref<!tpu.dma_semaphore, #tpu.memory_space<semaphore_mem>>
      %dma_start3A = arith.constant 1536 : i32
      %dma_start3A_107 = tpu.memref_slice %arg10[%dma_start3A] : memref<6144xf32, #tpu.memory_space<vmem>> -> memref<384xf32, #tpu.memory_space<vmem>>
      %dma_start3A_108 = tpu.memref_slice %arg12[%add3A_34] : memref<196608xf32, #tpu.memory_space<vmem_shared>> -> memref<384xf32, #tpu.memory_space<vmem_shared>>
      %dma_start3A_109 = arith.constant 1536 : i32
      %dma_start3A_110 = tpu.memref_slice %arg10[%dma_start3A_109] : memref<6144xf32, #tpu.memory_space<vmem>> -> memref<384xf32, #tpu.memory_space<vmem>>
      %dma_start3A_111 = tpu.memref_slice %arg12[%add3A_34] : memref<196608xf32, #tpu.memory_space<vmem_shared>> -> memref<384xf32, #tpu.memory_space<vmem_shared>>
      tpu.enqueue_dma source(%dma_start3A_111 : memref<384xf32, #tpu.memory_space<vmem_shared>>) target(%dma_start3A_110 : memref<384xf32, #tpu.memory_space<vmem>>) target_semaphore(%run_scoped3A : memref<!tpu.dma_semaphore, #tpu.memory_space<semaphore_mem>>)
      %dma_wait3A = arith.constant 1536 : i32
      %dma_wait3A_112 = tpu.memref_slice %arg10[%dma_wait3A] : memref<6144xf32, #tpu.memory_space<vmem>> -> memref<384xf32, #tpu.memory_space<vmem>>
      %dma_wait3A_113 = tpu.memref_slice %arg12[%add3A_34] : memref<196608xf32, #tpu.memory_space<vmem_shared>> -> memref<384xf32, #tpu.memory_space<vmem_shared>>
      %dma_wait3A_114 = arith.constant 1536 : i32
      %dma_wait3A_115 = tpu.memref_slice %arg10[%dma_wait3A_114] : memref<6144xf32, #tpu.memory_space<vmem>> -> memref<384xf32, #tpu.memory_space<vmem>>
      %dma_wait3A_116 = tpu.memref_slice %arg12[%add3A_34] : memref<196608xf32, #tpu.memory_space<vmem_shared>> -> memref<384xf32, #tpu.memory_space<vmem_shared>>
      tpu.wait_dma2 semaphore(%run_scoped3A : memref<!tpu.dma_semaphore, #tpu.memory_space<semaphore_mem>>) src(%dma_wait3A_116 : memref<384xf32, #tpu.memory_space<vmem_shared>>) dst(%dma_wait3A_115 : memref<384xf32, #tpu.memory_space<vmem>>)
      tpu.yield
    }) : () -> ()
    %add3A_35 = arith.constant 61440 : i32
    %add3A_36 = arith.addi %add3A_35, %mul3A_24 : i32
    "tpu.region"() ({
      %run_scoped3A = tpu.sem_alloc : memref<!tpu.dma_semaphore, #tpu.memory_space<semaphore_mem>>
      %dma_start3A = arith.constant 1920 : i32
      %dma_start3A_107 = tpu.memref_slice %arg10[%dma_start3A] : memref<6144xf32, #tpu.memory_space<vmem>> -> memref<384xf32, #tpu.memory_space<vmem>>
      %dma_start3A_108 = tpu.memref_slice %arg12[%add3A_36] : memref<196608xf32, #tpu.memory_space<vmem_shared>> -> memref<384xf32, #tpu.memory_space<vmem_shared>>
      %dma_start3A_109 = arith.constant 1920 : i32
      %dma_start3A_110 = tpu.memref_slice %arg10[%dma_start3A_109] : memref<6144xf32, #tpu.memory_space<vmem>> -> memref<384xf32, #tpu.memory_space<vmem>>
      %dma_start3A_111 = tpu.memref_slice %arg12[%add3A_36] : memref<196608xf32, #tpu.memory_space<vmem_shared>> -> memref<384xf32, #tpu.memory_space<vmem_shared>>
      tpu.enqueue_dma source(%dma_start3A_111 : memref<384xf32, #tpu.memory_space<vmem_shared>>) target(%dma_start3A_110 : memref<384xf32, #tpu.memory_space<vmem>>) target_semaphore(%run_scoped3A : memref<!tpu.dma_semaphore, #tpu.memory_space<semaphore_mem>>)
      %dma_wait3A = arith.constant 1920 : i32
      %dma_wait3A_112 = tpu.memref_slice %arg10[%dma_wait3A] : memref<6144xf32, #tpu.memory_space<vmem>> -> memref<384xf32, #tpu.memory_space<vmem>>
      %dma_wait3A_113 = tpu.memref_slice %arg12[%add3A_36] : memref<196608xf32, #tpu.memory_space<vmem_shared>> -> memref<384xf32, #tpu.memory_space<vmem_shared>>
      %dma_wait3A_114 = arith.constant 1920 : i32
      %dma_wait3A_115 = tpu.memref_slice %arg10[%dma_wait3A_114] : memref<6144xf32, #tpu.memory_space<vmem>> -> memref<384xf32, #tpu.memory_space<vmem>>
      %dma_wait3A_116 = tpu.memref_slice %arg12[%add3A_36] : memref<196608xf32, #tpu.memory_space<vmem_shared>> -> memref<384xf32, #tpu.memory_space<vmem_shared>>
      tpu.wait_dma2 semaphore(%run_scoped3A : memref<!tpu.dma_semaphore, #tpu.memory_space<semaphore_mem>>) src(%dma_wait3A_116 : memref<384xf32, #tpu.memory_space<vmem_shared>>) dst(%dma_wait3A_115 : memref<384xf32, #tpu.memory_space<vmem>>)
      tpu.yield
    }) : () -> ()
    %add3A_37 = arith.constant 73728 : i32
    %add3A_38 = arith.addi %add3A_37, %mul3A_24 : i32
    "tpu.region"() ({
      %run_scoped3A = tpu.sem_alloc : memref<!tpu.dma_semaphore, #tpu.memory_space<semaphore_mem>>
      %dma_start3A = arith.constant 2304 : i32
      %dma_start3A_107 = tpu.memref_slice %arg10[%dma_start3A] : memref<6144xf32, #tpu.memory_space<vmem>> -> memref<384xf32, #tpu.memory_space<vmem>>
      %dma_start3A_108 = tpu.memref_slice %arg12[%add3A_38] : memref<196608xf32, #tpu.memory_space<vmem_shared>> -> memref<384xf32, #tpu.memory_space<vmem_shared>>
      %dma_start3A_109 = arith.constant 2304 : i32
      %dma_start3A_110 = tpu.memref_slice %arg10[%dma_start3A_109] : memref<6144xf32, #tpu.memory_space<vmem>> -> memref<384xf32, #tpu.memory_space<vmem>>
      %dma_start3A_111 = tpu.memref_slice %arg12[%add3A_38] : memref<196608xf32, #tpu.memory_space<vmem_shared>> -> memref<384xf32, #tpu.memory_space<vmem_shared>>
      tpu.enqueue_dma source(%dma_start3A_111 : memref<384xf32, #tpu.memory_space<vmem_shared>>) target(%dma_start3A_110 : memref<384xf32, #tpu.memory_space<vmem>>) target_semaphore(%run_scoped3A : memref<!tpu.dma_semaphore, #tpu.memory_space<semaphore_mem>>)
      %dma_wait3A = arith.constant 2304 : i32
      %dma_wait3A_112 = tpu.memref_slice %arg10[%dma_wait3A] : memref<6144xf32, #tpu.memory_space<vmem>> -> memref<384xf32, #tpu.memory_space<vmem>>
      %dma_wait3A_113 = tpu.memref_slice %arg12[%add3A_38] : memref<196608xf32, #tpu.memory_space<vmem_shared>> -> memref<384xf32, #tpu.memory_space<vmem_shared>>
      %dma_wait3A_114 = arith.constant 2304 : i32
      %dma_wait3A_115 = tpu.memref_slice %arg10[%dma_wait3A_114] : memref<6144xf32, #tpu.memory_space<vmem>> -> memref<384xf32, #tpu.memory_space<vmem>>
      %dma_wait3A_116 = tpu.memref_slice %arg12[%add3A_38] : memref<196608xf32, #tpu.memory_space<vmem_shared>> -> memref<384xf32, #tpu.memory_space<vmem_shared>>
      tpu.wait_dma2 semaphore(%run_scoped3A : memref<!tpu.dma_semaphore, #tpu.memory_space<semaphore_mem>>) src(%dma_wait3A_116 : memref<384xf32, #tpu.memory_space<vmem_shared>>) dst(%dma_wait3A_115 : memref<384xf32, #tpu.memory_space<vmem>>)
      tpu.yield
    }) : () -> ()
    %add3A_39 = arith.constant 86016 : i32
    %add3A_40 = arith.addi %add3A_39, %mul3A_24 : i32
    "tpu.region"() ({
      %run_scoped3A = tpu.sem_alloc : memref<!tpu.dma_semaphore, #tpu.memory_space<semaphore_mem>>
      %dma_start3A = arith.constant 2688 : i32
      %dma_start3A_107 = tpu.memref_slice %arg10[%dma_start3A] : memref<6144xf32, #tpu.memory_space<vmem>> -> memref<384xf32, #tpu.memory_space<vmem>>
      %dma_start3A_108 = tpu.memref_slice %arg12[%add3A_40] : memref<196608xf32, #tpu.memory_space<vmem_shared>> -> memref<384xf32, #tpu.memory_space<vmem_shared>>
      %dma_start3A_109 = arith.constant 2688 : i32
      %dma_start3A_110 = tpu.memref_slice %arg10[%dma_start3A_109] : memref<6144xf32, #tpu.memory_space<vmem>> -> memref<384xf32, #tpu.memory_space<vmem>>
      %dma_start3A_111 = tpu.memref_slice %arg12[%add3A_40] : memref<196608xf32, #tpu.memory_space<vmem_shared>> -> memref<384xf32, #tpu.memory_space<vmem_shared>>
      tpu.enqueue_dma source(%dma_start3A_111 : memref<384xf32, #tpu.memory_space<vmem_shared>>) target(%dma_start3A_110 : memref<384xf32, #tpu.memory_space<vmem>>) target_semaphore(%run_scoped3A : memref<!tpu.dma_semaphore, #tpu.memory_space<semaphore_mem>>)
      %dma_wait3A = arith.constant 2688 : i32
      %dma_wait3A_112 = tpu.memref_slice %arg10[%dma_wait3A] : memref<6144xf32, #tpu.memory_space<vmem>> -> memref<384xf32, #tpu.memory_space<vmem>>
      %dma_wait3A_113 = tpu.memref_slice %arg12[%add3A_40] : memref<196608xf32, #tpu.memory_space<vmem_shared>> -> memref<384xf32, #tpu.memory_space<vmem_shared>>
      %dma_wait3A_114 = arith.constant 2688 : i32
      %dma_wait3A_115 = tpu.memref_slice %arg10[%dma_wait3A_114] : memref<6144xf32, #tpu.memory_space<vmem>> -> memref<384xf32, #tpu.memory_space<vmem>>
      %dma_wait3A_116 = tpu.memref_slice %arg12[%add3A_40] : memref<196608xf32, #tpu.memory_space<vmem_shared>> -> memref<384xf32, #tpu.memory_space<vmem_shared>>
      tpu.wait_dma2 semaphore(%run_scoped3A : memref<!tpu.dma_semaphore, #tpu.memory_space<semaphore_mem>>) src(%dma_wait3A_116 : memref<384xf32, #tpu.memory_space<vmem_shared>>) dst(%dma_wait3A_115 : memref<384xf32, #tpu.memory_space<vmem>>)
      tpu.yield
    }) : () -> ()
    %add3A_41 = arith.constant 98304 : i32
    %add3A_42 = arith.addi %add3A_41, %mul3A_24 : i32
    "tpu.region"() ({
      %run_scoped3A = tpu.sem_alloc : memref<!tpu.dma_semaphore, #tpu.memory_space<semaphore_mem>>
      %dma_start3A = arith.constant 3072 : i32
      %dma_start3A_107 = tpu.memref_slice %arg10[%dma_start3A] : memref<6144xf32, #tpu.memory_space<vmem>> -> memref<384xf32, #tpu.memory_space<vmem>>
      %dma_start3A_108 = tpu.memref_slice %arg12[%add3A_42] : memref<196608xf32, #tpu.memory_space<vmem_shared>> -> memref<384xf32, #tpu.memory_space<vmem_shared>>
      %dma_start3A_109 = arith.constant 3072 : i32
      %dma_start3A_110 = tpu.memref_slice %arg10[%dma_start3A_109] : memref<6144xf32, #tpu.memory_space<vmem>> -> memref<384xf32, #tpu.memory_space<vmem>>
      %dma_start3A_111 = tpu.memref_slice %arg12[%add3A_42] : memref<196608xf32, #tpu.memory_space<vmem_shared>> -> memref<384xf32, #tpu.memory_space<vmem_shared>>
      tpu.enqueue_dma source(%dma_start3A_111 : memref<384xf32, #tpu.memory_space<vmem_shared>>) target(%dma_start3A_110 : memref<384xf32, #tpu.memory_space<vmem>>) target_semaphore(%run_scoped3A : memref<!tpu.dma_semaphore, #tpu.memory_space<semaphore_mem>>)
      %dma_wait3A = arith.constant 3072 : i32
      %dma_wait3A_112 = tpu.memref_slice %arg10[%dma_wait3A] : memref<6144xf32, #tpu.memory_space<vmem>> -> memref<384xf32, #tpu.memory_space<vmem>>
      %dma_wait3A_113 = tpu.memref_slice %arg12[%add3A_42] : memref<196608xf32, #tpu.memory_space<vmem_shared>> -> memref<384xf32, #tpu.memory_space<vmem_shared>>
      %dma_wait3A_114 = arith.constant 3072 : i32
      %dma_wait3A_115 = tpu.memref_slice %arg10[%dma_wait3A_114] : memref<6144xf32, #tpu.memory_space<vmem>> -> memref<384xf32, #tpu.memory_space<vmem>>
      %dma_wait3A_116 = tpu.memref_slice %arg12[%add3A_42] : memref<196608xf32, #tpu.memory_space<vmem_shared>> -> memref<384xf32, #tpu.memory_space<vmem_shared>>
      tpu.wait_dma2 semaphore(%run_scoped3A : memref<!tpu.dma_semaphore, #tpu.memory_space<semaphore_mem>>) src(%dma_wait3A_116 : memref<384xf32, #tpu.memory_space<vmem_shared>>) dst(%dma_wait3A_115 : memref<384xf32, #tpu.memory_space<vmem>>)
      tpu.yield
    }) : () -> ()
    %add3A_43 = arith.constant 110592 : i32
    %add3A_44 = arith.addi %add3A_43, %mul3A_24 : i32
    "tpu.region"() ({
      %run_scoped3A = tpu.sem_alloc : memref<!tpu.dma_semaphore, #tpu.memory_space<semaphore_mem>>
      %dma_start3A = arith.constant 3456 : i32
      %dma_start3A_107 = tpu.memref_slice %arg10[%dma_start3A] : memref<6144xf32, #tpu.memory_space<vmem>> -> memref<384xf32, #tpu.memory_space<vmem>>
      %dma_start3A_108 = tpu.memref_slice %arg12[%add3A_44] : memref<196608xf32, #tpu.memory_space<vmem_shared>> -> memref<384xf32, #tpu.memory_space<vmem_shared>>
      %dma_start3A_109 = arith.constant 3456 : i32
      %dma_start3A_110 = tpu.memref_slice %arg10[%dma_start3A_109] : memref<6144xf32, #tpu.memory_space<vmem>> -> memref<384xf32, #tpu.memory_space<vmem>>
      %dma_start3A_111 = tpu.memref_slice %arg12[%add3A_44] : memref<196608xf32, #tpu.memory_space<vmem_shared>> -> memref<384xf32, #tpu.memory_space<vmem_shared>>
      tpu.enqueue_dma source(%dma_start3A_111 : memref<384xf32, #tpu.memory_space<vmem_shared>>) target(%dma_start3A_110 : memref<384xf32, #tpu.memory_space<vmem>>) target_semaphore(%run_scoped3A : memref<!tpu.dma_semaphore, #tpu.memory_space<semaphore_mem>>)
      %dma_wait3A = arith.constant 3456 : i32
      %dma_wait3A_112 = tpu.memref_slice %arg10[%dma_wait3A] : memref<6144xf32, #tpu.memory_space<vmem>> -> memref<384xf32, #tpu.memory_space<vmem>>
      %dma_wait3A_113 = tpu.memref_slice %arg12[%add3A_44] : memref<196608xf32, #tpu.memory_space<vmem_shared>> -> memref<384xf32, #tpu.memory_space<vmem_shared>>
      %dma_wait3A_114 = arith.constant 3456 : i32
      %dma_wait3A_115 = tpu.memref_slice %arg10[%dma_wait3A_114] : memref<6144xf32, #tpu.memory_space<vmem>> -> memref<384xf32, #tpu.memory_space<vmem>>
      %dma_wait3A_116 = tpu.memref_slice %arg12[%add3A_44] : memref<196608xf32, #tpu.memory_space<vmem_shared>> -> memref<384xf32, #tpu.memory_space<vmem_shared>>
      tpu.wait_dma2 semaphore(%run_scoped3A : memref<!tpu.dma_semaphore, #tpu.memory_space<semaphore_mem>>) src(%dma_wait3A_116 : memref<384xf32, #tpu.memory_space<vmem_shared>>) dst(%dma_wait3A_115 : memref<384xf32, #tpu.memory_space<vmem>>)
      tpu.yield
    }) : () -> ()
    %add3A_45 = arith.constant 122880 : i32
    %add3A_46 = arith.addi %add3A_45, %mul3A_24 : i32
    "tpu.region"() ({
      %run_scoped3A = tpu.sem_alloc : memref<!tpu.dma_semaphore, #tpu.memory_space<semaphore_mem>>
      %dma_start3A = arith.constant 3840 : i32
      %dma_start3A_107 = tpu.memref_slice %arg10[%dma_start3A] : memref<6144xf32, #tpu.memory_space<vmem>> -> memref<384xf32, #tpu.memory_space<vmem>>
      %dma_start3A_108 = tpu.memref_slice %arg12[%add3A_46] : memref<196608xf32, #tpu.memory_space<vmem_shared>> -> memref<384xf32, #tpu.memory_space<vmem_shared>>
      %dma_start3A_109 = arith.constant 3840 : i32
      %dma_start3A_110 = tpu.memref_slice %arg10[%dma_start3A_109] : memref<6144xf32, #tpu.memory_space<vmem>> -> memref<384xf32, #tpu.memory_space<vmem>>
      %dma_start3A_111 = tpu.memref_slice %arg12[%add3A_46] : memref<196608xf32, #tpu.memory_space<vmem_shared>> -> memref<384xf32, #tpu.memory_space<vmem_shared>>
      tpu.enqueue_dma source(%dma_start3A_111 : memref<384xf32, #tpu.memory_space<vmem_shared>>) target(%dma_start3A_110 : memref<384xf32, #tpu.memory_space<vmem>>) target_semaphore(%run_scoped3A : memref<!tpu.dma_semaphore, #tpu.memory_space<semaphore_mem>>)
      %dma_wait3A = arith.constant 3840 : i32
      %dma_wait3A_112 = tpu.memref_slice %arg10[%dma_wait3A] : memref<6144xf32, #tpu.memory_space<vmem>> -> memref<384xf32, #tpu.memory_space<vmem>>
      %dma_wait3A_113 = tpu.memref_slice %arg12[%add3A_46] : memref<196608xf32, #tpu.memory_space<vmem_shared>> -> memref<384xf32, #tpu.memory_space<vmem_shared>>
      %dma_wait3A_114 = arith.constant 3840 : i32
      %dma_wait3A_115 = tpu.memref_slice %arg10[%dma_wait3A_114] : memref<6144xf32, #tpu.memory_space<vmem>> -> memref<384xf32, #tpu.memory_space<vmem>>
      %dma_wait3A_116 = tpu.memref_slice %arg12[%add3A_46] : memref<196608xf32, #tpu.memory_space<vmem_shared>> -> memref<384xf32, #tpu.memory_space<vmem_shared>>
      tpu.wait_dma2 semaphore(%run_scoped3A : memref<!tpu.dma_semaphore, #tpu.memory_space<semaphore_mem>>) src(%dma_wait3A_116 : memref<384xf32, #tpu.memory_space<vmem_shared>>) dst(%dma_wait3A_115 : memref<384xf32, #tpu.memory_space<vmem>>)
      tpu.yield
    }) : () -> ()
    %add3A_47 = arith.constant 135168 : i32
    %add3A_48 = arith.addi %add3A_47, %mul3A_24 : i32
    "tpu.region"() ({
      %run_scoped3A = tpu.sem_alloc : memref<!tpu.dma_semaphore, #tpu.memory_space<semaphore_mem>>
      %dma_start3A = arith.constant 4224 : i32
      %dma_start3A_107 = tpu.memref_slice %arg10[%dma_start3A] : memref<6144xf32, #tpu.memory_space<vmem>> -> memref<384xf32, #tpu.memory_space<vmem>>
      %dma_start3A_108 = tpu.memref_slice %arg12[%add3A_48] : memref<196608xf32, #tpu.memory_space<vmem_shared>> -> memref<384xf32, #tpu.memory_space<vmem_shared>>
      %dma_start3A_109 = arith.constant 4224 : i32
      %dma_start3A_110 = tpu.memref_slice %arg10[%dma_start3A_109] : memref<6144xf32, #tpu.memory_space<vmem>> -> memref<384xf32, #tpu.memory_space<vmem>>
      %dma_start3A_111 = tpu.memref_slice %arg12[%add3A_48] : memref<196608xf32, #tpu.memory_space<vmem_shared>> -> memref<384xf32, #tpu.memory_space<vmem_shared>>
      tpu.enqueue_dma source(%dma_start3A_111 : memref<384xf32, #tpu.memory_space<vmem_shared>>) target(%dma_start3A_110 : memref<384xf32, #tpu.memory_space<vmem>>) target_semaphore(%run_scoped3A : memref<!tpu.dma_semaphore, #tpu.memory_space<semaphore_mem>>)
      %dma_wait3A = arith.constant 4224 : i32
      %dma_wait3A_112 = tpu.memref_slice %arg10[%dma_wait3A] : memref<6144xf32, #tpu.memory_space<vmem>> -> memref<384xf32, #tpu.memory_space<vmem>>
      %dma_wait3A_113 = tpu.memref_slice %arg12[%add3A_48] : memref<196608xf32, #tpu.memory_space<vmem_shared>> -> memref<384xf32, #tpu.memory_space<vmem_shared>>
      %dma_wait3A_114 = arith.constant 4224 : i32
      %dma_wait3A_115 = tpu.memref_slice %arg10[%dma_wait3A_114] : memref<6144xf32, #tpu.memory_space<vmem>> -> memref<384xf32, #tpu.memory_space<vmem>>
      %dma_wait3A_116 = tpu.memref_slice %arg12[%add3A_48] : memref<196608xf32, #tpu.memory_space<vmem_shared>> -> memref<384xf32, #tpu.memory_space<vmem_shared>>
      tpu.wait_dma2 semaphore(%run_scoped3A : memref<!tpu.dma_semaphore, #tpu.memory_space<semaphore_mem>>) src(%dma_wait3A_116 : memref<384xf32, #tpu.memory_space<vmem_shared>>) dst(%dma_wait3A_115 : memref<384xf32, #tpu.memory_space<vmem>>)
      tpu.yield
    }) : () -> ()
    %add3A_49 = arith.constant 147456 : i32
    %add3A_50 = arith.addi %add3A_49, %mul3A_24 : i32
    "tpu.region"() ({
      %run_scoped3A = tpu.sem_alloc : memref<!tpu.dma_semaphore, #tpu.memory_space<semaphore_mem>>
      %dma_start3A = arith.constant 4608 : i32
      %dma_start3A_107 = tpu.memref_slice %arg10[%dma_start3A] : memref<6144xf32, #tpu.memory_space<vmem>> -> memref<384xf32, #tpu.memory_space<vmem>>
      %dma_start3A_108 = tpu.memref_slice %arg12[%add3A_50] : memref<196608xf32, #tpu.memory_space<vmem_shared>> -> memref<384xf32, #tpu.memory_space<vmem_shared>>
      %dma_start3A_109 = arith.constant 4608 : i32
      %dma_start3A_110 = tpu.memref_slice %arg10[%dma_start3A_109] : memref<6144xf32, #tpu.memory_space<vmem>> -> memref<384xf32, #tpu.memory_space<vmem>>
      %dma_start3A_111 = tpu.memref_slice %arg12[%add3A_50] : memref<196608xf32, #tpu.memory_space<vmem_shared>> -> memref<384xf32, #tpu.memory_space<vmem_shared>>
      tpu.enqueue_dma source(%dma_start3A_111 : memref<384xf32, #tpu.memory_space<vmem_shared>>) target(%dma_start3A_110 : memref<384xf32, #tpu.memory_space<vmem>>) target_semaphore(%run_scoped3A : memref<!tpu.dma_semaphore, #tpu.memory_space<semaphore_mem>>)
      %dma_wait3A = arith.constant 4608 : i32
      %dma_wait3A_112 = tpu.memref_slice %arg10[%dma_wait3A] : memref<6144xf32, #tpu.memory_space<vmem>> -> memref<384xf32, #tpu.memory_space<vmem>>
      %dma_wait3A_113 = tpu.memref_slice %arg12[%add3A_50] : memref<196608xf32, #tpu.memory_space<vmem_shared>> -> memref<384xf32, #tpu.memory_space<vmem_shared>>
      %dma_wait3A_114 = arith.constant 4608 : i32
      %dma_wait3A_115 = tpu.memref_slice %arg10[%dma_wait3A_114] : memref<6144xf32, #tpu.memory_space<vmem>> -> memref<384xf32, #tpu.memory_space<vmem>>
      %dma_wait3A_116 = tpu.memref_slice %arg12[%add3A_50] : memref<196608xf32, #tpu.memory_space<vmem_shared>> -> memref<384xf32, #tpu.memory_space<vmem_shared>>
      tpu.wait_dma2 semaphore(%run_scoped3A : memref<!tpu.dma_semaphore, #tpu.memory_space<semaphore_mem>>) src(%dma_wait3A_116 : memref<384xf32, #tpu.memory_space<vmem_shared>>) dst(%dma_wait3A_115 : memref<384xf32, #tpu.memory_space<vmem>>)
      tpu.yield
    }) : () -> ()
    %add3A_51 = arith.constant 159744 : i32
    %add3A_52 = arith.addi %add3A_51, %mul3A_24 : i32
    "tpu.region"() ({
      %run_scoped3A = tpu.sem_alloc : memref<!tpu.dma_semaphore, #tpu.memory_space<semaphore_mem>>
      %dma_start3A = arith.constant 4992 : i32
      %dma_start3A_107 = tpu.memref_slice %arg10[%dma_start3A] : memref<6144xf32, #tpu.memory_space<vmem>> -> memref<384xf32, #tpu.memory_space<vmem>>
      %dma_start3A_108 = tpu.memref_slice %arg12[%add3A_52] : memref<196608xf32, #tpu.memory_space<vmem_shared>> -> memref<384xf32, #tpu.memory_space<vmem_shared>>
      %dma_start3A_109 = arith.constant 4992 : i32
      %dma_start3A_110 = tpu.memref_slice %arg10[%dma_start3A_109] : memref<6144xf32, #tpu.memory_space<vmem>> -> memref<384xf32, #tpu.memory_space<vmem>>
      %dma_start3A_111 = tpu.memref_slice %arg12[%add3A_52] : memref<196608xf32, #tpu.memory_space<vmem_shared>> -> memref<384xf32, #tpu.memory_space<vmem_shared>>
      tpu.enqueue_dma source(%dma_start3A_111 : memref<384xf32, #tpu.memory_space<vmem_shared>>) target(%dma_start3A_110 : memref<384xf32, #tpu.memory_space<vmem>>) target_semaphore(%run_scoped3A : memref<!tpu.dma_semaphore, #tpu.memory_space<semaphore_mem>>)
      %dma_wait3A = arith.constant 4992 : i32
      %dma_wait3A_112 = tpu.memref_slice %arg10[%dma_wait3A] : memref<6144xf32, #tpu.memory_space<vmem>> -> memref<384xf32, #tpu.memory_space<vmem>>
      %dma_wait3A_113 = tpu.memref_slice %arg12[%add3A_52] : memref<196608xf32, #tpu.memory_space<vmem_shared>> -> memref<384xf32, #tpu.memory_space<vmem_shared>>
      %dma_wait3A_114 = arith.constant 4992 : i32
      %dma_wait3A_115 = tpu.memref_slice %arg10[%dma_wait3A_114] : memref<6144xf32, #tpu.memory_space<vmem>> -> memref<384xf32, #tpu.memory_space<vmem>>
      %dma_wait3A_116 = tpu.memref_slice %arg12[%add3A_52] : memref<196608xf32, #tpu.memory_space<vmem_shared>> -> memref<384xf32, #tpu.memory_space<vmem_shared>>
      tpu.wait_dma2 semaphore(%run_scoped3A : memref<!tpu.dma_semaphore, #tpu.memory_space<semaphore_mem>>) src(%dma_wait3A_116 : memref<384xf32, #tpu.memory_space<vmem_shared>>) dst(%dma_wait3A_115 : memref<384xf32, #tpu.memory_space<vmem>>)
      tpu.yield
    }) : () -> ()
    %add3A_53 = arith.constant 172032 : i32
    %add3A_54 = arith.addi %add3A_53, %mul3A_24 : i32
    "tpu.region"() ({
      %run_scoped3A = tpu.sem_alloc : memref<!tpu.dma_semaphore, #tpu.memory_space<semaphore_mem>>
      %dma_start3A = arith.constant 5376 : i32
      %dma_start3A_107 = tpu.memref_slice %arg10[%dma_start3A] : memref<6144xf32, #tpu.memory_space<vmem>> -> memref<384xf32, #tpu.memory_space<vmem>>
      %dma_start3A_108 = tpu.memref_slice %arg12[%add3A_54] : memref<196608xf32, #tpu.memory_space<vmem_shared>> -> memref<384xf32, #tpu.memory_space<vmem_shared>>
      %dma_start3A_109 = arith.constant 5376 : i32
      %dma_start3A_110 = tpu.memref_slice %arg10[%dma_start3A_109] : memref<6144xf32, #tpu.memory_space<vmem>> -> memref<384xf32, #tpu.memory_space<vmem>>
      %dma_start3A_111 = tpu.memref_slice %arg12[%add3A_54] : memref<196608xf32, #tpu.memory_space<vmem_shared>> -> memref<384xf32, #tpu.memory_space<vmem_shared>>
      tpu.enqueue_dma source(%dma_start3A_111 : memref<384xf32, #tpu.memory_space<vmem_shared>>) target(%dma_start3A_110 : memref<384xf32, #tpu.memory_space<vmem>>) target_semaphore(%run_scoped3A : memref<!tpu.dma_semaphore, #tpu.memory_space<semaphore_mem>>)
      %dma_wait3A = arith.constant 5376 : i32
      %dma_wait3A_112 = tpu.memref_slice %arg10[%dma_wait3A] : memref<6144xf32, #tpu.memory_space<vmem>> -> memref<384xf32, #tpu.memory_space<vmem>>
      %dma_wait3A_113 = tpu.memref_slice %arg12[%add3A_54] : memref<196608xf32, #tpu.memory_space<vmem_shared>> -> memref<384xf32, #tpu.memory_space<vmem_shared>>
      %dma_wait3A_114 = arith.constant 5376 : i32
      %dma_wait3A_115 = tpu.memref_slice %arg10[%dma_wait3A_114] : memref<6144xf32, #tpu.memory_space<vmem>> -> memref<384xf32, #tpu.memory_space<vmem>>
      %dma_wait3A_116 = tpu.memref_slice %arg12[%add3A_54] : memref<196608xf32, #tpu.memory_space<vmem_shared>> -> memref<384xf32, #tpu.memory_space<vmem_shared>>
      tpu.wait_dma2 semaphore(%run_scoped3A : memref<!tpu.dma_semaphore, #tpu.memory_space<semaphore_mem>>) src(%dma_wait3A_116 : memref<384xf32, #tpu.memory_space<vmem_shared>>) dst(%dma_wait3A_115 : memref<384xf32, #tpu.memory_space<vmem>>)
      tpu.yield
    }) : () -> ()
    %add3A_55 = arith.constant 184320 : i32
    %add3A_56 = arith.addi %add3A_55, %mul3A_24 : i32
    "tpu.region"() ({
      %run_scoped3A = tpu.sem_alloc : memref<!tpu.dma_semaphore, #tpu.memory_space<semaphore_mem>>
      %dma_start3A = arith.constant 5760 : i32
      %dma_start3A_107 = tpu.memref_slice %arg10[%dma_start3A] : memref<6144xf32, #tpu.memory_space<vmem>> -> memref<384xf32, #tpu.memory_space<vmem>>
      %dma_start3A_108 = tpu.memref_slice %arg12[%add3A_56] : memref<196608xf32, #tpu.memory_space<vmem_shared>> -> memref<384xf32, #tpu.memory_space<vmem_shared>>
      %dma_start3A_109 = arith.constant 5760 : i32
      %dma_start3A_110 = tpu.memref_slice %arg10[%dma_start3A_109] : memref<6144xf32, #tpu.memory_space<vmem>> -> memref<384xf32, #tpu.memory_space<vmem>>
      %dma_start3A_111 = tpu.memref_slice %arg12[%add3A_56] : memref<196608xf32, #tpu.memory_space<vmem_shared>> -> memref<384xf32, #tpu.memory_space<vmem_shared>>
      tpu.enqueue_dma source(%dma_start3A_111 : memref<384xf32, #tpu.memory_space<vmem_shared>>) target(%dma_start3A_110 : memref<384xf32, #tpu.memory_space<vmem>>) target_semaphore(%run_scoped3A : memref<!tpu.dma_semaphore, #tpu.memory_space<semaphore_mem>>)
      %dma_wait3A = arith.constant 5760 : i32
      %dma_wait3A_112 = tpu.memref_slice %arg10[%dma_wait3A] : memref<6144xf32, #tpu.memory_space<vmem>> -> memref<384xf32, #tpu.memory_space<vmem>>
      %dma_wait3A_113 = tpu.memref_slice %arg12[%add3A_56] : memref<196608xf32, #tpu.memory_space<vmem_shared>> -> memref<384xf32, #tpu.memory_space<vmem_shared>>
      %dma_wait3A_114 = arith.constant 5760 : i32
      %dma_wait3A_115 = tpu.memref_slice %arg10[%dma_wait3A_114] : memref<6144xf32, #tpu.memory_space<vmem>> -> memref<384xf32, #tpu.memory_space<vmem>>
      %dma_wait3A_116 = tpu.memref_slice %arg12[%add3A_56] : memref<196608xf32, #tpu.memory_space<vmem_shared>> -> memref<384xf32, #tpu.memory_space<vmem_shared>>
      tpu.wait_dma2 semaphore(%run_scoped3A : memref<!tpu.dma_semaphore, #tpu.memory_space<semaphore_mem>>) src(%dma_wait3A_116 : memref<384xf32, #tpu.memory_space<vmem_shared>>) dst(%dma_wait3A_115 : memref<384xf32, #tpu.memory_space<vmem>>)
      tpu.yield
    }) : () -> ()
    %scan3A_57 = arith.constant 0 : i32
    %scan3A_58 = arith.constant 0 : i32
    %scan3A_59 = arith.constant 24 : i32
    %scan3A_60 = arith.addi %scan3A_58, %scan3A_59 : i32
    %scan3A_61 = arith.constant 1 : i32
    scf.for %scan3A_107 = %scan3A_58 to %scan3A_60 step %scan3A_61  : i32 {
      %mul3A_108 = arith.constant 16 : i32
      %mul3A_109 = arith.muli %scan3A_107, %mul3A_108 : i32
      %get3A = arith.index_cast %mul3A_109 : i32 to index
      %get3A_110 = tpu.vector_load %arg10[%get3A] {strides = array<i32>} : memref<6144xf32, #tpu.memory_space<vmem>>, vector<16xf32>,
      %mul3A_111 = arith.constant 16 : i32
      %mul3A_112 = arith.muli %scan3A_107, %mul3A_111 : i32
      %add3A_113 = arith.constant 384 : i32
      %add3A_114 = arith.addi %add3A_113, %mul3A_112 : i32
      %get3A_115 = arith.index_cast %add3A_114 : i32 to index
      %get3A_116 = tpu.vector_load %arg10[%get3A_115] {strides = array<i32>} : memref<6144xf32, #tpu.memory_space<vmem>>, vector<16xf32>,
      %add3A_117 = arith.addf %get3A_110, %get3A_116 : vector<16xf32>
      %mul3A_118 = arith.constant 16 : i32
      %mul3A_119 = arith.muli %scan3A_107, %mul3A_118 : i32
      %add3A_120 = arith.constant 768 : i32
      %add3A_121 = arith.addi %add3A_120, %mul3A_119 : i32
      %get3A_122 = arith.index_cast %add3A_121 : i32 to index
      %get3A_123 = tpu.vector_load %arg10[%get3A_122] {strides = array<i32>} : memref<6144xf32, #tpu.memory_space<vmem>>, vector<16xf32>,
      %add3A_124 = arith.addf %add3A_117, %get3A_123 : vector<16xf32>
      %mul3A_125 = arith.constant 16 : i32
      %mul3A_126 = arith.muli %scan3A_107, %mul3A_125 : i32
      %add3A_127 = arith.constant 1152 : i32
      %add3A_128 = arith.addi %add3A_127, %mul3A_126 : i32
      %get3A_129 = arith.index_cast %add3A_128 : i32 to index
      %get3A_130 = tpu.vector_load %arg10[%get3A_129] {strides = array<i32>} : memref<6144xf32, #tpu.memory_space<vmem>>, vector<16xf32>,
      %add3A_131 = arith.addf %add3A_124, %get3A_130 : vector<16xf32>
      %mul3A_132 = arith.constant 16 : i32
      %mul3A_133 = arith.muli %scan3A_107, %mul3A_132 : i32
      %add3A_134 = arith.constant 1536 : i32
      %add3A_135 = arith.addi %add3A_134, %mul3A_133 : i32
      %get3A_136 = arith.index_cast %add3A_135 : i32 to index
      %get3A_137 = tpu.vector_load %arg10[%get3A_136] {strides = array<i32>} : memref<6144xf32, #tpu.memory_space<vmem>>, vector<16xf32>,
      %add3A_138 = arith.addf %add3A_131, %get3A_137 : vector<16xf32>
      %mul3A_139 = arith.constant 16 : i32
      %mul3A_140 = arith.muli %scan3A_107, %mul3A_139 : i32
      %add3A_141 = arith.constant 1920 : i32
      %add3A_142 = arith.addi %add3A_141, %mul3A_140 : i32
      %get3A_143 = arith.index_cast %add3A_142 : i32 to index
      %get3A_144 = tpu.vector_load %arg10[%get3A_143] {strides = array<i32>} : memref<6144xf32, #tpu.memory_space<vmem>>, vector<16xf32>,
      %add3A_145 = arith.addf %add3A_138, %get3A_144 : vector<16xf32>
      %mul3A_146 = arith.constant 16 : i32
      %mul3A_147 = arith.muli %scan3A_107, %mul3A_146 : i32
      %add3A_148 = arith.constant 2304 : i32
      %add3A_149 = arith.addi %add3A_148, %mul3A_147 : i32
      %get3A_150 = arith.index_cast %add3A_149 : i32 to index
      %get3A_151 = tpu.vector_load %arg10[%get3A_150] {strides = array<i32>} : memref<6144xf32, #tpu.memory_space<vmem>>, vector<16xf32>,
      %add3A_152 = arith.addf %add3A_145, %get3A_151 : vector<16xf32>
      %mul3A_153 = arith.constant 16 : i32
      %mul3A_154 = arith.muli %scan3A_107, %mul3A_153 : i32
      %add3A_155 = arith.constant 2688 : i32
      %add3A_156 = arith.addi %add3A_155, %mul3A_154 : i32
      %get3A_157 = arith.index_cast %add3A_156 : i32 to index
      %get3A_158 = tpu.vector_load %arg10[%get3A_157] {strides = array<i32>} : memref<6144xf32, #tpu.memory_space<vmem>>, vector<16xf32>,
      %add3A_159 = arith.addf %add3A_152, %get3A_158 : vector<16xf32>
      %mul3A_160 = arith.constant 16 : i32
      %mul3A_161 = arith.muli %scan3A_107, %mul3A_160 : i32
      %add3A_162 = arith.constant 3072 : i32
      %add3A_163 = arith.addi %add3A_162, %mul3A_161 : i32
      %get3A_164 = arith.index_cast %add3A_163 : i32 to index
      %get3A_165 = tpu.vector_load %arg10[%get3A_164] {strides = array<i32>} : memref<6144xf32, #tpu.memory_space<vmem>>, vector<16xf32>,
      %add3A_166 = arith.addf %add3A_159, %get3A_165 : vector<16xf32>
      %mul3A_167 = arith.constant 16 : i32
      %mul3A_168 = arith.muli %scan3A_107, %mul3A_167 : i32
      %add3A_169 = arith.constant 3456 : i32
      %add3A_170 = arith.addi %add3A_169, %mul3A_168 : i32
      %get3A_171 = arith.index_cast %add3A_170 : i32 to index
      %get3A_172 = tpu.vector_load %arg10[%get3A_171] {strides = array<i32>} : memref<6144xf32, #tpu.memory_space<vmem>>, vector<16xf32>,
      %add3A_173 = arith.addf %add3A_166, %get3A_172 : vector<16xf32>
      %mul3A_174 = arith.constant 16 : i32
      %mul3A_175 = arith.muli %scan3A_107, %mul3A_174 : i32
      %add3A_176 = arith.constant 3840 : i32
      %add3A_177 = arith.addi %add3A_176, %mul3A_175 : i32
      %get3A_178 = arith.index_cast %add3A_177 : i32 to index
      %get3A_179 = tpu.vector_load %arg10[%get3A_178] {strides = array<i32>} : memref<6144xf32, #tpu.memory_space<vmem>>, vector<16xf32>,
      %add3A_180 = arith.addf %add3A_173, %get3A_179 : vector<16xf32>
      %mul3A_181 = arith.constant 16 : i32
      %mul3A_182 = arith.muli %scan3A_107, %mul3A_181 : i32
      %add3A_183 = arith.constant 4224 : i32
      %add3A_184 = arith.addi %add3A_183, %mul3A_182 : i32
      %get3A_185 = arith.index_cast %add3A_184 : i32 to index
      %get3A_186 = tpu.vector_load %arg10[%get3A_185] {strides = array<i32>} : memref<6144xf32, #tpu.memory_space<vmem>>, vector<16xf32>,
      %add3A_187 = arith.addf %add3A_180, %get3A_186 : vector<16xf32>
      %mul3A_188 = arith.constant 16 : i32
      %mul3A_189 = arith.muli %scan3A_107, %mul3A_188 : i32
      %add3A_190 = arith.constant 4608 : i32
      %add3A_191 = arith.addi %add3A_190, %mul3A_189 : i32
      %get3A_192 = arith.index_cast %add3A_191 : i32 to index
      %get3A_193 = tpu.vector_load %arg10[%get3A_192] {strides = array<i32>} : memref<6144xf32, #tpu.memory_space<vmem>>, vector<16xf32>,
      %add3A_194 = arith.addf %add3A_187, %get3A_193 : vector<16xf32>
      %mul3A_195 = arith.constant 16 : i32
      %mul3A_196 = arith.muli %scan3A_107, %mul3A_195 : i32
      %add3A_197 = arith.constant 4992 : i32
      %add3A_198 = arith.addi %add3A_197, %mul3A_196 : i32
      %get3A_199 = arith.index_cast %add3A_198 : i32 to index
      %get3A_200 = tpu.vector_load %arg10[%get3A_199] {strides = array<i32>} : memref<6144xf32, #tpu.memory_space<vmem>>, vector<16xf32>,
      %add3A_201 = arith.addf %add3A_194, %get3A_200 : vector<16xf32>
      %mul3A_202 = arith.constant 16 : i32
      %mul3A_203 = arith.muli %scan3A_107, %mul3A_202 : i32
      %add3A_204 = arith.constant 5376 : i32
      %add3A_205 = arith.addi %add3A_204, %mul3A_203 : i32
      %get3A_206 = arith.index_cast %add3A_205 : i32 to index
      %get3A_207 = tpu.vector_load %arg10[%get3A_206] {strides = array<i32>} : memref<6144xf32, #tpu.memory_space<vmem>>, vector<16xf32>,
      %add3A_208 = arith.addf %add3A_201, %get3A_207 : vector<16xf32>
      %mul3A_209 = arith.constant 16 : i32
      %mul3A_210 = arith.muli %scan3A_107, %mul3A_209 : i32
      %add3A_211 = arith.constant 5760 : i32
      %add3A_212 = arith.addi %add3A_211, %mul3A_210 : i32
      %get3A_213 = arith.index_cast %add3A_212 : i32 to index
      %get3A_214 = tpu.vector_load %arg10[%get3A_213] {strides = array<i32>} : memref<6144xf32, #tpu.memory_space<vmem>>, vector<16xf32>,
      %add3A_215 = arith.addf %add3A_208, %get3A_214 : vector<16xf32>
      %mul3A_216 = arith.constant 16 : i32
      %mul3A_217 = arith.muli %scan3A_107, %mul3A_216 : i32
      %swap3A = arith.index_cast %mul3A_217 : i32 to index
      %swap3A_218 = tpu.vector_load %arg11[%swap3A] {strides = array<i32>} : memref<384xf32, #tpu.memory_space<vmem>>, vector<16xf32>,
      tpu.vector_store %arg11[%swap3A], %add3A_215 {strides = array<i32>} : memref<384xf32, #tpu.memory_space<vmem>>, vector<16xf32>,
    }
    %scan3A_62 = arith.constant 24 : i32
    %mul3A_63 = arith.constant 12288 : i32
    %mul3A_64 = arith.muli %arg0, %mul3A_63 : i32
    %add3A_65 = arith.addi %mul3A_64, %mul3A_24 : i32
    "tpu.region"() ({
      %run_scoped3A = tpu.sem_alloc : memref<!tpu.dma_semaphore, #tpu.memory_space<semaphore_mem>>
      %dma_start3A = tpu.memref_slice %arg4[%add3A_65] : memref<24576xf32, #tpu.memory_space<hbm>> -> memref<384xf32, #tpu.memory_space<hbm>>
      %dma_start3A_107 = tpu.memref_slice %arg4[%add3A_65] : memref<24576xf32, #tpu.memory_space<hbm>> -> memref<384xf32, #tpu.memory_space<hbm>>
      tpu.enqueue_dma source(%arg11 : memref<384xf32, #tpu.memory_space<vmem>>) target(%dma_start3A_107 : memref<384xf32, #tpu.memory_space<hbm>>) target_semaphore(%run_scoped3A : memref<!tpu.dma_semaphore, #tpu.memory_space<semaphore_mem>>)
      %dma_wait3A = tpu.memref_slice %arg4[%add3A_65] : memref<24576xf32, #tpu.memory_space<hbm>> -> memref<384xf32, #tpu.memory_space<hbm>>
      %dma_wait3A_108 = tpu.memref_slice %arg4[%add3A_65] : memref<24576xf32, #tpu.memory_space<hbm>> -> memref<384xf32, #tpu.memory_space<hbm>>
      tpu.wait_dma2 semaphore(%run_scoped3A : memref<!tpu.dma_semaphore, #tpu.memory_space<semaphore_mem>>) src(%arg11 : memref<384xf32, #tpu.memory_space<vmem>>) dst(%dma_wait3A_108 : memref<384xf32, #tpu.memory_space<hbm>>)
      tpu.yield
    }) : () -> ()
    %add3A_66 = arith.constant 0 : i32
    %add3A_67 = arith.addi %add3A_66, %mul3A_24 : i32
    "tpu.region"() ({
      %run_scoped3A = tpu.sem_alloc : memref<!tpu.dma_semaphore, #tpu.memory_space<semaphore_mem>>
      %dma_start3A = arith.constant 0 : i32
      %dma_start3A_107 = tpu.memref_slice %arg10[%dma_start3A] : memref<6144xf32, #tpu.memory_space<vmem>> -> memref<384xf32, #tpu.memory_space<vmem>>
      %dma_start3A_108 = tpu.memref_slice %arg13[%add3A_67] : memref<196608xf32, #tpu.memory_space<vmem_shared>> -> memref<384xf32, #tpu.memory_space<vmem_shared>>
      %dma_start3A_109 = arith.constant 0 : i32
      %dma_start3A_110 = tpu.memref_slice %arg10[%dma_start3A_109] : memref<6144xf32, #tpu.memory_space<vmem>> -> memref<384xf32, #tpu.memory_space<vmem>>
      %dma_start3A_111 = tpu.memref_slice %arg13[%add3A_67] : memref<196608xf32, #tpu.memory_space<vmem_shared>> -> memref<384xf32, #tpu.memory_space<vmem_shared>>
      tpu.enqueue_dma source(%dma_start3A_111 : memref<384xf32, #tpu.memory_space<vmem_shared>>) target(%dma_start3A_110 : memref<384xf32, #tpu.memory_space<vmem>>) target_semaphore(%run_scoped3A : memref<!tpu.dma_semaphore, #tpu.memory_space<semaphore_mem>>)
      %dma_wait3A = arith.constant 0 : i32
      %dma_wait3A_112 = tpu.memref_slice %arg10[%dma_wait3A] : memref<6144xf32, #tpu.memory_space<vmem>> -> memref<384xf32, #tpu.memory_space<vmem>>
      %dma_wait3A_113 = tpu.memref_slice %arg13[%add3A_67] : memref<196608xf32, #tpu.memory_space<vmem_shared>> -> memref<384xf32, #tpu.memory_space<vmem_shared>>
      %dma_wait3A_114 = arith.constant 0 : i32
      %dma_wait3A_115 = tpu.memref_slice %arg10[%dma_wait3A_114] : memref<6144xf32, #tpu.memory_space<vmem>> -> memref<384xf32, #tpu.memory_space<vmem>>
      %dma_wait3A_116 = tpu.memref_slice %arg13[%add3A_67] : memref<196608xf32, #tpu.memory_space<vmem_shared>> -> memref<384xf32, #tpu.memory_space<vmem_shared>>
      tpu.wait_dma2 semaphore(%run_scoped3A : memref<!tpu.dma_semaphore, #tpu.memory_space<semaphore_mem>>) src(%dma_wait3A_116 : memref<384xf32, #tpu.memory_space<vmem_shared>>) dst(%dma_wait3A_115 : memref<384xf32, #tpu.memory_space<vmem>>)
      tpu.yield
    }) : () -> ()
    %add3A_68 = arith.constant 12288 : i32
    %add3A_69 = arith.addi %add3A_68, %mul3A_24 : i32
    "tpu.region"() ({
      %run_scoped3A = tpu.sem_alloc : memref<!tpu.dma_semaphore, #tpu.memory_space<semaphore_mem>>
      %dma_start3A = arith.constant 384 : i32
      %dma_start3A_107 = tpu.memref_slice %arg10[%dma_start3A] : memref<6144xf32, #tpu.memory_space<vmem>> -> memref<384xf32, #tpu.memory_space<vmem>>
      %dma_start3A_108 = tpu.memref_slice %arg13[%add3A_69] : memref<196608xf32, #tpu.memory_space<vmem_shared>> -> memref<384xf32, #tpu.memory_space<vmem_shared>>
      %dma_start3A_109 = arith.constant 384 : i32
      %dma_start3A_110 = tpu.memref_slice %arg10[%dma_start3A_109] : memref<6144xf32, #tpu.memory_space<vmem>> -> memref<384xf32, #tpu.memory_space<vmem>>
      %dma_start3A_111 = tpu.memref_slice %arg13[%add3A_69] : memref<196608xf32, #tpu.memory_space<vmem_shared>> -> memref<384xf32, #tpu.memory_space<vmem_shared>>
      tpu.enqueue_dma source(%dma_start3A_111 : memref<384xf32, #tpu.memory_space<vmem_shared>>) target(%dma_start3A_110 : memref<384xf32, #tpu.memory_space<vmem>>) target_semaphore(%run_scoped3A : memref<!tpu.dma_semaphore, #tpu.memory_space<semaphore_mem>>)
      %dma_wait3A = arith.constant 384 : i32
      %dma_wait3A_112 = tpu.memref_slice %arg10[%dma_wait3A] : memref<6144xf32, #tpu.memory_space<vmem>> -> memref<384xf32, #tpu.memory_space<vmem>>
      %dma_wait3A_113 = tpu.memref_slice %arg13[%add3A_69] : memref<196608xf32, #tpu.memory_space<vmem_shared>> -> memref<384xf32, #tpu.memory_space<vmem_shared>>
      %dma_wait3A_114 = arith.constant 384 : i32
      %dma_wait3A_115 = tpu.memref_slice %arg10[%dma_wait3A_114] : memref<6144xf32, #tpu.memory_space<vmem>> -> memref<384xf32, #tpu.memory_space<vmem>>
      %dma_wait3A_116 = tpu.memref_slice %arg13[%add3A_69] : memref<196608xf32, #tpu.memory_space<vmem_shared>> -> memref<384xf32, #tpu.memory_space<vmem_shared>>
      tpu.wait_dma2 semaphore(%run_scoped3A : memref<!tpu.dma_semaphore, #tpu.memory_space<semaphore_mem>>) src(%dma_wait3A_116 : memref<384xf32, #tpu.memory_space<vmem_shared>>) dst(%dma_wait3A_115 : memref<384xf32, #tpu.memory_space<vmem>>)
      tpu.yield
    }) : () -> ()
    %add3A_70 = arith.constant 24576 : i32
    %add3A_71 = arith.addi %add3A_70, %mul3A_24 : i32
    "tpu.region"() ({
      %run_scoped3A = tpu.sem_alloc : memref<!tpu.dma_semaphore, #tpu.memory_space<semaphore_mem>>
      %dma_start3A = arith.constant 768 : i32
      %dma_start3A_107 = tpu.memref_slice %arg10[%dma_start3A] : memref<6144xf32, #tpu.memory_space<vmem>> -> memref<384xf32, #tpu.memory_space<vmem>>
      %dma_start3A_108 = tpu.memref_slice %arg13[%add3A_71] : memref<196608xf32, #tpu.memory_space<vmem_shared>> -> memref<384xf32, #tpu.memory_space<vmem_shared>>
      %dma_start3A_109 = arith.constant 768 : i32
      %dma_start3A_110 = tpu.memref_slice %arg10[%dma_start3A_109] : memref<6144xf32, #tpu.memory_space<vmem>> -> memref<384xf32, #tpu.memory_space<vmem>>
      %dma_start3A_111 = tpu.memref_slice %arg13[%add3A_71] : memref<196608xf32, #tpu.memory_space<vmem_shared>> -> memref<384xf32, #tpu.memory_space<vmem_shared>>
      tpu.enqueue_dma source(%dma_start3A_111 : memref<384xf32, #tpu.memory_space<vmem_shared>>) target(%dma_start3A_110 : memref<384xf32, #tpu.memory_space<vmem>>) target_semaphore(%run_scoped3A : memref<!tpu.dma_semaphore, #tpu.memory_space<semaphore_mem>>)
      %dma_wait3A = arith.constant 768 : i32
      %dma_wait3A_112 = tpu.memref_slice %arg10[%dma_wait3A] : memref<6144xf32, #tpu.memory_space<vmem>> -> memref<384xf32, #tpu.memory_space<vmem>>
      %dma_wait3A_113 = tpu.memref_slice %arg13[%add3A_71] : memref<196608xf32, #tpu.memory_space<vmem_shared>> -> memref<384xf32, #tpu.memory_space<vmem_shared>>
      %dma_wait3A_114 = arith.constant 768 : i32
      %dma_wait3A_115 = tpu.memref_slice %arg10[%dma_wait3A_114] : memref<6144xf32, #tpu.memory_space<vmem>> -> memref<384xf32, #tpu.memory_space<vmem>>
      %dma_wait3A_116 = tpu.memref_slice %arg13[%add3A_71] : memref<196608xf32, #tpu.memory_space<vmem_shared>> -> memref<384xf32, #tpu.memory_space<vmem_shared>>
      tpu.wait_dma2 semaphore(%run_scoped3A : memref<!tpu.dma_semaphore, #tpu.memory_space<semaphore_mem>>) src(%dma_wait3A_116 : memref<384xf32, #tpu.memory_space<vmem_shared>>) dst(%dma_wait3A_115 : memref<384xf32, #tpu.memory_space<vmem>>)
      tpu.yield
    }) : () -> ()
    %add3A_72 = arith.constant 36864 : i32
    %add3A_73 = arith.addi %add3A_72, %mul3A_24 : i32
    "tpu.region"() ({
      %run_scoped3A = tpu.sem_alloc : memref<!tpu.dma_semaphore, #tpu.memory_space<semaphore_mem>>
      %dma_start3A = arith.constant 1152 : i32
      %dma_start3A_107 = tpu.memref_slice %arg10[%dma_start3A] : memref<6144xf32, #tpu.memory_space<vmem>> -> memref<384xf32, #tpu.memory_space<vmem>>
      %dma_start3A_108 = tpu.memref_slice %arg13[%add3A_73] : memref<196608xf32, #tpu.memory_space<vmem_shared>> -> memref<384xf32, #tpu.memory_space<vmem_shared>>
      %dma_start3A_109 = arith.constant 1152 : i32
      %dma_start3A_110 = tpu.memref_slice %arg10[%dma_start3A_109] : memref<6144xf32, #tpu.memory_space<vmem>> -> memref<384xf32, #tpu.memory_space<vmem>>
      %dma_start3A_111 = tpu.memref_slice %arg13[%add3A_73] : memref<196608xf32, #tpu.memory_space<vmem_shared>> -> memref<384xf32, #tpu.memory_space<vmem_shared>>
      tpu.enqueue_dma source(%dma_start3A_111 : memref<384xf32, #tpu.memory_space<vmem_shared>>) target(%dma_start3A_110 : memref<384xf32, #tpu.memory_space<vmem>>) target_semaphore(%run_scoped3A : memref<!tpu.dma_semaphore, #tpu.memory_space<semaphore_mem>>)
      %dma_wait3A = arith.constant 1152 : i32
      %dma_wait3A_112 = tpu.memref_slice %arg10[%dma_wait3A] : memref<6144xf32, #tpu.memory_space<vmem>> -> memref<384xf32, #tpu.memory_space<vmem>>
      %dma_wait3A_113 = tpu.memref_slice %arg13[%add3A_73] : memref<196608xf32, #tpu.memory_space<vmem_shared>> -> memref<384xf32, #tpu.memory_space<vmem_shared>>
      %dma_wait3A_114 = arith.constant 1152 : i32
      %dma_wait3A_115 = tpu.memref_slice %arg10[%dma_wait3A_114] : memref<6144xf32, #tpu.memory_space<vmem>> -> memref<384xf32, #tpu.memory_space<vmem>>
      %dma_wait3A_116 = tpu.memref_slice %arg13[%add3A_73] : memref<196608xf32, #tpu.memory_space<vmem_shared>> -> memref<384xf32, #tpu.memory_space<vmem_shared>>
      tpu.wait_dma2 semaphore(%run_scoped3A : memref<!tpu.dma_semaphore, #tpu.memory_space<semaphore_mem>>) src(%dma_wait3A_116 : memref<384xf32, #tpu.memory_space<vmem_shared>>) dst(%dma_wait3A_115 : memref<384xf32, #tpu.memory_space<vmem>>)
      tpu.yield
    }) : () -> ()
    %add3A_74 = arith.constant 49152 : i32
    %add3A_75 = arith.addi %add3A_74, %mul3A_24 : i32
    "tpu.region"() ({
      %run_scoped3A = tpu.sem_alloc : memref<!tpu.dma_semaphore, #tpu.memory_space<semaphore_mem>>
      %dma_start3A = arith.constant 1536 : i32
      %dma_start3A_107 = tpu.memref_slice %arg10[%dma_start3A] : memref<6144xf32, #tpu.memory_space<vmem>> -> memref<384xf32, #tpu.memory_space<vmem>>
      %dma_start3A_108 = tpu.memref_slice %arg13[%add3A_75] : memref<196608xf32, #tpu.memory_space<vmem_shared>> -> memref<384xf32, #tpu.memory_space<vmem_shared>>
      %dma_start3A_109 = arith.constant 1536 : i32
      %dma_start3A_110 = tpu.memref_slice %arg10[%dma_start3A_109] : memref<6144xf32, #tpu.memory_space<vmem>> -> memref<384xf32, #tpu.memory_space<vmem>>
      %dma_start3A_111 = tpu.memref_slice %arg13[%add3A_75] : memref<196608xf32, #tpu.memory_space<vmem_shared>> -> memref<384xf32, #tpu.memory_space<vmem_shared>>
      tpu.enqueue_dma source(%dma_start3A_111 : memref<384xf32, #tpu.memory_space<vmem_shared>>) target(%dma_start3A_110 : memref<384xf32, #tpu.memory_space<vmem>>) target_semaphore(%run_scoped3A : memref<!tpu.dma_semaphore, #tpu.memory_space<semaphore_mem>>)
      %dma_wait3A = arith.constant 1536 : i32
      %dma_wait3A_112 = tpu.memref_slice %arg10[%dma_wait3A] : memref<6144xf32, #tpu.memory_space<vmem>> -> memref<384xf32, #tpu.memory_space<vmem>>
      %dma_wait3A_113 = tpu.memref_slice %arg13[%add3A_75] : memref<196608xf32, #tpu.memory_space<vmem_shared>> -> memref<384xf32, #tpu.memory_space<vmem_shared>>
      %dma_wait3A_114 = arith.constant 1536 : i32
      %dma_wait3A_115 = tpu.memref_slice %arg10[%dma_wait3A_114] : memref<6144xf32, #tpu.memory_space<vmem>> -> memref<384xf32, #tpu.memory_space<vmem>>
      %dma_wait3A_116 = tpu.memref_slice %arg13[%add3A_75] : memref<196608xf32, #tpu.memory_space<vmem_shared>> -> memref<384xf32, #tpu.memory_space<vmem_shared>>
      tpu.wait_dma2 semaphore(%run_scoped3A : memref<!tpu.dma_semaphore, #tpu.memory_space<semaphore_mem>>) src(%dma_wait3A_116 : memref<384xf32, #tpu.memory_space<vmem_shared>>) dst(%dma_wait3A_115 : memref<384xf32, #tpu.memory_space<vmem>>)
      tpu.yield
    }) : () -> ()
    %add3A_76 = arith.constant 61440 : i32
    %add3A_77 = arith.addi %add3A_76, %mul3A_24 : i32
    "tpu.region"() ({
      %run_scoped3A = tpu.sem_alloc : memref<!tpu.dma_semaphore, #tpu.memory_space<semaphore_mem>>
      %dma_start3A = arith.constant 1920 : i32
      %dma_start3A_107 = tpu.memref_slice %arg10[%dma_start3A] : memref<6144xf32, #tpu.memory_space<vmem>> -> memref<384xf32, #tpu.memory_space<vmem>>
      %dma_start3A_108 = tpu.memref_slice %arg13[%add3A_77] : memref<196608xf32, #tpu.memory_space<vmem_shared>> -> memref<384xf32, #tpu.memory_space<vmem_shared>>
      %dma_start3A_109 = arith.constant 1920 : i32
      %dma_start3A_110 = tpu.memref_slice %arg10[%dma_start3A_109] : memref<6144xf32, #tpu.memory_space<vmem>> -> memref<384xf32, #tpu.memory_space<vmem>>
      %dma_start3A_111 = tpu.memref_slice %arg13[%add3A_77] : memref<196608xf32, #tpu.memory_space<vmem_shared>> -> memref<384xf32, #tpu.memory_space<vmem_shared>>
      tpu.enqueue_dma source(%dma_start3A_111 : memref<384xf32, #tpu.memory_space<vmem_shared>>) target(%dma_start3A_110 : memref<384xf32, #tpu.memory_space<vmem>>) target_semaphore(%run_scoped3A : memref<!tpu.dma_semaphore, #tpu.memory_space<semaphore_mem>>)
      %dma_wait3A = arith.constant 1920 : i32
      %dma_wait3A_112 = tpu.memref_slice %arg10[%dma_wait3A] : memref<6144xf32, #tpu.memory_space<vmem>> -> memref<384xf32, #tpu.memory_space<vmem>>
      %dma_wait3A_113 = tpu.memref_slice %arg13[%add3A_77] : memref<196608xf32, #tpu.memory_space<vmem_shared>> -> memref<384xf32, #tpu.memory_space<vmem_shared>>
      %dma_wait3A_114 = arith.constant 1920 : i32
      %dma_wait3A_115 = tpu.memref_slice %arg10[%dma_wait3A_114] : memref<6144xf32, #tpu.memory_space<vmem>> -> memref<384xf32, #tpu.memory_space<vmem>>
      %dma_wait3A_116 = tpu.memref_slice %arg13[%add3A_77] : memref<196608xf32, #tpu.memory_space<vmem_shared>> -> memref<384xf32, #tpu.memory_space<vmem_shared>>
      tpu.wait_dma2 semaphore(%run_scoped3A : memref<!tpu.dma_semaphore, #tpu.memory_space<semaphore_mem>>) src(%dma_wait3A_116 : memref<384xf32, #tpu.memory_space<vmem_shared>>) dst(%dma_wait3A_115 : memref<384xf32, #tpu.memory_space<vmem>>)
      tpu.yield
    }) : () -> ()
    %add3A_78 = arith.constant 73728 : i32
    %add3A_79 = arith.addi %add3A_78, %mul3A_24 : i32
    "tpu.region"() ({
      %run_scoped3A = tpu.sem_alloc : memref<!tpu.dma_semaphore, #tpu.memory_space<semaphore_mem>>
      %dma_start3A = arith.constant 2304 : i32
      %dma_start3A_107 = tpu.memref_slice %arg10[%dma_start3A] : memref<6144xf32, #tpu.memory_space<vmem>> -> memref<384xf32, #tpu.memory_space<vmem>>
      %dma_start3A_108 = tpu.memref_slice %arg13[%add3A_79] : memref<196608xf32, #tpu.memory_space<vmem_shared>> -> memref<384xf32, #tpu.memory_space<vmem_shared>>
      %dma_start3A_109 = arith.constant 2304 : i32
      %dma_start3A_110 = tpu.memref_slice %arg10[%dma_start3A_109] : memref<6144xf32, #tpu.memory_space<vmem>> -> memref<384xf32, #tpu.memory_space<vmem>>
      %dma_start3A_111 = tpu.memref_slice %arg13[%add3A_79] : memref<196608xf32, #tpu.memory_space<vmem_shared>> -> memref<384xf32, #tpu.memory_space<vmem_shared>>
      tpu.enqueue_dma source(%dma_start3A_111 : memref<384xf32, #tpu.memory_space<vmem_shared>>) target(%dma_start3A_110 : memref<384xf32, #tpu.memory_space<vmem>>) target_semaphore(%run_scoped3A : memref<!tpu.dma_semaphore, #tpu.memory_space<semaphore_mem>>)
      %dma_wait3A = arith.constant 2304 : i32
      %dma_wait3A_112 = tpu.memref_slice %arg10[%dma_wait3A] : memref<6144xf32, #tpu.memory_space<vmem>> -> memref<384xf32, #tpu.memory_space<vmem>>
      %dma_wait3A_113 = tpu.memref_slice %arg13[%add3A_79] : memref<196608xf32, #tpu.memory_space<vmem_shared>> -> memref<384xf32, #tpu.memory_space<vmem_shared>>
      %dma_wait3A_114 = arith.constant 2304 : i32
      %dma_wait3A_115 = tpu.memref_slice %arg10[%dma_wait3A_114] : memref<6144xf32, #tpu.memory_space<vmem>> -> memref<384xf32, #tpu.memory_space<vmem>>
      %dma_wait3A_116 = tpu.memref_slice %arg13[%add3A_79] : memref<196608xf32, #tpu.memory_space<vmem_shared>> -> memref<384xf32, #tpu.memory_space<vmem_shared>>
      tpu.wait_dma2 semaphore(%run_scoped3A : memref<!tpu.dma_semaphore, #tpu.memory_space<semaphore_mem>>) src(%dma_wait3A_116 : memref<384xf32, #tpu.memory_space<vmem_shared>>) dst(%dma_wait3A_115 : memref<384xf32, #tpu.memory_space<vmem>>)
      tpu.yield
    }) : () -> ()
    %add3A_80 = arith.constant 86016 : i32
    %add3A_81 = arith.addi %add3A_80, %mul3A_24 : i32
    "tpu.region"() ({
      %run_scoped3A = tpu.sem_alloc : memref<!tpu.dma_semaphore, #tpu.memory_space<semaphore_mem>>
      %dma_start3A = arith.constant 2688 : i32
      %dma_start3A_107 = tpu.memref_slice %arg10[%dma_start3A] : memref<6144xf32, #tpu.memory_space<vmem>> -> memref<384xf32, #tpu.memory_space<vmem>>
      %dma_start3A_108 = tpu.memref_slice %arg13[%add3A_81] : memref<196608xf32, #tpu.memory_space<vmem_shared>> -> memref<384xf32, #tpu.memory_space<vmem_shared>>
      %dma_start3A_109 = arith.constant 2688 : i32
      %dma_start3A_110 = tpu.memref_slice %arg10[%dma_start3A_109] : memref<6144xf32, #tpu.memory_space<vmem>> -> memref<384xf32, #tpu.memory_space<vmem>>
      %dma_start3A_111 = tpu.memref_slice %arg13[%add3A_81] : memref<196608xf32, #tpu.memory_space<vmem_shared>> -> memref<384xf32, #tpu.memory_space<vmem_shared>>
      tpu.enqueue_dma source(%dma_start3A_111 : memref<384xf32, #tpu.memory_space<vmem_shared>>) target(%dma_start3A_110 : memref<384xf32, #tpu.memory_space<vmem>>) target_semaphore(%run_scoped3A : memref<!tpu.dma_semaphore, #tpu.memory_space<semaphore_mem>>)
      %dma_wait3A = arith.constant 2688 : i32
      %dma_wait3A_112 = tpu.memref_slice %arg10[%dma_wait3A] : memref<6144xf32, #tpu.memory_space<vmem>> -> memref<384xf32, #tpu.memory_space<vmem>>
      %dma_wait3A_113 = tpu.memref_slice %arg13[%add3A_81] : memref<196608xf32, #tpu.memory_space<vmem_shared>> -> memref<384xf32, #tpu.memory_space<vmem_shared>>
      %dma_wait3A_114 = arith.constant 2688 : i32
      %dma_wait3A_115 = tpu.memref_slice %arg10[%dma_wait3A_114] : memref<6144xf32, #tpu.memory_space<vmem>> -> memref<384xf32, #tpu.memory_space<vmem>>
      %dma_wait3A_116 = tpu.memref_slice %arg13[%add3A_81] : memref<196608xf32, #tpu.memory_space<vmem_shared>> -> memref<384xf32, #tpu.memory_space<vmem_shared>>
      tpu.wait_dma2 semaphore(%run_scoped3A : memref<!tpu.dma_semaphore, #tpu.memory_space<semaphore_mem>>) src(%dma_wait3A_116 : memref<384xf32, #tpu.memory_space<vmem_shared>>) dst(%dma_wait3A_115 : memref<384xf32, #tpu.memory_space<vmem>>)
      tpu.yield
    }) : () -> ()
    %add3A_82 = arith.constant 98304 : i32
    %add3A_83 = arith.addi %add3A_82, %mul3A_24 : i32
    "tpu.region"() ({
      %run_scoped3A = tpu.sem_alloc : memref<!tpu.dma_semaphore, #tpu.memory_space<semaphore_mem>>
      %dma_start3A = arith.constant 3072 : i32
      %dma_start3A_107 = tpu.memref_slice %arg10[%dma_start3A] : memref<6144xf32, #tpu.memory_space<vmem>> -> memref<384xf32, #tpu.memory_space<vmem>>
      %dma_start3A_108 = tpu.memref_slice %arg13[%add3A_83] : memref<196608xf32, #tpu.memory_space<vmem_shared>> -> memref<384xf32, #tpu.memory_space<vmem_shared>>
      %dma_start3A_109 = arith.constant 3072 : i32
      %dma_start3A_110 = tpu.memref_slice %arg10[%dma_start3A_109] : memref<6144xf32, #tpu.memory_space<vmem>> -> memref<384xf32, #tpu.memory_space<vmem>>
      %dma_start3A_111 = tpu.memref_slice %arg13[%add3A_83] : memref<196608xf32, #tpu.memory_space<vmem_shared>> -> memref<384xf32, #tpu.memory_space<vmem_shared>>
      tpu.enqueue_dma source(%dma_start3A_111 : memref<384xf32, #tpu.memory_space<vmem_shared>>) target(%dma_start3A_110 : memref<384xf32, #tpu.memory_space<vmem>>) target_semaphore(%run_scoped3A : memref<!tpu.dma_semaphore, #tpu.memory_space<semaphore_mem>>)
      %dma_wait3A = arith.constant 3072 : i32
      %dma_wait3A_112 = tpu.memref_slice %arg10[%dma_wait3A] : memref<6144xf32, #tpu.memory_space<vmem>> -> memref<384xf32, #tpu.memory_space<vmem>>
      %dma_wait3A_113 = tpu.memref_slice %arg13[%add3A_83] : memref<196608xf32, #tpu.memory_space<vmem_shared>> -> memref<384xf32, #tpu.memory_space<vmem_shared>>
      %dma_wait3A_114 = arith.constant 3072 : i32
      %dma_wait3A_115 = tpu.memref_slice %arg10[%dma_wait3A_114] : memref<6144xf32, #tpu.memory_space<vmem>> -> memref<384xf32, #tpu.memory_space<vmem>>
      %dma_wait3A_116 = tpu.memref_slice %arg13[%add3A_83] : memref<196608xf32, #tpu.memory_space<vmem_shared>> -> memref<384xf32, #tpu.memory_space<vmem_shared>>
      tpu.wait_dma2 semaphore(%run_scoped3A : memref<!tpu.dma_semaphore, #tpu.memory_space<semaphore_mem>>) src(%dma_wait3A_116 : memref<384xf32, #tpu.memory_space<vmem_shared>>) dst(%dma_wait3A_115 : memref<384xf32, #tpu.memory_space<vmem>>)
      tpu.yield
    }) : () -> ()
    %add3A_84 = arith.constant 110592 : i32
    %add3A_85 = arith.addi %add3A_84, %mul3A_24 : i32
    "tpu.region"() ({
      %run_scoped3A = tpu.sem_alloc : memref<!tpu.dma_semaphore, #tpu.memory_space<semaphore_mem>>
      %dma_start3A = arith.constant 3456 : i32
      %dma_start3A_107 = tpu.memref_slice %arg10[%dma_start3A] : memref<6144xf32, #tpu.memory_space<vmem>> -> memref<384xf32, #tpu.memory_space<vmem>>
      %dma_start3A_108 = tpu.memref_slice %arg13[%add3A_85] : memref<196608xf32, #tpu.memory_space<vmem_shared>> -> memref<384xf32, #tpu.memory_space<vmem_shared>>
      %dma_start3A_109 = arith.constant 3456 : i32
      %dma_start3A_110 = tpu.memref_slice %arg10[%dma_start3A_109] : memref<6144xf32, #tpu.memory_space<vmem>> -> memref<384xf32, #tpu.memory_space<vmem>>
      %dma_start3A_111 = tpu.memref_slice %arg13[%add3A_85] : memref<196608xf32, #tpu.memory_space<vmem_shared>> -> memref<384xf32, #tpu.memory_space<vmem_shared>>
      tpu.enqueue_dma source(%dma_start3A_111 : memref<384xf32, #tpu.memory_space<vmem_shared>>) target(%dma_start3A_110 : memref<384xf32, #tpu.memory_space<vmem>>) target_semaphore(%run_scoped3A : memref<!tpu.dma_semaphore, #tpu.memory_space<semaphore_mem>>)
      %dma_wait3A = arith.constant 3456 : i32
      %dma_wait3A_112 = tpu.memref_slice %arg10[%dma_wait3A] : memref<6144xf32, #tpu.memory_space<vmem>> -> memref<384xf32, #tpu.memory_space<vmem>>
      %dma_wait3A_113 = tpu.memref_slice %arg13[%add3A_85] : memref<196608xf32, #tpu.memory_space<vmem_shared>> -> memref<384xf32, #tpu.memory_space<vmem_shared>>
      %dma_wait3A_114 = arith.constant 3456 : i32
      %dma_wait3A_115 = tpu.memref_slice %arg10[%dma_wait3A_114] : memref<6144xf32, #tpu.memory_space<vmem>> -> memref<384xf32, #tpu.memory_space<vmem>>
      %dma_wait3A_116 = tpu.memref_slice %arg13[%add3A_85] : memref<196608xf32, #tpu.memory_space<vmem_shared>> -> memref<384xf32, #tpu.memory_space<vmem_shared>>
      tpu.wait_dma2 semaphore(%run_scoped3A : memref<!tpu.dma_semaphore, #tpu.memory_space<semaphore_mem>>) src(%dma_wait3A_116 : memref<384xf32, #tpu.memory_space<vmem_shared>>) dst(%dma_wait3A_115 : memref<384xf32, #tpu.memory_space<vmem>>)
      tpu.yield
    }) : () -> ()
    %add3A_86 = arith.constant 122880 : i32
    %add3A_87 = arith.addi %add3A_86, %mul3A_24 : i32
    "tpu.region"() ({
      %run_scoped3A = tpu.sem_alloc : memref<!tpu.dma_semaphore, #tpu.memory_space<semaphore_mem>>
      %dma_start3A = arith.constant 3840 : i32
      %dma_start3A_107 = tpu.memref_slice %arg10[%dma_start3A] : memref<6144xf32, #tpu.memory_space<vmem>> -> memref<384xf32, #tpu.memory_space<vmem>>
      %dma_start3A_108 = tpu.memref_slice %arg13[%add3A_87] : memref<196608xf32, #tpu.memory_space<vmem_shared>> -> memref<384xf32, #tpu.memory_space<vmem_shared>>
      %dma_start3A_109 = arith.constant 3840 : i32
      %dma_start3A_110 = tpu.memref_slice %arg10[%dma_start3A_109] : memref<6144xf32, #tpu.memory_space<vmem>> -> memref<384xf32, #tpu.memory_space<vmem>>
      %dma_start3A_111 = tpu.memref_slice %arg13[%add3A_87] : memref<196608xf32, #tpu.memory_space<vmem_shared>> -> memref<384xf32, #tpu.memory_space<vmem_shared>>
      tpu.enqueue_dma source(%dma_start3A_111 : memref<384xf32, #tpu.memory_space<vmem_shared>>) target(%dma_start3A_110 : memref<384xf32, #tpu.memory_space<vmem>>) target_semaphore(%run_scoped3A : memref<!tpu.dma_semaphore, #tpu.memory_space<semaphore_mem>>)
      %dma_wait3A = arith.constant 3840 : i32
      %dma_wait3A_112 = tpu.memref_slice %arg10[%dma_wait3A] : memref<6144xf32, #tpu.memory_space<vmem>> -> memref<384xf32, #tpu.memory_space<vmem>>
      %dma_wait3A_113 = tpu.memref_slice %arg13[%add3A_87] : memref<196608xf32, #tpu.memory_space<vmem_shared>> -> memref<384xf32, #tpu.memory_space<vmem_shared>>
      %dma_wait3A_114 = arith.constant 3840 : i32
      %dma_wait3A_115 = tpu.memref_slice %arg10[%dma_wait3A_114] : memref<6144xf32, #tpu.memory_space<vmem>> -> memref<384xf32, #tpu.memory_space<vmem>>
      %dma_wait3A_116 = tpu.memref_slice %arg13[%add3A_87] : memref<196608xf32, #tpu.memory_space<vmem_shared>> -> memref<384xf32, #tpu.memory_space<vmem_shared>>
      tpu.wait_dma2 semaphore(%run_scoped3A : memref<!tpu.dma_semaphore, #tpu.memory_space<semaphore_mem>>) src(%dma_wait3A_116 : memref<384xf32, #tpu.memory_space<vmem_shared>>) dst(%dma_wait3A_115 : memref<384xf32, #tpu.memory_space<vmem>>)
      tpu.yield
    }) : () -> ()
    %add3A_88 = arith.constant 135168 : i32
    %add3A_89 = arith.addi %add3A_88, %mul3A_24 : i32
    "tpu.region"() ({
      %run_scoped3A = tpu.sem_alloc : memref<!tpu.dma_semaphore, #tpu.memory_space<semaphore_mem>>
      %dma_start3A = arith.constant 4224 : i32
      %dma_start3A_107 = tpu.memref_slice %arg10[%dma_start3A] : memref<6144xf32, #tpu.memory_space<vmem>> -> memref<384xf32, #tpu.memory_space<vmem>>
      %dma_start3A_108 = tpu.memref_slice %arg13[%add3A_89] : memref<196608xf32, #tpu.memory_space<vmem_shared>> -> memref<384xf32, #tpu.memory_space<vmem_shared>>
      %dma_start3A_109 = arith.constant 4224 : i32
      %dma_start3A_110 = tpu.memref_slice %arg10[%dma_start3A_109] : memref<6144xf32, #tpu.memory_space<vmem>> -> memref<384xf32, #tpu.memory_space<vmem>>
      %dma_start3A_111 = tpu.memref_slice %arg13[%add3A_89] : memref<196608xf32, #tpu.memory_space<vmem_shared>> -> memref<384xf32, #tpu.memory_space<vmem_shared>>
      tpu.enqueue_dma source(%dma_start3A_111 : memref<384xf32, #tpu.memory_space<vmem_shared>>) target(%dma_start3A_110 : memref<384xf32, #tpu.memory_space<vmem>>) target_semaphore(%run_scoped3A : memref<!tpu.dma_semaphore, #tpu.memory_space<semaphore_mem>>)
      %dma_wait3A = arith.constant 4224 : i32
      %dma_wait3A_112 = tpu.memref_slice %arg10[%dma_wait3A] : memref<6144xf32, #tpu.memory_space<vmem>> -> memref<384xf32, #tpu.memory_space<vmem>>
      %dma_wait3A_113 = tpu.memref_slice %arg13[%add3A_89] : memref<196608xf32, #tpu.memory_space<vmem_shared>> -> memref<384xf32, #tpu.memory_space<vmem_shared>>
      %dma_wait3A_114 = arith.constant 4224 : i32
      %dma_wait3A_115 = tpu.memref_slice %arg10[%dma_wait3A_114] : memref<6144xf32, #tpu.memory_space<vmem>> -> memref<384xf32, #tpu.memory_space<vmem>>
      %dma_wait3A_116 = tpu.memref_slice %arg13[%add3A_89] : memref<196608xf32, #tpu.memory_space<vmem_shared>> -> memref<384xf32, #tpu.memory_space<vmem_shared>>
      tpu.wait_dma2 semaphore(%run_scoped3A : memref<!tpu.dma_semaphore, #tpu.memory_space<semaphore_mem>>) src(%dma_wait3A_116 : memref<384xf32, #tpu.memory_space<vmem_shared>>) dst(%dma_wait3A_115 : memref<384xf32, #tpu.memory_space<vmem>>)
      tpu.yield
    }) : () -> ()
    %add3A_90 = arith.constant 147456 : i32
    %add3A_91 = arith.addi %add3A_90, %mul3A_24 : i32
    "tpu.region"() ({
      %run_scoped3A = tpu.sem_alloc : memref<!tpu.dma_semaphore, #tpu.memory_space<semaphore_mem>>
      %dma_start3A = arith.constant 4608 : i32
      %dma_start3A_107 = tpu.memref_slice %arg10[%dma_start3A] : memref<6144xf32, #tpu.memory_space<vmem>> -> memref<384xf32, #tpu.memory_space<vmem>>
      %dma_start3A_108 = tpu.memref_slice %arg13[%add3A_91] : memref<196608xf32, #tpu.memory_space<vmem_shared>> -> memref<384xf32, #tpu.memory_space<vmem_shared>>
      %dma_start3A_109 = arith.constant 4608 : i32
      %dma_start3A_110 = tpu.memref_slice %arg10[%dma_start3A_109] : memref<6144xf32, #tpu.memory_space<vmem>> -> memref<384xf32, #tpu.memory_space<vmem>>
      %dma_start3A_111 = tpu.memref_slice %arg13[%add3A_91] : memref<196608xf32, #tpu.memory_space<vmem_shared>> -> memref<384xf32, #tpu.memory_space<vmem_shared>>
      tpu.enqueue_dma source(%dma_start3A_111 : memref<384xf32, #tpu.memory_space<vmem_shared>>) target(%dma_start3A_110 : memref<384xf32, #tpu.memory_space<vmem>>) target_semaphore(%run_scoped3A : memref<!tpu.dma_semaphore, #tpu.memory_space<semaphore_mem>>)
      %dma_wait3A = arith.constant 4608 : i32
      %dma_wait3A_112 = tpu.memref_slice %arg10[%dma_wait3A] : memref<6144xf32, #tpu.memory_space<vmem>> -> memref<384xf32, #tpu.memory_space<vmem>>
      %dma_wait3A_113 = tpu.memref_slice %arg13[%add3A_91] : memref<196608xf32, #tpu.memory_space<vmem_shared>> -> memref<384xf32, #tpu.memory_space<vmem_shared>>
      %dma_wait3A_114 = arith.constant 4608 : i32
      %dma_wait3A_115 = tpu.memref_slice %arg10[%dma_wait3A_114] : memref<6144xf32, #tpu.memory_space<vmem>> -> memref<384xf32, #tpu.memory_space<vmem>>
      %dma_wait3A_116 = tpu.memref_slice %arg13[%add3A_91] : memref<196608xf32, #tpu.memory_space<vmem_shared>> -> memref<384xf32, #tpu.memory_space<vmem_shared>>
      tpu.wait_dma2 semaphore(%run_scoped3A : memref<!tpu.dma_semaphore, #tpu.memory_space<semaphore_mem>>) src(%dma_wait3A_116 : memref<384xf32, #tpu.memory_space<vmem_shared>>) dst(%dma_wait3A_115 : memref<384xf32, #tpu.memory_space<vmem>>)
      tpu.yield
    }) : () -> ()
    %add3A_92 = arith.constant 159744 : i32
    %add3A_93 = arith.addi %add3A_92, %mul3A_24 : i32
    "tpu.region"() ({
      %run_scoped3A = tpu.sem_alloc : memref<!tpu.dma_semaphore, #tpu.memory_space<semaphore_mem>>
      %dma_start3A = arith.constant 4992 : i32
      %dma_start3A_107 = tpu.memref_slice %arg10[%dma_start3A] : memref<6144xf32, #tpu.memory_space<vmem>> -> memref<384xf32, #tpu.memory_space<vmem>>
      %dma_start3A_108 = tpu.memref_slice %arg13[%add3A_93] : memref<196608xf32, #tpu.memory_space<vmem_shared>> -> memref<384xf32, #tpu.memory_space<vmem_shared>>
      %dma_start3A_109 = arith.constant 4992 : i32
      %dma_start3A_110 = tpu.memref_slice %arg10[%dma_start3A_109] : memref<6144xf32, #tpu.memory_space<vmem>> -> memref<384xf32, #tpu.memory_space<vmem>>
      %dma_start3A_111 = tpu.memref_slice %arg13[%add3A_93] : memref<196608xf32, #tpu.memory_space<vmem_shared>> -> memref<384xf32, #tpu.memory_space<vmem_shared>>
      tpu.enqueue_dma source(%dma_start3A_111 : memref<384xf32, #tpu.memory_space<vmem_shared>>) target(%dma_start3A_110 : memref<384xf32, #tpu.memory_space<vmem>>) target_semaphore(%run_scoped3A : memref<!tpu.dma_semaphore, #tpu.memory_space<semaphore_mem>>)
      %dma_wait3A = arith.constant 4992 : i32
      %dma_wait3A_112 = tpu.memref_slice %arg10[%dma_wait3A] : memref<6144xf32, #tpu.memory_space<vmem>> -> memref<384xf32, #tpu.memory_space<vmem>>
      %dma_wait3A_113 = tpu.memref_slice %arg13[%add3A_93] : memref<196608xf32, #tpu.memory_space<vmem_shared>> -> memref<384xf32, #tpu.memory_space<vmem_shared>>
      %dma_wait3A_114 = arith.constant 4992 : i32
      %dma_wait3A_115 = tpu.memref_slice %arg10[%dma_wait3A_114] : memref<6144xf32, #tpu.memory_space<vmem>> -> memref<384xf32, #tpu.memory_space<vmem>>
      %dma_wait3A_116 = tpu.memref_slice %arg13[%add3A_93] : memref<196608xf32, #tpu.memory_space<vmem_shared>> -> memref<384xf32, #tpu.memory_space<vmem_shared>>
      tpu.wait_dma2 semaphore(%run_scoped3A : memref<!tpu.dma_semaphore, #tpu.memory_space<semaphore_mem>>) src(%dma_wait3A_116 : memref<384xf32, #tpu.memory_space<vmem_shared>>) dst(%dma_wait3A_115 : memref<384xf32, #tpu.memory_space<vmem>>)
      tpu.yield
    }) : () -> ()
    %add3A_94 = arith.constant 172032 : i32
    %add3A_95 = arith.addi %add3A_94, %mul3A_24 : i32
    "tpu.region"() ({
      %run_scoped3A = tpu.sem_alloc : memref<!tpu.dma_semaphore, #tpu.memory_space<semaphore_mem>>
      %dma_start3A = arith.constant 5376 : i32
      %dma_start3A_107 = tpu.memref_slice %arg10[%dma_start3A] : memref<6144xf32, #tpu.memory_space<vmem>> -> memref<384xf32, #tpu.memory_space<vmem>>
      %dma_start3A_108 = tpu.memref_slice %arg13[%add3A_95] : memref<196608xf32, #tpu.memory_space<vmem_shared>> -> memref<384xf32, #tpu.memory_space<vmem_shared>>
      %dma_start3A_109 = arith.constant 5376 : i32
      %dma_start3A_110 = tpu.memref_slice %arg10[%dma_start3A_109] : memref<6144xf32, #tpu.memory_space<vmem>> -> memref<384xf32, #tpu.memory_space<vmem>>
      %dma_start3A_111 = tpu.memref_slice %arg13[%add3A_95] : memref<196608xf32, #tpu.memory_space<vmem_shared>> -> memref<384xf32, #tpu.memory_space<vmem_shared>>
      tpu.enqueue_dma source(%dma_start3A_111 : memref<384xf32, #tpu.memory_space<vmem_shared>>) target(%dma_start3A_110 : memref<384xf32, #tpu.memory_space<vmem>>) target_semaphore(%run_scoped3A : memref<!tpu.dma_semaphore, #tpu.memory_space<semaphore_mem>>)
      %dma_wait3A = arith.constant 5376 : i32
      %dma_wait3A_112 = tpu.memref_slice %arg10[%dma_wait3A] : memref<6144xf32, #tpu.memory_space<vmem>> -> memref<384xf32, #tpu.memory_space<vmem>>
      %dma_wait3A_113 = tpu.memref_slice %arg13[%add3A_95] : memref<196608xf32, #tpu.memory_space<vmem_shared>> -> memref<384xf32, #tpu.memory_space<vmem_shared>>
      %dma_wait3A_114 = arith.constant 5376 : i32
      %dma_wait3A_115 = tpu.memref_slice %arg10[%dma_wait3A_114] : memref<6144xf32, #tpu.memory_space<vmem>> -> memref<384xf32, #tpu.memory_space<vmem>>
      %dma_wait3A_116 = tpu.memref_slice %arg13[%add3A_95] : memref<196608xf32, #tpu.memory_space<vmem_shared>> -> memref<384xf32, #tpu.memory_space<vmem_shared>>
      tpu.wait_dma2 semaphore(%run_scoped3A : memref<!tpu.dma_semaphore, #tpu.memory_space<semaphore_mem>>) src(%dma_wait3A_116 : memref<384xf32, #tpu.memory_space<vmem_shared>>) dst(%dma_wait3A_115 : memref<384xf32, #tpu.memory_space<vmem>>)
      tpu.yield
    }) : () -> ()
    %add3A_96 = arith.constant 184320 : i32
    %add3A_97 = arith.addi %add3A_96, %mul3A_24 : i32
    "tpu.region"() ({
      %run_scoped3A = tpu.sem_alloc : memref<!tpu.dma_semaphore, #tpu.memory_space<semaphore_mem>>
      %dma_start3A = arith.constant 5760 : i32
      %dma_start3A_107 = tpu.memref_slice %arg10[%dma_start3A] : memref<6144xf32, #tpu.memory_space<vmem>> -> memref<384xf32, #tpu.memory_space<vmem>>
      %dma_start3A_108 = tpu.memref_slice %arg13[%add3A_97] : memref<196608xf32, #tpu.memory_space<vmem_shared>> -> memref<384xf32, #tpu.memory_space<vmem_shared>>
      %dma_start3A_109 = arith.constant 5760 : i32
      %dma_start3A_110 = tpu.memref_slice %arg10[%dma_start3A_109] : memref<6144xf32, #tpu.memory_space<vmem>> -> memref<384xf32, #tpu.memory_space<vmem>>
      %dma_start3A_111 = tpu.memref_slice %arg13[%add3A_97] : memref<196608xf32, #tpu.memory_space<vmem_shared>> -> memref<384xf32, #tpu.memory_space<vmem_shared>>
      tpu.enqueue_dma source(%dma_start3A_111 : memref<384xf32, #tpu.memory_space<vmem_shared>>) target(%dma_start3A_110 : memref<384xf32, #tpu.memory_space<vmem>>) target_semaphore(%run_scoped3A : memref<!tpu.dma_semaphore, #tpu.memory_space<semaphore_mem>>)
      %dma_wait3A = arith.constant 5760 : i32
      %dma_wait3A_112 = tpu.memref_slice %arg10[%dma_wait3A] : memref<6144xf32, #tpu.memory_space<vmem>> -> memref<384xf32, #tpu.memory_space<vmem>>
      %dma_wait3A_113 = tpu.memref_slice %arg13[%add3A_97] : memref<196608xf32, #tpu.memory_space<vmem_shared>> -> memref<384xf32, #tpu.memory_space<vmem_shared>>
      %dma_wait3A_114 = arith.constant 5760 : i32
      %dma_wait3A_115 = tpu.memref_slice %arg10[%dma_wait3A_114] : memref<6144xf32, #tpu.memory_space<vmem>> -> memref<384xf32, #tpu.memory_space<vmem>>
      %dma_wait3A_116 = tpu.memref_slice %arg13[%add3A_97] : memref<196608xf32, #tpu.memory_space<vmem_shared>> -> memref<384xf32, #tpu.memory_space<vmem_shared>>
      tpu.wait_dma2 semaphore(%run_scoped3A : memref<!tpu.dma_semaphore, #tpu.memory_space<semaphore_mem>>) src(%dma_wait3A_116 : memref<384xf32, #tpu.memory_space<vmem_shared>>) dst(%dma_wait3A_115 : memref<384xf32, #tpu.memory_space<vmem>>)
      tpu.yield
    }) : () -> ()
    %scan3A_98 = arith.constant 0 : i32
    %scan3A_99 = arith.constant 0 : i32
    %scan3A_100 = arith.constant 24 : i32
    %scan3A_101 = arith.addi %scan3A_99, %scan3A_100 : i32
    %scan3A_102 = arith.constant 1 : i32
    scf.for %scan3A_107 = %scan3A_99 to %scan3A_101 step %scan3A_102  : i32 {
      %mul3A_108 = arith.constant 16 : i32
      %mul3A_109 = arith.muli %scan3A_107, %mul3A_108 : i32
      %get3A = arith.index_cast %mul3A_109 : i32 to index
      %get3A_110 = tpu.vector_load %arg10[%get3A] {strides = array<i32>} : memref<6144xf32, #tpu.memory_space<vmem>>, vector<16xf32>,
      %mul3A_111 = arith.constant 16 : i32
      %mul3A_112 = arith.muli %scan3A_107, %mul3A_111 : i32
      %add3A_113 = arith.constant 384 : i32
      %add3A_114 = arith.addi %add3A_113, %mul3A_112 : i32
      %get3A_115 = arith.index_cast %add3A_114 : i32 to index
      %get3A_116 = tpu.vector_load %arg10[%get3A_115] {strides = array<i32>} : memref<6144xf32, #tpu.memory_space<vmem>>, vector<16xf32>,
      %add3A_117 = arith.addf %get3A_110, %get3A_116 : vector<16xf32>
      %mul3A_118 = arith.constant 16 : i32
      %mul3A_119 = arith.muli %scan3A_107, %mul3A_118 : i32
      %add3A_120 = arith.constant 768 : i32
      %add3A_121 = arith.addi %add3A_120, %mul3A_119 : i32
      %get3A_122 = arith.index_cast %add3A_121 : i32 to index
      %get3A_123 = tpu.vector_load %arg10[%get3A_122] {strides = array<i32>} : memref<6144xf32, #tpu.memory_space<vmem>>, vector<16xf32>,
      %add3A_124 = arith.addf %add3A_117, %get3A_123 : vector<16xf32>
      %mul3A_125 = arith.constant 16 : i32
      %mul3A_126 = arith.muli %scan3A_107, %mul3A_125 : i32
      %add3A_127 = arith.constant 1152 : i32
      %add3A_128 = arith.addi %add3A_127, %mul3A_126 : i32
      %get3A_129 = arith.index_cast %add3A_128 : i32 to index
      %get3A_130 = tpu.vector_load %arg10[%get3A_129] {strides = array<i32>} : memref<6144xf32, #tpu.memory_space<vmem>>, vector<16xf32>,
      %add3A_131 = arith.addf %add3A_124, %get3A_130 : vector<16xf32>
      %mul3A_132 = arith.constant 16 : i32
      %mul3A_133 = arith.muli %scan3A_107, %mul3A_132 : i32
      %add3A_134 = arith.constant 1536 : i32
      %add3A_135 = arith.addi %add3A_134, %mul3A_133 : i32
      %get3A_136 = arith.index_cast %add3A_135 : i32 to index
      %get3A_137 = tpu.vector_load %arg10[%get3A_136] {strides = array<i32>} : memref<6144xf32, #tpu.memory_space<vmem>>, vector<16xf32>,
      %add3A_138 = arith.addf %add3A_131, %get3A_137 : vector<16xf32>
      %mul3A_139 = arith.constant 16 : i32
      %mul3A_140 = arith.muli %scan3A_107, %mul3A_139 : i32
      %add3A_141 = arith.constant 1920 : i32
      %add3A_142 = arith.addi %add3A_141, %mul3A_140 : i32
      %get3A_143 = arith.index_cast %add3A_142 : i32 to index
      %get3A_144 = tpu.vector_load %arg10[%get3A_143] {strides = array<i32>} : memref<6144xf32, #tpu.memory_space<vmem>>, vector<16xf32>,
      %add3A_145 = arith.addf %add3A_138, %get3A_144 : vector<16xf32>
      %mul3A_146 = arith.constant 16 : i32
      %mul3A_147 = arith.muli %scan3A_107, %mul3A_146 : i32
      %add3A_148 = arith.constant 2304 : i32
      %add3A_149 = arith.addi %add3A_148, %mul3A_147 : i32
      %get3A_150 = arith.index_cast %add3A_149 : i32 to index
      %get3A_151 = tpu.vector_load %arg10[%get3A_150] {strides = array<i32>} : memref<6144xf32, #tpu.memory_space<vmem>>, vector<16xf32>,
      %add3A_152 = arith.addf %add3A_145, %get3A_151 : vector<16xf32>
      %mul3A_153 = arith.constant 16 : i32
      %mul3A_154 = arith.muli %scan3A_107, %mul3A_153 : i32
      %add3A_155 = arith.constant 2688 : i32
      %add3A_156 = arith.addi %add3A_155, %mul3A_154 : i32
      %get3A_157 = arith.index_cast %add3A_156 : i32 to index
      %get3A_158 = tpu.vector_load %arg10[%get3A_157] {strides = array<i32>} : memref<6144xf32, #tpu.memory_space<vmem>>, vector<16xf32>,
      %add3A_159 = arith.addf %add3A_152, %get3A_158 : vector<16xf32>
      %mul3A_160 = arith.constant 16 : i32
      %mul3A_161 = arith.muli %scan3A_107, %mul3A_160 : i32
      %add3A_162 = arith.constant 3072 : i32
      %add3A_163 = arith.addi %add3A_162, %mul3A_161 : i32
      %get3A_164 = arith.index_cast %add3A_163 : i32 to index
      %get3A_165 = tpu.vector_load %arg10[%get3A_164] {strides = array<i32>} : memref<6144xf32, #tpu.memory_space<vmem>>, vector<16xf32>,
      %add3A_166 = arith.addf %add3A_159, %get3A_165 : vector<16xf32>
      %mul3A_167 = arith.constant 16 : i32
      %mul3A_168 = arith.muli %scan3A_107, %mul3A_167 : i32
      %add3A_169 = arith.constant 3456 : i32
      %add3A_170 = arith.addi %add3A_169, %mul3A_168 : i32
      %get3A_171 = arith.index_cast %add3A_170 : i32 to index
      %get3A_172 = tpu.vector_load %arg10[%get3A_171] {strides = array<i32>} : memref<6144xf32, #tpu.memory_space<vmem>>, vector<16xf32>,
      %add3A_173 = arith.addf %add3A_166, %get3A_172 : vector<16xf32>
      %mul3A_174 = arith.constant 16 : i32
      %mul3A_175 = arith.muli %scan3A_107, %mul3A_174 : i32
      %add3A_176 = arith.constant 3840 : i32
      %add3A_177 = arith.addi %add3A_176, %mul3A_175 : i32
      %get3A_178 = arith.index_cast %add3A_177 : i32 to index
      %get3A_179 = tpu.vector_load %arg10[%get3A_178] {strides = array<i32>} : memref<6144xf32, #tpu.memory_space<vmem>>, vector<16xf32>,
      %add3A_180 = arith.addf %add3A_173, %get3A_179 : vector<16xf32>
      %mul3A_181 = arith.constant 16 : i32
      %mul3A_182 = arith.muli %scan3A_107, %mul3A_181 : i32
      %add3A_183 = arith.constant 4224 : i32
      %add3A_184 = arith.addi %add3A_183, %mul3A_182 : i32
      %get3A_185 = arith.index_cast %add3A_184 : i32 to index
      %get3A_186 = tpu.vector_load %arg10[%get3A_185] {strides = array<i32>} : memref<6144xf32, #tpu.memory_space<vmem>>, vector<16xf32>,
      %add3A_187 = arith.addf %add3A_180, %get3A_186 : vector<16xf32>
      %mul3A_188 = arith.constant 16 : i32
      %mul3A_189 = arith.muli %scan3A_107, %mul3A_188 : i32
      %add3A_190 = arith.constant 4608 : i32
      %add3A_191 = arith.addi %add3A_190, %mul3A_189 : i32
      %get3A_192 = arith.index_cast %add3A_191 : i32 to index
      %get3A_193 = tpu.vector_load %arg10[%get3A_192] {strides = array<i32>} : memref<6144xf32, #tpu.memory_space<vmem>>, vector<16xf32>,
      %add3A_194 = arith.addf %add3A_187, %get3A_193 : vector<16xf32>
      %mul3A_195 = arith.constant 16 : i32
      %mul3A_196 = arith.muli %scan3A_107, %mul3A_195 : i32
      %add3A_197 = arith.constant 4992 : i32
      %add3A_198 = arith.addi %add3A_197, %mul3A_196 : i32
      %get3A_199 = arith.index_cast %add3A_198 : i32 to index
      %get3A_200 = tpu.vector_load %arg10[%get3A_199] {strides = array<i32>} : memref<6144xf32, #tpu.memory_space<vmem>>, vector<16xf32>,
      %add3A_201 = arith.addf %add3A_194, %get3A_200 : vector<16xf32>
      %mul3A_202 = arith.constant 16 : i32
      %mul3A_203 = arith.muli %scan3A_107, %mul3A_202 : i32
      %add3A_204 = arith.constant 5376 : i32
      %add3A_205 = arith.addi %add3A_204, %mul3A_203 : i32
      %get3A_206 = arith.index_cast %add3A_205 : i32 to index
      %get3A_207 = tpu.vector_load %arg10[%get3A_206] {strides = array<i32>} : memref<6144xf32, #tpu.memory_space<vmem>>, vector<16xf32>,
      %add3A_208 = arith.addf %add3A_201, %get3A_207 : vector<16xf32>
      %mul3A_209 = arith.constant 16 : i32
      %mul3A_210 = arith.muli %scan3A_107, %mul3A_209 : i32
      %add3A_211 = arith.constant 5760 : i32
      %add3A_212 = arith.addi %add3A_211, %mul3A_210 : i32
      %get3A_213 = arith.index_cast %add3A_212 : i32 to index
      %get3A_214 = tpu.vector_load %arg10[%get3A_213] {strides = array<i32>} : memref<6144xf32, #tpu.memory_space<vmem>>, vector<16xf32>,
      %add3A_215 = arith.addf %add3A_208, %get3A_214 : vector<16xf32>
      %mul3A_216 = arith.constant 16 : i32
      %mul3A_217 = arith.muli %scan3A_107, %mul3A_216 : i32
      %swap3A = arith.index_cast %mul3A_217 : i32 to index
      %swap3A_218 = tpu.vector_load %arg11[%swap3A] {strides = array<i32>} : memref<384xf32, #tpu.memory_space<vmem>>, vector<16xf32>,
      tpu.vector_store %arg11[%swap3A], %add3A_215 {strides = array<i32>} : memref<384xf32, #tpu.memory_space<vmem>>, vector<16xf32>,
    }
    %scan3A_103 = arith.constant 24 : i32
    %mul3A_104 = arith.constant 12288 : i32
    %mul3A_105 = arith.muli %arg0, %mul3A_104 : i32
    %add3A_106 = arith.addi %mul3A_105, %mul3A_24 : i32
    "tpu.region"() ({
      %run_scoped3A = tpu.sem_alloc : memref<!tpu.dma_semaphore, #tpu.memory_space<semaphore_mem>>
      %dma_start3A = tpu.memref_slice %arg5[%add3A_106] : memref<24576xf32, #tpu.memory_space<hbm>> -> memref<384xf32, #tpu.memory_space<hbm>>
      %dma_start3A_107 = tpu.memref_slice %arg5[%add3A_106] : memref<24576xf32, #tpu.memory_space<hbm>> -> memref<384xf32, #tpu.memory_space<hbm>>
      tpu.enqueue_dma source(%arg11 : memref<384xf32, #tpu.memory_space<vmem>>) target(%dma_start3A_107 : memref<384xf32, #tpu.memory_space<hbm>>) target_semaphore(%run_scoped3A : memref<!tpu.dma_semaphore, #tpu.memory_space<semaphore_mem>>)
      %dma_wait3A = tpu.memref_slice %arg5[%add3A_106] : memref<24576xf32, #tpu.memory_space<hbm>> -> memref<384xf32, #tpu.memory_space<hbm>>
      %dma_wait3A_108 = tpu.memref_slice %arg5[%add3A_106] : memref<24576xf32, #tpu.memory_space<hbm>> -> memref<384xf32, #tpu.memory_space<hbm>>
      tpu.wait_dma2 semaphore(%run_scoped3A : memref<!tpu.dma_semaphore, #tpu.memory_space<semaphore_mem>>) src(%arg11 : memref<384xf32, #tpu.memory_space<vmem>>) dst(%dma_wait3A_108 : memref<384xf32, #tpu.memory_space<hbm>>)
      tpu.yield
    }) : () -> ()
    return
  }
}

#map = affine_map<(d0, d1) -> (0, 0)>
#map1 = affine_map<(d0, d1) -> (0)>
#map2 = affine_map<(d0, d1) -> (0, 0, 0)>
module attributes {stable_mosaic.version = 14 : i64} {
  func.func @_sc_pass_body(%arg0: i32, %arg1: i32, %arg2: memref<10240x128xf32, #tpu.memory_space<hbm>>, %arg3: memref<327680xi32, #tpu.memory_space<hbm>>, %arg4: memref<327680xi32, #tpu.memory_space<hbm>>, %arg5: memref<128x128xf32, #tpu.memory_space<hbm>>, %arg6: memref<2x10240x128xf32, #tpu.memory_space<hbm>>, %arg7: memref<10240xi32, #tpu.memory_space<vmem>>, %arg8: memref<2x128x128xf32, #tpu.memory_space<vmem>>, %arg9: memref<128xi32, #tpu.memory_space<vmem>>, %arg10: memref<128xi32, #tpu.memory_space<vmem>>, %arg11: memref<10240x128xf32, #tpu.memory_space<vmem_shared>>, %arg12: memref<2x!tpu.dma_semaphore, #tpu.memory_space<semaphore_mem>>, %arg13: memref<2x!tpu.dma_semaphore, #tpu.memory_space<semaphore_mem>>) attributes {dimension_semantics = [#tpu.dimension_semantics<core_parallel>, #tpu.dimension_semantics<subcore_parallel>], iteration_bounds = array<i64: 2, 16>, scalar_prefetch = 0 : i64, scratch_operands = 7 : i64, tpu.core_type = #tpu.core_type<sc_vector_subcore>, window_params = [{transform_indices = #map}, {transform_indices = #map1}, {transform_indices = #map1}, {transform_indices = #map}, {transform_indices = #map2}]} {
    %mul3A = arith.constant 2 : i32
    %mul3A_0 = arith.muli %arg1, %mul3A : i32
    %add3A = arith.addi %mul3A_0, %arg0 : i32
    %mul3A_1 = arith.constant 10240 : i32
    %mul3A_2 = arith.muli %add3A, %mul3A_1 : i32
    "tpu.region"() ({
      %run_scoped3A = tpu.sem_alloc : memref<!tpu.dma_semaphore, #tpu.memory_space<semaphore_mem>>
      %dma_start3A_127 = tpu.memref_slice %arg3[%mul3A_2] : memref<327680xi32, #tpu.memory_space<hbm>> -> memref<10240xi32, #tpu.memory_space<hbm>>
      %dma_start3A_128 = tpu.memref_slice %arg3[%mul3A_2] : memref<327680xi32, #tpu.memory_space<hbm>> -> memref<10240xi32, #tpu.memory_space<hbm>>
      tpu.enqueue_dma source(%dma_start3A_128 : memref<10240xi32, #tpu.memory_space<hbm>>) target(%arg7 : memref<10240xi32, #tpu.memory_space<vmem>>) target_semaphore(%run_scoped3A : memref<!tpu.dma_semaphore, #tpu.memory_space<semaphore_mem>>)
      %dma_wait3A_129 = tpu.memref_slice %arg3[%mul3A_2] : memref<327680xi32, #tpu.memory_space<hbm>> -> memref<10240xi32, #tpu.memory_space<hbm>>
      %dma_wait3A_130 = tpu.memref_slice %arg3[%mul3A_2] : memref<327680xi32, #tpu.memory_space<hbm>> -> memref<10240xi32, #tpu.memory_space<hbm>>
      tpu.wait_dma2 semaphore(%run_scoped3A : memref<!tpu.dma_semaphore, #tpu.memory_space<semaphore_mem>>) src(%dma_wait3A_130 : memref<10240xi32, #tpu.memory_space<hbm>>) dst(%arg7 : memref<10240xi32, #tpu.memory_space<vmem>>)
      tpu.yield
    }) : () -> ()
    %mul3A_3 = arith.constant 640 : i32
    %mul3A_4 = arith.muli %arg1, %mul3A_3 : i32
    %add3A_5 = arith.constant 0 : i32
    %add3A_6 = arith.addi %mul3A_4, %add3A_5 : i32
    "tpu.region"() ({
      %run_scoped3A = tpu.sem_alloc : memref<!tpu.dma_semaphore, #tpu.memory_space<semaphore_mem>>
      %dma_start3A_127 = arith.constant 0 : i32
      %dma_start3A_128 = tpu.memref_slice %arg11[%add3A_6, %dma_start3A_127] : memref<10240x128xf32, #tpu.memory_space<vmem_shared>> -> memref<128x128xf32, #tpu.memory_space<vmem_shared>>
      tpu.enqueue_dma source(%arg5 : memref<128x128xf32, #tpu.memory_space<hbm>>) target(%dma_start3A_128 : memref<128x128xf32, #tpu.memory_space<vmem_shared>>) target_semaphore(%run_scoped3A : memref<!tpu.dma_semaphore, #tpu.memory_space<semaphore_mem>>)
      %dma_wait3A_129 = arith.constant 0 : i32
      %dma_wait3A_130 = tpu.memref_slice %arg11[%add3A_6, %dma_wait3A_129] : memref<10240x128xf32, #tpu.memory_space<vmem_shared>> -> memref<128x128xf32, #tpu.memory_space<vmem_shared>>
      tpu.wait_dma2 semaphore(%run_scoped3A : memref<!tpu.dma_semaphore, #tpu.memory_space<semaphore_mem>>) src(%arg5 : memref<128x128xf32, #tpu.memory_space<hbm>>) dst(%dma_wait3A_130 : memref<128x128xf32, #tpu.memory_space<vmem_shared>>)
      tpu.yield
    }) : () -> ()
    %add3A_7 = arith.constant 128 : i32
    %add3A_8 = arith.addi %mul3A_4, %add3A_7 : i32
    "tpu.region"() ({
      %run_scoped3A = tpu.sem_alloc : memref<!tpu.dma_semaphore, #tpu.memory_space<semaphore_mem>>
      %dma_start3A_127 = arith.constant 0 : i32
      %dma_start3A_128 = tpu.memref_slice %arg11[%add3A_8, %dma_start3A_127] : memref<10240x128xf32, #tpu.memory_space<vmem_shared>> -> memref<128x128xf32, #tpu.memory_space<vmem_shared>>
      tpu.enqueue_dma source(%arg5 : memref<128x128xf32, #tpu.memory_space<hbm>>) target(%dma_start3A_128 : memref<128x128xf32, #tpu.memory_space<vmem_shared>>) target_semaphore(%run_scoped3A : memref<!tpu.dma_semaphore, #tpu.memory_space<semaphore_mem>>)
      %dma_wait3A_129 = arith.constant 0 : i32
      %dma_wait3A_130 = tpu.memref_slice %arg11[%add3A_8, %dma_wait3A_129] : memref<10240x128xf32, #tpu.memory_space<vmem_shared>> -> memref<128x128xf32, #tpu.memory_space<vmem_shared>>
      tpu.wait_dma2 semaphore(%run_scoped3A : memref<!tpu.dma_semaphore, #tpu.memory_space<semaphore_mem>>) src(%arg5 : memref<128x128xf32, #tpu.memory_space<hbm>>) dst(%dma_wait3A_130 : memref<128x128xf32, #tpu.memory_space<vmem_shared>>)
      tpu.yield
    }) : () -> ()
    %add3A_9 = arith.constant 256 : i32
    %add3A_10 = arith.addi %mul3A_4, %add3A_9 : i32
    "tpu.region"() ({
      %run_scoped3A = tpu.sem_alloc : memref<!tpu.dma_semaphore, #tpu.memory_space<semaphore_mem>>
      %dma_start3A_127 = arith.constant 0 : i32
      %dma_start3A_128 = tpu.memref_slice %arg11[%add3A_10, %dma_start3A_127] : memref<10240x128xf32, #tpu.memory_space<vmem_shared>> -> memref<128x128xf32, #tpu.memory_space<vmem_shared>>
      tpu.enqueue_dma source(%arg5 : memref<128x128xf32, #tpu.memory_space<hbm>>) target(%dma_start3A_128 : memref<128x128xf32, #tpu.memory_space<vmem_shared>>) target_semaphore(%run_scoped3A : memref<!tpu.dma_semaphore, #tpu.memory_space<semaphore_mem>>)
      %dma_wait3A_129 = arith.constant 0 : i32
      %dma_wait3A_130 = tpu.memref_slice %arg11[%add3A_10, %dma_wait3A_129] : memref<10240x128xf32, #tpu.memory_space<vmem_shared>> -> memref<128x128xf32, #tpu.memory_space<vmem_shared>>
      tpu.wait_dma2 semaphore(%run_scoped3A : memref<!tpu.dma_semaphore, #tpu.memory_space<semaphore_mem>>) src(%arg5 : memref<128x128xf32, #tpu.memory_space<hbm>>) dst(%dma_wait3A_130 : memref<128x128xf32, #tpu.memory_space<vmem_shared>>)
      tpu.yield
    }) : () -> ()
    %add3A_11 = arith.constant 384 : i32
    %add3A_12 = arith.addi %mul3A_4, %add3A_11 : i32
    "tpu.region"() ({
      %run_scoped3A = tpu.sem_alloc : memref<!tpu.dma_semaphore, #tpu.memory_space<semaphore_mem>>
      %dma_start3A_127 = arith.constant 0 : i32
      %dma_start3A_128 = tpu.memref_slice %arg11[%add3A_12, %dma_start3A_127] : memref<10240x128xf32, #tpu.memory_space<vmem_shared>> -> memref<128x128xf32, #tpu.memory_space<vmem_shared>>
      tpu.enqueue_dma source(%arg5 : memref<128x128xf32, #tpu.memory_space<hbm>>) target(%dma_start3A_128 : memref<128x128xf32, #tpu.memory_space<vmem_shared>>) target_semaphore(%run_scoped3A : memref<!tpu.dma_semaphore, #tpu.memory_space<semaphore_mem>>)
      %dma_wait3A_129 = arith.constant 0 : i32
      %dma_wait3A_130 = tpu.memref_slice %arg11[%add3A_12, %dma_wait3A_129] : memref<10240x128xf32, #tpu.memory_space<vmem_shared>> -> memref<128x128xf32, #tpu.memory_space<vmem_shared>>
      tpu.wait_dma2 semaphore(%run_scoped3A : memref<!tpu.dma_semaphore, #tpu.memory_space<semaphore_mem>>) src(%arg5 : memref<128x128xf32, #tpu.memory_space<hbm>>) dst(%dma_wait3A_130 : memref<128x128xf32, #tpu.memory_space<vmem_shared>>)
      tpu.yield
    }) : () -> ()
    %add3A_13 = arith.constant 512 : i32
    %add3A_14 = arith.addi %mul3A_4, %add3A_13 : i32
    "tpu.region"() ({
      %run_scoped3A = tpu.sem_alloc : memref<!tpu.dma_semaphore, #tpu.memory_space<semaphore_mem>>
      %dma_start3A_127 = arith.constant 0 : i32
      %dma_start3A_128 = tpu.memref_slice %arg11[%add3A_14, %dma_start3A_127] : memref<10240x128xf32, #tpu.memory_space<vmem_shared>> -> memref<128x128xf32, #tpu.memory_space<vmem_shared>>
      tpu.enqueue_dma source(%arg5 : memref<128x128xf32, #tpu.memory_space<hbm>>) target(%dma_start3A_128 : memref<128x128xf32, #tpu.memory_space<vmem_shared>>) target_semaphore(%run_scoped3A : memref<!tpu.dma_semaphore, #tpu.memory_space<semaphore_mem>>)
      %dma_wait3A_129 = arith.constant 0 : i32
      %dma_wait3A_130 = tpu.memref_slice %arg11[%add3A_14, %dma_wait3A_129] : memref<10240x128xf32, #tpu.memory_space<vmem_shared>> -> memref<128x128xf32, #tpu.memory_space<vmem_shared>>
      tpu.wait_dma2 semaphore(%run_scoped3A : memref<!tpu.dma_semaphore, #tpu.memory_space<semaphore_mem>>) src(%arg5 : memref<128x128xf32, #tpu.memory_space<hbm>>) dst(%dma_wait3A_130 : memref<128x128xf32, #tpu.memory_space<vmem_shared>>)
      tpu.yield
    }) : () -> ()
    %barrier3A = arith.constant 0 : index
    tpu.barrier barrier_id(%barrier3A)
    %dma_start3A = arith.constant 0 : i32
    %dma_start3A_15 = arith.constant 0 : i32
    %dma_start3A_16 = arith.constant 0 : i32
    %dma_start3A_17 = arith.constant 0 : i32
    %dma_start3A_18 = tpu.memref_slice %arg8[%dma_start3A, %dma_start3A_16, %dma_start3A_17] : memref<2x128x128xf32, #tpu.memory_space<vmem>> -> memref<1x128x128xf32, #tpu.memory_space<vmem>>
    %dma_start3A_19 = tpu.memref_squeeze %dma_start3A_18 : memref<1x128x128xf32, #tpu.memory_space<vmem>> -> memref<128x128xf32, #tpu.memory_space<vmem>>
    %dma_start3A_20 = arith.constant 0 : i32
    %dma_start3A_21 = tpu.memref_slice %arg7[%dma_start3A_20] : memref<10240xi32, #tpu.memory_space<vmem>> -> memref<128xi32, #tpu.memory_space<vmem>>
    %dma_start3A_22 = arith.constant 0 : i32
    %dma_start3A_23 = arith.constant 0 : i32
    %dma_start3A_24 = tpu.memref_slice %arg2[%dma_start3A_22, %dma_start3A_23] : memref<10240x128xf32, #tpu.memory_space<hbm>> -> memref<10240x128xf32, #tpu.memory_space<hbm>>
    %dma_start3A_25 = tpu.memref_slice %arg12[%dma_start3A_15] : memref<2x!tpu.dma_semaphore, #tpu.memory_space<semaphore_mem>> -> memref<1x!tpu.dma_semaphore, #tpu.memory_space<semaphore_mem>>
    %dma_start3A_26 = tpu.memref_squeeze %dma_start3A_25 : memref<1x!tpu.dma_semaphore, #tpu.memory_space<semaphore_mem>> -> memref<!tpu.dma_semaphore, #tpu.memory_space<semaphore_mem>>
    tpu.enqueue_indirect_dma source(%dma_start3A_24 : memref<10240x128xf32, #tpu.memory_space<hbm>>) target(%dma_start3A_19 : memref<128x128xf32, #tpu.memory_space<vmem>>) offsets(%dma_start3A_21 : memref<128xi32, #tpu.memory_space<vmem>>) semaphore(%dma_start3A_26 : memref<!tpu.dma_semaphore, #tpu.memory_space<semaphore_mem>>)
    %mul3A_27 = arith.constant 10240 : i32
    %mul3A_28 = arith.muli %add3A, %mul3A_27 : i32
    %add3A_29 = arith.constant 0 : i32
    %add3A_30 = arith.addi %mul3A_28, %add3A_29 : i32
    %dma_start3A_31 = arith.constant 0 : i32
    %dma_start3A_32 = tpu.memref_slice %arg4[%add3A_30] : memref<327680xi32, #tpu.memory_space<hbm>> -> memref<128xi32, #tpu.memory_space<hbm>>
    %dma_start3A_33 = tpu.memref_slice %arg13[%dma_start3A_31] : memref<2x!tpu.dma_semaphore, #tpu.memory_space<semaphore_mem>> -> memref<1x!tpu.dma_semaphore, #tpu.memory_space<semaphore_mem>>
    %dma_start3A_34 = tpu.memref_squeeze %dma_start3A_33 : memref<1x!tpu.dma_semaphore, #tpu.memory_space<semaphore_mem>> -> memref<!tpu.dma_semaphore, #tpu.memory_space<semaphore_mem>>
    %dma_start3A_35 = tpu.memref_slice %arg4[%add3A_30] : memref<327680xi32, #tpu.memory_space<hbm>> -> memref<128xi32, #tpu.memory_space<hbm>>
    tpu.enqueue_dma source(%dma_start3A_35 : memref<128xi32, #tpu.memory_space<hbm>>) target(%arg9 : memref<128xi32, #tpu.memory_space<vmem>>) target_semaphore(%dma_start3A_34 : memref<!tpu.dma_semaphore, #tpu.memory_space<semaphore_mem>>)
    %dma_start3A_36 = arith.constant 1 : i32
    %dma_start3A_37 = arith.constant 1 : i32
    %dma_start3A_38 = arith.constant 0 : i32
    %dma_start3A_39 = arith.constant 0 : i32
    %dma_start3A_40 = tpu.memref_slice %arg8[%dma_start3A_36, %dma_start3A_38, %dma_start3A_39] : memref<2x128x128xf32, #tpu.memory_space<vmem>> -> memref<1x128x128xf32, #tpu.memory_space<vmem>>
    %dma_start3A_41 = tpu.memref_squeeze %dma_start3A_40 : memref<1x128x128xf32, #tpu.memory_space<vmem>> -> memref<128x128xf32, #tpu.memory_space<vmem>>
    %dma_start3A_42 = arith.constant 128 : i32
    %dma_start3A_43 = tpu.memref_slice %arg7[%dma_start3A_42] : memref<10240xi32, #tpu.memory_space<vmem>> -> memref<128xi32, #tpu.memory_space<vmem>>
    %dma_start3A_44 = arith.constant 0 : i32
    %dma_start3A_45 = arith.constant 0 : i32
    %dma_start3A_46 = tpu.memref_slice %arg2[%dma_start3A_44, %dma_start3A_45] : memref<10240x128xf32, #tpu.memory_space<hbm>> -> memref<10240x128xf32, #tpu.memory_space<hbm>>
    %dma_start3A_47 = tpu.memref_slice %arg12[%dma_start3A_37] : memref<2x!tpu.dma_semaphore, #tpu.memory_space<semaphore_mem>> -> memref<1x!tpu.dma_semaphore, #tpu.memory_space<semaphore_mem>>
    %dma_start3A_48 = tpu.memref_squeeze %dma_start3A_47 : memref<1x!tpu.dma_semaphore, #tpu.memory_space<semaphore_mem>> -> memref<!tpu.dma_semaphore, #tpu.memory_space<semaphore_mem>>
    tpu.enqueue_indirect_dma source(%dma_start3A_46 : memref<10240x128xf32, #tpu.memory_space<hbm>>) target(%dma_start3A_41 : memref<128x128xf32, #tpu.memory_space<vmem>>) offsets(%dma_start3A_43 : memref<128xi32, #tpu.memory_space<vmem>>) semaphore(%dma_start3A_48 : memref<!tpu.dma_semaphore, #tpu.memory_space<semaphore_mem>>)
    %mul3A_49 = arith.constant 10240 : i32
    %mul3A_50 = arith.muli %add3A, %mul3A_49 : i32
    %add3A_51 = arith.constant 128 : i32
    %add3A_52 = arith.addi %mul3A_50, %add3A_51 : i32
    %dma_start3A_53 = arith.constant 1 : i32
    %dma_start3A_54 = tpu.memref_slice %arg4[%add3A_52] : memref<327680xi32, #tpu.memory_space<hbm>> -> memref<128xi32, #tpu.memory_space<hbm>>
    %dma_start3A_55 = tpu.memref_slice %arg13[%dma_start3A_53] : memref<2x!tpu.dma_semaphore, #tpu.memory_space<semaphore_mem>> -> memref<1x!tpu.dma_semaphore, #tpu.memory_space<semaphore_mem>>
    %dma_start3A_56 = tpu.memref_squeeze %dma_start3A_55 : memref<1x!tpu.dma_semaphore, #tpu.memory_space<semaphore_mem>> -> memref<!tpu.dma_semaphore, #tpu.memory_space<semaphore_mem>>
    %dma_start3A_57 = tpu.memref_slice %arg4[%add3A_52] : memref<327680xi32, #tpu.memory_space<hbm>> -> memref<128xi32, #tpu.memory_space<hbm>>
    tpu.enqueue_dma source(%dma_start3A_57 : memref<128xi32, #tpu.memory_space<hbm>>) target(%arg10 : memref<128xi32, #tpu.memory_space<vmem>>) target_semaphore(%dma_start3A_56 : memref<!tpu.dma_semaphore, #tpu.memory_space<semaphore_mem>>)
    %scan3A = arith.constant 0 : i32
    %scan3A_58 = arith.constant 0 : i32
    %scan3A_59 = arith.constant 40 : i32
    %scan3A_60 = arith.addi %scan3A_58, %scan3A_59 : i32
    %scan3A_61 = arith.constant 1 : i32
    scf.for %scan3A_127 = %scan3A_58 to %scan3A_60 step %scan3A_61  : i32 {
      %mul3A_128 = arith.constant 2 : i32
      %mul3A_129 = arith.muli %scan3A_127, %mul3A_128 : i32
      %add3A_130 = arith.constant 0 : i32
      %add3A_131 = arith.addi %mul3A_129, %add3A_130 : i32
      %mul3A_132 = arith.constant 128 : i32
      %mul3A_133 = arith.muli %add3A_131, %mul3A_132 : i32
      %dma_wait3A_134 = arith.constant 0 : i32
      %dma_wait3A_135 = arith.constant 0 : i32
      %dma_wait3A_136 = arith.constant 0 : i32
      %dma_wait3A_137 = arith.constant 0 : i32
      %dma_wait3A_138 = tpu.memref_slice %arg8[%dma_wait3A_134, %dma_wait3A_136, %dma_wait3A_137] : memref<2x128x128xf32, #tpu.memory_space<vmem>> -> memref<1x128x128xf32, #tpu.memory_space<vmem>>
      %dma_wait3A_139 = tpu.memref_squeeze %dma_wait3A_138 : memref<1x128x128xf32, #tpu.memory_space<vmem>> -> memref<128x128xf32, #tpu.memory_space<vmem>>
      %dma_wait3A_140 = tpu.memref_slice %arg7[%mul3A_133] : memref<10240xi32, #tpu.memory_space<vmem>> -> memref<128xi32, #tpu.memory_space<vmem>>
      %dma_wait3A_141 = arith.constant 0 : i32
      %dma_wait3A_142 = arith.constant 0 : i32
      %dma_wait3A_143 = tpu.memref_slice %arg2[%dma_wait3A_141, %dma_wait3A_142] : memref<10240x128xf32, #tpu.memory_space<hbm>> -> memref<10240x128xf32, #tpu.memory_space<hbm>>
      %dma_wait3A_144 = tpu.memref_slice %arg12[%dma_wait3A_135] : memref<2x!tpu.dma_semaphore, #tpu.memory_space<semaphore_mem>> -> memref<1x!tpu.dma_semaphore, #tpu.memory_space<semaphore_mem>>
      %dma_wait3A_145 = tpu.memref_squeeze %dma_wait3A_144 : memref<1x!tpu.dma_semaphore, #tpu.memory_space<semaphore_mem>> -> memref<!tpu.dma_semaphore, #tpu.memory_space<semaphore_mem>>
      tpu.wait_indirect_dma semaphore(%dma_wait3A_145 : memref<!tpu.dma_semaphore, #tpu.memory_space<semaphore_mem>>) src(%dma_wait3A_143 : memref<10240x128xf32, #tpu.memory_space<hbm>>) dst(%dma_wait3A_139 : memref<128x128xf32, #tpu.memory_space<vmem>>)
      %mul3A_146 = arith.constant 10240 : i32
      %mul3A_147 = arith.muli %add3A, %mul3A_146 : i32
      %mul3A_148 = arith.constant 128 : i32
      %mul3A_149 = arith.muli %add3A_131, %mul3A_148 : i32
      %add3A_150 = arith.addi %mul3A_147, %mul3A_149 : i32
      %dma_wait3A_151 = arith.constant 0 : i32
      %dma_wait3A_152 = tpu.memref_slice %arg4[%add3A_150] : memref<327680xi32, #tpu.memory_space<hbm>> -> memref<128xi32, #tpu.memory_space<hbm>>
      %dma_wait3A_153 = tpu.memref_slice %arg13[%dma_wait3A_151] : memref<2x!tpu.dma_semaphore, #tpu.memory_space<semaphore_mem>> -> memref<1x!tpu.dma_semaphore, #tpu.memory_space<semaphore_mem>>
      %dma_wait3A_154 = tpu.memref_squeeze %dma_wait3A_153 : memref<1x!tpu.dma_semaphore, #tpu.memory_space<semaphore_mem>> -> memref<!tpu.dma_semaphore, #tpu.memory_space<semaphore_mem>>
      %dma_wait3A_155 = tpu.memref_slice %arg4[%add3A_150] : memref<327680xi32, #tpu.memory_space<hbm>> -> memref<128xi32, #tpu.memory_space<hbm>>
      tpu.wait_dma2 semaphore(%dma_wait3A_154 : memref<!tpu.dma_semaphore, #tpu.memory_space<semaphore_mem>>) src(%dma_wait3A_155 : memref<128xi32, #tpu.memory_space<hbm>>) dst(%arg9 : memref<128xi32, #tpu.memory_space<vmem>>)
      %run_scoped3A = arith.constant 0 : i32
      "tpu.region"() ({
        %run_scoped3A_240 = tpu.sem_alloc : memref<!tpu.dma_semaphore, #tpu.memory_space<semaphore_mem>>
        %dma_start3A_241 = arith.constant 0 : i32
        %dma_start3A_242 = arith.constant 0 : i32
        %dma_start3A_243 = tpu.memref_slice %arg8[%run_scoped3A, %dma_start3A_241, %dma_start3A_242] : memref<2x128x128xf32, #tpu.memory_space<vmem>> -> memref<1x128x128xf32, #tpu.memory_space<vmem>>
        %dma_start3A_244 = tpu.memref_squeeze %dma_start3A_243 : memref<1x128x128xf32, #tpu.memory_space<vmem>> -> memref<128x128xf32, #tpu.memory_space<vmem>>
        %dma_start3A_245 = arith.constant 0 : i32
        %dma_start3A_246 = arith.constant 0 : i32
        %dma_start3A_247 = tpu.memref_slice %arg11[%dma_start3A_245, %dma_start3A_246] : memref<10240x128xf32, #tpu.memory_space<vmem_shared>> -> memref<10240x128xf32, #tpu.memory_space<vmem_shared>>
        tpu.enqueue_indirect_dma source(%dma_start3A_244 : memref<128x128xf32, #tpu.memory_space<vmem>>) target(%dma_start3A_247 : memref<10240x128xf32, #tpu.memory_space<vmem_shared>>) offsets(%arg9 : memref<128xi32, #tpu.memory_space<vmem>>) semaphore(%run_scoped3A_240 : memref<!tpu.dma_semaphore, #tpu.memory_space<semaphore_mem>>) {add = true}
        %dma_wait3A_248 = arith.constant 0 : i32
        %dma_wait3A_249 = arith.constant 0 : i32
        %dma_wait3A_250 = tpu.memref_slice %arg8[%run_scoped3A, %dma_wait3A_248, %dma_wait3A_249] : memref<2x128x128xf32, #tpu.memory_space<vmem>> -> memref<1x128x128xf32, #tpu.memory_space<vmem>>
        %dma_wait3A_251 = tpu.memref_squeeze %dma_wait3A_250 : memref<1x128x128xf32, #tpu.memory_space<vmem>> -> memref<128x128xf32, #tpu.memory_space<vmem>>
        %dma_wait3A_252 = arith.constant 0 : i32
        %dma_wait3A_253 = arith.constant 0 : i32
        %dma_wait3A_254 = tpu.memref_slice %arg11[%dma_wait3A_252, %dma_wait3A_253] : memref<10240x128xf32, #tpu.memory_space<vmem_shared>> -> memref<10240x128xf32, #tpu.memory_space<vmem_shared>>
        tpu.wait_indirect_dma semaphore(%run_scoped3A_240 : memref<!tpu.dma_semaphore, #tpu.memory_space<semaphore_mem>>) src(%dma_wait3A_251 : memref<128x128xf32, #tpu.memory_space<vmem>>) dst(%dma_wait3A_254 : memref<10240x128xf32, #tpu.memory_space<vmem_shared>>)
        tpu.yield
      }) : () -> ()
      %add3A_156 = arith.constant 2 : i32
      %add3A_157 = arith.addi %add3A_131, %add3A_156 : i32
      %min3A = arith.constant 79 : i32
      %min3A_158 = arith.minsi %add3A_157, %min3A : i32
      %mul3A_159 = arith.constant 128 : i32
      %mul3A_160 = arith.muli %min3A_158, %mul3A_159 : i32
      %dma_start3A_161 = arith.constant 0 : i32
      %dma_start3A_162 = arith.constant 0 : i32
      %dma_start3A_163 = arith.constant 0 : i32
      %dma_start3A_164 = arith.constant 0 : i32
      %dma_start3A_165 = tpu.memref_slice %arg8[%dma_start3A_161, %dma_start3A_163, %dma_start3A_164] : memref<2x128x128xf32, #tpu.memory_space<vmem>> -> memref<1x128x128xf32, #tpu.memory_space<vmem>>
      %dma_start3A_166 = tpu.memref_squeeze %dma_start3A_165 : memref<1x128x128xf32, #tpu.memory_space<vmem>> -> memref<128x128xf32, #tpu.memory_space<vmem>>
      %dma_start3A_167 = tpu.memref_slice %arg7[%mul3A_160] : memref<10240xi32, #tpu.memory_space<vmem>> -> memref<128xi32, #tpu.memory_space<vmem>>
      %dma_start3A_168 = arith.constant 0 : i32
      %dma_start3A_169 = arith.constant 0 : i32
      %dma_start3A_170 = tpu.memref_slice %arg2[%dma_start3A_168, %dma_start3A_169] : memref<10240x128xf32, #tpu.memory_space<hbm>> -> memref<10240x128xf32, #tpu.memory_space<hbm>>
      %dma_start3A_171 = tpu.memref_slice %arg12[%dma_start3A_162] : memref<2x!tpu.dma_semaphore, #tpu.memory_space<semaphore_mem>> -> memref<1x!tpu.dma_semaphore, #tpu.memory_space<semaphore_mem>>
      %dma_start3A_172 = tpu.memref_squeeze %dma_start3A_171 : memref<1x!tpu.dma_semaphore, #tpu.memory_space<semaphore_mem>> -> memref<!tpu.dma_semaphore, #tpu.memory_space<semaphore_mem>>
      tpu.enqueue_indirect_dma source(%dma_start3A_170 : memref<10240x128xf32, #tpu.memory_space<hbm>>) target(%dma_start3A_166 : memref<128x128xf32, #tpu.memory_space<vmem>>) offsets(%dma_start3A_167 : memref<128xi32, #tpu.memory_space<vmem>>) semaphore(%dma_start3A_172 : memref<!tpu.dma_semaphore, #tpu.memory_space<semaphore_mem>>)
      %mul3A_173 = arith.constant 10240 : i32
      %mul3A_174 = arith.muli %add3A, %mul3A_173 : i32
      %mul3A_175 = arith.constant 128 : i32
      %mul3A_176 = arith.muli %min3A_158, %mul3A_175 : i32
      %add3A_177 = arith.addi %mul3A_174, %mul3A_176 : i32
      %dma_start3A_178 = arith.constant 0 : i32
      %dma_start3A_179 = tpu.memref_slice %arg4[%add3A_177] : memref<327680xi32, #tpu.memory_space<hbm>> -> memref<128xi32, #tpu.memory_space<hbm>>
      %dma_start3A_180 = tpu.memref_slice %arg13[%dma_start3A_178] : memref<2x!tpu.dma_semaphore, #tpu.memory_space<semaphore_mem>> -> memref<1x!tpu.dma_semaphore, #tpu.memory_space<semaphore_mem>>
      %dma_start3A_181 = tpu.memref_squeeze %dma_start3A_180 : memref<1x!tpu.dma_semaphore, #tpu.memory_space<semaphore_mem>> -> memref<!tpu.dma_semaphore, #tpu.memory_space<semaphore_mem>>
      %dma_start3A_182 = tpu.memref_slice %arg4[%add3A_177] : memref<327680xi32, #tpu.memory_space<hbm>> -> memref<128xi32, #tpu.memory_space<hbm>>
      tpu.enqueue_dma source(%dma_start3A_182 : memref<128xi32, #tpu.memory_space<hbm>>) target(%arg9 : memref<128xi32, #tpu.memory_space<vmem>>) target_semaphore(%dma_start3A_181 : memref<!tpu.dma_semaphore, #tpu.memory_space<semaphore_mem>>)
      %mul3A_183 = arith.constant 2 : i32
      %mul3A_184 = arith.muli %scan3A_127, %mul3A_183 : i32
      %add3A_185 = arith.constant 1 : i32
      %add3A_186 = arith.addi %mul3A_184, %add3A_185 : i32
      %mul3A_187 = arith.constant 128 : i32
      %mul3A_188 = arith.muli %add3A_186, %mul3A_187 : i32
      %dma_wait3A_189 = arith.constant 1 : i32
      %dma_wait3A_190 = arith.constant 1 : i32
      %dma_wait3A_191 = arith.constant 0 : i32
      %dma_wait3A_192 = arith.constant 0 : i32
      %dma_wait3A_193 = tpu.memref_slice %arg8[%dma_wait3A_189, %dma_wait3A_191, %dma_wait3A_192] : memref<2x128x128xf32, #tpu.memory_space<vmem>> -> memref<1x128x128xf32, #tpu.memory_space<vmem>>
      %dma_wait3A_194 = tpu.memref_squeeze %dma_wait3A_193 : memref<1x128x128xf32, #tpu.memory_space<vmem>> -> memref<128x128xf32, #tpu.memory_space<vmem>>
      %dma_wait3A_195 = tpu.memref_slice %arg7[%mul3A_188] : memref<10240xi32, #tpu.memory_space<vmem>> -> memref<128xi32, #tpu.memory_space<vmem>>
      %dma_wait3A_196 = arith.constant 0 : i32
      %dma_wait3A_197 = arith.constant 0 : i32
      %dma_wait3A_198 = tpu.memref_slice %arg2[%dma_wait3A_196, %dma_wait3A_197] : memref<10240x128xf32, #tpu.memory_space<hbm>> -> memref<10240x128xf32, #tpu.memory_space<hbm>>
      %dma_wait3A_199 = tpu.memref_slice %arg12[%dma_wait3A_190] : memref<2x!tpu.dma_semaphore, #tpu.memory_space<semaphore_mem>> -> memref<1x!tpu.dma_semaphore, #tpu.memory_space<semaphore_mem>>
      %dma_wait3A_200 = tpu.memref_squeeze %dma_wait3A_199 : memref<1x!tpu.dma_semaphore, #tpu.memory_space<semaphore_mem>> -> memref<!tpu.dma_semaphore, #tpu.memory_space<semaphore_mem>>
      tpu.wait_indirect_dma semaphore(%dma_wait3A_200 : memref<!tpu.dma_semaphore, #tpu.memory_space<semaphore_mem>>) src(%dma_wait3A_198 : memref<10240x128xf32, #tpu.memory_space<hbm>>) dst(%dma_wait3A_194 : memref<128x128xf32, #tpu.memory_space<vmem>>)
      %mul3A_201 = arith.constant 10240 : i32
      %mul3A_202 = arith.muli %add3A, %mul3A_201 : i32
      %mul3A_203 = arith.constant 128 : i32
      %mul3A_204 = arith.muli %add3A_186, %mul3A_203 : i32
      %add3A_205 = arith.addi %mul3A_202, %mul3A_204 : i32
      %dma_wait3A_206 = arith.constant 1 : i32
      %dma_wait3A_207 = tpu.memref_slice %arg4[%add3A_205] : memref<327680xi32, #tpu.memory_space<hbm>> -> memref<128xi32, #tpu.memory_space<hbm>>
      %dma_wait3A_208 = tpu.memref_slice %arg13[%dma_wait3A_206] : memref<2x!tpu.dma_semaphore, #tpu.memory_space<semaphore_mem>> -> memref<1x!tpu.dma_semaphore, #tpu.memory_space<semaphore_mem>>
      %dma_wait3A_209 = tpu.memref_squeeze %dma_wait3A_208 : memref<1x!tpu.dma_semaphore, #tpu.memory_space<semaphore_mem>> -> memref<!tpu.dma_semaphore, #tpu.memory_space<semaphore_mem>>
      %dma_wait3A_210 = tpu.memref_slice %arg4[%add3A_205] : memref<327680xi32, #tpu.memory_space<hbm>> -> memref<128xi32, #tpu.memory_space<hbm>>
      tpu.wait_dma2 semaphore(%dma_wait3A_209 : memref<!tpu.dma_semaphore, #tpu.memory_space<semaphore_mem>>) src(%dma_wait3A_210 : memref<128xi32, #tpu.memory_space<hbm>>) dst(%arg10 : memref<128xi32, #tpu.memory_space<vmem>>)
      %run_scoped3A_211 = arith.constant 1 : i32
      "tpu.region"() ({
        %run_scoped3A_240 = tpu.sem_alloc : memref<!tpu.dma_semaphore, #tpu.memory_space<semaphore_mem>>
        %dma_start3A_241 = arith.constant 0 : i32
        %dma_start3A_242 = arith.constant 0 : i32
        %dma_start3A_243 = tpu.memref_slice %arg8[%run_scoped3A_211, %dma_start3A_241, %dma_start3A_242] : memref<2x128x128xf32, #tpu.memory_space<vmem>> -> memref<1x128x128xf32, #tpu.memory_space<vmem>>
        %dma_start3A_244 = tpu.memref_squeeze %dma_start3A_243 : memref<1x128x128xf32, #tpu.memory_space<vmem>> -> memref<128x128xf32, #tpu.memory_space<vmem>>
        %dma_start3A_245 = arith.constant 0 : i32
        %dma_start3A_246 = arith.constant 0 : i32
        %dma_start3A_247 = tpu.memref_slice %arg11[%dma_start3A_245, %dma_start3A_246] : memref<10240x128xf32, #tpu.memory_space<vmem_shared>> -> memref<10240x128xf32, #tpu.memory_space<vmem_shared>>
        tpu.enqueue_indirect_dma source(%dma_start3A_244 : memref<128x128xf32, #tpu.memory_space<vmem>>) target(%dma_start3A_247 : memref<10240x128xf32, #tpu.memory_space<vmem_shared>>) offsets(%arg10 : memref<128xi32, #tpu.memory_space<vmem>>) semaphore(%run_scoped3A_240 : memref<!tpu.dma_semaphore, #tpu.memory_space<semaphore_mem>>) {add = true}
        %dma_wait3A_248 = arith.constant 0 : i32
        %dma_wait3A_249 = arith.constant 0 : i32
        %dma_wait3A_250 = tpu.memref_slice %arg8[%run_scoped3A_211, %dma_wait3A_248, %dma_wait3A_249] : memref<2x128x128xf32, #tpu.memory_space<vmem>> -> memref<1x128x128xf32, #tpu.memory_space<vmem>>
        %dma_wait3A_251 = tpu.memref_squeeze %dma_wait3A_250 : memref<1x128x128xf32, #tpu.memory_space<vmem>> -> memref<128x128xf32, #tpu.memory_space<vmem>>
        %dma_wait3A_252 = arith.constant 0 : i32
        %dma_wait3A_253 = arith.constant 0 : i32
        %dma_wait3A_254 = tpu.memref_slice %arg11[%dma_wait3A_252, %dma_wait3A_253] : memref<10240x128xf32, #tpu.memory_space<vmem_shared>> -> memref<10240x128xf32, #tpu.memory_space<vmem_shared>>
        tpu.wait_indirect_dma semaphore(%run_scoped3A_240 : memref<!tpu.dma_semaphore, #tpu.memory_space<semaphore_mem>>) src(%dma_wait3A_251 : memref<128x128xf32, #tpu.memory_space<vmem>>) dst(%dma_wait3A_254 : memref<10240x128xf32, #tpu.memory_space<vmem_shared>>)
        tpu.yield
      }) : () -> ()
      %add3A_212 = arith.constant 2 : i32
      %add3A_213 = arith.addi %add3A_186, %add3A_212 : i32
      %min3A_214 = arith.constant 79 : i32
      %min3A_215 = arith.minsi %add3A_213, %min3A_214 : i32
      %mul3A_216 = arith.constant 128 : i32
      %mul3A_217 = arith.muli %min3A_215, %mul3A_216 : i32
      %dma_start3A_218 = arith.constant 1 : i32
      %dma_start3A_219 = arith.constant 1 : i32
      %dma_start3A_220 = arith.constant 0 : i32
      %dma_start3A_221 = arith.constant 0 : i32
      %dma_start3A_222 = tpu.memref_slice %arg8[%dma_start3A_218, %dma_start3A_220, %dma_start3A_221] : memref<2x128x128xf32, #tpu.memory_space<vmem>> -> memref<1x128x128xf32, #tpu.memory_space<vmem>>
      %dma_start3A_223 = tpu.memref_squeeze %dma_start3A_222 : memref<1x128x128xf32, #tpu.memory_space<vmem>> -> memref<128x128xf32, #tpu.memory_space<vmem>>
      %dma_start3A_224 = tpu.memref_slice %arg7[%mul3A_217] : memref<10240xi32, #tpu.memory_space<vmem>> -> memref<128xi32, #tpu.memory_space<vmem>>
      %dma_start3A_225 = arith.constant 0 : i32
      %dma_start3A_226 = arith.constant 0 : i32
      %dma_start3A_227 = tpu.memref_slice %arg2[%dma_start3A_225, %dma_start3A_226] : memref<10240x128xf32, #tpu.memory_space<hbm>> -> memref<10240x128xf32, #tpu.memory_space<hbm>>
      %dma_start3A_228 = tpu.memref_slice %arg12[%dma_start3A_219] : memref<2x!tpu.dma_semaphore, #tpu.memory_space<semaphore_mem>> -> memref<1x!tpu.dma_semaphore, #tpu.memory_space<semaphore_mem>>
      %dma_start3A_229 = tpu.memref_squeeze %dma_start3A_228 : memref<1x!tpu.dma_semaphore, #tpu.memory_space<semaphore_mem>> -> memref<!tpu.dma_semaphore, #tpu.memory_space<semaphore_mem>>
      tpu.enqueue_indirect_dma source(%dma_start3A_227 : memref<10240x128xf32, #tpu.memory_space<hbm>>) target(%dma_start3A_223 : memref<128x128xf32, #tpu.memory_space<vmem>>) offsets(%dma_start3A_224 : memref<128xi32, #tpu.memory_space<vmem>>) semaphore(%dma_start3A_229 : memref<!tpu.dma_semaphore, #tpu.memory_space<semaphore_mem>>)
      %mul3A_230 = arith.constant 10240 : i32
      %mul3A_231 = arith.muli %add3A, %mul3A_230 : i32
      %mul3A_232 = arith.constant 128 : i32
      %mul3A_233 = arith.muli %min3A_215, %mul3A_232 : i32
      %add3A_234 = arith.addi %mul3A_231, %mul3A_233 : i32
      %dma_start3A_235 = arith.constant 1 : i32
      %dma_start3A_236 = tpu.memref_slice %arg4[%add3A_234] : memref<327680xi32, #tpu.memory_space<hbm>> -> memref<128xi32, #tpu.memory_space<hbm>>
      %dma_start3A_237 = tpu.memref_slice %arg13[%dma_start3A_235] : memref<2x!tpu.dma_semaphore, #tpu.memory_space<semaphore_mem>> -> memref<1x!tpu.dma_semaphore, #tpu.memory_space<semaphore_mem>>
      %dma_start3A_238 = tpu.memref_squeeze %dma_start3A_237 : memref<1x!tpu.dma_semaphore, #tpu.memory_space<semaphore_mem>> -> memref<!tpu.dma_semaphore, #tpu.memory_space<semaphore_mem>>
      %dma_start3A_239 = tpu.memref_slice %arg4[%add3A_234] : memref<327680xi32, #tpu.memory_space<hbm>> -> memref<128xi32, #tpu.memory_space<hbm>>
      tpu.enqueue_dma source(%dma_start3A_239 : memref<128xi32, #tpu.memory_space<hbm>>) target(%arg10 : memref<128xi32, #tpu.memory_space<vmem>>) target_semaphore(%dma_start3A_238 : memref<!tpu.dma_semaphore, #tpu.memory_space<semaphore_mem>>)
    }
    %scan3A_62 = arith.constant 40 : i32
    %dma_wait3A = arith.constant 0 : i32
    %dma_wait3A_63 = arith.constant 0 : i32
    %dma_wait3A_64 = arith.constant 0 : i32
    %dma_wait3A_65 = arith.constant 0 : i32
    %dma_wait3A_66 = tpu.memref_slice %arg8[%dma_wait3A, %dma_wait3A_64, %dma_wait3A_65] : memref<2x128x128xf32, #tpu.memory_space<vmem>> -> memref<1x128x128xf32, #tpu.memory_space<vmem>>
    %dma_wait3A_67 = tpu.memref_squeeze %dma_wait3A_66 : memref<1x128x128xf32, #tpu.memory_space<vmem>> -> memref<128x128xf32, #tpu.memory_space<vmem>>
    %dma_wait3A_68 = arith.constant 10112 : i32
    %dma_wait3A_69 = tpu.memref_slice %arg7[%dma_wait3A_68] : memref<10240xi32, #tpu.memory_space<vmem>> -> memref<128xi32, #tpu.memory_space<vmem>>
    %dma_wait3A_70 = arith.constant 0 : i32
    %dma_wait3A_71 = arith.constant 0 : i32
    %dma_wait3A_72 = tpu.memref_slice %arg2[%dma_wait3A_70, %dma_wait3A_71] : memref<10240x128xf32, #tpu.memory_space<hbm>> -> memref<10240x128xf32, #tpu.memory_space<hbm>>
    %dma_wait3A_73 = tpu.memref_slice %arg12[%dma_wait3A_63] : memref<2x!tpu.dma_semaphore, #tpu.memory_space<semaphore_mem>> -> memref<1x!tpu.dma_semaphore, #tpu.memory_space<semaphore_mem>>
    %dma_wait3A_74 = tpu.memref_squeeze %dma_wait3A_73 : memref<1x!tpu.dma_semaphore, #tpu.memory_space<semaphore_mem>> -> memref<!tpu.dma_semaphore, #tpu.memory_space<semaphore_mem>>
    tpu.wait_indirect_dma semaphore(%dma_wait3A_74 : memref<!tpu.dma_semaphore, #tpu.memory_space<semaphore_mem>>) src(%dma_wait3A_72 : memref<10240x128xf32, #tpu.memory_space<hbm>>) dst(%dma_wait3A_67 : memref<128x128xf32, #tpu.memory_space<vmem>>)
    %mul3A_75 = arith.constant 10240 : i32
    %mul3A_76 = arith.muli %add3A, %mul3A_75 : i32
    %add3A_77 = arith.constant 10112 : i32
    %add3A_78 = arith.addi %mul3A_76, %add3A_77 : i32
    %dma_wait3A_79 = arith.constant 0 : i32
    %dma_wait3A_80 = tpu.memref_slice %arg4[%add3A_78] : memref<327680xi32, #tpu.memory_space<hbm>> -> memref<128xi32, #tpu.memory_space<hbm>>
    %dma_wait3A_81 = tpu.memref_slice %arg13[%dma_wait3A_79] : memref<2x!tpu.dma_semaphore, #tpu.memory_space<semaphore_mem>> -> memref<1x!tpu.dma_semaphore, #tpu.memory_space<semaphore_mem>>
    %dma_wait3A_82 = tpu.memref_squeeze %dma_wait3A_81 : memref<1x!tpu.dma_semaphore, #tpu.memory_space<semaphore_mem>> -> memref<!tpu.dma_semaphore, #tpu.memory_space<semaphore_mem>>
    %dma_wait3A_83 = tpu.memref_slice %arg4[%add3A_78] : memref<327680xi32, #tpu.memory_space<hbm>> -> memref<128xi32, #tpu.memory_space<hbm>>
    tpu.wait_dma2 semaphore(%dma_wait3A_82 : memref<!tpu.dma_semaphore, #tpu.memory_space<semaphore_mem>>) src(%dma_wait3A_83 : memref<128xi32, #tpu.memory_space<hbm>>) dst(%arg9 : memref<128xi32, #tpu.memory_space<vmem>>)
    %dma_wait3A_84 = arith.constant 1 : i32
    %dma_wait3A_85 = arith.constant 1 : i32
    %dma_wait3A_86 = arith.constant 0 : i32
    %dma_wait3A_87 = arith.constant 0 : i32
    %dma_wait3A_88 = tpu.memref_slice %arg8[%dma_wait3A_84, %dma_wait3A_86, %dma_wait3A_87] : memref<2x128x128xf32, #tpu.memory_space<vmem>> -> memref<1x128x128xf32, #tpu.memory_space<vmem>>
    %dma_wait3A_89 = tpu.memref_squeeze %dma_wait3A_88 : memref<1x128x128xf32, #tpu.memory_space<vmem>> -> memref<128x128xf32, #tpu.memory_space<vmem>>
    %dma_wait3A_90 = arith.constant 10112 : i32
    %dma_wait3A_91 = tpu.memref_slice %arg7[%dma_wait3A_90] : memref<10240xi32, #tpu.memory_space<vmem>> -> memref<128xi32, #tpu.memory_space<vmem>>
    %dma_wait3A_92 = arith.constant 0 : i32
    %dma_wait3A_93 = arith.constant 0 : i32
    %dma_wait3A_94 = tpu.memref_slice %arg2[%dma_wait3A_92, %dma_wait3A_93] : memref<10240x128xf32, #tpu.memory_space<hbm>> -> memref<10240x128xf32, #tpu.memory_space<hbm>>
    %dma_wait3A_95 = tpu.memref_slice %arg12[%dma_wait3A_85] : memref<2x!tpu.dma_semaphore, #tpu.memory_space<semaphore_mem>> -> memref<1x!tpu.dma_semaphore, #tpu.memory_space<semaphore_mem>>
    %dma_wait3A_96 = tpu.memref_squeeze %dma_wait3A_95 : memref<1x!tpu.dma_semaphore, #tpu.memory_space<semaphore_mem>> -> memref<!tpu.dma_semaphore, #tpu.memory_space<semaphore_mem>>
    tpu.wait_indirect_dma semaphore(%dma_wait3A_96 : memref<!tpu.dma_semaphore, #tpu.memory_space<semaphore_mem>>) src(%dma_wait3A_94 : memref<10240x128xf32, #tpu.memory_space<hbm>>) dst(%dma_wait3A_89 : memref<128x128xf32, #tpu.memory_space<vmem>>)
    %mul3A_97 = arith.constant 10240 : i32
    %mul3A_98 = arith.muli %add3A, %mul3A_97 : i32
    %add3A_99 = arith.constant 10112 : i32
    %add3A_100 = arith.addi %mul3A_98, %add3A_99 : i32
    %dma_wait3A_101 = arith.constant 1 : i32
    %dma_wait3A_102 = tpu.memref_slice %arg4[%add3A_100] : memref<327680xi32, #tpu.memory_space<hbm>> -> memref<128xi32, #tpu.memory_space<hbm>>
    %dma_wait3A_103 = tpu.memref_slice %arg13[%dma_wait3A_101] : memref<2x!tpu.dma_semaphore, #tpu.memory_space<semaphore_mem>> -> memref<1x!tpu.dma_semaphore, #tpu.memory_space<semaphore_mem>>
    %dma_wait3A_104 = tpu.memref_squeeze %dma_wait3A_103 : memref<1x!tpu.dma_semaphore, #tpu.memory_space<semaphore_mem>> -> memref<!tpu.dma_semaphore, #tpu.memory_space<semaphore_mem>>
    %dma_wait3A_105 = tpu.memref_slice %arg4[%add3A_100] : memref<327680xi32, #tpu.memory_space<hbm>> -> memref<128xi32, #tpu.memory_space<hbm>>
    tpu.wait_dma2 semaphore(%dma_wait3A_104 : memref<!tpu.dma_semaphore, #tpu.memory_space<semaphore_mem>>) src(%dma_wait3A_105 : memref<128xi32, #tpu.memory_space<hbm>>) dst(%arg10 : memref<128xi32, #tpu.memory_space<vmem>>)
    %barrier3A_106 = arith.constant 0 : index
    tpu.barrier barrier_id(%barrier3A_106)
    %add3A_107 = arith.constant 0 : i32
    %add3A_108 = arith.addi %mul3A_4, %add3A_107 : i32
    %add3A_109 = arith.constant 0 : i32
    %add3A_110 = arith.addi %mul3A_4, %add3A_109 : i32
    "tpu.region"() ({
      %run_scoped3A = tpu.sem_alloc : memref<!tpu.dma_semaphore, #tpu.memory_space<semaphore_mem>>
      %dma_start3A_127 = arith.constant 0 : i32
      %dma_start3A_128 = tpu.memref_slice %arg6[%arg0, %add3A_110, %dma_start3A_127] : memref<2x10240x128xf32, #tpu.memory_space<hbm>> -> memref<1x128x128xf32, #tpu.memory_space<hbm>>
      %dma_start3A_129 = tpu.memref_squeeze %dma_start3A_128 : memref<1x128x128xf32, #tpu.memory_space<hbm>> -> memref<128x128xf32, #tpu.memory_space<hbm>>
      %dma_start3A_130 = arith.constant 0 : i32
      %dma_start3A_131 = tpu.memref_slice %arg11[%add3A_108, %dma_start3A_130] : memref<10240x128xf32, #tpu.memory_space<vmem_shared>> -> memref<128x128xf32, #tpu.memory_space<vmem_shared>>
      tpu.enqueue_dma source(%dma_start3A_131 : memref<128x128xf32, #tpu.memory_space<vmem_shared>>) target(%dma_start3A_129 : memref<128x128xf32, #tpu.memory_space<hbm>>) target_semaphore(%run_scoped3A : memref<!tpu.dma_semaphore, #tpu.memory_space<semaphore_mem>>)
      %dma_wait3A_132 = arith.constant 0 : i32
      %dma_wait3A_133 = tpu.memref_slice %arg6[%arg0, %add3A_110, %dma_wait3A_132] : memref<2x10240x128xf32, #tpu.memory_space<hbm>> -> memref<1x128x128xf32, #tpu.memory_space<hbm>>
      %dma_wait3A_134 = tpu.memref_squeeze %dma_wait3A_133 : memref<1x128x128xf32, #tpu.memory_space<hbm>> -> memref<128x128xf32, #tpu.memory_space<hbm>>
      %dma_wait3A_135 = arith.constant 0 : i32
      %dma_wait3A_136 = tpu.memref_slice %arg11[%add3A_108, %dma_wait3A_135] : memref<10240x128xf32, #tpu.memory_space<vmem_shared>> -> memref<128x128xf32, #tpu.memory_space<vmem_shared>>
      tpu.wait_dma2 semaphore(%run_scoped3A : memref<!tpu.dma_semaphore, #tpu.memory_space<semaphore_mem>>) src(%dma_wait3A_136 : memref<128x128xf32, #tpu.memory_space<vmem_shared>>) dst(%dma_wait3A_134 : memref<128x128xf32, #tpu.memory_space<hbm>>)
      tpu.yield
    }) : () -> ()
    %add3A_111 = arith.constant 128 : i32
    %add3A_112 = arith.addi %mul3A_4, %add3A_111 : i32
    %add3A_113 = arith.constant 128 : i32
    %add3A_114 = arith.addi %mul3A_4, %add3A_113 : i32
    "tpu.region"() ({
      %run_scoped3A = tpu.sem_alloc : memref<!tpu.dma_semaphore, #tpu.memory_space<semaphore_mem>>
      %dma_start3A_127 = arith.constant 0 : i32
      %dma_start3A_128 = tpu.memref_slice %arg6[%arg0, %add3A_114, %dma_start3A_127] : memref<2x10240x128xf32, #tpu.memory_space<hbm>> -> memref<1x128x128xf32, #tpu.memory_space<hbm>>
      %dma_start3A_129 = tpu.memref_squeeze %dma_start3A_128 : memref<1x128x128xf32, #tpu.memory_space<hbm>> -> memref<128x128xf32, #tpu.memory_space<hbm>>
      %dma_start3A_130 = arith.constant 0 : i32
      %dma_start3A_131 = tpu.memref_slice %arg11[%add3A_112, %dma_start3A_130] : memref<10240x128xf32, #tpu.memory_space<vmem_shared>> -> memref<128x128xf32, #tpu.memory_space<vmem_shared>>
      tpu.enqueue_dma source(%dma_start3A_131 : memref<128x128xf32, #tpu.memory_space<vmem_shared>>) target(%dma_start3A_129 : memref<128x128xf32, #tpu.memory_space<hbm>>) target_semaphore(%run_scoped3A : memref<!tpu.dma_semaphore, #tpu.memory_space<semaphore_mem>>)
      %dma_wait3A_132 = arith.constant 0 : i32
      %dma_wait3A_133 = tpu.memref_slice %arg6[%arg0, %add3A_114, %dma_wait3A_132] : memref<2x10240x128xf32, #tpu.memory_space<hbm>> -> memref<1x128x128xf32, #tpu.memory_space<hbm>>
      %dma_wait3A_134 = tpu.memref_squeeze %dma_wait3A_133 : memref<1x128x128xf32, #tpu.memory_space<hbm>> -> memref<128x128xf32, #tpu.memory_space<hbm>>
      %dma_wait3A_135 = arith.constant 0 : i32
      %dma_wait3A_136 = tpu.memref_slice %arg11[%add3A_112, %dma_wait3A_135] : memref<10240x128xf32, #tpu.memory_space<vmem_shared>> -> memref<128x128xf32, #tpu.memory_space<vmem_shared>>
      tpu.wait_dma2 semaphore(%run_scoped3A : memref<!tpu.dma_semaphore, #tpu.memory_space<semaphore_mem>>) src(%dma_wait3A_136 : memref<128x128xf32, #tpu.memory_space<vmem_shared>>) dst(%dma_wait3A_134 : memref<128x128xf32, #tpu.memory_space<hbm>>)
      tpu.yield
    }) : () -> ()
    %add3A_115 = arith.constant 256 : i32
    %add3A_116 = arith.addi %mul3A_4, %add3A_115 : i32
    %add3A_117 = arith.constant 256 : i32
    %add3A_118 = arith.addi %mul3A_4, %add3A_117 : i32
    "tpu.region"() ({
      %run_scoped3A = tpu.sem_alloc : memref<!tpu.dma_semaphore, #tpu.memory_space<semaphore_mem>>
      %dma_start3A_127 = arith.constant 0 : i32
      %dma_start3A_128 = tpu.memref_slice %arg6[%arg0, %add3A_118, %dma_start3A_127] : memref<2x10240x128xf32, #tpu.memory_space<hbm>> -> memref<1x128x128xf32, #tpu.memory_space<hbm>>
      %dma_start3A_129 = tpu.memref_squeeze %dma_start3A_128 : memref<1x128x128xf32, #tpu.memory_space<hbm>> -> memref<128x128xf32, #tpu.memory_space<hbm>>
      %dma_start3A_130 = arith.constant 0 : i32
      %dma_start3A_131 = tpu.memref_slice %arg11[%add3A_116, %dma_start3A_130] : memref<10240x128xf32, #tpu.memory_space<vmem_shared>> -> memref<128x128xf32, #tpu.memory_space<vmem_shared>>
      tpu.enqueue_dma source(%dma_start3A_131 : memref<128x128xf32, #tpu.memory_space<vmem_shared>>) target(%dma_start3A_129 : memref<128x128xf32, #tpu.memory_space<hbm>>) target_semaphore(%run_scoped3A : memref<!tpu.dma_semaphore, #tpu.memory_space<semaphore_mem>>)
      %dma_wait3A_132 = arith.constant 0 : i32
      %dma_wait3A_133 = tpu.memref_slice %arg6[%arg0, %add3A_118, %dma_wait3A_132] : memref<2x10240x128xf32, #tpu.memory_space<hbm>> -> memref<1x128x128xf32, #tpu.memory_space<hbm>>
      %dma_wait3A_134 = tpu.memref_squeeze %dma_wait3A_133 : memref<1x128x128xf32, #tpu.memory_space<hbm>> -> memref<128x128xf32, #tpu.memory_space<hbm>>
      %dma_wait3A_135 = arith.constant 0 : i32
      %dma_wait3A_136 = tpu.memref_slice %arg11[%add3A_116, %dma_wait3A_135] : memref<10240x128xf32, #tpu.memory_space<vmem_shared>> -> memref<128x128xf32, #tpu.memory_space<vmem_shared>>
      tpu.wait_dma2 semaphore(%run_scoped3A : memref<!tpu.dma_semaphore, #tpu.memory_space<semaphore_mem>>) src(%dma_wait3A_136 : memref<128x128xf32, #tpu.memory_space<vmem_shared>>) dst(%dma_wait3A_134 : memref<128x128xf32, #tpu.memory_space<hbm>>)
      tpu.yield
    }) : () -> ()
    %add3A_119 = arith.constant 384 : i32
    %add3A_120 = arith.addi %mul3A_4, %add3A_119 : i32
    %add3A_121 = arith.constant 384 : i32
    %add3A_122 = arith.addi %mul3A_4, %add3A_121 : i32
    "tpu.region"() ({
      %run_scoped3A = tpu.sem_alloc : memref<!tpu.dma_semaphore, #tpu.memory_space<semaphore_mem>>
      %dma_start3A_127 = arith.constant 0 : i32
      %dma_start3A_128 = tpu.memref_slice %arg6[%arg0, %add3A_122, %dma_start3A_127] : memref<2x10240x128xf32, #tpu.memory_space<hbm>> -> memref<1x128x128xf32, #tpu.memory_space<hbm>>
      %dma_start3A_129 = tpu.memref_squeeze %dma_start3A_128 : memref<1x128x128xf32, #tpu.memory_space<hbm>> -> memref<128x128xf32, #tpu.memory_space<hbm>>
      %dma_start3A_130 = arith.constant 0 : i32
      %dma_start3A_131 = tpu.memref_slice %arg11[%add3A_120, %dma_start3A_130] : memref<10240x128xf32, #tpu.memory_space<vmem_shared>> -> memref<128x128xf32, #tpu.memory_space<vmem_shared>>
      tpu.enqueue_dma source(%dma_start3A_131 : memref<128x128xf32, #tpu.memory_space<vmem_shared>>) target(%dma_start3A_129 : memref<128x128xf32, #tpu.memory_space<hbm>>) target_semaphore(%run_scoped3A : memref<!tpu.dma_semaphore, #tpu.memory_space<semaphore_mem>>)
      %dma_wait3A_132 = arith.constant 0 : i32
      %dma_wait3A_133 = tpu.memref_slice %arg6[%arg0, %add3A_122, %dma_wait3A_132] : memref<2x10240x128xf32, #tpu.memory_space<hbm>> -> memref<1x128x128xf32, #tpu.memory_space<hbm>>
      %dma_wait3A_134 = tpu.memref_squeeze %dma_wait3A_133 : memref<1x128x128xf32, #tpu.memory_space<hbm>> -> memref<128x128xf32, #tpu.memory_space<hbm>>
      %dma_wait3A_135 = arith.constant 0 : i32
      %dma_wait3A_136 = tpu.memref_slice %arg11[%add3A_120, %dma_wait3A_135] : memref<10240x128xf32, #tpu.memory_space<vmem_shared>> -> memref<128x128xf32, #tpu.memory_space<vmem_shared>>
      tpu.wait_dma2 semaphore(%run_scoped3A : memref<!tpu.dma_semaphore, #tpu.memory_space<semaphore_mem>>) src(%dma_wait3A_136 : memref<128x128xf32, #tpu.memory_space<vmem_shared>>) dst(%dma_wait3A_134 : memref<128x128xf32, #tpu.memory_space<hbm>>)
      tpu.yield
    }) : () -> ()
    %add3A_123 = arith.constant 512 : i32
    %add3A_124 = arith.addi %mul3A_4, %add3A_123 : i32
    %add3A_125 = arith.constant 512 : i32
    %add3A_126 = arith.addi %mul3A_4, %add3A_125 : i32
    "tpu.region"() ({
      %run_scoped3A = tpu.sem_alloc : memref<!tpu.dma_semaphore, #tpu.memory_space<semaphore_mem>>
      %dma_start3A_127 = arith.constant 0 : i32
      %dma_start3A_128 = tpu.memref_slice %arg6[%arg0, %add3A_126, %dma_start3A_127] : memref<2x10240x128xf32, #tpu.memory_space<hbm>> -> memref<1x128x128xf32, #tpu.memory_space<hbm>>
      %dma_start3A_129 = tpu.memref_squeeze %dma_start3A_128 : memref<1x128x128xf32, #tpu.memory_space<hbm>> -> memref<128x128xf32, #tpu.memory_space<hbm>>
      %dma_start3A_130 = arith.constant 0 : i32
      %dma_start3A_131 = tpu.memref_slice %arg11[%add3A_124, %dma_start3A_130] : memref<10240x128xf32, #tpu.memory_space<vmem_shared>> -> memref<128x128xf32, #tpu.memory_space<vmem_shared>>
      tpu.enqueue_dma source(%dma_start3A_131 : memref<128x128xf32, #tpu.memory_space<vmem_shared>>) target(%dma_start3A_129 : memref<128x128xf32, #tpu.memory_space<hbm>>) target_semaphore(%run_scoped3A : memref<!tpu.dma_semaphore, #tpu.memory_space<semaphore_mem>>)
      %dma_wait3A_132 = arith.constant 0 : i32
      %dma_wait3A_133 = tpu.memref_slice %arg6[%arg0, %add3A_126, %dma_wait3A_132] : memref<2x10240x128xf32, #tpu.memory_space<hbm>> -> memref<1x128x128xf32, #tpu.memory_space<hbm>>
      %dma_wait3A_134 = tpu.memref_squeeze %dma_wait3A_133 : memref<1x128x128xf32, #tpu.memory_space<hbm>> -> memref<128x128xf32, #tpu.memory_space<hbm>>
      %dma_wait3A_135 = arith.constant 0 : i32
      %dma_wait3A_136 = tpu.memref_slice %arg11[%add3A_124, %dma_wait3A_135] : memref<10240x128xf32, #tpu.memory_space<vmem_shared>> -> memref<128x128xf32, #tpu.memory_space<vmem_shared>>
      tpu.wait_dma2 semaphore(%run_scoped3A : memref<!tpu.dma_semaphore, #tpu.memory_space<semaphore_mem>>) src(%dma_wait3A_136 : memref<128x128xf32, #tpu.memory_space<vmem_shared>>) dst(%dma_wait3A_134 : memref<128x128xf32, #tpu.memory_space<hbm>>)
      tpu.yield
    }) : () -> ()
    return
  }
}

#map = affine_map<(d0, d1) -> (0, 0)>
#map1 = affine_map<(d0, d1) -> (0)>
#map2 = affine_map<(d0, d1) -> (0, 0, 0)>
module attributes {stable_mosaic.version = 14 : i64} {
  func.func @_sc_pass_body(%arg0: i32, %arg1: i32, %arg2: memref<10240x128xf32, #tpu.memory_space<hbm>>, %arg3: memref<327680xi32, #tpu.memory_space<hbm>>, %arg4: memref<327680xi32, #tpu.memory_space<hbm>>, %arg5: memref<128x128xf32, #tpu.memory_space<hbm>>, %arg6: memref<2x10240x128xf32, #tpu.memory_space<hbm>>, %arg7: memref<10240xi32, #tpu.memory_space<vmem>>, %arg8: memref<2x128x128xf32, #tpu.memory_space<vmem>>, %arg9: memref<128xi32, #tpu.memory_space<vmem>>, %arg10: memref<128xi32, #tpu.memory_space<vmem>>, %arg11: memref<10240x128xf32, #tpu.memory_space<vmem_shared>>, %arg12: memref<2x!tpu.dma_semaphore, #tpu.memory_space<semaphore_mem>>, %arg13: memref<2x!tpu.dma_semaphore, #tpu.memory_space<semaphore_mem>>) attributes {dimension_semantics = [#tpu.dimension_semantics<core_parallel>, #tpu.dimension_semantics<subcore_parallel>], iteration_bounds = array<i64: 2, 16>, scalar_prefetch = 0 : i64, scratch_operands = 7 : i64, tpu.core_type = #tpu.core_type<sc_vector_subcore>, window_params = [{transform_indices = #map}, {transform_indices = #map1}, {transform_indices = #map1}, {transform_indices = #map}, {transform_indices = #map2}]} {
    %mul3A = arith.constant 2 : i32
    %mul3A_0 = arith.muli %arg1, %mul3A : i32
    %add3A = arith.addi %mul3A_0, %arg0 : i32
    %mul3A_1 = arith.constant 10240 : i32
    %mul3A_2 = arith.muli %add3A, %mul3A_1 : i32
    "tpu.region"() ({
      %run_scoped3A = tpu.sem_alloc : memref<!tpu.dma_semaphore, #tpu.memory_space<semaphore_mem>>
      %dma_start3A_127 = tpu.memref_slice %arg3[%mul3A_2] : memref<327680xi32, #tpu.memory_space<hbm>> -> memref<10240xi32, #tpu.memory_space<hbm>>
      %dma_start3A_128 = tpu.memref_slice %arg3[%mul3A_2] : memref<327680xi32, #tpu.memory_space<hbm>> -> memref<10240xi32, #tpu.memory_space<hbm>>
      tpu.enqueue_dma source(%dma_start3A_128 : memref<10240xi32, #tpu.memory_space<hbm>>) target(%arg7 : memref<10240xi32, #tpu.memory_space<vmem>>) target_semaphore(%run_scoped3A : memref<!tpu.dma_semaphore, #tpu.memory_space<semaphore_mem>>)
      %dma_wait3A_129 = tpu.memref_slice %arg3[%mul3A_2] : memref<327680xi32, #tpu.memory_space<hbm>> -> memref<10240xi32, #tpu.memory_space<hbm>>
      %dma_wait3A_130 = tpu.memref_slice %arg3[%mul3A_2] : memref<327680xi32, #tpu.memory_space<hbm>> -> memref<10240xi32, #tpu.memory_space<hbm>>
      tpu.wait_dma2 semaphore(%run_scoped3A : memref<!tpu.dma_semaphore, #tpu.memory_space<semaphore_mem>>) src(%dma_wait3A_130 : memref<10240xi32, #tpu.memory_space<hbm>>) dst(%arg7 : memref<10240xi32, #tpu.memory_space<vmem>>)
      tpu.yield
    }) : () -> ()
    %mul3A_3 = arith.constant 640 : i32
    %mul3A_4 = arith.muli %arg1, %mul3A_3 : i32
    %add3A_5 = arith.constant 0 : i32
    %add3A_6 = arith.addi %mul3A_4, %add3A_5 : i32
    "tpu.region"() ({
      %run_scoped3A = tpu.sem_alloc : memref<!tpu.dma_semaphore, #tpu.memory_space<semaphore_mem>>
      %dma_start3A_127 = arith.constant 0 : i32
      %dma_start3A_128 = tpu.memref_slice %arg11[%add3A_6, %dma_start3A_127] : memref<10240x128xf32, #tpu.memory_space<vmem_shared>> -> memref<128x128xf32, #tpu.memory_space<vmem_shared>>
      tpu.enqueue_dma source(%arg5 : memref<128x128xf32, #tpu.memory_space<hbm>>) target(%dma_start3A_128 : memref<128x128xf32, #tpu.memory_space<vmem_shared>>) target_semaphore(%run_scoped3A : memref<!tpu.dma_semaphore, #tpu.memory_space<semaphore_mem>>)
      %dma_wait3A_129 = arith.constant 0 : i32
      %dma_wait3A_130 = tpu.memref_slice %arg11[%add3A_6, %dma_wait3A_129] : memref<10240x128xf32, #tpu.memory_space<vmem_shared>> -> memref<128x128xf32, #tpu.memory_space<vmem_shared>>
      tpu.wait_dma2 semaphore(%run_scoped3A : memref<!tpu.dma_semaphore, #tpu.memory_space<semaphore_mem>>) src(%arg5 : memref<128x128xf32, #tpu.memory_space<hbm>>) dst(%dma_wait3A_130 : memref<128x128xf32, #tpu.memory_space<vmem_shared>>)
      tpu.yield
    }) : () -> ()
    %add3A_7 = arith.constant 128 : i32
    %add3A_8 = arith.addi %mul3A_4, %add3A_7 : i32
    "tpu.region"() ({
      %run_scoped3A = tpu.sem_alloc : memref<!tpu.dma_semaphore, #tpu.memory_space<semaphore_mem>>
      %dma_start3A_127 = arith.constant 0 : i32
      %dma_start3A_128 = tpu.memref_slice %arg11[%add3A_8, %dma_start3A_127] : memref<10240x128xf32, #tpu.memory_space<vmem_shared>> -> memref<128x128xf32, #tpu.memory_space<vmem_shared>>
      tpu.enqueue_dma source(%arg5 : memref<128x128xf32, #tpu.memory_space<hbm>>) target(%dma_start3A_128 : memref<128x128xf32, #tpu.memory_space<vmem_shared>>) target_semaphore(%run_scoped3A : memref<!tpu.dma_semaphore, #tpu.memory_space<semaphore_mem>>)
      %dma_wait3A_129 = arith.constant 0 : i32
      %dma_wait3A_130 = tpu.memref_slice %arg11[%add3A_8, %dma_wait3A_129] : memref<10240x128xf32, #tpu.memory_space<vmem_shared>> -> memref<128x128xf32, #tpu.memory_space<vmem_shared>>
      tpu.wait_dma2 semaphore(%run_scoped3A : memref<!tpu.dma_semaphore, #tpu.memory_space<semaphore_mem>>) src(%arg5 : memref<128x128xf32, #tpu.memory_space<hbm>>) dst(%dma_wait3A_130 : memref<128x128xf32, #tpu.memory_space<vmem_shared>>)
      tpu.yield
    }) : () -> ()
    %add3A_9 = arith.constant 256 : i32
    %add3A_10 = arith.addi %mul3A_4, %add3A_9 : i32
    "tpu.region"() ({
      %run_scoped3A = tpu.sem_alloc : memref<!tpu.dma_semaphore, #tpu.memory_space<semaphore_mem>>
      %dma_start3A_127 = arith.constant 0 : i32
      %dma_start3A_128 = tpu.memref_slice %arg11[%add3A_10, %dma_start3A_127] : memref<10240x128xf32, #tpu.memory_space<vmem_shared>> -> memref<128x128xf32, #tpu.memory_space<vmem_shared>>
      tpu.enqueue_dma source(%arg5 : memref<128x128xf32, #tpu.memory_space<hbm>>) target(%dma_start3A_128 : memref<128x128xf32, #tpu.memory_space<vmem_shared>>) target_semaphore(%run_scoped3A : memref<!tpu.dma_semaphore, #tpu.memory_space<semaphore_mem>>)
      %dma_wait3A_129 = arith.constant 0 : i32
      %dma_wait3A_130 = tpu.memref_slice %arg11[%add3A_10, %dma_wait3A_129] : memref<10240x128xf32, #tpu.memory_space<vmem_shared>> -> memref<128x128xf32, #tpu.memory_space<vmem_shared>>
      tpu.wait_dma2 semaphore(%run_scoped3A : memref<!tpu.dma_semaphore, #tpu.memory_space<semaphore_mem>>) src(%arg5 : memref<128x128xf32, #tpu.memory_space<hbm>>) dst(%dma_wait3A_130 : memref<128x128xf32, #tpu.memory_space<vmem_shared>>)
      tpu.yield
    }) : () -> ()
    %add3A_11 = arith.constant 384 : i32
    %add3A_12 = arith.addi %mul3A_4, %add3A_11 : i32
    "tpu.region"() ({
      %run_scoped3A = tpu.sem_alloc : memref<!tpu.dma_semaphore, #tpu.memory_space<semaphore_mem>>
      %dma_start3A_127 = arith.constant 0 : i32
      %dma_start3A_128 = tpu.memref_slice %arg11[%add3A_12, %dma_start3A_127] : memref<10240x128xf32, #tpu.memory_space<vmem_shared>> -> memref<128x128xf32, #tpu.memory_space<vmem_shared>>
      tpu.enqueue_dma source(%arg5 : memref<128x128xf32, #tpu.memory_space<hbm>>) target(%dma_start3A_128 : memref<128x128xf32, #tpu.memory_space<vmem_shared>>) target_semaphore(%run_scoped3A : memref<!tpu.dma_semaphore, #tpu.memory_space<semaphore_mem>>)
      %dma_wait3A_129 = arith.constant 0 : i32
      %dma_wait3A_130 = tpu.memref_slice %arg11[%add3A_12, %dma_wait3A_129] : memref<10240x128xf32, #tpu.memory_space<vmem_shared>> -> memref<128x128xf32, #tpu.memory_space<vmem_shared>>
      tpu.wait_dma2 semaphore(%run_scoped3A : memref<!tpu.dma_semaphore, #tpu.memory_space<semaphore_mem>>) src(%arg5 : memref<128x128xf32, #tpu.memory_space<hbm>>) dst(%dma_wait3A_130 : memref<128x128xf32, #tpu.memory_space<vmem_shared>>)
      tpu.yield
    }) : () -> ()
    %add3A_13 = arith.constant 512 : i32
    %add3A_14 = arith.addi %mul3A_4, %add3A_13 : i32
    "tpu.region"() ({
      %run_scoped3A = tpu.sem_alloc : memref<!tpu.dma_semaphore, #tpu.memory_space<semaphore_mem>>
      %dma_start3A_127 = arith.constant 0 : i32
      %dma_start3A_128 = tpu.memref_slice %arg11[%add3A_14, %dma_start3A_127] : memref<10240x128xf32, #tpu.memory_space<vmem_shared>> -> memref<128x128xf32, #tpu.memory_space<vmem_shared>>
      tpu.enqueue_dma source(%arg5 : memref<128x128xf32, #tpu.memory_space<hbm>>) target(%dma_start3A_128 : memref<128x128xf32, #tpu.memory_space<vmem_shared>>) target_semaphore(%run_scoped3A : memref<!tpu.dma_semaphore, #tpu.memory_space<semaphore_mem>>)
      %dma_wait3A_129 = arith.constant 0 : i32
      %dma_wait3A_130 = tpu.memref_slice %arg11[%add3A_14, %dma_wait3A_129] : memref<10240x128xf32, #tpu.memory_space<vmem_shared>> -> memref<128x128xf32, #tpu.memory_space<vmem_shared>>
      tpu.wait_dma2 semaphore(%run_scoped3A : memref<!tpu.dma_semaphore, #tpu.memory_space<semaphore_mem>>) src(%arg5 : memref<128x128xf32, #tpu.memory_space<hbm>>) dst(%dma_wait3A_130 : memref<128x128xf32, #tpu.memory_space<vmem_shared>>)
      tpu.yield
    }) : () -> ()
    %barrier3A = arith.constant 0 : index
    tpu.barrier barrier_id(%barrier3A)
    %dma_start3A = arith.constant 0 : i32
    %dma_start3A_15 = arith.constant 0 : i32
    %dma_start3A_16 = arith.constant 0 : i32
    %dma_start3A_17 = arith.constant 0 : i32
    %dma_start3A_18 = tpu.memref_slice %arg8[%dma_start3A, %dma_start3A_16, %dma_start3A_17] : memref<2x128x128xf32, #tpu.memory_space<vmem>> -> memref<1x128x128xf32, #tpu.memory_space<vmem>>
    %dma_start3A_19 = tpu.memref_squeeze %dma_start3A_18 : memref<1x128x128xf32, #tpu.memory_space<vmem>> -> memref<128x128xf32, #tpu.memory_space<vmem>>
    %dma_start3A_20 = arith.constant 0 : i32
    %dma_start3A_21 = tpu.memref_slice %arg7[%dma_start3A_20] : memref<10240xi32, #tpu.memory_space<vmem>> -> memref<128xi32, #tpu.memory_space<vmem>>
    %dma_start3A_22 = arith.constant 0 : i32
    %dma_start3A_23 = arith.constant 0 : i32
    %dma_start3A_24 = tpu.memref_slice %arg2[%dma_start3A_22, %dma_start3A_23] : memref<10240x128xf32, #tpu.memory_space<hbm>> -> memref<10240x128xf32, #tpu.memory_space<hbm>>
    %dma_start3A_25 = tpu.memref_slice %arg12[%dma_start3A_15] : memref<2x!tpu.dma_semaphore, #tpu.memory_space<semaphore_mem>> -> memref<1x!tpu.dma_semaphore, #tpu.memory_space<semaphore_mem>>
    %dma_start3A_26 = tpu.memref_squeeze %dma_start3A_25 : memref<1x!tpu.dma_semaphore, #tpu.memory_space<semaphore_mem>> -> memref<!tpu.dma_semaphore, #tpu.memory_space<semaphore_mem>>
    tpu.enqueue_indirect_dma source(%dma_start3A_24 : memref<10240x128xf32, #tpu.memory_space<hbm>>) target(%dma_start3A_19 : memref<128x128xf32, #tpu.memory_space<vmem>>) offsets(%dma_start3A_21 : memref<128xi32, #tpu.memory_space<vmem>>) semaphore(%dma_start3A_26 : memref<!tpu.dma_semaphore, #tpu.memory_space<semaphore_mem>>)
    %mul3A_27 = arith.constant 10240 : i32
    %mul3A_28 = arith.muli %add3A, %mul3A_27 : i32
    %add3A_29 = arith.constant 0 : i32
    %add3A_30 = arith.addi %mul3A_28, %add3A_29 : i32
    %dma_start3A_31 = arith.constant 0 : i32
    %dma_start3A_32 = tpu.memref_slice %arg4[%add3A_30] : memref<327680xi32, #tpu.memory_space<hbm>> -> memref<128xi32, #tpu.memory_space<hbm>>
    %dma_start3A_33 = tpu.memref_slice %arg13[%dma_start3A_31] : memref<2x!tpu.dma_semaphore, #tpu.memory_space<semaphore_mem>> -> memref<1x!tpu.dma_semaphore, #tpu.memory_space<semaphore_mem>>
    %dma_start3A_34 = tpu.memref_squeeze %dma_start3A_33 : memref<1x!tpu.dma_semaphore, #tpu.memory_space<semaphore_mem>> -> memref<!tpu.dma_semaphore, #tpu.memory_space<semaphore_mem>>
    %dma_start3A_35 = tpu.memref_slice %arg4[%add3A_30] : memref<327680xi32, #tpu.memory_space<hbm>> -> memref<128xi32, #tpu.memory_space<hbm>>
    tpu.enqueue_dma source(%dma_start3A_35 : memref<128xi32, #tpu.memory_space<hbm>>) target(%arg9 : memref<128xi32, #tpu.memory_space<vmem>>) target_semaphore(%dma_start3A_34 : memref<!tpu.dma_semaphore, #tpu.memory_space<semaphore_mem>>)
    %dma_start3A_36 = arith.constant 1 : i32
    %dma_start3A_37 = arith.constant 1 : i32
    %dma_start3A_38 = arith.constant 0 : i32
    %dma_start3A_39 = arith.constant 0 : i32
    %dma_start3A_40 = tpu.memref_slice %arg8[%dma_start3A_36, %dma_start3A_38, %dma_start3A_39] : memref<2x128x128xf32, #tpu.memory_space<vmem>> -> memref<1x128x128xf32, #tpu.memory_space<vmem>>
    %dma_start3A_41 = tpu.memref_squeeze %dma_start3A_40 : memref<1x128x128xf32, #tpu.memory_space<vmem>> -> memref<128x128xf32, #tpu.memory_space<vmem>>
    %dma_start3A_42 = arith.constant 128 : i32
    %dma_start3A_43 = tpu.memref_slice %arg7[%dma_start3A_42] : memref<10240xi32, #tpu.memory_space<vmem>> -> memref<128xi32, #tpu.memory_space<vmem>>
    %dma_start3A_44 = arith.constant 0 : i32
    %dma_start3A_45 = arith.constant 0 : i32
    %dma_start3A_46 = tpu.memref_slice %arg2[%dma_start3A_44, %dma_start3A_45] : memref<10240x128xf32, #tpu.memory_space<hbm>> -> memref<10240x128xf32, #tpu.memory_space<hbm>>
    %dma_start3A_47 = tpu.memref_slice %arg12[%dma_start3A_37] : memref<2x!tpu.dma_semaphore, #tpu.memory_space<semaphore_mem>> -> memref<1x!tpu.dma_semaphore, #tpu.memory_space<semaphore_mem>>
    %dma_start3A_48 = tpu.memref_squeeze %dma_start3A_47 : memref<1x!tpu.dma_semaphore, #tpu.memory_space<semaphore_mem>> -> memref<!tpu.dma_semaphore, #tpu.memory_space<semaphore_mem>>
    tpu.enqueue_indirect_dma source(%dma_start3A_46 : memref<10240x128xf32, #tpu.memory_space<hbm>>) target(%dma_start3A_41 : memref<128x128xf32, #tpu.memory_space<vmem>>) offsets(%dma_start3A_43 : memref<128xi32, #tpu.memory_space<vmem>>) semaphore(%dma_start3A_48 : memref<!tpu.dma_semaphore, #tpu.memory_space<semaphore_mem>>)
    %mul3A_49 = arith.constant 10240 : i32
    %mul3A_50 = arith.muli %add3A, %mul3A_49 : i32
    %add3A_51 = arith.constant 128 : i32
    %add3A_52 = arith.addi %mul3A_50, %add3A_51 : i32
    %dma_start3A_53 = arith.constant 1 : i32
    %dma_start3A_54 = tpu.memref_slice %arg4[%add3A_52] : memref<327680xi32, #tpu.memory_space<hbm>> -> memref<128xi32, #tpu.memory_space<hbm>>
    %dma_start3A_55 = tpu.memref_slice %arg13[%dma_start3A_53] : memref<2x!tpu.dma_semaphore, #tpu.memory_space<semaphore_mem>> -> memref<1x!tpu.dma_semaphore, #tpu.memory_space<semaphore_mem>>
    %dma_start3A_56 = tpu.memref_squeeze %dma_start3A_55 : memref<1x!tpu.dma_semaphore, #tpu.memory_space<semaphore_mem>> -> memref<!tpu.dma_semaphore, #tpu.memory_space<semaphore_mem>>
    %dma_start3A_57 = tpu.memref_slice %arg4[%add3A_52] : memref<327680xi32, #tpu.memory_space<hbm>> -> memref<128xi32, #tpu.memory_space<hbm>>
    tpu.enqueue_dma source(%dma_start3A_57 : memref<128xi32, #tpu.memory_space<hbm>>) target(%arg10 : memref<128xi32, #tpu.memory_space<vmem>>) target_semaphore(%dma_start3A_56 : memref<!tpu.dma_semaphore, #tpu.memory_space<semaphore_mem>>)
    %scan3A = arith.constant 0 : i32
    %scan3A_58 = arith.constant 0 : i32
    %scan3A_59 = arith.constant 40 : i32
    %scan3A_60 = arith.addi %scan3A_58, %scan3A_59 : i32
    %scan3A_61 = arith.constant 1 : i32
    scf.for %scan3A_127 = %scan3A_58 to %scan3A_60 step %scan3A_61  : i32 {
      %mul3A_128 = arith.constant 2 : i32
      %mul3A_129 = arith.muli %scan3A_127, %mul3A_128 : i32
      %add3A_130 = arith.constant 0 : i32
      %add3A_131 = arith.addi %mul3A_129, %add3A_130 : i32
      %mul3A_132 = arith.constant 128 : i32
      %mul3A_133 = arith.muli %add3A_131, %mul3A_132 : i32
      %dma_wait3A_134 = arith.constant 0 : i32
      %dma_wait3A_135 = arith.constant 0 : i32
      %dma_wait3A_136 = arith.constant 0 : i32
      %dma_wait3A_137 = arith.constant 0 : i32
      %dma_wait3A_138 = tpu.memref_slice %arg8[%dma_wait3A_134, %dma_wait3A_136, %dma_wait3A_137] : memref<2x128x128xf32, #tpu.memory_space<vmem>> -> memref<1x128x128xf32, #tpu.memory_space<vmem>>
      %dma_wait3A_139 = tpu.memref_squeeze %dma_wait3A_138 : memref<1x128x128xf32, #tpu.memory_space<vmem>> -> memref<128x128xf32, #tpu.memory_space<vmem>>
      %dma_wait3A_140 = tpu.memref_slice %arg7[%mul3A_133] : memref<10240xi32, #tpu.memory_space<vmem>> -> memref<128xi32, #tpu.memory_space<vmem>>
      %dma_wait3A_141 = arith.constant 0 : i32
      %dma_wait3A_142 = arith.constant 0 : i32
      %dma_wait3A_143 = tpu.memref_slice %arg2[%dma_wait3A_141, %dma_wait3A_142] : memref<10240x128xf32, #tpu.memory_space<hbm>> -> memref<10240x128xf32, #tpu.memory_space<hbm>>
      %dma_wait3A_144 = tpu.memref_slice %arg12[%dma_wait3A_135] : memref<2x!tpu.dma_semaphore, #tpu.memory_space<semaphore_mem>> -> memref<1x!tpu.dma_semaphore, #tpu.memory_space<semaphore_mem>>
      %dma_wait3A_145 = tpu.memref_squeeze %dma_wait3A_144 : memref<1x!tpu.dma_semaphore, #tpu.memory_space<semaphore_mem>> -> memref<!tpu.dma_semaphore, #tpu.memory_space<semaphore_mem>>
      tpu.wait_indirect_dma semaphore(%dma_wait3A_145 : memref<!tpu.dma_semaphore, #tpu.memory_space<semaphore_mem>>) src(%dma_wait3A_143 : memref<10240x128xf32, #tpu.memory_space<hbm>>) dst(%dma_wait3A_139 : memref<128x128xf32, #tpu.memory_space<vmem>>)
      %mul3A_146 = arith.constant 10240 : i32
      %mul3A_147 = arith.muli %add3A, %mul3A_146 : i32
      %mul3A_148 = arith.constant 128 : i32
      %mul3A_149 = arith.muli %add3A_131, %mul3A_148 : i32
      %add3A_150 = arith.addi %mul3A_147, %mul3A_149 : i32
      %dma_wait3A_151 = arith.constant 0 : i32
      %dma_wait3A_152 = tpu.memref_slice %arg4[%add3A_150] : memref<327680xi32, #tpu.memory_space<hbm>> -> memref<128xi32, #tpu.memory_space<hbm>>
      %dma_wait3A_153 = tpu.memref_slice %arg13[%dma_wait3A_151] : memref<2x!tpu.dma_semaphore, #tpu.memory_space<semaphore_mem>> -> memref<1x!tpu.dma_semaphore, #tpu.memory_space<semaphore_mem>>
      %dma_wait3A_154 = tpu.memref_squeeze %dma_wait3A_153 : memref<1x!tpu.dma_semaphore, #tpu.memory_space<semaphore_mem>> -> memref<!tpu.dma_semaphore, #tpu.memory_space<semaphore_mem>>
      %dma_wait3A_155 = tpu.memref_slice %arg4[%add3A_150] : memref<327680xi32, #tpu.memory_space<hbm>> -> memref<128xi32, #tpu.memory_space<hbm>>
      tpu.wait_dma2 semaphore(%dma_wait3A_154 : memref<!tpu.dma_semaphore, #tpu.memory_space<semaphore_mem>>) src(%dma_wait3A_155 : memref<128xi32, #tpu.memory_space<hbm>>) dst(%arg9 : memref<128xi32, #tpu.memory_space<vmem>>)
      %run_scoped3A = arith.constant 0 : i32
      "tpu.region"() ({
        %run_scoped3A_240 = tpu.sem_alloc : memref<!tpu.dma_semaphore, #tpu.memory_space<semaphore_mem>>
        %dma_start3A_241 = arith.constant 0 : i32
        %dma_start3A_242 = arith.constant 0 : i32
        %dma_start3A_243 = tpu.memref_slice %arg8[%run_scoped3A, %dma_start3A_241, %dma_start3A_242] : memref<2x128x128xf32, #tpu.memory_space<vmem>> -> memref<1x128x128xf32, #tpu.memory_space<vmem>>
        %dma_start3A_244 = tpu.memref_squeeze %dma_start3A_243 : memref<1x128x128xf32, #tpu.memory_space<vmem>> -> memref<128x128xf32, #tpu.memory_space<vmem>>
        %dma_start3A_245 = arith.constant 0 : i32
        %dma_start3A_246 = arith.constant 0 : i32
        %dma_start3A_247 = tpu.memref_slice %arg11[%dma_start3A_245, %dma_start3A_246] : memref<10240x128xf32, #tpu.memory_space<vmem_shared>> -> memref<10240x128xf32, #tpu.memory_space<vmem_shared>>
        tpu.enqueue_indirect_dma source(%dma_start3A_244 : memref<128x128xf32, #tpu.memory_space<vmem>>) target(%dma_start3A_247 : memref<10240x128xf32, #tpu.memory_space<vmem_shared>>) offsets(%arg9 : memref<128xi32, #tpu.memory_space<vmem>>) semaphore(%run_scoped3A_240 : memref<!tpu.dma_semaphore, #tpu.memory_space<semaphore_mem>>) {add = true}
        %dma_wait3A_248 = arith.constant 0 : i32
        %dma_wait3A_249 = arith.constant 0 : i32
        %dma_wait3A_250 = tpu.memref_slice %arg8[%run_scoped3A, %dma_wait3A_248, %dma_wait3A_249] : memref<2x128x128xf32, #tpu.memory_space<vmem>> -> memref<1x128x128xf32, #tpu.memory_space<vmem>>
        %dma_wait3A_251 = tpu.memref_squeeze %dma_wait3A_250 : memref<1x128x128xf32, #tpu.memory_space<vmem>> -> memref<128x128xf32, #tpu.memory_space<vmem>>
        %dma_wait3A_252 = arith.constant 0 : i32
        %dma_wait3A_253 = arith.constant 0 : i32
        %dma_wait3A_254 = tpu.memref_slice %arg11[%dma_wait3A_252, %dma_wait3A_253] : memref<10240x128xf32, #tpu.memory_space<vmem_shared>> -> memref<10240x128xf32, #tpu.memory_space<vmem_shared>>
        tpu.wait_indirect_dma semaphore(%run_scoped3A_240 : memref<!tpu.dma_semaphore, #tpu.memory_space<semaphore_mem>>) src(%dma_wait3A_251 : memref<128x128xf32, #tpu.memory_space<vmem>>) dst(%dma_wait3A_254 : memref<10240x128xf32, #tpu.memory_space<vmem_shared>>)
        tpu.yield
      }) : () -> ()
      %add3A_156 = arith.constant 2 : i32
      %add3A_157 = arith.addi %add3A_131, %add3A_156 : i32
      %min3A = arith.constant 79 : i32
      %min3A_158 = arith.minsi %add3A_157, %min3A : i32
      %mul3A_159 = arith.constant 128 : i32
      %mul3A_160 = arith.muli %min3A_158, %mul3A_159 : i32
      %dma_start3A_161 = arith.constant 0 : i32
      %dma_start3A_162 = arith.constant 0 : i32
      %dma_start3A_163 = arith.constant 0 : i32
      %dma_start3A_164 = arith.constant 0 : i32
      %dma_start3A_165 = tpu.memref_slice %arg8[%dma_start3A_161, %dma_start3A_163, %dma_start3A_164] : memref<2x128x128xf32, #tpu.memory_space<vmem>> -> memref<1x128x128xf32, #tpu.memory_space<vmem>>
      %dma_start3A_166 = tpu.memref_squeeze %dma_start3A_165 : memref<1x128x128xf32, #tpu.memory_space<vmem>> -> memref<128x128xf32, #tpu.memory_space<vmem>>
      %dma_start3A_167 = tpu.memref_slice %arg7[%mul3A_160] : memref<10240xi32, #tpu.memory_space<vmem>> -> memref<128xi32, #tpu.memory_space<vmem>>
      %dma_start3A_168 = arith.constant 0 : i32
      %dma_start3A_169 = arith.constant 0 : i32
      %dma_start3A_170 = tpu.memref_slice %arg2[%dma_start3A_168, %dma_start3A_169] : memref<10240x128xf32, #tpu.memory_space<hbm>> -> memref<10240x128xf32, #tpu.memory_space<hbm>>
      %dma_start3A_171 = tpu.memref_slice %arg12[%dma_start3A_162] : memref<2x!tpu.dma_semaphore, #tpu.memory_space<semaphore_mem>> -> memref<1x!tpu.dma_semaphore, #tpu.memory_space<semaphore_mem>>
      %dma_start3A_172 = tpu.memref_squeeze %dma_start3A_171 : memref<1x!tpu.dma_semaphore, #tpu.memory_space<semaphore_mem>> -> memref<!tpu.dma_semaphore, #tpu.memory_space<semaphore_mem>>
      tpu.enqueue_indirect_dma source(%dma_start3A_170 : memref<10240x128xf32, #tpu.memory_space<hbm>>) target(%dma_start3A_166 : memref<128x128xf32, #tpu.memory_space<vmem>>) offsets(%dma_start3A_167 : memref<128xi32, #tpu.memory_space<vmem>>) semaphore(%dma_start3A_172 : memref<!tpu.dma_semaphore, #tpu.memory_space<semaphore_mem>>)
      %mul3A_173 = arith.constant 10240 : i32
      %mul3A_174 = arith.muli %add3A, %mul3A_173 : i32
      %mul3A_175 = arith.constant 128 : i32
      %mul3A_176 = arith.muli %min3A_158, %mul3A_175 : i32
      %add3A_177 = arith.addi %mul3A_174, %mul3A_176 : i32
      %dma_start3A_178 = arith.constant 0 : i32
      %dma_start3A_179 = tpu.memref_slice %arg4[%add3A_177] : memref<327680xi32, #tpu.memory_space<hbm>> -> memref<128xi32, #tpu.memory_space<hbm>>
      %dma_start3A_180 = tpu.memref_slice %arg13[%dma_start3A_178] : memref<2x!tpu.dma_semaphore, #tpu.memory_space<semaphore_mem>> -> memref<1x!tpu.dma_semaphore, #tpu.memory_space<semaphore_mem>>
      %dma_start3A_181 = tpu.memref_squeeze %dma_start3A_180 : memref<1x!tpu.dma_semaphore, #tpu.memory_space<semaphore_mem>> -> memref<!tpu.dma_semaphore, #tpu.memory_space<semaphore_mem>>
      %dma_start3A_182 = tpu.memref_slice %arg4[%add3A_177] : memref<327680xi32, #tpu.memory_space<hbm>> -> memref<128xi32, #tpu.memory_space<hbm>>
      tpu.enqueue_dma source(%dma_start3A_182 : memref<128xi32, #tpu.memory_space<hbm>>) target(%arg9 : memref<128xi32, #tpu.memory_space<vmem>>) target_semaphore(%dma_start3A_181 : memref<!tpu.dma_semaphore, #tpu.memory_space<semaphore_mem>>)
      %mul3A_183 = arith.constant 2 : i32
      %mul3A_184 = arith.muli %scan3A_127, %mul3A_183 : i32
      %add3A_185 = arith.constant 1 : i32
      %add3A_186 = arith.addi %mul3A_184, %add3A_185 : i32
      %mul3A_187 = arith.constant 128 : i32
      %mul3A_188 = arith.muli %add3A_186, %mul3A_187 : i32
      %dma_wait3A_189 = arith.constant 1 : i32
      %dma_wait3A_190 = arith.constant 1 : i32
      %dma_wait3A_191 = arith.constant 0 : i32
      %dma_wait3A_192 = arith.constant 0 : i32
      %dma_wait3A_193 = tpu.memref_slice %arg8[%dma_wait3A_189, %dma_wait3A_191, %dma_wait3A_192] : memref<2x128x128xf32, #tpu.memory_space<vmem>> -> memref<1x128x128xf32, #tpu.memory_space<vmem>>
      %dma_wait3A_194 = tpu.memref_squeeze %dma_wait3A_193 : memref<1x128x128xf32, #tpu.memory_space<vmem>> -> memref<128x128xf32, #tpu.memory_space<vmem>>
      %dma_wait3A_195 = tpu.memref_slice %arg7[%mul3A_188] : memref<10240xi32, #tpu.memory_space<vmem>> -> memref<128xi32, #tpu.memory_space<vmem>>
      %dma_wait3A_196 = arith.constant 0 : i32
      %dma_wait3A_197 = arith.constant 0 : i32
      %dma_wait3A_198 = tpu.memref_slice %arg2[%dma_wait3A_196, %dma_wait3A_197] : memref<10240x128xf32, #tpu.memory_space<hbm>> -> memref<10240x128xf32, #tpu.memory_space<hbm>>
      %dma_wait3A_199 = tpu.memref_slice %arg12[%dma_wait3A_190] : memref<2x!tpu.dma_semaphore, #tpu.memory_space<semaphore_mem>> -> memref<1x!tpu.dma_semaphore, #tpu.memory_space<semaphore_mem>>
      %dma_wait3A_200 = tpu.memref_squeeze %dma_wait3A_199 : memref<1x!tpu.dma_semaphore, #tpu.memory_space<semaphore_mem>> -> memref<!tpu.dma_semaphore, #tpu.memory_space<semaphore_mem>>
      tpu.wait_indirect_dma semaphore(%dma_wait3A_200 : memref<!tpu.dma_semaphore, #tpu.memory_space<semaphore_mem>>) src(%dma_wait3A_198 : memref<10240x128xf32, #tpu.memory_space<hbm>>) dst(%dma_wait3A_194 : memref<128x128xf32, #tpu.memory_space<vmem>>)
      %mul3A_201 = arith.constant 10240 : i32
      %mul3A_202 = arith.muli %add3A, %mul3A_201 : i32
      %mul3A_203 = arith.constant 128 : i32
      %mul3A_204 = arith.muli %add3A_186, %mul3A_203 : i32
      %add3A_205 = arith.addi %mul3A_202, %mul3A_204 : i32
      %dma_wait3A_206 = arith.constant 1 : i32
      %dma_wait3A_207 = tpu.memref_slice %arg4[%add3A_205] : memref<327680xi32, #tpu.memory_space<hbm>> -> memref<128xi32, #tpu.memory_space<hbm>>
      %dma_wait3A_208 = tpu.memref_slice %arg13[%dma_wait3A_206] : memref<2x!tpu.dma_semaphore, #tpu.memory_space<semaphore_mem>> -> memref<1x!tpu.dma_semaphore, #tpu.memory_space<semaphore_mem>>
      %dma_wait3A_209 = tpu.memref_squeeze %dma_wait3A_208 : memref<1x!tpu.dma_semaphore, #tpu.memory_space<semaphore_mem>> -> memref<!tpu.dma_semaphore, #tpu.memory_space<semaphore_mem>>
      %dma_wait3A_210 = tpu.memref_slice %arg4[%add3A_205] : memref<327680xi32, #tpu.memory_space<hbm>> -> memref<128xi32, #tpu.memory_space<hbm>>
      tpu.wait_dma2 semaphore(%dma_wait3A_209 : memref<!tpu.dma_semaphore, #tpu.memory_space<semaphore_mem>>) src(%dma_wait3A_210 : memref<128xi32, #tpu.memory_space<hbm>>) dst(%arg10 : memref<128xi32, #tpu.memory_space<vmem>>)
      %run_scoped3A_211 = arith.constant 1 : i32
      "tpu.region"() ({
        %run_scoped3A_240 = tpu.sem_alloc : memref<!tpu.dma_semaphore, #tpu.memory_space<semaphore_mem>>
        %dma_start3A_241 = arith.constant 0 : i32
        %dma_start3A_242 = arith.constant 0 : i32
        %dma_start3A_243 = tpu.memref_slice %arg8[%run_scoped3A_211, %dma_start3A_241, %dma_start3A_242] : memref<2x128x128xf32, #tpu.memory_space<vmem>> -> memref<1x128x128xf32, #tpu.memory_space<vmem>>
        %dma_start3A_244 = tpu.memref_squeeze %dma_start3A_243 : memref<1x128x128xf32, #tpu.memory_space<vmem>> -> memref<128x128xf32, #tpu.memory_space<vmem>>
        %dma_start3A_245 = arith.constant 0 : i32
        %dma_start3A_246 = arith.constant 0 : i32
        %dma_start3A_247 = tpu.memref_slice %arg11[%dma_start3A_245, %dma_start3A_246] : memref<10240x128xf32, #tpu.memory_space<vmem_shared>> -> memref<10240x128xf32, #tpu.memory_space<vmem_shared>>
        tpu.enqueue_indirect_dma source(%dma_start3A_244 : memref<128x128xf32, #tpu.memory_space<vmem>>) target(%dma_start3A_247 : memref<10240x128xf32, #tpu.memory_space<vmem_shared>>) offsets(%arg10 : memref<128xi32, #tpu.memory_space<vmem>>) semaphore(%run_scoped3A_240 : memref<!tpu.dma_semaphore, #tpu.memory_space<semaphore_mem>>) {add = true}
        %dma_wait3A_248 = arith.constant 0 : i32
        %dma_wait3A_249 = arith.constant 0 : i32
        %dma_wait3A_250 = tpu.memref_slice %arg8[%run_scoped3A_211, %dma_wait3A_248, %dma_wait3A_249] : memref<2x128x128xf32, #tpu.memory_space<vmem>> -> memref<1x128x128xf32, #tpu.memory_space<vmem>>
        %dma_wait3A_251 = tpu.memref_squeeze %dma_wait3A_250 : memref<1x128x128xf32, #tpu.memory_space<vmem>> -> memref<128x128xf32, #tpu.memory_space<vmem>>
        %dma_wait3A_252 = arith.constant 0 : i32
        %dma_wait3A_253 = arith.constant 0 : i32
        %dma_wait3A_254 = tpu.memref_slice %arg11[%dma_wait3A_252, %dma_wait3A_253] : memref<10240x128xf32, #tpu.memory_space<vmem_shared>> -> memref<10240x128xf32, #tpu.memory_space<vmem_shared>>
        tpu.wait_indirect_dma semaphore(%run_scoped3A_240 : memref<!tpu.dma_semaphore, #tpu.memory_space<semaphore_mem>>) src(%dma_wait3A_251 : memref<128x128xf32, #tpu.memory_space<vmem>>) dst(%dma_wait3A_254 : memref<10240x128xf32, #tpu.memory_space<vmem_shared>>)
        tpu.yield
      }) : () -> ()
      %add3A_212 = arith.constant 2 : i32
      %add3A_213 = arith.addi %add3A_186, %add3A_212 : i32
      %min3A_214 = arith.constant 79 : i32
      %min3A_215 = arith.minsi %add3A_213, %min3A_214 : i32
      %mul3A_216 = arith.constant 128 : i32
      %mul3A_217 = arith.muli %min3A_215, %mul3A_216 : i32
      %dma_start3A_218 = arith.constant 1 : i32
      %dma_start3A_219 = arith.constant 1 : i32
      %dma_start3A_220 = arith.constant 0 : i32
      %dma_start3A_221 = arith.constant 0 : i32
      %dma_start3A_222 = tpu.memref_slice %arg8[%dma_start3A_218, %dma_start3A_220, %dma_start3A_221] : memref<2x128x128xf32, #tpu.memory_space<vmem>> -> memref<1x128x128xf32, #tpu.memory_space<vmem>>
      %dma_start3A_223 = tpu.memref_squeeze %dma_start3A_222 : memref<1x128x128xf32, #tpu.memory_space<vmem>> -> memref<128x128xf32, #tpu.memory_space<vmem>>
      %dma_start3A_224 = tpu.memref_slice %arg7[%mul3A_217] : memref<10240xi32, #tpu.memory_space<vmem>> -> memref<128xi32, #tpu.memory_space<vmem>>
      %dma_start3A_225 = arith.constant 0 : i32
      %dma_start3A_226 = arith.constant 0 : i32
      %dma_start3A_227 = tpu.memref_slice %arg2[%dma_start3A_225, %dma_start3A_226] : memref<10240x128xf32, #tpu.memory_space<hbm>> -> memref<10240x128xf32, #tpu.memory_space<hbm>>
      %dma_start3A_228 = tpu.memref_slice %arg12[%dma_start3A_219] : memref<2x!tpu.dma_semaphore, #tpu.memory_space<semaphore_mem>> -> memref<1x!tpu.dma_semaphore, #tpu.memory_space<semaphore_mem>>
      %dma_start3A_229 = tpu.memref_squeeze %dma_start3A_228 : memref<1x!tpu.dma_semaphore, #tpu.memory_space<semaphore_mem>> -> memref<!tpu.dma_semaphore, #tpu.memory_space<semaphore_mem>>
      tpu.enqueue_indirect_dma source(%dma_start3A_227 : memref<10240x128xf32, #tpu.memory_space<hbm>>) target(%dma_start3A_223 : memref<128x128xf32, #tpu.memory_space<vmem>>) offsets(%dma_start3A_224 : memref<128xi32, #tpu.memory_space<vmem>>) semaphore(%dma_start3A_229 : memref<!tpu.dma_semaphore, #tpu.memory_space<semaphore_mem>>)
      %mul3A_230 = arith.constant 10240 : i32
      %mul3A_231 = arith.muli %add3A, %mul3A_230 : i32
      %mul3A_232 = arith.constant 128 : i32
      %mul3A_233 = arith.muli %min3A_215, %mul3A_232 : i32
      %add3A_234 = arith.addi %mul3A_231, %mul3A_233 : i32
      %dma_start3A_235 = arith.constant 1 : i32
      %dma_start3A_236 = tpu.memref_slice %arg4[%add3A_234] : memref<327680xi32, #tpu.memory_space<hbm>> -> memref<128xi32, #tpu.memory_space<hbm>>
      %dma_start3A_237 = tpu.memref_slice %arg13[%dma_start3A_235] : memref<2x!tpu.dma_semaphore, #tpu.memory_space<semaphore_mem>> -> memref<1x!tpu.dma_semaphore, #tpu.memory_space<semaphore_mem>>
      %dma_start3A_238 = tpu.memref_squeeze %dma_start3A_237 : memref<1x!tpu.dma_semaphore, #tpu.memory_space<semaphore_mem>> -> memref<!tpu.dma_semaphore, #tpu.memory_space<semaphore_mem>>
      %dma_start3A_239 = tpu.memref_slice %arg4[%add3A_234] : memref<327680xi32, #tpu.memory_space<hbm>> -> memref<128xi32, #tpu.memory_space<hbm>>
      tpu.enqueue_dma source(%dma_start3A_239 : memref<128xi32, #tpu.memory_space<hbm>>) target(%arg10 : memref<128xi32, #tpu.memory_space<vmem>>) target_semaphore(%dma_start3A_238 : memref<!tpu.dma_semaphore, #tpu.memory_space<semaphore_mem>>)
    }
    %scan3A_62 = arith.constant 40 : i32
    %dma_wait3A = arith.constant 0 : i32
    %dma_wait3A_63 = arith.constant 0 : i32
    %dma_wait3A_64 = arith.constant 0 : i32
    %dma_wait3A_65 = arith.constant 0 : i32
    %dma_wait3A_66 = tpu.memref_slice %arg8[%dma_wait3A, %dma_wait3A_64, %dma_wait3A_65] : memref<2x128x128xf32, #tpu.memory_space<vmem>> -> memref<1x128x128xf32, #tpu.memory_space<vmem>>
    %dma_wait3A_67 = tpu.memref_squeeze %dma_wait3A_66 : memref<1x128x128xf32, #tpu.memory_space<vmem>> -> memref<128x128xf32, #tpu.memory_space<vmem>>
    %dma_wait3A_68 = arith.constant 10112 : i32
    %dma_wait3A_69 = tpu.memref_slice %arg7[%dma_wait3A_68] : memref<10240xi32, #tpu.memory_space<vmem>> -> memref<128xi32, #tpu.memory_space<vmem>>
    %dma_wait3A_70 = arith.constant 0 : i32
    %dma_wait3A_71 = arith.constant 0 : i32
    %dma_wait3A_72 = tpu.memref_slice %arg2[%dma_wait3A_70, %dma_wait3A_71] : memref<10240x128xf32, #tpu.memory_space<hbm>> -> memref<10240x128xf32, #tpu.memory_space<hbm>>
    %dma_wait3A_73 = tpu.memref_slice %arg12[%dma_wait3A_63] : memref<2x!tpu.dma_semaphore, #tpu.memory_space<semaphore_mem>> -> memref<1x!tpu.dma_semaphore, #tpu.memory_space<semaphore_mem>>
    %dma_wait3A_74 = tpu.memref_squeeze %dma_wait3A_73 : memref<1x!tpu.dma_semaphore, #tpu.memory_space<semaphore_mem>> -> memref<!tpu.dma_semaphore, #tpu.memory_space<semaphore_mem>>
    tpu.wait_indirect_dma semaphore(%dma_wait3A_74 : memref<!tpu.dma_semaphore, #tpu.memory_space<semaphore_mem>>) src(%dma_wait3A_72 : memref<10240x128xf32, #tpu.memory_space<hbm>>) dst(%dma_wait3A_67 : memref<128x128xf32, #tpu.memory_space<vmem>>)
    %mul3A_75 = arith.constant 10240 : i32
    %mul3A_76 = arith.muli %add3A, %mul3A_75 : i32
    %add3A_77 = arith.constant 10112 : i32
    %add3A_78 = arith.addi %mul3A_76, %add3A_77 : i32
    %dma_wait3A_79 = arith.constant 0 : i32
    %dma_wait3A_80 = tpu.memref_slice %arg4[%add3A_78] : memref<327680xi32, #tpu.memory_space<hbm>> -> memref<128xi32, #tpu.memory_space<hbm>>
    %dma_wait3A_81 = tpu.memref_slice %arg13[%dma_wait3A_79] : memref<2x!tpu.dma_semaphore, #tpu.memory_space<semaphore_mem>> -> memref<1x!tpu.dma_semaphore, #tpu.memory_space<semaphore_mem>>
    %dma_wait3A_82 = tpu.memref_squeeze %dma_wait3A_81 : memref<1x!tpu.dma_semaphore, #tpu.memory_space<semaphore_mem>> -> memref<!tpu.dma_semaphore, #tpu.memory_space<semaphore_mem>>
    %dma_wait3A_83 = tpu.memref_slice %arg4[%add3A_78] : memref<327680xi32, #tpu.memory_space<hbm>> -> memref<128xi32, #tpu.memory_space<hbm>>
    tpu.wait_dma2 semaphore(%dma_wait3A_82 : memref<!tpu.dma_semaphore, #tpu.memory_space<semaphore_mem>>) src(%dma_wait3A_83 : memref<128xi32, #tpu.memory_space<hbm>>) dst(%arg9 : memref<128xi32, #tpu.memory_space<vmem>>)
    %dma_wait3A_84 = arith.constant 1 : i32
    %dma_wait3A_85 = arith.constant 1 : i32
    %dma_wait3A_86 = arith.constant 0 : i32
    %dma_wait3A_87 = arith.constant 0 : i32
    %dma_wait3A_88 = tpu.memref_slice %arg8[%dma_wait3A_84, %dma_wait3A_86, %dma_wait3A_87] : memref<2x128x128xf32, #tpu.memory_space<vmem>> -> memref<1x128x128xf32, #tpu.memory_space<vmem>>
    %dma_wait3A_89 = tpu.memref_squeeze %dma_wait3A_88 : memref<1x128x128xf32, #tpu.memory_space<vmem>> -> memref<128x128xf32, #tpu.memory_space<vmem>>
    %dma_wait3A_90 = arith.constant 10112 : i32
    %dma_wait3A_91 = tpu.memref_slice %arg7[%dma_wait3A_90] : memref<10240xi32, #tpu.memory_space<vmem>> -> memref<128xi32, #tpu.memory_space<vmem>>
    %dma_wait3A_92 = arith.constant 0 : i32
    %dma_wait3A_93 = arith.constant 0 : i32
    %dma_wait3A_94 = tpu.memref_slice %arg2[%dma_wait3A_92, %dma_wait3A_93] : memref<10240x128xf32, #tpu.memory_space<hbm>> -> memref<10240x128xf32, #tpu.memory_space<hbm>>
    %dma_wait3A_95 = tpu.memref_slice %arg12[%dma_wait3A_85] : memref<2x!tpu.dma_semaphore, #tpu.memory_space<semaphore_mem>> -> memref<1x!tpu.dma_semaphore, #tpu.memory_space<semaphore_mem>>
    %dma_wait3A_96 = tpu.memref_squeeze %dma_wait3A_95 : memref<1x!tpu.dma_semaphore, #tpu.memory_space<semaphore_mem>> -> memref<!tpu.dma_semaphore, #tpu.memory_space<semaphore_mem>>
    tpu.wait_indirect_dma semaphore(%dma_wait3A_96 : memref<!tpu.dma_semaphore, #tpu.memory_space<semaphore_mem>>) src(%dma_wait3A_94 : memref<10240x128xf32, #tpu.memory_space<hbm>>) dst(%dma_wait3A_89 : memref<128x128xf32, #tpu.memory_space<vmem>>)
    %mul3A_97 = arith.constant 10240 : i32
    %mul3A_98 = arith.muli %add3A, %mul3A_97 : i32
    %add3A_99 = arith.constant 10112 : i32
    %add3A_100 = arith.addi %mul3A_98, %add3A_99 : i32
    %dma_wait3A_101 = arith.constant 1 : i32
    %dma_wait3A_102 = tpu.memref_slice %arg4[%add3A_100] : memref<327680xi32, #tpu.memory_space<hbm>> -> memref<128xi32, #tpu.memory_space<hbm>>
    %dma_wait3A_103 = tpu.memref_slice %arg13[%dma_wait3A_101] : memref<2x!tpu.dma_semaphore, #tpu.memory_space<semaphore_mem>> -> memref<1x!tpu.dma_semaphore, #tpu.memory_space<semaphore_mem>>
    %dma_wait3A_104 = tpu.memref_squeeze %dma_wait3A_103 : memref<1x!tpu.dma_semaphore, #tpu.memory_space<semaphore_mem>> -> memref<!tpu.dma_semaphore, #tpu.memory_space<semaphore_mem>>
    %dma_wait3A_105 = tpu.memref_slice %arg4[%add3A_100] : memref<327680xi32, #tpu.memory_space<hbm>> -> memref<128xi32, #tpu.memory_space<hbm>>
    tpu.wait_dma2 semaphore(%dma_wait3A_104 : memref<!tpu.dma_semaphore, #tpu.memory_space<semaphore_mem>>) src(%dma_wait3A_105 : memref<128xi32, #tpu.memory_space<hbm>>) dst(%arg10 : memref<128xi32, #tpu.memory_space<vmem>>)
    %barrier3A_106 = arith.constant 0 : index
    tpu.barrier barrier_id(%barrier3A_106)
    %add3A_107 = arith.constant 0 : i32
    %add3A_108 = arith.addi %mul3A_4, %add3A_107 : i32
    %add3A_109 = arith.constant 0 : i32
    %add3A_110 = arith.addi %mul3A_4, %add3A_109 : i32
    "tpu.region"() ({
      %run_scoped3A = tpu.sem_alloc : memref<!tpu.dma_semaphore, #tpu.memory_space<semaphore_mem>>
      %dma_start3A_127 = arith.constant 0 : i32
      %dma_start3A_128 = tpu.memref_slice %arg6[%arg0, %add3A_110, %dma_start3A_127] : memref<2x10240x128xf32, #tpu.memory_space<hbm>> -> memref<1x128x128xf32, #tpu.memory_space<hbm>>
      %dma_start3A_129 = tpu.memref_squeeze %dma_start3A_128 : memref<1x128x128xf32, #tpu.memory_space<hbm>> -> memref<128x128xf32, #tpu.memory_space<hbm>>
      %dma_start3A_130 = arith.constant 0 : i32
      %dma_start3A_131 = tpu.memref_slice %arg11[%add3A_108, %dma_start3A_130] : memref<10240x128xf32, #tpu.memory_space<vmem_shared>> -> memref<128x128xf32, #tpu.memory_space<vmem_shared>>
      tpu.enqueue_dma source(%dma_start3A_131 : memref<128x128xf32, #tpu.memory_space<vmem_shared>>) target(%dma_start3A_129 : memref<128x128xf32, #tpu.memory_space<hbm>>) target_semaphore(%run_scoped3A : memref<!tpu.dma_semaphore, #tpu.memory_space<semaphore_mem>>)
      %dma_wait3A_132 = arith.constant 0 : i32
      %dma_wait3A_133 = tpu.memref_slice %arg6[%arg0, %add3A_110, %dma_wait3A_132] : memref<2x10240x128xf32, #tpu.memory_space<hbm>> -> memref<1x128x128xf32, #tpu.memory_space<hbm>>
      %dma_wait3A_134 = tpu.memref_squeeze %dma_wait3A_133 : memref<1x128x128xf32, #tpu.memory_space<hbm>> -> memref<128x128xf32, #tpu.memory_space<hbm>>
      %dma_wait3A_135 = arith.constant 0 : i32
      %dma_wait3A_136 = tpu.memref_slice %arg11[%add3A_108, %dma_wait3A_135] : memref<10240x128xf32, #tpu.memory_space<vmem_shared>> -> memref<128x128xf32, #tpu.memory_space<vmem_shared>>
      tpu.wait_dma2 semaphore(%run_scoped3A : memref<!tpu.dma_semaphore, #tpu.memory_space<semaphore_mem>>) src(%dma_wait3A_136 : memref<128x128xf32, #tpu.memory_space<vmem_shared>>) dst(%dma_wait3A_134 : memref<128x128xf32, #tpu.memory_space<hbm>>)
      tpu.yield
    }) : () -> ()
    %add3A_111 = arith.constant 128 : i32
    %add3A_112 = arith.addi %mul3A_4, %add3A_111 : i32
    %add3A_113 = arith.constant 128 : i32
    %add3A_114 = arith.addi %mul3A_4, %add3A_113 : i32
    "tpu.region"() ({
      %run_scoped3A = tpu.sem_alloc : memref<!tpu.dma_semaphore, #tpu.memory_space<semaphore_mem>>
      %dma_start3A_127 = arith.constant 0 : i32
      %dma_start3A_128 = tpu.memref_slice %arg6[%arg0, %add3A_114, %dma_start3A_127] : memref<2x10240x128xf32, #tpu.memory_space<hbm>> -> memref<1x128x128xf32, #tpu.memory_space<hbm>>
      %dma_start3A_129 = tpu.memref_squeeze %dma_start3A_128 : memref<1x128x128xf32, #tpu.memory_space<hbm>> -> memref<128x128xf32, #tpu.memory_space<hbm>>
      %dma_start3A_130 = arith.constant 0 : i32
      %dma_start3A_131 = tpu.memref_slice %arg11[%add3A_112, %dma_start3A_130] : memref<10240x128xf32, #tpu.memory_space<vmem_shared>> -> memref<128x128xf32, #tpu.memory_space<vmem_shared>>
      tpu.enqueue_dma source(%dma_start3A_131 : memref<128x128xf32, #tpu.memory_space<vmem_shared>>) target(%dma_start3A_129 : memref<128x128xf32, #tpu.memory_space<hbm>>) target_semaphore(%run_scoped3A : memref<!tpu.dma_semaphore, #tpu.memory_space<semaphore_mem>>)
      %dma_wait3A_132 = arith.constant 0 : i32
      %dma_wait3A_133 = tpu.memref_slice %arg6[%arg0, %add3A_114, %dma_wait3A_132] : memref<2x10240x128xf32, #tpu.memory_space<hbm>> -> memref<1x128x128xf32, #tpu.memory_space<hbm>>
      %dma_wait3A_134 = tpu.memref_squeeze %dma_wait3A_133 : memref<1x128x128xf32, #tpu.memory_space<hbm>> -> memref<128x128xf32, #tpu.memory_space<hbm>>
      %dma_wait3A_135 = arith.constant 0 : i32
      %dma_wait3A_136 = tpu.memref_slice %arg11[%add3A_112, %dma_wait3A_135] : memref<10240x128xf32, #tpu.memory_space<vmem_shared>> -> memref<128x128xf32, #tpu.memory_space<vmem_shared>>
      tpu.wait_dma2 semaphore(%run_scoped3A : memref<!tpu.dma_semaphore, #tpu.memory_space<semaphore_mem>>) src(%dma_wait3A_136 : memref<128x128xf32, #tpu.memory_space<vmem_shared>>) dst(%dma_wait3A_134 : memref<128x128xf32, #tpu.memory_space<hbm>>)
      tpu.yield
    }) : () -> ()
    %add3A_115 = arith.constant 256 : i32
    %add3A_116 = arith.addi %mul3A_4, %add3A_115 : i32
    %add3A_117 = arith.constant 256 : i32
    %add3A_118 = arith.addi %mul3A_4, %add3A_117 : i32
    "tpu.region"() ({
      %run_scoped3A = tpu.sem_alloc : memref<!tpu.dma_semaphore, #tpu.memory_space<semaphore_mem>>
      %dma_start3A_127 = arith.constant 0 : i32
      %dma_start3A_128 = tpu.memref_slice %arg6[%arg0, %add3A_118, %dma_start3A_127] : memref<2x10240x128xf32, #tpu.memory_space<hbm>> -> memref<1x128x128xf32, #tpu.memory_space<hbm>>
      %dma_start3A_129 = tpu.memref_squeeze %dma_start3A_128 : memref<1x128x128xf32, #tpu.memory_space<hbm>> -> memref<128x128xf32, #tpu.memory_space<hbm>>
      %dma_start3A_130 = arith.constant 0 : i32
      %dma_start3A_131 = tpu.memref_slice %arg11[%add3A_116, %dma_start3A_130] : memref<10240x128xf32, #tpu.memory_space<vmem_shared>> -> memref<128x128xf32, #tpu.memory_space<vmem_shared>>
      tpu.enqueue_dma source(%dma_start3A_131 : memref<128x128xf32, #tpu.memory_space<vmem_shared>>) target(%dma_start3A_129 : memref<128x128xf32, #tpu.memory_space<hbm>>) target_semaphore(%run_scoped3A : memref<!tpu.dma_semaphore, #tpu.memory_space<semaphore_mem>>)
      %dma_wait3A_132 = arith.constant 0 : i32
      %dma_wait3A_133 = tpu.memref_slice %arg6[%arg0, %add3A_118, %dma_wait3A_132] : memref<2x10240x128xf32, #tpu.memory_space<hbm>> -> memref<1x128x128xf32, #tpu.memory_space<hbm>>
      %dma_wait3A_134 = tpu.memref_squeeze %dma_wait3A_133 : memref<1x128x128xf32, #tpu.memory_space<hbm>> -> memref<128x128xf32, #tpu.memory_space<hbm>>
      %dma_wait3A_135 = arith.constant 0 : i32
      %dma_wait3A_136 = tpu.memref_slice %arg11[%add3A_116, %dma_wait3A_135] : memref<10240x128xf32, #tpu.memory_space<vmem_shared>> -> memref<128x128xf32, #tpu.memory_space<vmem_shared>>
      tpu.wait_dma2 semaphore(%run_scoped3A : memref<!tpu.dma_semaphore, #tpu.memory_space<semaphore_mem>>) src(%dma_wait3A_136 : memref<128x128xf32, #tpu.memory_space<vmem_shared>>) dst(%dma_wait3A_134 : memref<128x128xf32, #tpu.memory_space<hbm>>)
      tpu.yield
    }) : () -> ()
    %add3A_119 = arith.constant 384 : i32
    %add3A_120 = arith.addi %mul3A_4, %add3A_119 : i32
    %add3A_121 = arith.constant 384 : i32
    %add3A_122 = arith.addi %mul3A_4, %add3A_121 : i32
    "tpu.region"() ({
      %run_scoped3A = tpu.sem_alloc : memref<!tpu.dma_semaphore, #tpu.memory_space<semaphore_mem>>
      %dma_start3A_127 = arith.constant 0 : i32
      %dma_start3A_128 = tpu.memref_slice %arg6[%arg0, %add3A_122, %dma_start3A_127] : memref<2x10240x128xf32, #tpu.memory_space<hbm>> -> memref<1x128x128xf32, #tpu.memory_space<hbm>>
      %dma_start3A_129 = tpu.memref_squeeze %dma_start3A_128 : memref<1x128x128xf32, #tpu.memory_space<hbm>> -> memref<128x128xf32, #tpu.memory_space<hbm>>
      %dma_start3A_130 = arith.constant 0 : i32
      %dma_start3A_131 = tpu.memref_slice %arg11[%add3A_120, %dma_start3A_130] : memref<10240x128xf32, #tpu.memory_space<vmem_shared>> -> memref<128x128xf32, #tpu.memory_space<vmem_shared>>
      tpu.enqueue_dma source(%dma_start3A_131 : memref<128x128xf32, #tpu.memory_space<vmem_shared>>) target(%dma_start3A_129 : memref<128x128xf32, #tpu.memory_space<hbm>>) target_semaphore(%run_scoped3A : memref<!tpu.dma_semaphore, #tpu.memory_space<semaphore_mem>>)
      %dma_wait3A_132 = arith.constant 0 : i32
      %dma_wait3A_133 = tpu.memref_slice %arg6[%arg0, %add3A_122, %dma_wait3A_132] : memref<2x10240x128xf32, #tpu.memory_space<hbm>> -> memref<1x128x128xf32, #tpu.memory_space<hbm>>
      %dma_wait3A_134 = tpu.memref_squeeze %dma_wait3A_133 : memref<1x128x128xf32, #tpu.memory_space<hbm>> -> memref<128x128xf32, #tpu.memory_space<hbm>>
      %dma_wait3A_135 = arith.constant 0 : i32
      %dma_wait3A_136 = tpu.memref_slice %arg11[%add3A_120, %dma_wait3A_135] : memref<10240x128xf32, #tpu.memory_space<vmem_shared>> -> memref<128x128xf32, #tpu.memory_space<vmem_shared>>
      tpu.wait_dma2 semaphore(%run_scoped3A : memref<!tpu.dma_semaphore, #tpu.memory_space<semaphore_mem>>) src(%dma_wait3A_136 : memref<128x128xf32, #tpu.memory_space<vmem_shared>>) dst(%dma_wait3A_134 : memref<128x128xf32, #tpu.memory_space<hbm>>)
      tpu.yield
    }) : () -> ()
    %add3A_123 = arith.constant 512 : i32
    %add3A_124 = arith.addi %mul3A_4, %add3A_123 : i32
    %add3A_125 = arith.constant 512 : i32
    %add3A_126 = arith.addi %mul3A_4, %add3A_125 : i32
    "tpu.region"() ({
      %run_scoped3A = tpu.sem_alloc : memref<!tpu.dma_semaphore, #tpu.memory_space<semaphore_mem>>
      %dma_start3A_127 = arith.constant 0 : i32
      %dma_start3A_128 = tpu.memref_slice %arg6[%arg0, %add3A_126, %dma_start3A_127] : memref<2x10240x128xf32, #tpu.memory_space<hbm>> -> memref<1x128x128xf32, #tpu.memory_space<hbm>>
      %dma_start3A_129 = tpu.memref_squeeze %dma_start3A_128 : memref<1x128x128xf32, #tpu.memory_space<hbm>> -> memref<128x128xf32, #tpu.memory_space<hbm>>
      %dma_start3A_130 = arith.constant 0 : i32
      %dma_start3A_131 = tpu.memref_slice %arg11[%add3A_124, %dma_start3A_130] : memref<10240x128xf32, #tpu.memory_space<vmem_shared>> -> memref<128x128xf32, #tpu.memory_space<vmem_shared>>
      tpu.enqueue_dma source(%dma_start3A_131 : memref<128x128xf32, #tpu.memory_space<vmem_shared>>) target(%dma_start3A_129 : memref<128x128xf32, #tpu.memory_space<hbm>>) target_semaphore(%run_scoped3A : memref<!tpu.dma_semaphore, #tpu.memory_space<semaphore_mem>>)
      %dma_wait3A_132 = arith.constant 0 : i32
      %dma_wait3A_133 = tpu.memref_slice %arg6[%arg0, %add3A_126, %dma_wait3A_132] : memref<2x10240x128xf32, #tpu.memory_space<hbm>> -> memref<1x128x128xf32, #tpu.memory_space<hbm>>
      %dma_wait3A_134 = tpu.memref_squeeze %dma_wait3A_133 : memref<1x128x128xf32, #tpu.memory_space<hbm>> -> memref<128x128xf32, #tpu.memory_space<hbm>>
      %dma_wait3A_135 = arith.constant 0 : i32
      %dma_wait3A_136 = tpu.memref_slice %arg11[%add3A_124, %dma_wait3A_135] : memref<10240x128xf32, #tpu.memory_space<vmem_shared>> -> memref<128x128xf32, #tpu.memory_space<vmem_shared>>
      tpu.wait_dma2 semaphore(%run_scoped3A : memref<!tpu.dma_semaphore, #tpu.memory_space<semaphore_mem>>) src(%dma_wait3A_136 : memref<128x128xf32, #tpu.memory_space<vmem_shared>>) dst(%dma_wait3A_134 : memref<128x128xf32, #tpu.memory_space<hbm>>)
      tpu.yield
    }) : () -> ()
    return
  }
}

module attributes {stable_mosaic.version = 14 : i64} {
  func.func @_mm_body(%arg0: memref<10240x128xf32, #tpu.memory_space<vmem>>, %arg1: memref<128x128xf32, #tpu.memory_space<vmem>>, %arg2: memref<10240x128xf32, #tpu.memory_space<vmem>>) attributes {dimension_semantics = [], scalar_prefetch = 0 : i64, scratch_operands = 0 : i64, tpu.core_type = #tpu.core_type<tc>} {
    %get3A = arith.constant 0 : index
    %get3A_0 = arith.constant 0 : index
    %get3A_1 = vector.load %arg0[%get3A, %get3A_0] : memref<10240x128xf32, #tpu.memory_space<vmem>>, vector<10240x128xf32>
    %get3A_2 = arith.constant 0 : index
    %get3A_3 = arith.constant 0 : index
    %get3A_4 = vector.load %arg1[%get3A_2, %get3A_3] : memref<128x128xf32, #tpu.memory_space<vmem>>, vector<128x128xf32>
    %dot_general3A = arith.constant dense<0.000000e+00> : vector<10240x128xf32>
    %dot_general3A_5 = tpu.matmul %get3A_1, %get3A_4, %dot_general3A {dimension_numbers = #tpu.dot_dimension_numbers<[1], [0], [0], [1], [0, 0, 1, 1], [], []>, transpose_lhs_hint = false} : vector<10240x128xf32>, vector<128x128xf32>, vector<10240x128xf32> -> vector<10240x128xf32>
    %swap3A = arith.constant 0 : index
    %swap3A_6 = arith.constant 0 : index
    %swap3A_7 = vector.load %arg2[%swap3A, %swap3A_6] : memref<10240x128xf32, #tpu.memory_space<vmem>>, vector<10240x128xf32>
    tpu.vector_store %arg2[%swap3A, %swap3A_6], %dot_general3A_5 {strides = array<i32>} : memref<10240x128xf32, #tpu.memory_space<vmem>>, vector<10240x128xf32>,
    return
  }
}

module attributes {stable_mosaic.version = 14 : i64} {
  func.func @_scale_body(%arg0: memref<2x10240x128xf32, #tpu.memory_space<vmem>>, %arg1: memref<12288x2xf32, #tpu.memory_space<vmem>>, %arg2: memref<10240x128xf32, #tpu.memory_space<vmem>>) attributes {dimension_semantics = [], scalar_prefetch = 0 : i64, scratch_operands = 0 : i64, tpu.core_type = #tpu.core_type<tc>} {
    %get3A = arith.constant 0 : index
    %get3A_0 = arith.constant 0 : index
    %get3A_1 = arith.constant 0 : index
    %get3A_2 = vector.load %arg0[%get3A, %get3A_0, %get3A_1] : memref<2x10240x128xf32, #tpu.memory_space<vmem>>, vector<1x10240x128xf32>
    %get3A_3 = vector.shape_cast %get3A_2 : vector<1x10240x128xf32> to vector<10240x128xf32>
    %get3A_4 = arith.constant 1 : index
    %get3A_5 = arith.constant 0 : index
    %get3A_6 = arith.constant 0 : index
    %get3A_7 = vector.load %arg0[%get3A_4, %get3A_5, %get3A_6] : memref<2x10240x128xf32, #tpu.memory_space<vmem>>, vector<1x10240x128xf32>
    %get3A_8 = vector.shape_cast %get3A_7 : vector<1x10240x128xf32> to vector<10240x128xf32>
    %add3A = arith.addf %get3A_3, %get3A_8 : vector<10240x128xf32>
    %get3A_9 = arith.constant 0 : index
    %get3A_10 = arith.constant 0 : index
    %get3A_11 = vector.load %arg1[%get3A_9, %get3A_10] : memref<12288x2xf32, #tpu.memory_space<vmem>>, vector<12288x2xf32>
    %slice3A = vector.extract_strided_slice %get3A_11 {offsets = [0, 0], sizes = [12288, 1], strides = [1, 1]} : vector<12288x2xf32> to vector<12288x1xf32>
    %slice3A_12 = vector.extract_strided_slice %get3A_11 {offsets = [0, 1], sizes = [12288, 1], strides = [1, 1]} : vector<12288x2xf32> to vector<12288x1xf32>
    %add3A_13 = arith.addf %slice3A, %slice3A_12 : vector<12288x1xf32>
    %gt3A = arith.constant 0.000000e+00 : f32
    %gt3A_14 = vector.broadcast %gt3A : f32 to vector<12288x1xf32>
    %gt3A_15 = arith.cmpf ogt, %add3A_13, %gt3A_14 : vector<12288x1xf32>
    %div3A = arith.constant 1.000000e+00 : f32
    %div3A_16 = vector.broadcast %div3A : f32 to vector<12288x1xf32>
    %div3A_17 = arith.divf %div3A_16, %add3A_13 : vector<12288x1xf32>
    %jit3A = arith.constant 0.000000e+00 : f32
    %broadcast_in_dim3A = vector.broadcast %jit3A : f32 to vector<12288x1xf32>
    %select_n3A = arith.select %gt3A_15, %div3A_17, %broadcast_in_dim3A : vector<12288x1xi1>, vector<12288x1xf32>
    %slice3A_18 = vector.extract_strided_slice %select_n3A {offsets = [0, 0], sizes = [10240, 1], strides = [1, 1]} : vector<12288x1xf32> to vector<10240x1xf32>
    %mul3A = vector.broadcast %slice3A_18 : vector<10240x1xf32> to vector<10240x128xf32>
    %mul3A_19 = arith.mulf %add3A, %mul3A : vector<10240x128xf32>
    %swap3A = arith.constant 0 : index
    %swap3A_20 = arith.constant 0 : index
    %swap3A_21 = vector.load %arg2[%swap3A, %swap3A_20] : memref<10240x128xf32, #tpu.memory_space<vmem>>, vector<10240x128xf32>
    tpu.vector_store %arg2[%swap3A, %swap3A_20], %mul3A_19 {strides = array<i32>} : memref<10240x128xf32, #tpu.memory_space<vmem>>, vector<10240x128xf32>,
    return
  }
}

module attributes {stable_mosaic.version = 14 : i64} {
  func.func @_relu_mm_body(%arg0: memref<2x10240x128xf32, #tpu.memory_space<vmem>>, %arg1: memref<12288x2xf32, #tpu.memory_space<vmem>>, %arg2: memref<1x128xf32, #tpu.memory_space<vmem>>, %arg3: memref<128x128xf32, #tpu.memory_space<vmem>>, %arg4: memref<10240x128xf32, #tpu.memory_space<vmem>>) attributes {dimension_semantics = [], scalar_prefetch = 0 : i64, scratch_operands = 0 : i64, tpu.core_type = #tpu.core_type<tc>} {
    %get3A = arith.constant 0 : index
    %get3A_0 = arith.constant 0 : index
    %get3A_1 = arith.constant 0 : index
    %get3A_2 = vector.load %arg0[%get3A, %get3A_0, %get3A_1] : memref<2x10240x128xf32, #tpu.memory_space<vmem>>, vector<1x10240x128xf32>
    %get3A_3 = vector.shape_cast %get3A_2 : vector<1x10240x128xf32> to vector<10240x128xf32>
    %get3A_4 = arith.constant 1 : index
    %get3A_5 = arith.constant 0 : index
    %get3A_6 = arith.constant 0 : index
    %get3A_7 = vector.load %arg0[%get3A_4, %get3A_5, %get3A_6] : memref<2x10240x128xf32, #tpu.memory_space<vmem>>, vector<1x10240x128xf32>
    %get3A_8 = vector.shape_cast %get3A_7 : vector<1x10240x128xf32> to vector<10240x128xf32>
    %add3A = arith.addf %get3A_3, %get3A_8 : vector<10240x128xf32>
    %get3A_9 = arith.constant 0 : index
    %get3A_10 = arith.constant 0 : index
    %get3A_11 = vector.load %arg1[%get3A_9, %get3A_10] : memref<12288x2xf32, #tpu.memory_space<vmem>>, vector<12288x2xf32>
    %slice3A = vector.extract_strided_slice %get3A_11 {offsets = [0, 0], sizes = [12288, 1], strides = [1, 1]} : vector<12288x2xf32> to vector<12288x1xf32>
    %slice3A_12 = vector.extract_strided_slice %get3A_11 {offsets = [0, 1], sizes = [12288, 1], strides = [1, 1]} : vector<12288x2xf32> to vector<12288x1xf32>
    %add3A_13 = arith.addf %slice3A, %slice3A_12 : vector<12288x1xf32>
    %gt3A = arith.constant 0.000000e+00 : f32
    %gt3A_14 = vector.broadcast %gt3A : f32 to vector<12288x1xf32>
    %gt3A_15 = arith.cmpf ogt, %add3A_13, %gt3A_14 : vector<12288x1xf32>
    %div3A = arith.constant 1.000000e+00 : f32
    %div3A_16 = vector.broadcast %div3A : f32 to vector<12288x1xf32>
    %div3A_17 = arith.divf %div3A_16, %add3A_13 : vector<12288x1xf32>
    %jit3A = arith.constant 0.000000e+00 : f32
    %broadcast_in_dim3A = vector.broadcast %jit3A : f32 to vector<12288x1xf32>
    %select_n3A = arith.select %gt3A_15, %div3A_17, %broadcast_in_dim3A : vector<12288x1xi1>, vector<12288x1xf32>
    %slice3A_18 = vector.extract_strided_slice %select_n3A {offsets = [0, 0], sizes = [10240, 1], strides = [1, 1]} : vector<12288x1xf32> to vector<10240x1xf32>
    %mul3A = vector.broadcast %slice3A_18 : vector<10240x1xf32> to vector<10240x128xf32>
    %mul3A_19 = arith.mulf %add3A, %mul3A : vector<10240x128xf32>
    %get3A_20 = arith.constant 0 : index
    %get3A_21 = arith.constant 0 : index
    %get3A_22 = vector.load %arg2[%get3A_20, %get3A_21] : memref<1x128xf32, #tpu.memory_space<vmem>>, vector<1x128xf32>
    %add3A_23 = vector.broadcast %get3A_22 : vector<1x128xf32> to vector<10240x128xf32>
    %add3A_24 = arith.addf %mul3A_19, %add3A_23 : vector<10240x128xf32>
    %max3A = arith.constant 0.000000e+00 : f32
    %max3A_25 = vector.broadcast %max3A : f32 to vector<10240x128xf32>
    %max3A_26 = arith.maximumf %add3A_24, %max3A_25 : vector<10240x128xf32>
    %iota3A = tpu.iota {dimensions = array<i32: 0>} : vector<10240x1xi32>
    %lt3A = arith.constant 10000 : i32
    %lt3A_27 = vector.broadcast %lt3A : i32 to vector<10240x1xi32>
    %lt3A_28 = arith.cmpi slt, %iota3A, %lt3A_27 : vector<10240x1xi32>
    %jit3A_29 = arith.constant 0.000000e+00 : f32
    %broadcast_in_dim3A_30 = vector.shape_cast %lt3A_28 : vector<10240x1xi1> to vector<10240x1xi1>
    %broadcast_in_dim3A_31 = vector.broadcast %broadcast_in_dim3A_30 : vector<10240x1xi1> to vector<10240x128xi1>
    %broadcast_in_dim3A_32 = vector.broadcast %jit3A_29 : f32 to vector<10240x128xf32>
    %select_n3A_33 = arith.select %broadcast_in_dim3A_31, %max3A_26, %broadcast_in_dim3A_32 : vector<10240x128xi1>, vector<10240x128xf32>
    %get3A_34 = arith.constant 0 : index
    %get3A_35 = arith.constant 0 : index
    %get3A_36 = vector.load %arg3[%get3A_34, %get3A_35] : memref<128x128xf32, #tpu.memory_space<vmem>>, vector<128x128xf32>
    %dot_general3A = arith.constant dense<0.000000e+00> : vector<10240x128xf32>
    %dot_general3A_37 = tpu.matmul %select_n3A_33, %get3A_36, %dot_general3A {dimension_numbers = #tpu.dot_dimension_numbers<[1], [0], [0], [1], [0, 0, 1, 1], [], []>, transpose_lhs_hint = false} : vector<10240x128xf32>, vector<128x128xf32>, vector<10240x128xf32> -> vector<10240x128xf32>
    %swap3A = arith.constant 0 : index
    %swap3A_38 = arith.constant 0 : index
    %swap3A_39 = vector.load %arg4[%swap3A, %swap3A_38] : memref<10240x128xf32, #tpu.memory_space<vmem>>, vector<10240x128xf32>
    tpu.vector_store %arg4[%swap3A, %swap3A_38], %dot_general3A_37 {strides = array<i32>} : memref<10240x128xf32, #tpu.memory_space<vmem>>, vector<10240x128xf32>,
    return
  }
}

module attributes {stable_mosaic.version = 14 : i64} {
  func.func @_final_body(%arg0: memref<2x10240x128xf32, #tpu.memory_space<vmem>>, %arg1: memref<12288x2xf32, #tpu.memory_space<vmem>>, %arg2: memref<1x128xf32, #tpu.memory_space<vmem>>, %arg3: memref<1x10240xi32, #tpu.memory_space<vmem>>, %arg4: memref<128x10xf32, #tpu.memory_space<vmem>>, %arg5: memref<1x10xf32, #tpu.memory_space<vmem>>, %arg6: memref<64x10xf32, #tpu.memory_space<vmem>>) attributes {dimension_semantics = [], scalar_prefetch = 0 : i64, scratch_operands = 0 : i64, tpu.core_type = #tpu.core_type<tc>} {
    %get3A = arith.constant 0 : index
    %get3A_0 = arith.constant 0 : index
    %get3A_1 = arith.constant 0 : index
    %get3A_2 = vector.load %arg0[%get3A, %get3A_0, %get3A_1] : memref<2x10240x128xf32, #tpu.memory_space<vmem>>, vector<1x10240x128xf32>
    %get3A_3 = vector.shape_cast %get3A_2 : vector<1x10240x128xf32> to vector<10240x128xf32>
    %get3A_4 = arith.constant 1 : index
    %get3A_5 = arith.constant 0 : index
    %get3A_6 = arith.constant 0 : index
    %get3A_7 = vector.load %arg0[%get3A_4, %get3A_5, %get3A_6] : memref<2x10240x128xf32, #tpu.memory_space<vmem>>, vector<1x10240x128xf32>
    %get3A_8 = vector.shape_cast %get3A_7 : vector<1x10240x128xf32> to vector<10240x128xf32>
    %add3A = arith.addf %get3A_3, %get3A_8 : vector<10240x128xf32>
    %get3A_9 = arith.constant 0 : index
    %get3A_10 = arith.constant 0 : index
    %get3A_11 = vector.load %arg1[%get3A_9, %get3A_10] : memref<12288x2xf32, #tpu.memory_space<vmem>>, vector<12288x2xf32>
    %slice3A = vector.extract_strided_slice %get3A_11 {offsets = [0, 0], sizes = [12288, 1], strides = [1, 1]} : vector<12288x2xf32> to vector<12288x1xf32>
    %slice3A_12 = vector.extract_strided_slice %get3A_11 {offsets = [0, 1], sizes = [12288, 1], strides = [1, 1]} : vector<12288x2xf32> to vector<12288x1xf32>
    %add3A_13 = arith.addf %slice3A, %slice3A_12 : vector<12288x1xf32>
    %gt3A = arith.constant 0.000000e+00 : f32
    %gt3A_14 = vector.broadcast %gt3A : f32 to vector<12288x1xf32>
    %gt3A_15 = arith.cmpf ogt, %add3A_13, %gt3A_14 : vector<12288x1xf32>
    %div3A = arith.constant 1.000000e+00 : f32
    %div3A_16 = vector.broadcast %div3A : f32 to vector<12288x1xf32>
    %div3A_17 = arith.divf %div3A_16, %add3A_13 : vector<12288x1xf32>
    %jit3A = arith.constant 0.000000e+00 : f32
    %broadcast_in_dim3A = vector.broadcast %jit3A : f32 to vector<12288x1xf32>
    %select_n3A = arith.select %gt3A_15, %div3A_17, %broadcast_in_dim3A : vector<12288x1xi1>, vector<12288x1xf32>
    %slice3A_18 = vector.extract_strided_slice %select_n3A {offsets = [0, 0], sizes = [10240, 1], strides = [1, 1]} : vector<12288x1xf32> to vector<10240x1xf32>
    %mul3A = vector.broadcast %slice3A_18 : vector<10240x1xf32> to vector<10240x128xf32>
    %mul3A_19 = arith.mulf %add3A, %mul3A : vector<10240x128xf32>
    %get3A_20 = arith.constant 0 : index
    %get3A_21 = arith.constant 0 : index
    %get3A_22 = vector.load %arg2[%get3A_20, %get3A_21] : memref<1x128xf32, #tpu.memory_space<vmem>>, vector<1x128xf32>
    %add3A_23 = vector.broadcast %get3A_22 : vector<1x128xf32> to vector<10240x128xf32>
    %add3A_24 = arith.addf %mul3A_19, %add3A_23 : vector<10240x128xf32>
    %max3A = arith.constant 0.000000e+00 : f32
    %max3A_25 = vector.broadcast %max3A : f32 to vector<10240x128xf32>
    %max3A_26 = arith.maximumf %add3A_24, %max3A_25 : vector<10240x128xf32>
    %iota3A = tpu.iota {dimensions = array<i32: 0>} : vector<10240x1xi32>
    %lt3A = arith.constant 10000 : i32
    %lt3A_27 = vector.broadcast %lt3A : i32 to vector<10240x1xi32>
    %lt3A_28 = arith.cmpi slt, %iota3A, %lt3A_27 : vector<10240x1xi32>
    %jit3A_29 = arith.constant 0.000000e+00 : f32
    %broadcast_in_dim3A_30 = vector.shape_cast %lt3A_28 : vector<10240x1xi1> to vector<10240x1xi1>
    %broadcast_in_dim3A_31 = vector.broadcast %broadcast_in_dim3A_30 : vector<10240x1xi1> to vector<10240x128xi1>
    %broadcast_in_dim3A_32 = vector.broadcast %jit3A_29 : f32 to vector<10240x128xf32>
    %select_n3A_33 = arith.select %broadcast_in_dim3A_31, %max3A_26, %broadcast_in_dim3A_32 : vector<10240x128xi1>, vector<10240x128xf32>
    %get3A_34 = arith.constant 0 : index
    %get3A_35 = arith.constant 0 : index
    %get3A_36 = vector.load %arg3[%get3A_34, %get3A_35] : memref<1x10240xi32, #tpu.memory_space<vmem>>, vector<1x10240xi32>
    %iota3A_37 = tpu.iota {dimensions = array<i32: 0>} : vector<64x10240xi32>
    %eq3A = vector.broadcast %get3A_36 : vector<1x10240xi32> to vector<64x10240xi32>
    %eq3A_38 = arith.cmpi eq, %iota3A_37, %eq3A : vector<64x10240xi32>
    %jit3A_39 = arith.constant 1.000000e+00 : f32
    %jit3A_40 = arith.constant 0.000000e+00 : f32
    %broadcast_in_dim3A_41 = vector.broadcast %jit3A_39 : f32 to vector<64x10240xf32>
    %broadcast_in_dim3A_42 = vector.broadcast %jit3A_40 : f32 to vector<64x10240xf32>
    %select_n3A_43 = arith.select %eq3A_38, %broadcast_in_dim3A_41, %broadcast_in_dim3A_42 : vector<64x10240xi1>, vector<64x10240xf32>
    %dot_general3A = arith.constant dense<0.000000e+00> : vector<64x128xf32>
    %dot_general3A_44 = tpu.matmul %select_n3A_43, %select_n3A_33, %dot_general3A {dimension_numbers = #tpu.dot_dimension_numbers<[1], [0], [0], [1], [0, 0, 1, 1], [], []>, transpose_lhs_hint = false} : vector<64x10240xf32>, vector<10240x128xf32>, vector<64x128xf32> -> vector<64x128xf32>
    %reduce_sum3A = arith.constant dense<0.000000e+00> : vector<64xf32>
    %reduce_sum3A_45 = vector.multi_reduction <add>, %select_n3A_43, %reduce_sum3A [1] : vector<64x10240xf32> to vector<64xf32>
    %broadcast_in_dim3A_46 = vector.shape_cast %reduce_sum3A_45 : vector<64xf32> to vector<64x1xf32>
    %max3A_47 = arith.constant 1.000000e+00 : f32
    %max3A_48 = vector.broadcast %max3A_47 : f32 to vector<64x1xf32>
    %max3A_49 = arith.maximumf %broadcast_in_dim3A_46, %max3A_48 : vector<64x1xf32>
    %div3A_50 = vector.broadcast %max3A_49 : vector<64x1xf32> to vector<64x128xf32>
    %div3A_51 = arith.divf %dot_general3A_44, %div3A_50 : vector<64x128xf32>
    %get3A_52 = arith.constant 0 : index
    %get3A_53 = arith.constant 0 : index
    %get3A_54 = vector.load %arg4[%get3A_52, %get3A_53] : memref<128x10xf32, #tpu.memory_space<vmem>>, vector<128x10xf32>
    %dot_general3A_55 = arith.constant dense<0.000000e+00> : vector<64x10xf32>
    %dot_general3A_56 = tpu.matmul %div3A_51, %get3A_54, %dot_general3A_55 {dimension_numbers = #tpu.dot_dimension_numbers<[1], [0], [0], [1], [0, 0, 1, 1], [], []>, transpose_lhs_hint = false} : vector<64x128xf32>, vector<128x10xf32>, vector<64x10xf32> -> vector<64x10xf32>
    %get3A_57 = arith.constant 0 : index
    %get3A_58 = arith.constant 0 : index
    %get3A_59 = vector.load %arg5[%get3A_57, %get3A_58] : memref<1x10xf32, #tpu.memory_space<vmem>>, vector<1x10xf32>
    %add3A_60 = vector.broadcast %get3A_59 : vector<1x10xf32> to vector<64x10xf32>
    %add3A_61 = arith.addf %dot_general3A_56, %add3A_60 : vector<64x10xf32>
    %reduce_max3A = arith.constant dense<0xFF800000> : vector<64xf32>
    %reduce_max3A_62 = vector.multi_reduction <maximumf>, %add3A_61, %reduce_max3A [1] : vector<64x10xf32> to vector<64xf32>
    %broadcast_in_dim3A_63 = vector.shape_cast %reduce_max3A_62 : vector<64xf32> to vector<64x1xf32>
    %sub3A = vector.broadcast %broadcast_in_dim3A_63 : vector<64x1xf32> to vector<64x10xf32>
    %sub3A_64 = arith.subf %add3A_61, %sub3A : vector<64x10xf32>
    %exp3A = math.exp %sub3A_64 : vector<64x10xf32>
    %reduce_sum3A_65 = arith.constant dense<0.000000e+00> : vector<64xf32>
    %reduce_sum3A_66 = vector.multi_reduction <add>, %exp3A, %reduce_sum3A_65 [1] : vector<64x10xf32> to vector<64xf32>
    %broadcast_in_dim3A_67 = vector.shape_cast %reduce_sum3A_66 : vector<64xf32> to vector<64x1xf32>
    %log3A = math.log %broadcast_in_dim3A_67 : vector<64x1xf32>
    %sub3A_68 = vector.broadcast %log3A : vector<64x1xf32> to vector<64x10xf32>
    %sub3A_69 = arith.subf %sub3A_64, %sub3A_68 : vector<64x10xf32>
    %swap3A = arith.constant 0 : index
    %swap3A_70 = arith.constant 0 : index
    %swap3A_71 = vector.load %arg6[%swap3A, %swap3A_70] : memref<64x10xf32, #tpu.memory_space<vmem>>, vector<64x10xf32>
    tpu.vector_store %arg6[%swap3A, %swap3A_70], %sub3A_69 {strides = array<i32>} : memref<64x10xf32, #tpu.memory_space<vmem>>, vector<64x10xf32>,
    return
  }
}

</mosaic_0001>

<sc_bundles>
// kernel: kernel.12.cloned.1.call-start
scs
__scs_entry_jumppad:
0x0: {  	(pc) =	sbr.rel $0x88, $3  }
0x1: {  	(tag) =	ssettag $0x0;
	lr =	simm.s32 $0x1  }
0x2: {  	[smem:$0x3F98] =	sst lr;
	_ =	strace $0xD0000000  }
0x3: {  	_ = 	snop  }
0x4: {  	_ = 	snop  }
0x5: {  	_ = 	snop  }
0x6: {  	_ = 	snop  }
0x7: {  	_ = 	snop  }
__scs_overlays_trampoline_lowered:
0x8: {  	[smem:$0x3FA7] =	sst s0  }
0x9: {  	[smem:$0x3FA8] =	sst s1  }
0xa: {  	[smem:$0x3FA9] =	sst s2  }
0xb: {  	[smem:$0x3FAA] =	sst s3  }
0xc: {  	[smem:$0x3FAB] =	sst s4  }
0xd: {  	[smem:$0x3FAC] =	sst s5  }
0xe: {  	[smem:$0x3FAD] =	sst s6  }
0xf: {  	[smem:$0x3FAE] =	sst s7  }
0x10: {  	[smem:$0x3FAF] =	sst s8  }
0x11: {  	[smem:$0x3FB0] =	sst s9;
	s0 =	simm.s32 @!p0 $0x0  }
0x12: {  	s1 =	sld [smem:$0x3F96];
	s0 =	simm.s32 @p0 $0x1  }
0x13: {  	[smem:$0x3FB1] =	sst s0;
	s0 =	simm.s32 @!p1 $0x0  }
0x14: {  	s2 =	sld [smem:$0x3F95];
	s0 =	simm.s32 @p1 $0x1  }
0x15: {  	[smem:$0x3FB2] =	sst s0;
	s0 =	simm.s32 @!p2 $0x0  }
0x16: {  	s3 =	sld [smem:$0x3FDB];
	s0 =	simm.s32 @p2 $0x1  }
0x17: {  	s4 =	simm.s32 $0x1BF5;
	[smem:$0x3FB4] =	sst s0  }
0x18: {  	s0 =	sld [smem:$0x3F97];
	_ =	swait.ge [sflag:s4], $0x0  }
0x19: {  	s7 =	sld [smem:$0x3F98]  }
0x1a: {  	s8 =	sadd.s32 $0xFFFFE003, lr  }
0x1b: {  	s9 =	sadd.s32 $0xFFFFFEF7, lr;
	s5 =	simm.s32 $0xFFFFFFFF;
	p2 =	slt.u32 s8, $0xFFFFF086  }
0x1c: {  	p1 =	slt.u32 s9, $0xF7A;
	s5 =	simm.s32 @!p2 $0x0  }
0x1d: {  	s5 =	simm.s32 @p1 $0x1;
	p0 =	seq.s32 s7, s2  }
0x1e: {  	s7 =	smul.u32 @!p0 $0xF7A, s2;
	p2 =	seq.s32 @!p0 s5, $0x0  }
0x1f: {  	s9 =	smul.u32 $0xF7A, s1;
	s8 =	simm.s32 @!p0 $0x1BF5;
	p2 =	por !p2, p0  }
0x20: {  	[sflag:s8] =	ssyncset.s32 @!p0 $0xFFFFF086;
	s6 =	sadd.s32 @!p0 s3, s7;
	s7 =	simm.s32 @!p0 $0x108  }
0x21: {  	s3 =	sadd.s32 s3, s9;
	s6 =	sadd.s32 @!p0 $0x88, s6;
	s7 =	simm.s32 @p2 $0x1082  }
0x22: {  	[simem:s7], [sflag:s8] =	dma.local @!p0 [hbm:s6], $0xF7A  }
0x23: {  	s9 =	sor.u32 $0xD0000000, s2;
	s6 =	simm.s32 $0x108;
	_ =	swait.ge @!p0 [sflag:s8], $0x0  }
0x24: {  	s3 =	sadd.s32 $0x88, s3;
	s6 =	simm.s32 @!p1 $0x1082;
	[sflag:s4] =	ssyncset.s32 $0xFFFFF086  }
0x25: {  	[simem:s6], [sflag:s4] =	dma.local [hbm:s3], $0xF7A  }
0x26: {  	[smem:$0x3F98] =	sst s1;
	(tag) =	ssettag s2;
	_ =	strace s9  }
0x27: {  	s1 =	sld [smem:$0x3FA8]  }
0x28: {  	s2 =	sld [smem:$0x3FA9]  }
0x29: {  	s4 =	sld [smem:$0x3FAB]  }
0x2a: {  	p0 =	seq.s32 s5, $0x0;
	s5 =	sld [smem:$0x3FAC]  }
0x2b: {  	s6 =	sld [smem:$0x3FAD]  }
0x2c: {  	s7 =	sld [smem:$0x3FAE]  }
0x2d: {  	s3 =	simm.s32 $0x108;
	s8 =	sld [smem:$0x3FAF]  }
0x2e: {  	s3 =	simm.s32 @!p0 $0x1082;
	s9 =	sld [smem:$0x3FB0]  }
0x2f: {  	lr =	sadd.s32 s0, s3;
	s0 =	sld [smem:$0x3FA7]  }
0x30: {  	s3 =	sld [smem:$0x3FAA]  }
0x31: {  	[smem:$0x3FB3] =	sst s10  }
0x32: {  	s10 =	sld [smem:$0x3FB1];
	_ =	sdelay $0x3  }
0x33: {  	p0 =	seq.s32 s10, $0x1;
	s10 =	sld [smem:$0x3FB3];
	_ =	sdelay $0x3  }
0x34: {  	[smem:$0x3FB3] =	sst s10  }
0x35: {  	s10 =	sld [smem:$0x3FB2];
	_ =	sdelay $0x3  }
0x36: {  	p1 =	seq.s32 s10, $0x1;
	s10 =	sld [smem:$0x3FB3];
	_ =	sdelay $0x3  }
0x37: {  	[smem:$0x3FB3] =	sst s10  }
0x38: {  	s10 =	sld [smem:$0x3FB4]  }
0x39: {  	_ = 	snop;
	(pc) =	sbr.ind lr, $3  }
0x3a: {  	_ = 	snop  }
0x3b: {  	_ = 	snop  }
0x3c: {  	p2 =	seq.s32 s10, $0x1;
	s10 =	sld [smem:$0x3FB3]  }
0x3d: {  	_ =	shalt  }
0x3e: {  	_ =	shalt  }
0x3f: {  	_ =	shalt  }
0x40: {  	_ =	shalt  }
0x41: {  	_ =	shalt  }
0x42: {  	_ =	shalt  }
0x43: {  	_ =	shalt  }
0x44: {  	_ =	shalt  }
0x45: {  	_ =	shalt  }
0x46: {  	_ =	shalt  }
0x47: {  	_ =	shalt  }
0x48: {  	_ =	shalt  }
0x49: {  	_ =	shalt  }
0x4a: {  	_ =	shalt  }
0x4b: {  	_ =	shalt  }
0x4c: {  	_ =	shalt  }
0x4d: {  	_ =	shalt  }
0x4e: {  	_ =	shalt  }
0x4f: {  	_ =	shalt  }
0x50: {  	_ =	shalt  }
0x51: {  	_ =	shalt  }
0x52: {  	_ =	shalt  }
0x53: {  	_ =	shalt  }
0x54: {  	_ =	shalt  }
0x55: {  	_ =	shalt  }
0x56: {  	_ =	shalt  }
0x57: {  	_ =	shalt  }
0x58: {  	_ =	shalt  }
0x59: {  	_ =	shalt  }
0x5a: {  	_ =	shalt  }
0x5b: {  	_ =	shalt  }
0x5c: {  	_ =	shalt  }
0x5d: {  	_ =	shalt  }
0x5e: {  	_ =	shalt  }
0x5f: {  	_ =	shalt  }
0x60: {  	_ =	shalt  }
0x61: {  	_ =	shalt  }
0x62: {  	_ =	shalt  }
0x63: {  	_ =	shalt  }
0x64: {  	_ =	shalt  }
0x65: {  	_ =	shalt  }
0x66: {  	_ =	shalt  }
0x67: {  	_ =	shalt  }
0x68: {  	_ =	shalt  }
0x69: {  	_ =	shalt  }
0x6a: {  	_ =	shalt  }
0x6b: {  	_ =	shalt  }
0x6c: {  	_ =	shalt  }
0x6d: {  	_ =	shalt  }
0x6e: {  	_ =	shalt  }
0x6f: {  	_ =	shalt  }
0x70: {  	_ =	shalt  }
0x71: {  	_ =	shalt  }
0x72: {  	_ =	shalt  }
0x73: {  	_ =	shalt  }
0x74: {  	_ =	shalt  }
0x75: {  	_ =	shalt  }
0x76: {  	_ =	shalt  }
0x77: {  	_ =	shalt  }
0x78: {  	_ =	shalt  }
0x79: {  	_ =	shalt  }
0x7a: {  	_ =	shalt  }
0x7b: {  	_ =	shalt  }
0x7c: {  	_ =	shalt  }
0x7d: {  	_ =	shalt  }
0x7e: {  	_ =	shalt  }
0x7f: {  	_ =	shalt  }
0x80: {  	_ =	shalt  }
0x81: {  	_ =	shalt  }
0x82: {  	_ =	shalt  }
0x83: {  	_ =	shalt  }
0x84: {  	_ =	shalt  }
0x85: {  	_ =	shalt  }
0x86: {  	_ =	shalt  }
0x87: {  	_ =	shalt  }
.Lfunc_end0:
.L_simem_size_0:
called_computation_lowered:
.L_overlay_start_0:
0x88: {  	s2 =	sld [smem:$0x3FD9]  }
0x89: {  	s3 =	sld [smem:$0x3FFE];
	_ =	sdelay $0x1  }
0x8a: {  	s1 =	srdreg.scid  }
0x8b: {  	s0 =	sand.u32 $0x1, s1  }
0x8c: {  	s16 =	sshll.u32 s0, $0xA;
	s2 =	sadd.s32 s3, s2  }
0x8d: {  	s2 =	sadd.s32 s2, s16  }
0x8e: {  	[smem:$0x3FBF] =	sst s2  }
0x8f: {  	_ = 	snop  }
0x90: {  	(tm) =	ssettm $0x1  }
0x91: {  	s17 =	sld [smem:$0x3FFB];
	_ =	sdelay $0x3  }
0x92: {  	_ =	strace s17  }
0x93: {  	s2 =	sld [smem:$0x3FFC];
	_ =	sdelay $0x3  }
0x94: {  	_ =	strace s2  }
0x95: {  	s2 =	sld [smem:$0x3FFD];
	_ =	sdelay $0x3  }
0x96: {  	_ =	strace s2  }
0x97: {  	_ =	strace $0x8FFFFFFF  }
0x98: {  	s18 =	sld [smem:$0x3FDB];
	_ =	sdelay $0x1  }
0x99: {  	s19 =	simm.s32 $_scs_section_size  }
0x9a: {  	s4 =	simm.s32 $_size__tile_overlayer_lowered;
	s5 =	simm.s32 $_tile_overlayer_lowered  }
0x9b: {  	s22 =	simm.s32 $0x1BFF;
	s21 =	sshll.u32 s5, $0x1;
	s2 =	sadd.s32 s19, s18  }
0x9c: {  	s6 =	simm.s32 $0x0;
	s20 =	sshll.u32 s4, $0x1;
	s4 =	sadd.s32 s21, s2  }
0x9d: {  	[timem:s6], [sflag:s22] =	dma.local [hbm:s4], s20  }
0x9e: {  	_ =	swait.ge [sflag:s22], s20  }
0x9f: {  	s3 =	ssub.s32 $0x0, s20;
	[sflag:s22] =	ssyncset.done $0x0  }
0xa0: {  	[sflag:s22] =	ssyncadd.s32 s3;
	_ =	sdelay $0x1  }
0xa1: {  	s23 =	simm.s32 $0x1B8B  }
0xa2: {  	_ =	swait.ge [sflag:s23], $0x1  }
0xa3: {  	[sflag:s23] =	ssyncset.done $0x0  }
0xa4: {  	s25 =	simm.s32 $0x1B8E;
	s24 =	sld [smem:$0x3FFE];
	[sflag:s23] =	ssyncadd.s32 $0xFFFFFFFF  }
0xa5: {  	s26 =	simm.s32 $execute0_lowered;
	[smem:$0x3FD2] =	sst s25  }
0xa6: {  	s4 =	sshll.u32 s26, $0x1;
	_ =	strace $0x80000046;
	[dreg:$0x1] =	wrdreg $0xFFFFFFFF  }
0xa7: {  	s28 =	simm.s32 $_size_execute0_lowered;
	s2 =	sadd.s32 s2, s4;
	[dreg:$0x0] =	wrdreg $0x0  }
0xa8: {  	s4 =	sshll.u32 s28, $0x1;
	[dreg:$0x2] =	wrdreg s2  }
0xa9: {  	[dreg:$0x3] =	wrdreg s4  }
0xaa: {  	[dreg:$0x4] =	wrdreg $0xC0  }
0xab: {  	_ =	task [dreg:s6], $0x5FFFF  }
0xac: {  	[dreg:$0x1] =	wrdreg $0xFFFFFFFF  }
0xad: {  	[dreg:$0x0] =	wrdreg $0x60  }
0xae: {  	[dreg:$0x2] =	wrdreg s24  }
0xaf: {  	[dreg:$0x3] =	wrdreg $0xC9800  }
0xb0: {  	[dreg:$0x4] =	wrdreg $0xF9800  }
0xb1: {  	[dreg:$0x5] =	wrdreg $0x9  }
0xb2: {  	_ =	task.clear_ibuf [dreg:s6], $0x6FFFF;
	_ =	strace $0x90000046  }
0xb3: {  	s29 =	simm.s32 $0x9;
	_ =	strace $0x80000048  }
0xb4: {  	_ =	swait.ge [sflag:s29], $0x1  }
0xb5: {  	[sflag:s29] =	ssyncadd.s32 $0xFFFFFFFF  }
0xb6: {  	_ =	strace $0x90000048  }
0xb7: {  	_ =	sfence  }
0xb8: {  	s30 =	sld [smem:$0x0];
	_ =	sdelay $0x2  }
0xb9: {  	s31 =	sshll.u32 s1, $0xD;
	s1 =	sshrl.u32 s1, $0x2  }
0xba: {  	s3 =	sand.u32 $0x4000, s31;
	s1 =	sadd.s32 s1, s30  }
0xbb: {  	s0 =	sor.u32 s3, s0;
	s1 =	sshll.u32 s1, $0x11  }
0xbc: {  	s0 =	sor.u32 s1, s0  }
0xbd: {  	s0 =	sadd.s32 $0x8F2B, s0  }
0xbe: {  	[sflag:s0] =	ssyncadd.remote.s32 $0x1  }
0xbf: {  	_ =	sfence.sel $0xFFFF  }
0xc0: {  	[dreg:$0x0] =	wrdreg $0xFFFFFFFF;
	(pc) =	sbr.abs _section_cstart, $3  }
0xc1: {  	[dreg:$0x1] =	wrdreg $0xFFFFFFFF  }
0xc2: {  	_ =	task.clear_ibuf [dreg:s6], $0x2FFFF;
	_ =	strace $0x9FFFFFFF  }
0xc3: {  	(tm) =	ssettm $0x7FFFFFFF  }
tec
execute0_lowered:
.L_overlay_start_1:
0x0: {  	(tag) =	ssettag $0x1  }
0x1: {  	s0 =	srdreg.scid;
	s2 =	rddreg [dreg:$0x0]  }
0x2: {  	s8 =	stileid.u32;
	s4 =	rddreg [dreg:$0x1]  }
0x3: {  	s7 =	rddreg [dreg:$0x2];
	s1 =	simm.s32 $0x0;
	s28 =	simm.s32 $0xC500  }
0x4: {  	s29 =	simm.s32 $0xC680;
	s30 =	simm.s32 $0x0;
	s3 =	smul.u32 $0x180, s8  }
0x5: {  	s0 =	sand.u32 $0x1, s0;
	s5 =	sshll.u32 s8, $0x1;
	s8 =	smul.u32 $0x3000, s8  }
0x6: {  	s6 =	smul.u32 $0x3000, s0;
	s5 =	sor.u32 s0, s5;
	s0 =	ssub.s32 $0x2, s0  }
0x7: {  	[smem:$0x7FF] =	sst s1;
	s5 =	smul.u32 $0x500, s5;
	s15 =	sshrl.u32 s0, $0x1  }
0x8: {  	s16 =	sadd.s32 s8, s4;
	s17 =	sadd.s32 s8, s7;
	s18 =	sadd.s32 s3, s4  }
0x9: {  	s8 =	sadd.s32 $0x9000, s3;
	s11 =	sadd.s32 $0xF000, s3;
	[dreg:$0x4] =	wrdreg s16  }
0xa: {  	s14 =	sor.u32 $0x18000, s3;
	s23 =	sadd.s32 $0x1B000, s3;
	[dreg:$0x5] =	wrdreg s17  }
0xb: {  	s24 =	sor.u32 $0x1E000, s3;
	[dreg:$0x6] =	wrdreg s18;
	s10 =	sadd.s32 s8, s4  }
0xc: {  	s26 =	sor.u32 $0x24000, s3;
	s21 =	sadd.s32 s11, s4;
	[dreg:$0x9] =	wrdreg s10  }
0xd: {  	s6 =	sadd.s32 s3, s6;
	s22 =	sadd.s32 s14, s4;
	[dreg:$0xb] =	wrdreg s21  }
0xe: {  	s0 =	ssub.s32 s0, s15;
	s16 =	sadd.s32 s23, s4;
	[dreg:$0xe] =	wrdreg s22  }
0xf: {  	s17 =	sadd.s32 $0x21000, s3;
	s18 =	sadd.s32 s24, s4;
	[dreg:$0xf] =	wrdreg s16  }
0x10: {  	s8 =	sadd.s32 s8, s7;
	s11 =	sadd.s32 s11, s7;
	[dreg:$0x10] =	wrdreg s18  }
0x11: {  	s23 =	sadd.s32 s23, s7;
	s24 =	sadd.s32 s24, s7;
	[dreg:$0x19] =	wrdreg s8  }
0x12: {  	s6 =	sshrl.u32 s6, $0x3;
	s9 =	sadd.s32 s5, s2;
	[dreg:$0x1b] =	wrdreg s11  }
0x13: {  	s5 =	sadd.s32 $0x3000, s3;
	s10 =	sor.u32 $0xC000, s3;
	[dreg:$0x1f] =	wrdreg s23  }
0x14: {  	s25 =	sadd.s32 s17, s4;
	s22 =	sadd.s32 s14, s7;
	[smem:$0x7FA] =	sst s24  }
0x15: {  	s11 =	simm.s32 $0x1;
	s14 =	simm.s32 $0xB180;
	s16 =	simm.s32 $0xB480  }
0x16: {  	s18 =	simm.s32 $0xB780;
	s23 =	simm.s32 $0xBF00;
	[dreg:$0x11] =	wrdreg s25  }
0x17: {  	s24 =	simm.s32 $0xC080;
	s19 =	sadd.s32 s5, s4;
	[dreg:$0x1e] =	wrdreg s22  }
0x18: {  	s2 =	sadd.s32 s6, s2;
	s12 =	sadd.s32 s10, s4;
	[dreg:$0x7] =	wrdreg s19  }
0x19: {  	s6 =	sor.u32 $0x6000, s3;
	s5 =	sadd.s32 s5, s7;
	[dreg:$0xa] =	wrdreg s12  }
0x1a: {  	s10 =	sadd.s32 s10, s7;
	s25 =	sadd.s32 s17, s7;
	[dreg:$0x17] =	wrdreg s5  }
0x1b: {  	s17 =	simm.s32 $0xB600;
	s22 =	simm.s32 $0xBD80;
	[dreg:$0x1a] =	wrdreg s10  }
0x1c: {  	s20 =	sadd.s32 s6, s4;
	s12 =	sor.u32 $0x12000, s3;
	[smem:$0x7FB] =	sst s25  }
0x1d: {  	s19 =	sadd.s32 s26, s4;
	s6 =	sadd.s32 s6, s7;
	[dreg:$0x8] =	wrdreg s20  }
0x1e: {  	s26 =	sadd.s32 s26, s7;
	s8 =	sadd.s32 $0x18600, s2;
	[dreg:$0x12] =	wrdreg s19  }
0x1f: {  	s10 =	smax.u32 s0, $0x1;
	s25 =	simm.s32 $0xC200;
	[dreg:$0x18] =	wrdreg s6  }
0x20: {  	s13 =	sadd.s32 s12, s4;
	s19 =	sadd.s32 $0x27000, s3;
	[smem:$0x7FC] =	sst s26  }
0x21: {  	s20 =	sor.u32 $0x2A000, s3;
	s12 =	sadd.s32 s12, s7;
	[dreg:$0xc] =	wrdreg s13  }
0x22: {  	s6 =	sadd.s32 $0xDA00, s9;
	s21 =	sadd.s32 s19, s4;
	[dreg:$0x1c] =	wrdreg s12  }
0x23: {  	s13 =	sadd.s32 $0x15000, s3;
	s31 =	sadd.s32 s20, s4;
	[dreg:$0x13] =	wrdreg s21  }
0x24: {  	s26 =	simm.s32 $0xC380;
	s15 =	sadd.s32 s13, s4;
	[dreg:$0x14] =	wrdreg s31  }
0x25: {  	s21 =	sadd.s32 $0x2D000, s3;
	s3 =	sadd.s32 s3, s7;
	[dreg:$0xd] =	wrdreg s15  }
0x26: {  	s12 =	simm.s32 $0x5000;
	s13 =	sadd.s32 s13, s7;
	[dreg:$0x16] =	wrdreg s3  }
0x27: {  	s31 =	sadd.s32 s19, s7;
	s19 =	simm.s32 $0xB900;
	[dreg:$0x1d] =	wrdreg s13  }
0x28: {  	s4 =	sadd.s32 s21, s4;
	[smem:$0x7FD] =	sst s31;
	s5 =	sadd.s32 s21, s7  }
0x29: {  	s13 =	simm.s32 $0x8000;
	s15 =	simm.s32 $0xB300;
	s21 =	simm.s32 $0xBC00  }
0x2a: {  	[dreg:$0x15] =	wrdreg s4;
	s4 =	sadd.s32 s20, s7;
	s7 =	sadd.s32 $0x3A00, s9  }
0x2b: {  	v0 =	vimm.f32 $0.0e+00;
	v1 =	vimm.f32 $1.000000000e+00;
	s9 =	sadd.s32 $0x17A00, s2;
	s20 =	simm.s32 $0xBA80;
	_ =	strace $0x80000047  }
.LBB2_1:
0x2c: {  	[tilespmem:s1], [sflag:$0x1] =	stream.linear.gather [hbm4b:s6+s1], $0x2800, $0x38;
	[tilespmem:$0x12980] =	vst v63  }
0x2d: {  	_ =	swait.ge [sflag:s11], $0x2800  }
0x2e: {  	[sflag:s11] =	ssyncset.done $0x0  }
0x2f: {  	s0 =	simm.s32 $0x2800;
	[sflag:s11] =	ssyncadd.s32 $0xFFFFD800  }
0x30: {  	[tilespmem:s0], [sflag:$0x1] =	stream.linear.gather [hbm4b:s7+s1], $0x2800, $0x38;
	[tilespmem:$0x12980] =	vst v63  }
0x31: {  	_ =	swait.ge [sflag:s11], $0x2800  }
0x32: {  	[sflag:s11] =	ssyncset.done $0x0  }
0x33: {  	s0 =	simm.s32 $0x0;
	[sflag:s11] =	ssyncadd.s32 $0xFFFFD800  }
.LBB2_2:
0x34: {  	p0 =	sne.s32 s0, $0xBFC0  }
.Ltmp0:
0x35: {  	_ = 	snop;
	(pc) =	sbr.rel @p0 .LBB2_2-.Ltmp0, $4  }
0x36: {  	_ = 	snop  }
0x37: {  	s2 =	sshra.s32 s0, $0x2  }
0x38: {  	[tilespmem:s2+$0x5000] =	vst v0  }
0x39: {  	s0 =	sadd.s32 $0x40, s0;
	[tilespmem:s2+$0x8000] =	vst v0  }
0x3a: {  	s2 =	simm.s32 $0x0;
	s0 =	simm.s32 $0x40  }
.LBB2_4:
0x3b: {  	p0 =	sne.s32 s0, $0x9FC0;
	v2 =	vld [tilespmem:s2+$0x0];
	_ =	sdelay $0x7  }
0x3c: {  	[tilespmem:v2+s12+$0x0] =	vst.idx.add.f32.msk $0xffff, v1  }
0x3d: {  	v2 =	vld [tilespmem:s2+$0x2800];
	_ =	sdelay $0x3  }
.Ltmp1:
0x3e: {  	(pc) =	sbr.rel @p0 .LBB2_4-.Ltmp1, $2  }
0x3f: {  	_ =	sdelay $0x2  }
0x40: {  	s2 =	sshra.s32 s0, $0x2;
	s0 =	sadd.s32 $0x40, s0;
	[tilespmem:v2+s13+$0x0] =	vst.idx.add.f32.msk $0xffff, v1  }
0x41: {  	v2 =	vld [tilespmem:s2+$0x0];
	_ =	sdelay $0x7  }
0x42: {  	[tilespmem:v2+s12+$0x0] =	vst.idx.add.f32.msk $0xffff, v1  }
0x43: {  	v2 =	vld [tilespmem:s2+$0x2800];
	_ =	sdelay $0x7  }
0x44: {  	s0 =	rddreg [dreg:$0x4];
	[tilespmem:v2+s13+$0x0] =	vst.idx.add.f32.msk $0xffff, v1  }
0x45: {  	[spmem:s0] =	stream.linear.scatter [tilespmem:s12], [sflag:$0x1], $0x3000, $0x38;
	[tilespmem:$0x12980] =	vst v63  }
0x46: {  	_ =	swait.ge [sflag:s11], $0x3000  }
0x47: {  	[sflag:s11] =	ssyncset.done $0x0  }
0x48: {  	s2 =	rddreg [dreg:$0x5];
	[sflag:s11] =	ssyncadd.s32 $0xFFFFD000  }
0x49: {  	[spmem:s2] =	stream.linear.scatter [tilespmem:s13], [sflag:$0x1], $0x3000, $0x38;
	[tilespmem:$0x12980] =	vst v63  }
0x4a: {  	_ =	swait.ge [sflag:s11], $0x3000  }
0x4b: {  	[sflag:s11] =	ssyncset.done $0x0  }
0x4c: {  	[sflag:s11] =	ssyncadd.s32 $0xFFFFD000  }
0x4d: {  	[bflag:$0x0] =	sbarrier.arrive $0xFFFF  }
0x4e: {  	s0 =	simm.s32 $0xB000;
	s3 =	rddreg [dreg:$0x6]  }
0x4f: {  	[tilespmem:s0], [sflag:$0x1] =	stream.linear.gather [spmem:s3], $0x180, $0x38;
	[tilespmem:$0x12980] =	vst v63  }
0x50: {  	_ =	swait.ge [sflag:s11], $0x180  }
0x51: {  	[sflag:s11] =	ssyncset.done $0x0  }
0x52: {  	s3 =	rddreg [dreg:$0x7];
	[sflag:s11] =	ssyncadd.s32 $0xFFFFFE80  }
0x53: {  	[tilespmem:s14], [sflag:$0x1] =	stream.linear.gather [spmem:s3], $0x180, $0x38;
	[tilespmem:$0x12980] =	vst v63  }
0x54: {  	_ =	swait.ge [sflag:s11], $0x180  }
0x55: {  	[sflag:s11] =	ssyncset.done $0x0  }
0x56: {  	s3 =	rddreg [dreg:$0x8];
	[sflag:s11] =	ssyncadd.s32 $0xFFFFFE80  }
0x57: {  	[tilespmem:s15], [sflag:$0x1] =	stream.linear.gather [spmem:s3], $0x180, $0x38;
	[tilespmem:$0x12980] =	vst v63  }
0x58: {  	_ =	swait.ge [sflag:s11], $0x180  }
0x59: {  	[sflag:s11] =	ssyncset.done $0x0  }
0x5a: {  	s3 =	rddreg [dreg:$0x9];
	[sflag:s11] =	ssyncadd.s32 $0xFFFFFE80  }
0x5b: {  	[tilespmem:s16], [sflag:$0x1] =	stream.linear.gather [spmem:s3], $0x180, $0x38;
	[tilespmem:$0x12980] =	vst v63  }
0x5c: {  	_ =	swait.ge [sflag:s11], $0x180  }
0x5d: {  	[sflag:s11] =	ssyncset.done $0x0  }
0x5e: {  	s3 =	rddreg [dreg:$0xa];
	[sflag:s11] =	ssyncadd.s32 $0xFFFFFE80  }
0x5f: {  	[tilespmem:s17], [sflag:$0x1] =	stream.linear.gather [spmem:s3], $0x180, $0x38;
	[tilespmem:$0x12980] =	vst v63  }
0x60: {  	_ =	swait.ge [sflag:s11], $0x180  }
0x61: {  	[sflag:s11] =	ssyncset.done $0x0  }
0x62: {  	s3 =	rddreg [dreg:$0xb];
	[sflag:s11] =	ssyncadd.s32 $0xFFFFFE80  }
0x63: {  	[tilespmem:s18], [sflag:$0x1] =	stream.linear.gather [spmem:s3], $0x180, $0x38;
	[tilespmem:$0x12980] =	vst v63  }
0x64: {  	_ =	swait.ge [sflag:s11], $0x180  }
0x65: {  	[sflag:s11] =	ssyncset.done $0x0  }
0x66: {  	s3 =	rddreg [dreg:$0xc];
	[sflag:s11] =	ssyncadd.s32 $0xFFFFFE80  }
0x67: {  	[tilespmem:s19], [sflag:$0x1] =	stream.linear.gather [spmem:s3], $0x180, $0x38;
	[tilespmem:$0x12980] =	vst v63  }
0x68: {  	_ =	swait.ge [sflag:s11], $0x180  }
0x69: {  	[sflag:s11] =	ssyncset.done $0x0  }
0x6a: {  	s3 =	rddreg [dreg:$0xd];
	[sflag:s11] =	ssyncadd.s32 $0xFFFFFE80  }
0x6b: {  	[tilespmem:s20], [sflag:$0x1] =	stream.linear.gather [spmem:s3], $0x180, $0x38;
	[tilespmem:$0x12980] =	vst v63  }
0x6c: {  	_ =	swait.ge [sflag:s11], $0x180  }
0x6d: {  	[sflag:s11] =	ssyncset.done $0x0  }
0x6e: {  	s3 =	rddreg [dreg:$0xe];
	[sflag:s11] =	ssyncadd.s32 $0xFFFFFE80  }
0x6f: {  	[tilespmem:s21], [sflag:$0x1] =	stream.linear.gather [spmem:s3], $0x180, $0x38;
	[tilespmem:$0x12980] =	vst v63  }
0x70: {  	_ =	swait.ge [sflag:s11], $0x180  }
0x71: {  	[sflag:s11] =	ssyncset.done $0x0  }
0x72: {  	s3 =	rddreg [dreg:$0xf];
	[sflag:s11] =	ssyncadd.s32 $0xFFFFFE80  }
0x73: {  	[tilespmem:s22], [sflag:$0x1] =	stream.linear.gather [spmem:s3], $0x180, $0x38;
	[tilespmem:$0x12980] =	vst v63  }
0x74: {  	_ =	swait.ge [sflag:s11], $0x180  }
0x75: {  	[sflag:s11] =	ssyncset.done $0x0  }
0x76: {  	s3 =	rddreg [dreg:$0x10];
	[sflag:s11] =	ssyncadd.s32 $0xFFFFFE80  }
0x77: {  	[tilespmem:s23], [sflag:$0x1] =	stream.linear.gather [spmem:s3], $0x180, $0x38;
	[tilespmem:$0x12980] =	vst v63  }
0x78: {  	_ =	swait.ge [sflag:s11], $0x180  }
0x79: {  	[sflag:s11] =	ssyncset.done $0x0  }
0x7a: {  	s3 =	rddreg [dreg:$0x11];
	[sflag:s11] =	ssyncadd.s32 $0xFFFFFE80  }
0x7b: {  	[tilespmem:s24], [sflag:$0x1] =	stream.linear.gather [spmem:s3], $0x180, $0x38;
	[tilespmem:$0x12980] =	vst v63  }
0x7c: {  	_ =	swait.ge [sflag:s11], $0x180  }
0x7d: {  	[sflag:s11] =	ssyncset.done $0x0  }
0x7e: {  	s3 =	rddreg [dreg:$0x12];
	[sflag:s11] =	ssyncadd.s32 $0xFFFFFE80  }
0x7f: {  	[tilespmem:s25], [sflag:$0x1] =	stream.linear.gather [spmem:s3], $0x180, $0x38;
	[tilespmem:$0x12980] =	vst v63  }
0x80: {  	_ =	swait.ge [sflag:s11], $0x180  }
0x81: {  	[sflag:s11] =	ssyncset.done $0x0  }
0x82: {  	s3 =	rddreg [dreg:$0x13];
	[sflag:s11] =	ssyncadd.s32 $0xFFFFFE80  }
0x83: {  	[tilespmem:s26], [sflag:$0x1] =	stream.linear.gather [spmem:s3], $0x180, $0x38;
	[tilespmem:$0x12980] =	vst v63  }
0x84: {  	_ =	swait.ge [sflag:s11], $0x180  }
0x85: {  	[sflag:s11] =	ssyncset.done $0x0  }
0x86: {  	s3 =	rddreg [dreg:$0x14];
	[sflag:s11] =	ssyncadd.s32 $0xFFFFFE80  }
0x87: {  	[tilespmem:s28], [sflag:$0x1] =	stream.linear.gather [spmem:s3], $0x180, $0x38;
	[tilespmem:$0x12980] =	vst v63  }
0x88: {  	_ =	swait.ge [sflag:s11], $0x180  }
0x89: {  	[sflag:s11] =	ssyncset.done $0x0  }
0x8a: {  	s3 =	rddreg [dreg:$0x15];
	[sflag:s11] =	ssyncadd.s32 $0xFFFFFE80  }
0x8b: {  	[tilespmem:s29], [sflag:$0x1] =	stream.linear.gather [spmem:s3], $0x180, $0x38;
	[tilespmem:$0x12980] =	vst v63  }
0x8c: {  	_ =	swait.ge [sflag:s11], $0x180  }
0x8d: {  	s3 =	simm.s32 $0x0;
	[sflag:s11] =	ssyncset.done $0x0  }
0x8e: {  	s2 =	sand.u32 $0x1F0, s3;
	[sflag:s11] =	ssyncadd.s32 $0xFFFFFE80  }
0x8f: {  	v2 =	vld [tilespmem:s2+$0xB180]  }
0x90: {  	v3 =	vld [tilespmem:s0+$0x0];
	_ =	sdelay $0x1  }
0x91: {  	v4 =	vld [tilespmem:s2+$0xB300];
	_ =	sdelay $0x1  }
0x92: {  	v5 =	vld [tilespmem:s2+$0xB480]  }
0x93: {  	v2 =	vadd.f32 v2, v3  }
0x94: {  	v3 =	vld [tilespmem:s2+$0xB600]  }
0x95: {  	v2 =	vadd.f32 v4, v2  }
0x96: {  	v56 =	vld [tilespmem:s2+$0xB780]  }
0x97: {  	v2 =	vadd.f32 v5, v2  }
0x98: {  	v57 =	vld [tilespmem:s2+$0xB900]  }
0x99: {  	v2 =	vadd.f32 v3, v2  }
0x9a: {  	v3 =	vld [tilespmem:s2+$0xBA80]  }
0x9b: {  	v2 =	vadd.f32 v56, v2  }
0x9c: {  	v58 =	vld [tilespmem:s2+$0xBC00]  }
0x9d: {  	v2 =	vadd.f32 v57, v2  }
0x9e: {  	v59 =	vld [tilespmem:s2+$0xBD80]  }
0x9f: {  	v2 =	vadd.f32 v3, v2  }
0xa0: {  	v3 =	vld [tilespmem:s2+$0xBF00]  }
0xa1: {  	v2 =	vadd.f32 v58, v2  }
0xa2: {  	v60 =	vld [tilespmem:s2+$0xC080]  }
0xa3: {  	v2 =	vadd.f32 v59, v2  }
0xa4: {  	v61 =	vld [tilespmem:s2+$0xC200]  }
0xa5: {  	v2 =	vadd.f32 v3, v2  }
0xa6: {  	v3 =	vld [tilespmem:s2+$0xC380]  }
0xa7: {  	v2 =	vadd.f32 v60, v2  }
0xa8: {  	v62 =	vld [tilespmem:s2+$0xC500]  }
0xa9: {  	v2 =	vadd.f32 v61, v2  }
0xaa: {  	v63 =	vld [tilespmem:s2+$0xC680]  }
0xab: {  	v2 =	vadd.f32 v3, v2;
	_ =	sdelay $0x1  }
0xac: {  	v2 =	vadd.f32 v62, v2;
	_ =	sdelay $0x1  }
0xad: {  	v2 =	vadd.f32 v63, v2  }
0xae: {  	s31 =	simm.s32 $0xC800;
	s3 =	simm.s32 $0x10  }
0xaf: {  	s0 =	sand.u32 $0x1F0, s3;
	[tilespmem:s31+$0x0] =	vst v2  }
0xb0: {  	s3 =	simm.s32 $0x20;
	s2 =	simm.s32 $0xB010;
	v2 =	vld [tilespmem:s0+$0xB180]  }
.LBB2_6:
0xb1: {  	p0 =	sne.s32 s3, $0x170;
	v3 =	vld [tilespmem:s2+$0x0];
	_ =	sdelay $0x1  }
0xb2: {  	v4 =	vld [tilespmem:s0+$0xB300];
	_ =	sdelay $0x1  }
0xb3: {  	v5 =	vld [tilespmem:s0+$0xB480]  }
0xb4: {  	v2 =	vadd.f32 v2, v3  }
0xb5: {  	v3 =	vld [tilespmem:s0+$0xB600]  }
0xb6: {  	v2 =	vadd.f32 v4, v2  }
0xb7: {  	v4 =	vld [tilespmem:s0+$0xB780]  }
0xb8: {  	v2 =	vadd.f32 v5, v2  }
0xb9: {  	v5 =	vld [tilespmem:s0+$0xB900]  }
0xba: {  	v2 =	vadd.f32 v3, v2  }
0xbb: {  	v3 =	vld [tilespmem:s0+$0xBA80]  }
0xbc: {  	v2 =	vadd.f32 v4, v2  }
0xbd: {  	v4 =	vld [tilespmem:s0+$0xBC00]  }
0xbe: {  	v2 =	vadd.f32 v5, v2  }
0xbf: {  	v5 =	vld [tilespmem:s0+$0xBD80]  }
0xc0: {  	v2 =	vadd.f32 v3, v2  }
0xc1: {  	v3 =	vld [tilespmem:s0+$0xBF00]  }
0xc2: {  	v2 =	vadd.f32 v4, v2  }
0xc3: {  	v4 =	vld [tilespmem:s0+$0xC080]  }
0xc4: {  	v2 =	vadd.f32 v5, v2  }
0xc5: {  	v5 =	vld [tilespmem:s0+$0xC200]  }
0xc6: {  	v2 =	vadd.f32 v3, v2  }
0xc7: {  	v3 =	vld [tilespmem:s0+$0xC380]  }
0xc8: {  	v2 =	vadd.f32 v4, v2  }
0xc9: {  	v4 =	vld [tilespmem:s0+$0xC500]  }
0xca: {  	v2 =	vadd.f32 v5, v2  }
0xcb: {  	v5 =	vld [tilespmem:s0+$0xC680]  }
0xcc: {  	v2 =	vadd.f32 v3, v2;
	_ =	sdelay $0x1  }
0xcd: {  	v2 =	vadd.f32 v4, v2  }
.Ltmp2:
0xce: {  	(pc) =	sbr.rel @p0 .LBB2_6-.Ltmp2, $4  }
0xcf: {  	v2 =	vadd.f32 v5, v2  }
0xd0: {  	s31 =	sadd.s32 $0x10, s31  }
0xd1: {  	s0 =	sand.u32 $0x1F0, s3;
	[tilespmem:s31+$0x0] =	vst v2  }
0xd2: {  	s2 =	sadd.s32 $0x10, s2;
	s3 =	sadd.s32 $0x10, s3;
	v2 =	vld [tilespmem:s0+$0xB180]  }
0xd3: {  	v3 =	vld [tilespmem:s2+$0x0];
	_ =	sdelay $0x1  }
0xd4: {  	v4 =	vld [tilespmem:s0+$0xB300];
	_ =	sdelay $0x1  }
0xd5: {  	v5 =	vld [tilespmem:s0+$0xB480]  }
0xd6: {  	v2 =	vadd.f32 v2, v3  }
0xd7: {  	v3 =	vld [tilespmem:s0+$0xB600]  }
0xd8: {  	v2 =	vadd.f32 v4, v2  }
0xd9: {  	v46 =	vld [tilespmem:s0+$0xB780]  }
0xda: {  	v2 =	vadd.f32 v5, v2  }
0xdb: {  	v47 =	vld [tilespmem:s0+$0xB900]  }
0xdc: {  	v2 =	vadd.f32 v3, v2  }
0xdd: {  	v3 =	vld [tilespmem:s0+$0xBA80]  }
0xde: {  	v2 =	vadd.f32 v46, v2  }
0xdf: {  	v48 =	vld [tilespmem:s0+$0xBC00]  }
0xe0: {  	v2 =	vadd.f32 v47, v2  }
0xe1: {  	v49 =	vld [tilespmem:s0+$0xBD80]  }
0xe2: {  	v2 =	vadd.f32 v3, v2  }
0xe3: {  	v3 =	vld [tilespmem:s0+$0xBF00]  }
0xe4: {  	v2 =	vadd.f32 v48, v2  }
0xe5: {  	v50 =	vld [tilespmem:s0+$0xC080]  }
0xe6: {  	v2 =	vadd.f32 v49, v2  }
0xe7: {  	v51 =	vld [tilespmem:s0+$0xC200]  }
0xe8: {  	v2 =	vadd.f32 v3, v2  }
0xe9: {  	v3 =	vld [tilespmem:s0+$0xC380]  }
0xea: {  	v2 =	vadd.f32 v50, v2  }
0xeb: {  	v52 =	vld [tilespmem:s0+$0xC500]  }
0xec: {  	v2 =	vadd.f32 v51, v2  }
0xed: {  	v53 =	vld [tilespmem:s0+$0xC680]  }
0xee: {  	v2 =	vadd.f32 v3, v2;
	_ =	sdelay $0x1  }
0xef: {  	v2 =	vadd.f32 v52, v2;
	_ =	sdelay $0x1  }
0xf0: {  	v2 =	vadd.f32 v53, v2  }
0xf1: {  	s2 =	sadd.s32 $0x10, s31  }
0xf2: {  	s31 =	simm.s32 $0xC800;
	s0 =	simm.s32 $0x0;
	[tilespmem:s2+$0x0] =	vst v2  }
0xf3: {  	[hbm4b:s8+s0] =	stream.linear.scatter [tilespmem:s31], [sflag:$0x1], $0x180, $0x38;
	[tilespmem:$0x12980] =	vst v63  }
0xf4: {  	_ =	swait.ge [sflag:s11], $0x180  }
0xf5: {  	[sflag:s11] =	ssyncset.done $0x0  }
0xf6: {  	s2 =	simm.s32 $0xB000;
	s3 =	rddreg [dreg:$0x16];
	[sflag:s11] =	ssyncadd.s32 $0xFFFFFE80  }
0xf7: {  	[tilespmem:s2], [sflag:$0x1] =	stream.linear.gather [spmem:s3], $0x180, $0x38;
	[tilespmem:$0x12980] =	vst v63  }
0xf8: {  	_ =	swait.ge [sflag:s11], $0x180  }
0xf9: {  	[sflag:s11] =	ssyncset.done $0x0  }
0xfa: {  	s3 =	rddreg [dreg:$0x17];
	[sflag:s11] =	ssyncadd.s32 $0xFFFFFE80  }
0xfb: {  	[tilespmem:s14], [sflag:$0x1] =	stream.linear.gather [spmem:s3], $0x180, $0x38;
	[tilespmem:$0x12980] =	vst v63  }
0xfc: {  	_ =	swait.ge [sflag:s11], $0x180  }
0xfd: {  	[sflag:s11] =	ssyncset.done $0x0  }
0xfe: {  	s3 =	rddreg [dreg:$0x18];
	[sflag:s11] =	ssyncadd.s32 $0xFFFFFE80  }
0xff: {  	[tilespmem:s15], [sflag:$0x1] =	stream.linear.gather [spmem:s3], $0x180, $0x38;
	[tilespmem:$0x12980] =	vst v63  }
0x100: {  	_ =	swait.ge [sflag:s11], $0x180  }
0x101: {  	[sflag:s11] =	ssyncset.done $0x0  }
0x102: {  	s3 =	rddreg [dreg:$0x19];
	[sflag:s11] =	ssyncadd.s32 $0xFFFFFE80  }
0x103: {  	[tilespmem:s16], [sflag:$0x1] =	stream.linear.gather [spmem:s3], $0x180, $0x38;
	[tilespmem:$0x12980] =	vst v63  }
0x104: {  	_ =	swait.ge [sflag:s11], $0x180  }
0x105: {  	[sflag:s11] =	ssyncset.done $0x0  }
0x106: {  	s3 =	rddreg [dreg:$0x1a];
	[sflag:s11] =	ssyncadd.s32 $0xFFFFFE80  }
0x107: {  	[tilespmem:s17], [sflag:$0x1] =	stream.linear.gather [spmem:s3], $0x180, $0x38;
	[tilespmem:$0x12980] =	vst v63  }
0x108: {  	_ =	swait.ge [sflag:s11], $0x180  }
0x109: {  	[sflag:s11] =	ssyncset.done $0x0  }
0x10a: {  	s3 =	rddreg [dreg:$0x1b];
	[sflag:s11] =	ssyncadd.s32 $0xFFFFFE80  }
0x10b: {  	[tilespmem:s18], [sflag:$0x1] =	stream.linear.gather [spmem:s3], $0x180, $0x38;
	[tilespmem:$0x12980] =	vst v63  }
0x10c: {  	_ =	swait.ge [sflag:s11], $0x180  }
0x10d: {  	[sflag:s11] =	ssyncset.done $0x0  }
0x10e: {  	s3 =	rddreg [dreg:$0x1c];
	[sflag:s11] =	ssyncadd.s32 $0xFFFFFE80  }
0x10f: {  	[tilespmem:s19], [sflag:$0x1] =	stream.linear.gather [spmem:s3], $0x180, $0x38;
	[tilespmem:$0x12980] =	vst v63  }
0x110: {  	_ =	swait.ge [sflag:s11], $0x180  }
0x111: {  	[sflag:s11] =	ssyncset.done $0x0  }
0x112: {  	s3 =	rddreg [dreg:$0x1d];
	[sflag:s11] =	ssyncadd.s32 $0xFFFFFE80  }
0x113: {  	[tilespmem:s20], [sflag:$0x1] =	stream.linear.gather [spmem:s3], $0x180, $0x38;
	[tilespmem:$0x12980] =	vst v63  }
0x114: {  	_ =	swait.ge [sflag:s11], $0x180  }
0x115: {  	[sflag:s11] =	ssyncset.done $0x0  }
0x116: {  	s3 =	rddreg [dreg:$0x1e];
	[sflag:s11] =	ssyncadd.s32 $0xFFFFFE80  }
0x117: {  	[tilespmem:s21], [sflag:$0x1] =	stream.linear.gather [spmem:s3], $0x180, $0x38;
	[tilespmem:$0x12980] =	vst v63  }
0x118: {  	_ =	swait.ge [sflag:s11], $0x180  }
0x119: {  	[sflag:s11] =	ssyncset.done $0x0  }
0x11a: {  	s3 =	rddreg [dreg:$0x1f];
	[sflag:s11] =	ssyncadd.s32 $0xFFFFFE80  }
0x11b: {  	[tilespmem:s22], [sflag:$0x1] =	stream.linear.gather [spmem:s3], $0x180, $0x38;
	[tilespmem:$0x12980] =	vst v63  }
0x11c: {  	_ =	swait.ge [sflag:s11], $0x180  }
0x11d: {  	s3 =	sld [smem:$0x7FA]  }
0x11e: {  	[sflag:s11] =	ssyncset.done $0x0  }
0x11f: {  	[sflag:s11] =	ssyncadd.s32 $0xFFFFFE80  }
0x120: {  	[tilespmem:s23], [sflag:$0x1] =	stream.linear.gather [spmem:s3], $0x180, $0x38;
	[tilespmem:$0x12980] =	vst v63  }
0x121: {  	_ =	swait.ge [sflag:s11], $0x180  }
0x122: {  	s3 =	sld [smem:$0x7FB]  }
0x123: {  	[sflag:s11] =	ssyncset.done $0x0  }
0x124: {  	[sflag:s11] =	ssyncadd.s32 $0xFFFFFE80  }
0x125: {  	[tilespmem:s24], [sflag:$0x1] =	stream.linear.gather [spmem:s3], $0x180, $0x38;
	[tilespmem:$0x12980] =	vst v63  }
0x126: {  	_ =	swait.ge [sflag:s11], $0x180  }
0x127: {  	s3 =	sld [smem:$0x7FC]  }
0x128: {  	[sflag:s11] =	ssyncset.done $0x0  }
0x129: {  	[sflag:s11] =	ssyncadd.s32 $0xFFFFFE80  }
0x12a: {  	[tilespmem:s25], [sflag:$0x1] =	stream.linear.gather [spmem:s3], $0x180, $0x38;
	[tilespmem:$0x12980] =	vst v63  }
0x12b: {  	_ =	swait.ge [sflag:s11], $0x180  }
0x12c: {  	s3 =	sld [smem:$0x7FD]  }
0x12d: {  	[sflag:s11] =	ssyncset.done $0x0  }
0x12e: {  	[sflag:s11] =	ssyncadd.s32 $0xFFFFFE80  }
0x12f: {  	[tilespmem:s26], [sflag:$0x1] =	stream.linear.gather [spmem:s3], $0x180, $0x38;
	[tilespmem:$0x12980] =	vst v63  }
0x130: {  	_ =	swait.ge [sflag:s11], $0x180  }
0x131: {  	[sflag:s11] =	ssyncset.done $0x0  }
0x132: {  	[sflag:s11] =	ssyncadd.s32 $0xFFFFFE80  }
0x133: {  	[tilespmem:s28], [sflag:$0x1] =	stream.linear.gather [spmem:s4], $0x180, $0x38;
	[tilespmem:$0x12980] =	vst v63  }
0x134: {  	_ =	swait.ge [sflag:s11], $0x180  }
0x135: {  	[sflag:s11] =	ssyncset.done $0x0  }
0x136: {  	[sflag:s11] =	ssyncadd.s32 $0xFFFFFE80  }
0x137: {  	[tilespmem:s29], [sflag:$0x1] =	stream.linear.gather [spmem:s5], $0x180, $0x38;
	[tilespmem:$0x12980] =	vst v63  }
0x138: {  	_ =	swait.ge [sflag:s11], $0x180  }
0x139: {  	[sflag:s11] =	ssyncset.done $0x0  }
0x13a: {  	s0 =	sand.u32 $0x1F0, s0;
	[sflag:s11] =	ssyncadd.s32 $0xFFFFFE80  }
0x13b: {  	v2 =	vld [tilespmem:s0+$0xB180]  }
0x13c: {  	v3 =	vld [tilespmem:s2+$0x0];
	_ =	sdelay $0x1  }
0x13d: {  	v54 =	vld [tilespmem:s0+$0xB300];
	_ =	sdelay $0x1  }
0x13e: {  	v55 =	vld [tilespmem:s0+$0xB480]  }
0x13f: {  	v2 =	vadd.f32 v2, v3  }
0x140: {  	v3 =	vld [tilespmem:s0+$0xB600]  }
0x141: {  	v2 =	vadd.f32 v54, v2  }
0x142: {  	v56 =	vld [tilespmem:s0+$0xB780]  }
0x143: {  	v2 =	vadd.f32 v55, v2  }
0x144: {  	v57 =	vld [tilespmem:s0+$0xB900]  }
0x145: {  	v2 =	vadd.f32 v3, v2  }
0x146: {  	v3 =	vld [tilespmem:s0+$0xBA80]  }
0x147: {  	v2 =	vadd.f32 v56, v2  }
0x148: {  	v58 =	vld [tilespmem:s0+$0xBC00]  }
0x149: {  	v2 =	vadd.f32 v57, v2  }
0x14a: {  	v59 =	vld [tilespmem:s0+$0xBD80]  }
0x14b: {  	v2 =	vadd.f32 v3, v2  }
0x14c: {  	v3 =	vld [tilespmem:s0+$0xBF00]  }
0x14d: {  	v2 =	vadd.f32 v58, v2  }
0x14e: {  	v60 =	vld [tilespmem:s0+$0xC080]  }
0x14f: {  	v2 =	vadd.f32 v59, v2  }
0x150: {  	v61 =	vld [tilespmem:s0+$0xC200]  }
0x151: {  	v2 =	vadd.f32 v3, v2  }
0x152: {  	v3 =	vld [tilespmem:s0+$0xC380]  }
0x153: {  	v2 =	vadd.f32 v60, v2  }
0x154: {  	v62 =	vld [tilespmem:s0+$0xC500]  }
0x155: {  	v2 =	vadd.f32 v61, v2  }
0x156: {  	v63 =	vld [tilespmem:s0+$0xC680]  }
0x157: {  	v2 =	vadd.f32 v3, v2;
	_ =	sdelay $0x1  }
0x158: {  	v2 =	vadd.f32 v62, v2;
	_ =	sdelay $0x1  }
0x159: {  	v2 =	vadd.f32 v63, v2  }
0x15a: {  	s3 =	simm.s32 $0x10  }
0x15b: {  	s0 =	sand.u32 $0x1F0, s3;
	[tilespmem:s31+$0x0] =	vst v2  }
0x15c: {  	s2 =	simm.s32 $0xB010;
	s3 =	simm.s32 $0x20;
	v2 =	vld [tilespmem:s0+$0xB180]  }
.LBB2_8:
0x15d: {  	p0 =	sne.s32 s3, $0x170;
	v3 =	vld [tilespmem:s2+$0x0];
	_ =	sdelay $0x1  }
0x15e: {  	v4 =	vld [tilespmem:s0+$0xB300];
	_ =	sdelay $0x1  }
0x15f: {  	v5 =	vld [tilespmem:s0+$0xB480]  }
0x160: {  	v2 =	vadd.f32 v2, v3  }
0x161: {  	v3 =	vld [tilespmem:s0+$0xB600]  }
0x162: {  	v2 =	vadd.f32 v4, v2  }
0x163: {  	v4 =	vld [tilespmem:s0+$0xB780]  }
0x164: {  	v2 =	vadd.f32 v5, v2  }
0x165: {  	v5 =	vld [tilespmem:s0+$0xB900]  }
0x166: {  	v2 =	vadd.f32 v3, v2  }
0x167: {  	v3 =	vld [tilespmem:s0+$0xBA80]  }
0x168: {  	v2 =	vadd.f32 v4, v2  }
0x169: {  	v4 =	vld [tilespmem:s0+$0xBC00]  }
0x16a: {  	v2 =	vadd.f32 v5, v2  }
0x16b: {  	v5 =	vld [tilespmem:s0+$0xBD80]  }
0x16c: {  	v2 =	vadd.f32 v3, v2  }
0x16d: {  	v3 =	vld [tilespmem:s0+$0xBF00]  }
0x16e: {  	v2 =	vadd.f32 v4, v2  }
0x16f: {  	v4 =	vld [tilespmem:s0+$0xC080]  }
0x170: {  	v2 =	vadd.f32 v5, v2  }
0x171: {  	v5 =	vld [tilespmem:s0+$0xC200]  }
0x172: {  	v2 =	vadd.f32 v3, v2  }
0x173: {  	v3 =	vld [tilespmem:s0+$0xC380]  }
0x174: {  	v2 =	vadd.f32 v4, v2  }
0x175: {  	v4 =	vld [tilespmem:s0+$0xC500]  }
0x176: {  	v2 =	vadd.f32 v5, v2  }
0x177: {  	v5 =	vld [tilespmem:s0+$0xC680]  }
0x178: {  	v2 =	vadd.f32 v3, v2;
	_ =	sdelay $0x1  }
0x179: {  	v2 =	vadd.f32 v4, v2  }
.Ltmp3:
0x17a: {  	(pc) =	sbr.rel @p0 .LBB2_8-.Ltmp3, $4  }
0x17b: {  	v2 =	vadd.f32 v5, v2  }
0x17c: {  	s31 =	sadd.s32 $0x10, s31  }
0x17d: {  	s0 =	sand.u32 $0x1F0, s3;
	[tilespmem:s31+$0x0] =	vst v2  }
0x17e: {  	s2 =	sadd.s32 $0x10, s2;
	s3 =	sadd.s32 $0x10, s3;
	v2 =	vld [tilespmem:s0+$0xB180]  }
0x17f: {  	v3 =	vld [tilespmem:s2+$0x0];
	_ =	sdelay $0x1  }
0x180: {  	v4 =	vld [tilespmem:s0+$0xB300];
	_ =	sdelay $0x1  }
0x181: {  	v5 =	vld [tilespmem:s0+$0xB480]  }
0x182: {  	v2 =	vadd.f32 v2, v3  }
0x183: {  	v3 =	vld [tilespmem:s0+$0xB600]  }
0x184: {  	v2 =	vadd.f32 v4, v2  }
0x185: {  	v56 =	vld [tilespmem:s0+$0xB780]  }
0x186: {  	v2 =	vadd.f32 v5, v2  }
0x187: {  	v57 =	vld [tilespmem:s0+$0xB900]  }
0x188: {  	v2 =	vadd.f32 v3, v2  }
0x189: {  	v3 =	vld [tilespmem:s0+$0xBA80]  }
0x18a: {  	v2 =	vadd.f32 v56, v2  }
0x18b: {  	v58 =	vld [tilespmem:s0+$0xBC00]  }
0x18c: {  	v2 =	vadd.f32 v57, v2  }
0x18d: {  	v59 =	vld [tilespmem:s0+$0xBD80]  }
0x18e: {  	v2 =	vadd.f32 v3, v2  }
0x18f: {  	v3 =	vld [tilespmem:s0+$0xBF00]  }
0x190: {  	v2 =	vadd.f32 v58, v2  }
0x191: {  	v60 =	vld [tilespmem:s0+$0xC080]  }
0x192: {  	v2 =	vadd.f32 v59, v2  }
0x193: {  	v61 =	vld [tilespmem:s0+$0xC200]  }
0x194: {  	v2 =	vadd.f32 v3, v2  }
0x195: {  	v3 =	vld [tilespmem:s0+$0xC380]  }
0x196: {  	v2 =	vadd.f32 v60, v2  }
0x197: {  	v62 =	vld [tilespmem:s0+$0xC500]  }
0x198: {  	v2 =	vadd.f32 v61, v2  }
0x199: {  	v63 =	vld [tilespmem:s0+$0xC680]  }
0x19a: {  	v2 =	vadd.f32 v3, v2;
	_ =	sdelay $0x1  }
0x19b: {  	v2 =	vadd.f32 v62, v2;
	_ =	sdelay $0x1  }
0x19c: {  	s30 =	sadd.s32 $0x1, s30;
	v2 =	vadd.f32 v63, v2  }
0x19d: {  	s3 =	sadd.s32 $0x10, s31;
	p0 =	sne.s32 s30, s10  }
.Ltmp4:
0x19e: {  	s31 =	simm.s32 $0xC800;
	[tilespmem:s3+$0x0] =	vst v2;
	(pc) =	sbr.rel @p0 .LBB2_1-.Ltmp4, $4  }
0x19f: {  	[hbm4b:s9+s1] =	stream.linear.scatter [tilespmem:s31], [sflag:$0x1], $0x180, $0x38;
	[tilespmem:$0x12980] =	vst v63  }
0x1a0: {  	_ =	swait.ge [sflag:s11], $0x180  }
0x1a1: {  	[sflag:s11] =	ssyncset.done $0x0  }
0x1a2: {  	[sflag:s11] =	ssyncadd.s32 $0xFFFFFE80  }
0x1a3: {  	_ =	sfence.sel $0x180000  }
0x1a4: {  	[bflag:$0x0] =	sbarrier.arrive $0xFFFF  }
0x1a5: {  	_ =	strace $0x90000047  }
0x1a6: {  	s0 =	stileid.u32;
	[bflag:$0x2] =	sbarrier.arrive $0xFFFF  }
0x1a7: {  	p0 =	sne.s32 s0, $0x0;
	s0 =	rddreg [dreg:$0x3]  }
0x1a8: {  	s0 =	sadd.s32 @!p0 $0x100000, s0  }
0x1a9: {  	[sflag:s0] =	ssyncadd.tile.s32 @!p0 $0x1;
	_ =	shalt  }
.Lfunc_end2:
_tile_overlayer_lowered:
.L_overlay_start_2:
0x1aa: {  	(tag) =	ssettag $0x2  }
0x1ab: {  	s0 =	rddreg [dreg:$0x0];
	s2 =	stileid.u32  }
0x1ac: {  	s1 =	rddreg [dreg:$0x1];
	p0 =	sne.s32 s2, $0x0  }
0x1ad: {  	s3 =	rddreg [dreg:$0x2];
	[bflag:$0x3] =	sbarrier.arrive $0xFFFF;
	s2 =	simm.s32 @!p0 $0x1C01  }
0x1ae: {  	[timem:s3], [sflag:s2] =	dma.local @!p0 [hbm:s0], s1  }
0x1af: {  	s0 =	simm.s32 @!p0 $0x1  }
0x1b0: {  	_ =	swait.ge @!p0 [sflag:s0], s1  }
0x1b1: {  	s1 =	ssub.s32 @!p0 $0x0, s1;
	[sflag:s0] =	ssyncset.done @!p0 $0x0  }
0x1b2: {  	[sflag:s0] =	ssyncadd.s32 @!p0 s1  }
0x1b3: {  	[bflag:$0x3] =	sbarrier.arrive $0xFFFF  }
0x1b4: {  	_ =	shalt  }

// kernel: kernel.15.cloned.1.call-start
scs
__scs_entry_jumppad:
0x0: {  	(pc) =	sbr.rel $0x88, $3  }
0x1: {  	(tag) =	ssettag $0x0;
	lr =	simm.s32 $0x1  }
0x2: {  	[smem:$0x3F98] =	sst lr;
	_ =	strace $0xD0000000  }
0x3: {  	_ = 	snop  }
0x4: {  	_ = 	snop  }
0x5: {  	_ = 	snop  }
0x6: {  	_ = 	snop  }
0x7: {  	_ = 	snop  }
__scs_overlays_trampoline_lowered:
0x8: {  	[smem:$0x3FA7] =	sst s0  }
0x9: {  	[smem:$0x3FA8] =	sst s1  }
0xa: {  	[smem:$0x3FA9] =	sst s2  }
0xb: {  	[smem:$0x3FAA] =	sst s3  }
0xc: {  	[smem:$0x3FAB] =	sst s4  }
0xd: {  	[smem:$0x3FAC] =	sst s5  }
0xe: {  	[smem:$0x3FAD] =	sst s6  }
0xf: {  	[smem:$0x3FAE] =	sst s7  }
0x10: {  	[smem:$0x3FAF] =	sst s8  }
0x11: {  	[smem:$0x3FB0] =	sst s9;
	s0 =	simm.s32 @!p0 $0x0  }
0x12: {  	s1 =	sld [smem:$0x3F96];
	s0 =	simm.s32 @p0 $0x1  }
0x13: {  	[smem:$0x3FB1] =	sst s0;
	s0 =	simm.s32 @!p1 $0x0  }
0x14: {  	s2 =	sld [smem:$0x3F95];
	s0 =	simm.s32 @p1 $0x1  }
0x15: {  	[smem:$0x3FB2] =	sst s0;
	s0 =	simm.s32 @!p2 $0x0  }
0x16: {  	s3 =	sld [smem:$0x3FDB];
	s0 =	simm.s32 @p2 $0x1  }
0x17: {  	s4 =	simm.s32 $0x1BF5;
	[smem:$0x3FB4] =	sst s0  }
0x18: {  	s0 =	sld [smem:$0x3F97];
	_ =	swait.ge [sflag:s4], $0x0  }
0x19: {  	s7 =	sld [smem:$0x3F98]  }
0x1a: {  	s8 =	sadd.s32 $0xFFFFE003, lr  }
0x1b: {  	s9 =	sadd.s32 $0xFFFFFEF7, lr;
	s5 =	simm.s32 $0xFFFFFFFF;
	p2 =	slt.u32 s8, $0xFFFFF086  }
0x1c: {  	p1 =	slt.u32 s9, $0xF7A;
	s5 =	simm.s32 @!p2 $0x0  }
0x1d: {  	s5 =	simm.s32 @p1 $0x1;
	p0 =	seq.s32 s7, s2  }
0x1e: {  	s7 =	smul.u32 @!p0 $0xF7A, s2;
	p2 =	seq.s32 @!p0 s5, $0x0  }
0x1f: {  	s9 =	smul.u32 $0xF7A, s1;
	s8 =	simm.s32 @!p0 $0x1BF5;
	p2 =	por !p2, p0  }
0x20: {  	[sflag:s8] =	ssyncset.s32 @!p0 $0xFFFFF086;
	s6 =	sadd.s32 @!p0 s3, s7;
	s7 =	simm.s32 @!p0 $0x108  }
0x21: {  	s3 =	sadd.s32 s3, s9;
	s6 =	sadd.s32 @!p0 $0x88, s6;
	s7 =	simm.s32 @p2 $0x1082  }
0x22: {  	[simem:s7], [sflag:s8] =	dma.local @!p0 [hbm:s6], $0xF7A  }
0x23: {  	s9 =	sor.u32 $0xD0000000, s2;
	s6 =	simm.s32 $0x108;
	_ =	swait.ge @!p0 [sflag:s8], $0x0  }
0x24: {  	s3 =	sadd.s32 $0x88, s3;
	s6 =	simm.s32 @!p1 $0x1082;
	[sflag:s4] =	ssyncset.s32 $0xFFFFF086  }
0x25: {  	[simem:s6], [sflag:s4] =	dma.local [hbm:s3], $0xF7A  }
0x26: {  	[smem:$0x3F98] =	sst s1;
	(tag) =	ssettag s2;
	_ =	strace s9  }
0x27: {  	s1 =	sld [smem:$0x3FA8]  }
0x28: {  	s2 =	sld [smem:$0x3FA9]  }
0x29: {  	s4 =	sld [smem:$0x3FAB]  }
0x2a: {  	p0 =	seq.s32 s5, $0x0;
	s5 =	sld [smem:$0x3FAC]  }
0x2b: {  	s6 =	sld [smem:$0x3FAD]  }
0x2c: {  	s7 =	sld [smem:$0x3FAE]  }
0x2d: {  	s3 =	simm.s32 $0x108;
	s8 =	sld [smem:$0x3FAF]  }
0x2e: {  	s3 =	simm.s32 @!p0 $0x1082;
	s9 =	sld [smem:$0x3FB0]  }
0x2f: {  	lr =	sadd.s32 s0, s3;
	s0 =	sld [smem:$0x3FA7]  }
0x30: {  	s3 =	sld [smem:$0x3FAA]  }
0x31: {  	[smem:$0x3FB3] =	sst s10  }
0x32: {  	s10 =	sld [smem:$0x3FB1];
	_ =	sdelay $0x3  }
0x33: {  	p0 =	seq.s32 s10, $0x1;
	s10 =	sld [smem:$0x3FB3];
	_ =	sdelay $0x3  }
0x34: {  	[smem:$0x3FB3] =	sst s10  }
0x35: {  	s10 =	sld [smem:$0x3FB2];
	_ =	sdelay $0x3  }
0x36: {  	p1 =	seq.s32 s10, $0x1;
	s10 =	sld [smem:$0x3FB3];
	_ =	sdelay $0x3  }
0x37: {  	[smem:$0x3FB3] =	sst s10  }
0x38: {  	s10 =	sld [smem:$0x3FB4]  }
0x39: {  	_ = 	snop;
	(pc) =	sbr.ind lr, $3  }
0x3a: {  	_ = 	snop  }
0x3b: {  	_ = 	snop  }
0x3c: {  	p2 =	seq.s32 s10, $0x1;
	s10 =	sld [smem:$0x3FB3]  }
0x3d: {  	_ =	shalt  }
0x3e: {  	_ =	shalt  }
0x3f: {  	_ =	shalt  }
0x40: {  	_ =	shalt  }
0x41: {  	_ =	shalt  }
0x42: {  	_ =	shalt  }
0x43: {  	_ =	shalt  }
0x44: {  	_ =	shalt  }
0x45: {  	_ =	shalt  }
0x46: {  	_ =	shalt  }
0x47: {  	_ =	shalt  }
0x48: {  	_ =	shalt  }
0x49: {  	_ =	shalt  }
0x4a: {  	_ =	shalt  }
0x4b: {  	_ =	shalt  }
0x4c: {  	_ =	shalt  }
0x4d: {  	_ =	shalt  }
0x4e: {  	_ =	shalt  }
0x4f: {  	_ =	shalt  }
0x50: {  	_ =	shalt  }
0x51: {  	_ =	shalt  }
0x52: {  	_ =	shalt  }
0x53: {  	_ =	shalt  }
0x54: {  	_ =	shalt  }
0x55: {  	_ =	shalt  }
0x56: {  	_ =	shalt  }
0x57: {  	_ =	shalt  }
0x58: {  	_ =	shalt  }
0x59: {  	_ =	shalt  }
0x5a: {  	_ =	shalt  }
0x5b: {  	_ =	shalt  }
0x5c: {  	_ =	shalt  }
0x5d: {  	_ =	shalt  }
0x5e: {  	_ =	shalt  }
0x5f: {  	_ =	shalt  }
0x60: {  	_ =	shalt  }
0x61: {  	_ =	shalt  }
0x62: {  	_ =	shalt  }
0x63: {  	_ =	shalt  }
0x64: {  	_ =	shalt  }
0x65: {  	_ =	shalt  }
0x66: {  	_ =	shalt  }
0x67: {  	_ =	shalt  }
0x68: {  	_ =	shalt  }
0x69: {  	_ =	shalt  }
0x6a: {  	_ =	shalt  }
0x6b: {  	_ =	shalt  }
0x6c: {  	_ =	shalt  }
0x6d: {  	_ =	shalt  }
0x6e: {  	_ =	shalt  }
0x6f: {  	_ =	shalt  }
0x70: {  	_ =	shalt  }
0x71: {  	_ =	shalt  }
0x72: {  	_ =	shalt  }
0x73: {  	_ =	shalt  }
0x74: {  	_ =	shalt  }
0x75: {  	_ =	shalt  }
0x76: {  	_ =	shalt  }
0x77: {  	_ =	shalt  }
0x78: {  	_ =	shalt  }
0x79: {  	_ =	shalt  }
0x7a: {  	_ =	shalt  }
0x7b: {  	_ =	shalt  }
0x7c: {  	_ =	shalt  }
0x7d: {  	_ =	shalt  }
0x7e: {  	_ =	shalt  }
0x7f: {  	_ =	shalt  }
0x80: {  	_ =	shalt  }
0x81: {  	_ =	shalt  }
0x82: {  	_ =	shalt  }
0x83: {  	_ =	shalt  }
0x84: {  	_ =	shalt  }
0x85: {  	_ =	shalt  }
0x86: {  	_ =	shalt  }
0x87: {  	_ =	shalt  }
.Lfunc_end0:
.L_simem_size_0:
called_computation.1_lowered:
.L_overlay_start_0:
0x88: {  	s2 =	sld [smem:$0x3FD9]  }
0x89: {  	s3 =	sld [smem:$0x3FFE];
	_ =	sdelay $0x1  }
0x8a: {  	s1 =	srdreg.scid  }
0x8b: {  	s0 =	sand.u32 $0x1, s1  }
0x8c: {  	s17 =	sshll.u32 s0, $0xA;
	s2 =	sadd.s32 s3, s2  }
0x8d: {  	s2 =	sadd.s32 s2, s17  }
0x8e: {  	[smem:$0x3FBF] =	sst s2  }
0x8f: {  	_ = 	snop  }
0x90: {  	(tm) =	ssettm $0x1  }
0x91: {  	s18 =	sld [smem:$0x3FFB];
	_ =	sdelay $0x3  }
0x92: {  	_ =	strace s18  }
0x93: {  	s2 =	sld [smem:$0x3FFC];
	_ =	sdelay $0x3  }
0x94: {  	_ =	strace s2  }
0x95: {  	s2 =	sld [smem:$0x3FFD];
	_ =	sdelay $0x3  }
0x96: {  	_ =	strace s2  }
0x97: {  	_ =	strace $0x8FFFFFFF  }
0x98: {  	s19 =	sld [smem:$0x3FDB];
	_ =	sdelay $0x1  }
0x99: {  	s20 =	simm.s32 $_scs_section_size  }
0x9a: {  	s4 =	simm.s32 $_size__tile_overlayer_lowered;
	s5 =	simm.s32 $_tile_overlayer_lowered  }
0x9b: {  	s6 =	simm.s32 $0x1BFF;
	s21 =	sshll.u32 s5, $0x1;
	s3 =	sadd.s32 s20, s19  }
0x9c: {  	s22 =	simm.s32 $0x0;
	s4 =	sshll.u32 s4, $0x1;
	s5 =	sadd.s32 s21, s3  }
0x9d: {  	[timem:s22], [sflag:s6] =	dma.local [hbm:s5], s4  }
0x9e: {  	_ =	swait.ge [sflag:s6], s4  }
0x9f: {  	s4 =	ssub.s32 $0x0, s4;
	[sflag:s6] =	ssyncset.done $0x0  }
0xa0: {  	[sflag:s6] =	ssyncadd.s32 s4;
	_ =	sdelay $0x1  }
0xa1: {  	s23 =	simm.s32 $0x1B8B  }
0xa2: {  	_ =	swait.ge [sflag:s23], $0x1  }
0xa3: {  	[sflag:s23] =	ssyncset.done $0x0  }
0xa4: {  	[sflag:s23] =	ssyncadd.s32 $0xFFFFFFFF  }
0xa5: {  	s4 =	sld [smem:$0x0]  }
0xa6: {  	s5 =	sand.u32 $0xFFFFFFFE, s1  }
0xa7: {  	p0 =	sne.s32 s1, s5  }
0xa8: {  	s5 =	sshll.u32 @p0 s5, $0xE  }
0xa9: {  	s5 =	sadd.s32 @p0 $0x11B8D, s5;
	s6 =	sshll.u32 @p0 s4, $0x11  }
0xaa: {  	s5 =	sor.u32 @p0 s6, s5  }
0xab: {  	[sflag:s5] =	ssyncadd.remote.s32 @p0 $0x1;
	_ =	sdelay $0x1  }
0xac: {  	s5 =	simm.s32 @p0 $0x1B8D  }
0xad: {  	_ =	swait.eq @p0 [sflag:s5], $0x1  }
0xae: {  	[sflag:s5] =	ssyncadd.s32 @p0 $0xFFFFFFFF  }
0xaf: {  	s6 =	sshll.u32 @!p0 s1, $0xE  }
0xb0: {  	s6 =	sor.u32 @!p0 $0x4000, s6;
	s5 =	simm.s32 @!p0 $0x1B8D  }
0xb1: {  	s4 =	sshll.u32 @!p0 s4, $0x11;
	s6 =	sadd.s32 @!p0 $0x11B8D, s6;
	_ =	swait.eq @!p0 [sflag:s5], $0x1  }
0xb2: {  	s4 =	sor.u32 @!p0 s4, s6;
	[sflag:s5] =	ssyncadd.s32 @!p0 $0xFFFFFFFF  }
0xb3: {  	s25 =	simm.s32 $0x1B8E;
	s24 =	sld [smem:$0x3FFE];
	[sflag:s4] =	ssyncadd.remote.s32 @!p0 $0x1  }
0xb4: {  	s26 =	simm.s32 $execute0_lowered;
	[smem:$0x3FD2] =	sst s25  }
0xb5: {  	s5 =	sshll.u32 s26, $0x1;
	_ =	strace $0x80000049;
	[dreg:$0x1] =	wrdreg $0xFFFFFFFF  }
0xb6: {  	s28 =	simm.s32 $_size_execute0_lowered;
	s3 =	sadd.s32 s3, s5;
	[dreg:$0x0] =	wrdreg $0x0  }
0xb7: {  	s5 =	sshll.u32 s28, $0x1;
	[dreg:$0x2] =	wrdreg s3  }
0xb8: {  	[dreg:$0x3] =	wrdreg s5  }
0xb9: {  	[dreg:$0x4] =	wrdreg $0xC0  }
0xba: {  	_ =	task [dreg:s22], $0x5FFFF  }
0xbb: {  	[dreg:$0x1] =	wrdreg $0xFFFFFFFF  }
0xbc: {  	[dreg:$0x0] =	wrdreg $0x60  }
0xbd: {  	[dreg:$0x2] =	wrdreg s24  }
0xbe: {  	[dreg:$0x3] =	wrdreg $0xA9000  }
0xbf: {  	[dreg:$0x4] =	wrdreg $0xA  }
0xc0: {  	_ =	task.clear_ibuf [dreg:s22], $0x5FFFF;
	_ =	strace $0x90000049  }
0xc1: {  	s29 =	simm.s32 $0xA;
	_ =	strace $0x8000004B  }
0xc2: {  	_ =	swait.ge [sflag:s29], $0x1  }
0xc3: {  	[sflag:s29] =	ssyncadd.s32 $0xFFFFFFFF  }
0xc4: {  	_ =	strace $0x9000004B  }
0xc5: {  	_ =	sfence  }
0xc6: {  	s30 =	sld [smem:$0x0];
	_ =	sdelay $0x2  }
0xc7: {  	s31 =	sshll.u32 s1, $0xD;
	s1 =	sshrl.u32 s1, $0x2  }
0xc8: {  	s4 =	sand.u32 $0x4000, s31;
	s1 =	sadd.s32 s1, s30  }
0xc9: {  	s0 =	sor.u32 s4, s0;
	s1 =	sshll.u32 s1, $0x11  }
0xca: {  	s0 =	sor.u32 s1, s0  }
0xcb: {  	s0 =	sadd.s32 $0x8F2B, s0  }
0xcc: {  	[sflag:s0] =	ssyncadd.remote.s32 $0x1  }
0xcd: {  	_ =	sfence.sel $0xFFFF  }
0xce: {  	[dreg:$0x0] =	wrdreg $0xFFFFFFFF;
	(pc) =	sbr.abs _section_cstart, $3  }
0xcf: {  	[dreg:$0x1] =	wrdreg $0xFFFFFFFF  }
0xd0: {  	_ =	task.clear_ibuf [dreg:s22], $0x2FFFF;
	_ =	strace $0x9FFFFFFF  }
0xd1: {  	(tm) =	ssettm $0x7FFFFFFF  }
tec
execute0_lowered:
.L_overlay_start_1:
0x0: {  	(tag) =	ssettag $0x1  }
0x1: {  	s0 =	srdreg.scid;
	s1 =	rddreg [dreg:$0x0]  }
0x2: {  	s16 =	stileid.u32;
	s2 =	rddreg [dreg:$0x1]  }
0x3: {  	s28 =	simm.s32 $0xA800;
	s29 =	simm.s32 $0x6800;
	s9 =	smul.u32 $0x50000, s16  }
0x4: {  	s30 =	simm.s32 $0xA880;
	s0 =	sand.u32 $0x1, s0;
	s13 =	smul.u32 $0x14000, s16  }
0x5: {  	s31 =	simm.s32 $0x1;
	s3 =	sshll.u32 s16, $0x1;
	s15 =	smul.u32 $0x140000, s0  }
0x6: {  	s4 =	sor.u32 s0, s3;
	s8 =	ssub.s32 $0x2, s0;
	s0 =	smul.u32 $0x2800, s0  }
0x7: {  	s10 =	sadd.s32 $0x3A00, s1;
	s3 =	simm.s32 $0x0;
	s5 =	smul.u32 $0x2800, s4  }
0x8: {  	[smem:$0x7FF] =	sst s3;
	s4 =	sadd.s32 $0x19200, s1;
	s11 =	sshrl.u32 s8, $0x1  }
0x9: {  	s19 =	sshrl.u32 s9, $0x2;
	s20 =	sadd.s32 $0x4000, s13;
	s22 =	sadd.s32 $0x8000, s13  }
0xa: {  	s23 =	sadd.s32 $0xC000, s13;
	s14 =	sadd.s32 $0x10000, s13;
	_ =	strace $0x8000004A  }
0xb: {  	s8 =	ssub.s32 s8, s11;
	s21 =	sadd.s32 s20, s2;
	s12 =	sadd.s32 s22, s2  }
0xc: {  	s24 =	sadd.s32 s23, s2;
	s25 =	sadd.s32 s14, s2;
	[dreg:$0x5] =	wrdreg s21  }
0xd: {  	s26 =	sadd.s32 s13, s15;
	s9 =	sadd.s32 s15, s20;
	[dreg:$0x6] =	wrdreg s12  }
0xe: {  	s20 =	sadd.s32 s15, s23;
	s6 =	sshrl.u32 s5, $0x3;
	[dreg:$0x7] =	wrdreg s24  }
0xf: {  	s5 =	sadd.s32 $0x41200, s1;
	[dreg:$0x8] =	wrdreg s25;
	s9 =	sshrl.u32 s9, $0x3  }
0x10: {  	s21 =	smul.u32 $0x5000, s16;
	s25 =	smax.u32 s8, $0x1;
	s8 =	simm.s32 $0x0  }
0x11: {  	s7 =	sadd.s32 s6, s1;
	s1 =	sadd.s32 $0x41A00, s1;
	s12 =	sadd.s32 s10, s6  }
0x12: {  	s6 =	sshrl.u32 s26, $0x3;
	[dreg:$0xf] =	wrdreg s25;
	s7 =	sadd.s32 $0xDA00, s7  }
0x13: {  	s25 =	simm.s32 $0x80;
	s17 =	sadd.s32 $0x10, s12;
	[dreg:$0x3] =	wrdreg s7  }
0x14: {  	s6 =	sadd.s32 s1, s6;
	s18 =	sadd.s32 s1, s9;
	[dreg:$0x9] =	wrdreg s17  }
0x15: {  	s0 =	sadd.s32 s0, s21;
	s21 =	sadd.s32 $0x4E0, s12;
	[dreg:$0xa] =	wrdreg s6  }
0x16: {  	s7 =	sadd.s32 s19, s2;
	[dreg:$0xb] =	wrdreg s18;
	s19 =	sadd.s32 s15, s22  }
0x17: {  	s22 =	sadd.s32 s15, s14;
	s26 =	sor.u32 $0x180, s0;
	s0 =	sor.u32 $0x100, s0  }
0x18: {  	[dreg:$0x4] =	wrdreg s7;
	s6 =	sshrl.u32 s19, $0x3;
	s7 =	sshrl.u32 s20, $0x3  }
0x19: {  	s24 =	sshrl.u32 s22, $0x3;
	s20 =	sadd.s32 $0x4F0, s12;
	s6 =	sadd.s32 s1, s6  }
0x1a: {  	s0 =	sshrl.u32 s0, $0x3;
	s23 =	sadd.s32 s1, s7;
	[dreg:$0xc] =	wrdreg s6  }
0x1b: {  	s1 =	sadd.s32 s1, s24;
	s24 =	simm.s32 $0x5;
	[dreg:$0xd] =	wrdreg s23  }
0x1c: {  	s7 =	simm.s32 $0x2780;
	[dreg:$0xe] =	wrdreg s1;
	s1 =	sshrl.u32 s26, $0x3  }
0x1d: {  	s23 =	sadd.s32 s0, s10;
	s26 =	simm.s32 $0x2800;
	s0 =	simm.s32 $0x2  }
0x1e: {  	s6 =	simm.s32 $0x4;
	s22 =	sadd.s32 s1, s10;
	s1 =	simm.s32 $0x3  }
.LBB2_1:
0x1f: {  	s9 =	rddreg [dreg:$0x3]  }
0x20: {  	[tilespmem:s3], [sflag:$0x5] =	stream.linear.gather [hbm4b:s9+s3], $0x2800, $0x38;
	[tilespmem:$0x1E900] =	vst v63  }
0x21: {  	s16 =	stileid.u32;
	_ =	swait.ge [sflag:s24], $0x2800  }
0x22: {  	s9 =	sshll.u32 s16, $0x6;
	[sflag:s24] =	ssyncset.done $0x0;
	s10 =	rddreg [dreg:$0x4]  }
0x23: {  	s9 =	sor.u32 $0x1C05, s9;
	[sflag:s24] =	ssyncadd.s32 $0xFFFFD800;
	s10 =	sshrl.u32 s10, $0x3  }
0x24: {  	[spmem:s10], [sflag:s9] =	dma.local [hbm:s5], $0x800  }
0x25: {  	_ =	swait.ge [sflag:s24], $0x800  }
0x26: {  	[sflag:s24] =	ssyncset.done $0x0;
	s11 =	rddreg [dreg:$0x5]  }
0x27: {  	[sflag:s24] =	ssyncadd.s32 $0xFFFFF800;
	s11 =	sshrl.u32 s11, $0x3  }
0x28: {  	[spmem:s11], [sflag:s9] =	dma.local [hbm:s5], $0x800  }
0x29: {  	_ =	swait.ge [sflag:s24], $0x800  }
0x2a: {  	[sflag:s24] =	ssyncset.done $0x0;
	s13 =	rddreg [dreg:$0x6]  }
0x2b: {  	[sflag:s24] =	ssyncadd.s32 $0xFFFFF800;
	s13 =	sshrl.u32 s13, $0x3  }
0x2c: {  	[spmem:s13], [sflag:s9] =	dma.local [hbm:s5], $0x800  }
0x2d: {  	_ =	swait.ge [sflag:s24], $0x800  }
0x2e: {  	[sflag:s24] =	ssyncset.done $0x0;
	s14 =	rddreg [dreg:$0x7]  }
0x2f: {  	[sflag:s24] =	ssyncadd.s32 $0xFFFFF800;
	s14 =	sshrl.u32 s14, $0x3  }
0x30: {  	[spmem:s14], [sflag:s9] =	dma.local [hbm:s5], $0x800  }
0x31: {  	_ =	swait.ge [sflag:s24], $0x800  }
0x32: {  	[sflag:s24] =	ssyncset.done $0x0;
	s15 =	rddreg [dreg:$0x8]  }
0x33: {  	[sflag:s24] =	ssyncadd.s32 $0xFFFFF800;
	s15 =	sshrl.u32 s15, $0x3  }
0x34: {  	[spmem:s15], [sflag:s9] =	dma.local [hbm:s5], $0x800  }
0x35: {  	_ =	swait.ge [sflag:s24], $0x800  }
0x36: {  	[sflag:s24] =	ssyncset.done $0x0  }
0x37: {  	[sflag:s24] =	ssyncadd.s32 $0xFFFFF800  }
0x38: {  	[bflag:$0x0] =	sbarrier.arrive $0xFFFF  }
0x39: {  	[tilespmem:s26], [sflag:$0x1] =	stream.indirect.gather [hbm4b:s4+s25], $0x80, s3, s25, $0xb8;
	[tilespmem:$0x1E900] =	vst v63  }
0x3a: {  	_ = 	snop  }
0x3b: {  	[tilespmem:s28], [sflag:$0x3] =	stream.linear.gather [hbm4b:s12+s3], $0x80, $0x38;
	[tilespmem:$0x1E900] =	vst v63  }
0x3c: {  	_ = 	snop  }
0x3d: {  	[tilespmem:s29], [sflag:$0x2] =	stream.indirect.gather [hbm4b:s4+s25], $0x80, s25, s25, $0xb8;
	[tilespmem:$0x1E900] =	vst v63  }
0x3e: {  	s16 =	rddreg [dreg:$0x9]  }
0x3f: {  	[tilespmem:s30], [sflag:$0x4] =	stream.linear.gather [hbm4b:s16+s3], $0x80, $0x38;
	[tilespmem:$0x1E900] =	vst v63  }
0x40: {  	_ =	swait.ge [sflag:s31], $0x4000  }
0x41: {  	[sflag:s31] =	ssyncset.done $0x0  }
0x42: {  	[sflag:s31] =	ssyncadd.s32 $0xFFFFC000  }
0x43: {  	_ =	swait.ge [sflag:s1], $0x80  }
0x44: {  	[sflag:s1] =	ssyncset.done $0x0  }
0x45: {  	[sflag:s1] =	ssyncadd.s32 $0xFFFFFF80  }
0x46: {  	[spmem:s2] =	stream.indirect.scatter.add.f32 [tilespmem:s26], [sflag:$0x5], $0x80, s28, s25, $0xb8;
	[tilespmem:$0x1E900] =	vst v63  }
0x47: {  	_ =	swait.ge [sflag:s24], $0x4000  }
0x48: {  	[sflag:s24] =	ssyncset.done $0x0  }
0x49: {  	s17 =	simm.s32 $0x100;
	[sflag:s24] =	ssyncadd.s32 $0xFFFFC000  }
0x4a: {  	[tilespmem:s26], [sflag:$0x1] =	stream.indirect.gather [hbm4b:s4+s25], $0x80, s17, s25, $0xb8;
	[tilespmem:$0x1E900] =	vst v63  }
0x4b: {  	s18 =	sadd.s32 $0x0, s23  }
0x4c: {  	[tilespmem:s28], [sflag:$0x3] =	stream.linear.gather [hbm4b:s18+s3], $0x80, $0x38;
	[tilespmem:$0x1E900] =	vst v63  }
0x4d: {  	_ =	swait.ge [sflag:s0], $0x4000  }
0x4e: {  	[sflag:s0] =	ssyncset.done $0x0  }
0x4f: {  	[sflag:s0] =	ssyncadd.s32 $0xFFFFC000  }
0x50: {  	_ =	swait.ge [sflag:s6], $0x80  }
0x51: {  	[sflag:s6] =	ssyncset.done $0x0  }
0x52: {  	[sflag:s6] =	ssyncadd.s32 $0xFFFFFF80  }
0x53: {  	[spmem:s2] =	stream.indirect.scatter.add.f32 [tilespmem:s29], [sflag:$0x5], $0x80, s30, s25, $0xb8;
	[tilespmem:$0x1E900] =	vst v63  }
0x54: {  	_ =	swait.ge [sflag:s24], $0x4000  }
0x55: {  	s19 =	simm.s32 $0x180;
	s16 =	simm.s32 $0x20;
	[sflag:s24] =	ssyncset.done $0x0  }
0x56: {  	s17 =	simm.s32 $0x280;
	s18 =	sadd.s32 $0x0, s22;
	[sflag:s24] =	ssyncadd.s32 $0xFFFFC000  }
0x57: {  	[tilespmem:s29], [sflag:$0x2] =	stream.indirect.gather [hbm4b:s4+s25], $0x80, s19, s25, $0xb8;
	[tilespmem:$0x1E900] =	vst v63  }
.LBB2_2:
0x58: {  	[tilespmem:s30], [sflag:$0x4] =	stream.linear.gather [hbm4b:s18+s3], $0x80, $0x38;
	[tilespmem:$0x1E900] =	vst v63  }
0x59: {  	s18 =	smov.u32 s16  }
0x5a: {  	p0 =	sne.s32 s16, $0x4A0;
	s16 =	sadd.s32 $0x20, s16;
	_ =	swait.ge [sflag:s31], $0x4000  }
0x5b: {  	[sflag:s31] =	ssyncset.done $0x0  }
0x5c: {  	[sflag:s31] =	ssyncadd.s32 $0xFFFFC000  }
0x5d: {  	_ =	swait.ge [sflag:s1], $0x80  }
0x5e: {  	[sflag:s1] =	ssyncset.done $0x0  }
0x5f: {  	[sflag:s1] =	ssyncadd.s32 $0xFFFFFF80  }
0x60: {  	[spmem:s2] =	stream.indirect.scatter.add.f32 [tilespmem:s26], [sflag:$0x5], $0x80, s28, s25, $0xb8;
	[tilespmem:$0x1E900] =	vst v63  }
0x61: {  	_ =	swait.ge [sflag:s24], $0x4000  }
0x62: {  	[sflag:s24] =	ssyncset.done $0x0  }
0x63: {  	s19 =	sadd.s32 $0xFFFFFF80, s17;
	[sflag:s24] =	ssyncadd.s32 $0xFFFFC000  }
0x64: {  	[tilespmem:s26], [sflag:$0x1] =	stream.indirect.gather [hbm4b:s4+s25], $0x80, s19, s25, $0xb8;
	[tilespmem:$0x1E900] =	vst v63  }
0x65: {  	s19 =	sadd.s32 s18, s23  }
0x66: {  	[tilespmem:s28], [sflag:$0x3] =	stream.linear.gather [hbm4b:s19+s3], $0x80, $0x38;
	[tilespmem:$0x1E900] =	vst v63  }
0x67: {  	_ =	swait.ge [sflag:s0], $0x4000  }
0x68: {  	[sflag:s0] =	ssyncset.done $0x0  }
0x69: {  	[sflag:s0] =	ssyncadd.s32 $0xFFFFC000  }
0x6a: {  	_ =	swait.ge [sflag:s6], $0x80  }
0x6b: {  	[sflag:s6] =	ssyncset.done $0x0  }
0x6c: {  	[sflag:s6] =	ssyncadd.s32 $0xFFFFFF80  }
0x6d: {  	[spmem:s2] =	stream.indirect.scatter.add.f32 [tilespmem:s29], [sflag:$0x5], $0x80, s30, s25, $0xb8;
	[tilespmem:$0x1E900] =	vst v63  }
.Ltmp0:
0x6e: {  	_ =	swait.ge [sflag:s24], $0x4000;
	(pc) =	sbr.rel @p0 .LBB2_2-.Ltmp0, $4  }
0x6f: {  	[sflag:s24] =	ssyncset.done $0x0  }
0x70: {  	[sflag:s24] =	ssyncadd.s32 $0xFFFFC000  }
0x71: {  	[tilespmem:s29], [sflag:$0x2] =	stream.indirect.gather [hbm4b:s4+s25], $0x80, s17, s25, $0xb8;
	[tilespmem:$0x1E900] =	vst v63  }
0x72: {  	s18 =	sadd.s32 s18, s22;
	s17 =	sadd.s32 $0x100, s17  }
0x73: {  	[tilespmem:s30], [sflag:$0x4] =	stream.linear.gather [hbm4b:s18+s3], $0x80, $0x38;
	[tilespmem:$0x1E900] =	vst v63  }
0x74: {  	_ =	swait.ge [sflag:s31], $0x4000  }
0x75: {  	[sflag:s31] =	ssyncset.done $0x0  }
0x76: {  	[sflag:s31] =	ssyncadd.s32 $0xFFFFC000  }
0x77: {  	_ =	swait.ge [sflag:s1], $0x80  }
0x78: {  	[sflag:s1] =	ssyncset.done $0x0  }
0x79: {  	[sflag:s1] =	ssyncadd.s32 $0xFFFFFF80  }
0x7a: {  	[spmem:s2] =	stream.indirect.scatter.add.f32 [tilespmem:s26], [sflag:$0x5], $0x80, s28, s25, $0xb8;
	[tilespmem:$0x1E900] =	vst v63  }
0x7b: {  	_ =	swait.ge [sflag:s24], $0x4000  }
0x7c: {  	[sflag:s24] =	ssyncset.done $0x0  }
0x7d: {  	s16 =	simm.s32 $0x2700;
	[sflag:s24] =	ssyncadd.s32 $0xFFFFC000  }
0x7e: {  	[tilespmem:s26], [sflag:$0x1] =	stream.indirect.gather [hbm4b:s4+s25], $0x80, s16, s25, $0xb8;
	[tilespmem:$0x1E900] =	vst v63  }
0x7f: {  	_ = 	snop  }
0x80: {  	[tilespmem:s28], [sflag:$0x3] =	stream.linear.gather [hbm4b:s21+s3], $0x80, $0x38;
	[tilespmem:$0x1E900] =	vst v63  }
0x81: {  	_ =	swait.ge [sflag:s0], $0x4000  }
0x82: {  	[sflag:s0] =	ssyncset.done $0x0  }
0x83: {  	[sflag:s0] =	ssyncadd.s32 $0xFFFFC000  }
0x84: {  	_ =	swait.ge [sflag:s6], $0x80  }
0x85: {  	[sflag:s6] =	ssyncset.done $0x0  }
0x86: {  	[sflag:s6] =	ssyncadd.s32 $0xFFFFFF80  }
0x87: {  	[spmem:s2] =	stream.indirect.scatter.add.f32 [tilespmem:s29], [sflag:$0x5], $0x80, s30, s25, $0xb8;
	[tilespmem:$0x1E900] =	vst v63  }
0x88: {  	_ =	swait.ge [sflag:s24], $0x4000  }
0x89: {  	[sflag:s24] =	ssyncset.done $0x0  }
0x8a: {  	[sflag:s24] =	ssyncadd.s32 $0xFFFFC000  }
0x8b: {  	[tilespmem:s29], [sflag:$0x2] =	stream.indirect.gather [hbm4b:s4+s25], $0x80, s7, s25, $0xb8;
	[tilespmem:$0x1E900] =	vst v63  }
0x8c: {  	_ = 	snop  }
0x8d: {  	[tilespmem:s30], [sflag:$0x4] =	stream.linear.gather [hbm4b:s20+s3], $0x80, $0x38;
	[tilespmem:$0x1E900] =	vst v63  }
0x8e: {  	_ =	swait.ge [sflag:s31], $0x4000  }
0x8f: {  	[sflag:s31] =	ssyncset.done $0x0  }
0x90: {  	[sflag:s31] =	ssyncadd.s32 $0xFFFFC000  }
0x91: {  	_ =	swait.ge [sflag:s1], $0x80  }
0x92: {  	[sflag:s1] =	ssyncset.done $0x0  }
0x93: {  	[sflag:s1] =	ssyncadd.s32 $0xFFFFFF80  }
0x94: {  	[spmem:s2] =	stream.indirect.scatter.add.f32 [tilespmem:s26], [sflag:$0x5], $0x80, s28, s25, $0xb8;
	[tilespmem:$0x1E900] =	vst v63  }
0x95: {  	_ =	swait.ge [sflag:s24], $0x4000  }
0x96: {  	[sflag:s24] =	ssyncset.done $0x0  }
0x97: {  	[sflag:s24] =	ssyncadd.s32 $0xFFFFC000  }
0x98: {  	[tilespmem:s26], [sflag:$0x1] =	stream.indirect.gather [hbm4b:s4+s25], $0x80, s7, s25, $0xb8;
	[tilespmem:$0x1E900] =	vst v63  }
0x99: {  	_ = 	snop  }
0x9a: {  	[tilespmem:s28], [sflag:$0x3] =	stream.linear.gather [hbm4b:s20+s3], $0x80, $0x38;
	[tilespmem:$0x1E900] =	vst v63  }
0x9b: {  	_ =	swait.ge [sflag:s0], $0x4000  }
0x9c: {  	[sflag:s0] =	ssyncset.done $0x0  }
0x9d: {  	[sflag:s0] =	ssyncadd.s32 $0xFFFFC000  }
0x9e: {  	_ =	swait.ge [sflag:s6], $0x80  }
0x9f: {  	[sflag:s6] =	ssyncset.done $0x0  }
0xa0: {  	[sflag:s6] =	ssyncadd.s32 $0xFFFFFF80  }
0xa1: {  	[spmem:s2] =	stream.indirect.scatter.add.f32 [tilespmem:s29], [sflag:$0x5], $0x80, s30, s25, $0xb8;
	[tilespmem:$0x1E900] =	vst v63  }
0xa2: {  	_ =	swait.ge [sflag:s24], $0x4000  }
0xa3: {  	[sflag:s24] =	ssyncset.done $0x0  }
0xa4: {  	[sflag:s24] =	ssyncadd.s32 $0xFFFFC000  }
0xa5: {  	[tilespmem:s29], [sflag:$0x2] =	stream.indirect.gather [hbm4b:s4+s25], $0x80, s7, s25, $0xb8;
	[tilespmem:$0x1E900] =	vst v63  }
0xa6: {  	_ = 	snop  }
0xa7: {  	[tilespmem:s30], [sflag:$0x4] =	stream.linear.gather [hbm4b:s20+s3], $0x80, $0x38;
	[tilespmem:$0x1E900] =	vst v63  }
0xa8: {  	_ =	swait.ge [sflag:s31], $0x4000  }
0xa9: {  	[sflag:s31] =	ssyncset.done $0x0  }
0xaa: {  	[sflag:s31] =	ssyncadd.s32 $0xFFFFC000  }
0xab: {  	_ =	swait.ge [sflag:s1], $0x80  }
0xac: {  	[sflag:s1] =	ssyncset.done $0x0  }
0xad: {  	[sflag:s1] =	ssyncadd.s32 $0xFFFFFF80  }
0xae: {  	_ =	swait.ge [sflag:s0], $0x4000  }
0xaf: {  	[sflag:s0] =	ssyncset.done $0x0  }
0xb0: {  	[sflag:s0] =	ssyncadd.s32 $0xFFFFC000  }
0xb1: {  	_ =	swait.ge [sflag:s6], $0x80  }
0xb2: {  	[sflag:s6] =	ssyncset.done $0x0  }
0xb3: {  	[sflag:s6] =	ssyncadd.s32 $0xFFFFFF80  }
0xb4: {  	[bflag:$0x0] =	sbarrier.arrive $0xFFFF  }
0xb5: {  	s18 =	rddreg [dreg:$0xa]  }
0xb6: {  	[hbm:s18], [sflag:s9] =	dma.local [spmem:s10], $0x800  }
0xb7: {  	_ =	swait.ge [sflag:s24], $0x800  }
0xb8: {  	[sflag:s24] =	ssyncset.done $0x0  }
0xb9: {  	s19 =	rddreg [dreg:$0xb];
	[sflag:s24] =	ssyncadd.s32 $0xFFFFF800  }
0xba: {  	[hbm:s19], [sflag:s9] =	dma.local [spmem:s11], $0x800  }
0xbb: {  	_ =	swait.ge [sflag:s24], $0x800  }
0xbc: {  	[sflag:s24] =	ssyncset.done $0x0  }
0xbd: {  	s16 =	rddreg [dreg:$0xc];
	[sflag:s24] =	ssyncadd.s32 $0xFFFFF800  }
0xbe: {  	[hbm:s16], [sflag:s9] =	dma.local [spmem:s13], $0x800  }
0xbf: {  	_ =	swait.ge [sflag:s24], $0x800  }
0xc0: {  	[sflag:s24] =	ssyncset.done $0x0  }
0xc1: {  	s17 =	rddreg [dreg:$0xd];
	[sflag:s24] =	ssyncadd.s32 $0xFFFFF800  }
0xc2: {  	[hbm:s17], [sflag:s9] =	dma.local [spmem:s14], $0x800  }
0xc3: {  	_ =	swait.ge [sflag:s24], $0x800  }
0xc4: {  	[sflag:s24] =	ssyncset.done $0x0  }
0xc5: {  	s18 =	rddreg [dreg:$0xe];
	[sflag:s24] =	ssyncadd.s32 $0xFFFFF800  }
0xc6: {  	[hbm:s18], [sflag:s9] =	dma.local [spmem:s15], $0x800  }
0xc7: {  	_ =	swait.ge [sflag:s24], $0x800  }
0xc8: {  	s8 =	sadd.s32 $0x1, s8;
	s19 =	rddreg [dreg:$0xf]  }
0xc9: {  	p0 =	sne.s32 s8, s19  }
.Ltmp1:
0xca: {  	_ = 	snop;
	(pc) =	sbr.rel @p0 .LBB2_1-.Ltmp1, $3  }
0xcb: {  	_ =	sdelay $0x1  }
0xcc: {  	[sflag:s24] =	ssyncset.done $0x0  }
0xcd: {  	[sflag:s24] =	ssyncadd.s32 $0xFFFFF800  }
0xce: {  	_ =	sfence.sel $0x180000  }
0xcf: {  	[bflag:$0x0] =	sbarrier.arrive $0xFFFF  }
0xd0: {  	_ =	strace $0x9000004A  }
0xd1: {  	s0 =	stileid.u32;
	[bflag:$0x2] =	sbarrier.arrive $0xFFFF  }
0xd2: {  	p0 =	sne.s32 s0, $0x0;
	s0 =	rddreg [dreg:$0x2]  }
0xd3: {  	s0 =	sadd.s32 @!p0 $0x100000, s0  }
0xd4: {  	[sflag:s0] =	ssyncadd.tile.s32 @!p0 $0x1;
	_ =	shalt  }
.Lfunc_end2:
_tile_overlayer_lowered:
.L_overlay_start_2:
0xd5: {  	(tag) =	ssettag $0x2  }
0xd6: {  	s0 =	rddreg [dreg:$0x0];
	s2 =	stileid.u32  }
0xd7: {  	s1 =	rddreg [dreg:$0x1];
	p0 =	sne.s32 s2, $0x0  }
0xd8: {  	s3 =	rddreg [dreg:$0x2];
	[bflag:$0x3] =	sbarrier.arrive $0xFFFF;
	s2 =	simm.s32 @!p0 $0x1C05  }
0xd9: {  	[timem:s3], [sflag:s2] =	dma.local @!p0 [hbm:s0], s1  }
0xda: {  	s0 =	simm.s32 @!p0 $0x5  }
0xdb: {  	_ =	swait.ge @!p0 [sflag:s0], s1  }
0xdc: {  	s1 =	ssub.s32 @!p0 $0x0, s1;
	[sflag:s0] =	ssyncset.done @!p0 $0x0  }
0xdd: {  	[sflag:s0] =	ssyncadd.s32 @!p0 s1  }
0xde: {  	[bflag:$0x3] =	sbarrier.arrive $0xFFFF  }
0xdf: {  	_ =	shalt  }

// kernel: kernel.18.cloned.1.call-start
scs
__scs_entry_jumppad:
0x0: {  	(pc) =	sbr.rel $0x88, $3  }
0x1: {  	(tag) =	ssettag $0x0;
	lr =	simm.s32 $0x1  }
0x2: {  	[smem:$0x3F98] =	sst lr;
	_ =	strace $0xD0000000  }
0x3: {  	_ = 	snop  }
0x4: {  	_ = 	snop  }
0x5: {  	_ = 	snop  }
0x6: {  	_ = 	snop  }
0x7: {  	_ = 	snop  }
__scs_overlays_trampoline_lowered:
0x8: {  	[smem:$0x3FA7] =	sst s0  }
0x9: {  	[smem:$0x3FA8] =	sst s1  }
0xa: {  	[smem:$0x3FA9] =	sst s2  }
0xb: {  	[smem:$0x3FAA] =	sst s3  }
0xc: {  	[smem:$0x3FAB] =	sst s4  }
0xd: {  	[smem:$0x3FAC] =	sst s5  }
0xe: {  	[smem:$0x3FAD] =	sst s6  }
0xf: {  	[smem:$0x3FAE] =	sst s7  }
0x10: {  	[smem:$0x3FAF] =	sst s8  }
0x11: {  	[smem:$0x3FB0] =	sst s9;
	s0 =	simm.s32 @!p0 $0x0  }
0x12: {  	s1 =	sld [smem:$0x3F96];
	s0 =	simm.s32 @p0 $0x1  }
0x13: {  	[smem:$0x3FB1] =	sst s0;
	s0 =	simm.s32 @!p1 $0x0  }
0x14: {  	s2 =	sld [smem:$0x3F95];
	s0 =	simm.s32 @p1 $0x1  }
0x15: {  	[smem:$0x3FB2] =	sst s0;
	s0 =	simm.s32 @!p2 $0x0  }
0x16: {  	s3 =	sld [smem:$0x3FDB];
	s0 =	simm.s32 @p2 $0x1  }
0x17: {  	s4 =	simm.s32 $0x1BF5;
	[smem:$0x3FB4] =	sst s0  }
0x18: {  	s0 =	sld [smem:$0x3F97];
	_ =	swait.ge [sflag:s4], $0x0  }
0x19: {  	s7 =	sld [smem:$0x3F98]  }
0x1a: {  	s8 =	sadd.s32 $0xFFFFE003, lr  }
0x1b: {  	s9 =	sadd.s32 $0xFFFFFEF7, lr;
	s5 =	simm.s32 $0xFFFFFFFF;
	p2 =	slt.u32 s8, $0xFFFFF086  }
0x1c: {  	p1 =	slt.u32 s9, $0xF7A;
	s5 =	simm.s32 @!p2 $0x0  }
0x1d: {  	s5 =	simm.s32 @p1 $0x1;
	p0 =	seq.s32 s7, s2  }
0x1e: {  	s7 =	smul.u32 @!p0 $0xF7A, s2;
	p2 =	seq.s32 @!p0 s5, $0x0  }
0x1f: {  	s9 =	smul.u32 $0xF7A, s1;
	s8 =	simm.s32 @!p0 $0x1BF5;
	p2 =	por !p2, p0  }
0x20: {  	[sflag:s8] =	ssyncset.s32 @!p0 $0xFFFFF086;
	s6 =	sadd.s32 @!p0 s3, s7;
	s7 =	simm.s32 @!p0 $0x108  }
0x21: {  	s3 =	sadd.s32 s3, s9;
	s6 =	sadd.s32 @!p0 $0x88, s6;
	s7 =	simm.s32 @p2 $0x1082  }
0x22: {  	[simem:s7], [sflag:s8] =	dma.local @!p0 [hbm:s6], $0xF7A  }
0x23: {  	s9 =	sor.u32 $0xD0000000, s2;
	s6 =	simm.s32 $0x108;
	_ =	swait.ge @!p0 [sflag:s8], $0x0  }
0x24: {  	s3 =	sadd.s32 $0x88, s3;
	s6 =	simm.s32 @!p1 $0x1082;
	[sflag:s4] =	ssyncset.s32 $0xFFFFF086  }
0x25: {  	[simem:s6], [sflag:s4] =	dma.local [hbm:s3], $0xF7A  }
0x26: {  	[smem:$0x3F98] =	sst s1;
	(tag) =	ssettag s2;
	_ =	strace s9  }
0x27: {  	s1 =	sld [smem:$0x3FA8]  }
0x28: {  	s2 =	sld [smem:$0x3FA9]  }
0x29: {  	s4 =	sld [smem:$0x3FAB]  }
0x2a: {  	p0 =	seq.s32 s5, $0x0;
	s5 =	sld [smem:$0x3FAC]  }
0x2b: {  	s6 =	sld [smem:$0x3FAD]  }
0x2c: {  	s7 =	sld [smem:$0x3FAE]  }
0x2d: {  	s3 =	simm.s32 $0x108;
	s8 =	sld [smem:$0x3FAF]  }
0x2e: {  	s3 =	simm.s32 @!p0 $0x1082;
	s9 =	sld [smem:$0x3FB0]  }
0x2f: {  	lr =	sadd.s32 s0, s3;
	s0 =	sld [smem:$0x3FA7]  }
0x30: {  	s3 =	sld [smem:$0x3FAA]  }
0x31: {  	[smem:$0x3FB3] =	sst s10  }
0x32: {  	s10 =	sld [smem:$0x3FB1];
	_ =	sdelay $0x3  }
0x33: {  	p0 =	seq.s32 s10, $0x1;
	s10 =	sld [smem:$0x3FB3];
	_ =	sdelay $0x3  }
0x34: {  	[smem:$0x3FB3] =	sst s10  }
0x35: {  	s10 =	sld [smem:$0x3FB2];
	_ =	sdelay $0x3  }
0x36: {  	p1 =	seq.s32 s10, $0x1;
	s10 =	sld [smem:$0x3FB3];
	_ =	sdelay $0x3  }
0x37: {  	[smem:$0x3FB3] =	sst s10  }
0x38: {  	s10 =	sld [smem:$0x3FB4]  }
0x39: {  	_ = 	snop;
	(pc) =	sbr.ind lr, $3  }
0x3a: {  	_ = 	snop  }
0x3b: {  	_ = 	snop  }
0x3c: {  	p2 =	seq.s32 s10, $0x1;
	s10 =	sld [smem:$0x3FB3]  }
0x3d: {  	_ =	shalt  }
0x3e: {  	_ =	shalt  }
0x3f: {  	_ =	shalt  }
0x40: {  	_ =	shalt  }
0x41: {  	_ =	shalt  }
0x42: {  	_ =	shalt  }
0x43: {  	_ =	shalt  }
0x44: {  	_ =	shalt  }
0x45: {  	_ =	shalt  }
0x46: {  	_ =	shalt  }
0x47: {  	_ =	shalt  }
0x48: {  	_ =	shalt  }
0x49: {  	_ =	shalt  }
0x4a: {  	_ =	shalt  }
0x4b: {  	_ =	shalt  }
0x4c: {  	_ =	shalt  }
0x4d: {  	_ =	shalt  }
0x4e: {  	_ =	shalt  }
0x4f: {  	_ =	shalt  }
0x50: {  	_ =	shalt  }
0x51: {  	_ =	shalt  }
0x52: {  	_ =	shalt  }
0x53: {  	_ =	shalt  }
0x54: {  	_ =	shalt  }
0x55: {  	_ =	shalt  }
0x56: {  	_ =	shalt  }
0x57: {  	_ =	shalt  }
0x58: {  	_ =	shalt  }
0x59: {  	_ =	shalt  }
0x5a: {  	_ =	shalt  }
0x5b: {  	_ =	shalt  }
0x5c: {  	_ =	shalt  }
0x5d: {  	_ =	shalt  }
0x5e: {  	_ =	shalt  }
0x5f: {  	_ =	shalt  }
0x60: {  	_ =	shalt  }
0x61: {  	_ =	shalt  }
0x62: {  	_ =	shalt  }
0x63: {  	_ =	shalt  }
0x64: {  	_ =	shalt  }
0x65: {  	_ =	shalt  }
0x66: {  	_ =	shalt  }
0x67: {  	_ =	shalt  }
0x68: {  	_ =	shalt  }
0x69: {  	_ =	shalt  }
0x6a: {  	_ =	shalt  }
0x6b: {  	_ =	shalt  }
0x6c: {  	_ =	shalt  }
0x6d: {  	_ =	shalt  }
0x6e: {  	_ =	shalt  }
0x6f: {  	_ =	shalt  }
0x70: {  	_ =	shalt  }
0x71: {  	_ =	shalt  }
0x72: {  	_ =	shalt  }
0x73: {  	_ =	shalt  }
0x74: {  	_ =	shalt  }
0x75: {  	_ =	shalt  }
0x76: {  	_ =	shalt  }
0x77: {  	_ =	shalt  }
0x78: {  	_ =	shalt  }
0x79: {  	_ =	shalt  }
0x7a: {  	_ =	shalt  }
0x7b: {  	_ =	shalt  }
0x7c: {  	_ =	shalt  }
0x7d: {  	_ =	shalt  }
0x7e: {  	_ =	shalt  }
0x7f: {  	_ =	shalt  }
0x80: {  	_ =	shalt  }
0x81: {  	_ =	shalt  }
0x82: {  	_ =	shalt  }
0x83: {  	_ =	shalt  }
0x84: {  	_ =	shalt  }
0x85: {  	_ =	shalt  }
0x86: {  	_ =	shalt  }
0x87: {  	_ =	shalt  }
.Lfunc_end0:
.L_simem_size_0:
called_computation.2_lowered:
.L_overlay_start_0:
0x88: {  	s2 =	sld [smem:$0x3FD9]  }
0x89: {  	s3 =	sld [smem:$0x3FFE];
	_ =	sdelay $0x1  }
0x8a: {  	s1 =	srdreg.scid  }
0x8b: {  	s0 =	sand.u32 $0x1, s1  }
0x8c: {  	s16 =	sshll.u32 s0, $0xA;
	s2 =	sadd.s32 s3, s2  }
0x8d: {  	s2 =	sadd.s32 s2, s16  }
0x8e: {  	[smem:$0x3FBF] =	sst s2  }
0x8f: {  	_ = 	snop  }
0x90: {  	(tm) =	ssettm $0x1  }
0x91: {  	s17 =	sld [smem:$0x3FFB];
	_ =	sdelay $0x3  }
0x92: {  	_ =	strace s17  }
0x93: {  	s2 =	sld [smem:$0x3FFC];
	_ =	sdelay $0x3  }
0x94: {  	_ =	strace s2  }
0x95: {  	s2 =	sld [smem:$0x3FFD];
	_ =	sdelay $0x3  }
0x96: {  	_ =	strace s2  }
0x97: {  	_ =	strace $0x8FFFFFFF  }
0x98: {  	s18 =	sld [smem:$0x3FDB];
	_ =	sdelay $0x1  }
0x99: {  	s19 =	simm.s32 $_scs_section_size  }
0x9a: {  	s4 =	simm.s32 $_size__tile_overlayer_lowered;
	s5 =	simm.s32 $_tile_overlayer_lowered  }
0x9b: {  	s22 =	simm.s32 $0x1BFF;
	s21 =	sshll.u32 s5, $0x1;
	s2 =	sadd.s32 s19, s18  }
0x9c: {  	s6 =	simm.s32 $0x0;
	s20 =	sshll.u32 s4, $0x1;
	s4 =	sadd.s32 s21, s2  }
0x9d: {  	[timem:s6], [sflag:s22] =	dma.local [hbm:s4], s20  }
0x9e: {  	_ =	swait.ge [sflag:s22], s20  }
0x9f: {  	s3 =	ssub.s32 $0x0, s20;
	[sflag:s22] =	ssyncset.done $0x0  }
0xa0: {  	[sflag:s22] =	ssyncadd.s32 s3;
	_ =	sdelay $0x1  }
0xa1: {  	s23 =	simm.s32 $0x1B8B  }
0xa2: {  	_ =	swait.ge [sflag:s23], $0x1  }
0xa3: {  	[sflag:s23] =	ssyncset.done $0x0  }
0xa4: {  	s25 =	simm.s32 $0x1B8E;
	s24 =	sld [smem:$0x3FFE];
	[sflag:s23] =	ssyncadd.s32 $0xFFFFFFFF  }
0xa5: {  	s26 =	simm.s32 $execute0_lowered;
	[smem:$0x3FD2] =	sst s25  }
0xa6: {  	s4 =	sshll.u32 s26, $0x1;
	_ =	strace $0x8000004C;
	[dreg:$0x1] =	wrdreg $0xFFFFFFFF  }
0xa7: {  	s28 =	simm.s32 $_size_execute0_lowered;
	s2 =	sadd.s32 s2, s4;
	[dreg:$0x0] =	wrdreg $0x0  }
0xa8: {  	s4 =	sshll.u32 s28, $0x1;
	[dreg:$0x2] =	wrdreg s2  }
0xa9: {  	[dreg:$0x3] =	wrdreg s4  }
0xaa: {  	[dreg:$0x4] =	wrdreg $0xC0  }
0xab: {  	_ =	task [dreg:s6], $0x5FFFF  }
0xac: {  	[dreg:$0x1] =	wrdreg $0xFFFFFFFF  }
0xad: {  	[dreg:$0x0] =	wrdreg $0x60  }
0xae: {  	[dreg:$0x2] =	wrdreg s24  }
0xaf: {  	[dreg:$0x3] =	wrdreg $0xA9000  }
0xb0: {  	[dreg:$0x4] =	wrdreg $0x9  }
0xb1: {  	_ =	task.clear_ibuf [dreg:s6], $0x5FFFF;
	_ =	strace $0x9000004C  }
0xb2: {  	s29 =	simm.s32 $0x9;
	_ =	strace $0x8000004E  }
0xb3: {  	_ =	swait.ge [sflag:s29], $0x1  }
0xb4: {  	[sflag:s29] =	ssyncadd.s32 $0xFFFFFFFF  }
0xb5: {  	_ =	strace $0x9000004E  }
0xb6: {  	_ =	sfence  }
0xb7: {  	s30 =	sld [smem:$0x0];
	_ =	sdelay $0x2  }
0xb8: {  	s31 =	sshll.u32 s1, $0xD;
	s1 =	sshrl.u32 s1, $0x2  }
0xb9: {  	s3 =	sand.u32 $0x4000, s31;
	s1 =	sadd.s32 s1, s30  }
0xba: {  	s0 =	sor.u32 s3, s0;
	s1 =	sshll.u32 s1, $0x11  }
0xbb: {  	s0 =	sor.u32 s1, s0  }
0xbc: {  	s0 =	sadd.s32 $0x8F2B, s0  }
0xbd: {  	[sflag:s0] =	ssyncadd.remote.s32 $0x1  }
0xbe: {  	_ =	sfence.sel $0xFFFF  }
0xbf: {  	[dreg:$0x0] =	wrdreg $0xFFFFFFFF;
	(pc) =	sbr.abs _section_cstart, $3  }
0xc0: {  	[dreg:$0x1] =	wrdreg $0xFFFFFFFF  }
0xc1: {  	_ =	task.clear_ibuf [dreg:s6], $0x2FFFF;
	_ =	strace $0x9FFFFFFF  }
0xc2: {  	(tm) =	ssettm $0x7FFFFFFF  }
0xc3: {  	_ =	shalt  }
tec
execute0_lowered:
.L_overlay_start_1:
0x0: {  	(tag) =	ssettag $0x1  }
0x1: {  	s0 =	srdreg.scid;
	s1 =	rddreg [dreg:$0x0]  }
0x2: {  	s16 =	stileid.u32;
	s2 =	rddreg [dreg:$0x1]  }
0x3: {  	s28 =	simm.s32 $0xA800;
	s29 =	simm.s32 $0x6800;
	s9 =	smul.u32 $0x50000, s16  }
0x4: {  	s30 =	simm.s32 $0xA880;
	s0 =	sand.u32 $0x1, s0;
	s13 =	smul.u32 $0x14000, s16  }
0x5: {  	s31 =	simm.s32 $0x1;
	s3 =	sshll.u32 s16, $0x1;
	s15 =	smul.u32 $0x140000, s0  }
0x6: {  	s4 =	sor.u32 s0, s3;
	s8 =	ssub.s32 $0x2, s0;
	s0 =	smul.u32 $0x2800, s0  }
0x7: {  	s10 =	sadd.s32 $0xDA00, s1;
	s3 =	simm.s32 $0x0;
	s5 =	smul.u32 $0x2800, s4  }
0x8: {  	[smem:$0x7FF] =	sst s3;
	s4 =	sadd.s32 $0x19200, s1;
	s11 =	sshrl.u32 s8, $0x1  }
0x9: {  	s19 =	sshrl.u32 s9, $0x2;
	s20 =	sadd.s32 $0x4000, s13;
	s22 =	sadd.s32 $0x8000, s13  }
0xa: {  	s23 =	sadd.s32 $0xC000, s13;
	s14 =	sadd.s32 $0x10000, s13;
	_ =	strace $0x8000004D  }
0xb: {  	s8 =	ssub.s32 s8, s11;
	s21 =	sadd.s32 s20, s2;
	s12 =	sadd.s32 s22, s2  }
0xc: {  	s24 =	sadd.s32 s23, s2;
	s25 =	sadd.s32 s14, s2;
	[dreg:$0x5] =	wrdreg s21  }
0xd: {  	s26 =	sadd.s32 s13, s15;
	s9 =	sadd.s32 s15, s20;
	[dreg:$0x6] =	wrdreg s12  }
0xe: {  	s20 =	sadd.s32 s15, s23;
	s6 =	sshrl.u32 s5, $0x3;
	[dreg:$0x7] =	wrdreg s24  }
0xf: {  	s5 =	sadd.s32 $0x41200, s1;
	[dreg:$0x8] =	wrdreg s25;
	s9 =	sshrl.u32 s9, $0x3  }
0x10: {  	s21 =	smul.u32 $0x5000, s16;
	s25 =	smax.u32 s8, $0x1;
	s8 =	simm.s32 $0x0  }
0x11: {  	s7 =	sadd.s32 s6, s1;
	s1 =	sadd.s32 $0x41A00, s1;
	s12 =	sadd.s32 s10, s6  }
0x12: {  	s6 =	sshrl.u32 s26, $0x3;
	[dreg:$0xf] =	wrdreg s25;
	s7 =	sadd.s32 $0x3A00, s7  }
0x13: {  	s25 =	simm.s32 $0x80;
	s17 =	sadd.s32 $0x10, s12;
	[dreg:$0x3] =	wrdreg s7  }
0x14: {  	s6 =	sadd.s32 s1, s6;
	s18 =	sadd.s32 s1, s9;
	[dreg:$0x9] =	wrdreg s17  }
0x15: {  	s0 =	sadd.s32 s0, s21;
	s21 =	sadd.s32 $0x4E0, s12;
	[dreg:$0xa] =	wrdreg s6  }
0x16: {  	s7 =	sadd.s32 s19, s2;
	[dreg:$0xb] =	wrdreg s18;
	s19 =	sadd.s32 s15, s22  }
0x17: {  	s22 =	sadd.s32 s15, s14;
	s26 =	sor.u32 $0x180, s0;
	s0 =	sor.u32 $0x100, s0  }
0x18: {  	[dreg:$0x4] =	wrdreg s7;
	s6 =	sshrl.u32 s19, $0x3;
	s7 =	sshrl.u32 s20, $0x3  }
0x19: {  	s24 =	sshrl.u32 s22, $0x3;
	s20 =	sadd.s32 $0x4F0, s12;
	s6 =	sadd.s32 s1, s6  }
0x1a: {  	s0 =	sshrl.u32 s0, $0x3;
	s23 =	sadd.s32 s1, s7;
	[dreg:$0xc] =	wrdreg s6  }
0x1b: {  	s1 =	sadd.s32 s1, s24;
	s24 =	simm.s32 $0x5;
	[dreg:$0xd] =	wrdreg s23  }
0x1c: {  	s7 =	simm.s32 $0x2780;
	[dreg:$0xe] =	wrdreg s1;
	s1 =	sshrl.u32 s26, $0x3  }
0x1d: {  	s23 =	sadd.s32 s0, s10;
	s26 =	simm.s32 $0x2800;
	s0 =	simm.s32 $0x2  }
0x1e: {  	s6 =	simm.s32 $0x4;
	s22 =	sadd.s32 s1, s10;
	s1 =	simm.s32 $0x3  }
.LBB2_1:
0x1f: {  	s9 =	rddreg [dreg:$0x3]  }
0x20: {  	[tilespmem:s3], [sflag:$0x5] =	stream.linear.gather [hbm4b:s9+s3], $0x2800, $0x38;
	[tilespmem:$0x1E900] =	vst v63  }
0x21: {  	s16 =	stileid.u32;
	_ =	swait.ge [sflag:s24], $0x2800  }
0x22: {  	s9 =	sshll.u32 s16, $0x6;
	[sflag:s24] =	ssyncset.done $0x0;
	s10 =	rddreg [dreg:$0x4]  }
0x23: {  	s9 =	sor.u32 $0x1C05, s9;
	[sflag:s24] =	ssyncadd.s32 $0xFFFFD800;
	s10 =	sshrl.u32 s10, $0x3  }
0x24: {  	[spmem:s10], [sflag:s9] =	dma.local [hbm:s5], $0x800  }
0x25: {  	_ =	swait.ge [sflag:s24], $0x800  }
0x26: {  	[sflag:s24] =	ssyncset.done $0x0;
	s11 =	rddreg [dreg:$0x5]  }
0x27: {  	[sflag:s24] =	ssyncadd.s32 $0xFFFFF800;
	s11 =	sshrl.u32 s11, $0x3  }
0x28: {  	[spmem:s11], [sflag:s9] =	dma.local [hbm:s5], $0x800  }
0x29: {  	_ =	swait.ge [sflag:s24], $0x800  }
0x2a: {  	[sflag:s24] =	ssyncset.done $0x0;
	s13 =	rddreg [dreg:$0x6]  }
0x2b: {  	[sflag:s24] =	ssyncadd.s32 $0xFFFFF800;
	s13 =	sshrl.u32 s13, $0x3  }
0x2c: {  	[spmem:s13], [sflag:s9] =	dma.local [hbm:s5], $0x800  }
0x2d: {  	_ =	swait.ge [sflag:s24], $0x800  }
0x2e: {  	[sflag:s24] =	ssyncset.done $0x0;
	s14 =	rddreg [dreg:$0x7]  }
0x2f: {  	[sflag:s24] =	ssyncadd.s32 $0xFFFFF800;
	s14 =	sshrl.u32 s14, $0x3  }
0x30: {  	[spmem:s14], [sflag:s9] =	dma.local [hbm:s5], $0x800  }
0x31: {  	_ =	swait.ge [sflag:s24], $0x800  }
0x32: {  	[sflag:s24] =	ssyncset.done $0x0;
	s15 =	rddreg [dreg:$0x8]  }
0x33: {  	[sflag:s24] =	ssyncadd.s32 $0xFFFFF800;
	s15 =	sshrl.u32 s15, $0x3  }
0x34: {  	[spmem:s15], [sflag:s9] =	dma.local [hbm:s5], $0x800  }
0x35: {  	_ =	swait.ge [sflag:s24], $0x800  }
0x36: {  	[sflag:s24] =	ssyncset.done $0x0  }
0x37: {  	[sflag:s24] =	ssyncadd.s32 $0xFFFFF800  }
0x38: {  	[bflag:$0x0] =	sbarrier.arrive $0xFFFF  }
0x39: {  	[tilespmem:s26], [sflag:$0x1] =	stream.indirect.gather [hbm4b:s4+s25], $0x80, s3, s25, $0xb8;
	[tilespmem:$0x1E900] =	vst v63  }
0x3a: {  	_ = 	snop  }
0x3b: {  	[tilespmem:s28], [sflag:$0x3] =	stream.linear.gather [hbm4b:s12+s3], $0x80, $0x38;
	[tilespmem:$0x1E900] =	vst v63  }
0x3c: {  	_ = 	snop  }
0x3d: {  	[tilespmem:s29], [sflag:$0x2] =	stream.indirect.gather [hbm4b:s4+s25], $0x80, s25, s25, $0xb8;
	[tilespmem:$0x1E900] =	vst v63  }
0x3e: {  	s16 =	rddreg [dreg:$0x9]  }
0x3f: {  	[tilespmem:s30], [sflag:$0x4] =	stream.linear.gather [hbm4b:s16+s3], $0x80, $0x38;
	[tilespmem:$0x1E900] =	vst v63  }
0x40: {  	_ =	swait.ge [sflag:s31], $0x4000  }
0x41: {  	[sflag:s31] =	ssyncset.done $0x0  }
0x42: {  	[sflag:s31] =	ssyncadd.s32 $0xFFFFC000  }
0x43: {  	_ =	swait.ge [sflag:s1], $0x80  }
0x44: {  	[sflag:s1] =	ssyncset.done $0x0  }
0x45: {  	[sflag:s1] =	ssyncadd.s32 $0xFFFFFF80  }
0x46: {  	[spmem:s2] =	stream.indirect.scatter.add.f32 [tilespmem:s26], [sflag:$0x5], $0x80, s28, s25, $0xb8;
	[tilespmem:$0x1E900] =	vst v63  }
0x47: {  	_ =	swait.ge [sflag:s24], $0x4000  }
0x48: {  	[sflag:s24] =	ssyncset.done $0x0  }
0x49: {  	s17 =	simm.s32 $0x100;
	[sflag:s24] =	ssyncadd.s32 $0xFFFFC000  }
0x4a: {  	[tilespmem:s26], [sflag:$0x1] =	stream.indirect.gather [hbm4b:s4+s25], $0x80, s17, s25, $0xb8;
	[tilespmem:$0x1E900] =	vst v63  }
0x4b: {  	s18 =	sadd.s32 $0x0, s23  }
0x4c: {  	[tilespmem:s28], [sflag:$0x3] =	stream.linear.gather [hbm4b:s18+s3], $0x80, $0x38;
	[tilespmem:$0x1E900] =	vst v63  }
0x4d: {  	_ =	swait.ge [sflag:s0], $0x4000  }
0x4e: {  	[sflag:s0] =	ssyncset.done $0x0  }
0x4f: {  	[sflag:s0] =	ssyncadd.s32 $0xFFFFC000  }
0x50: {  	_ =	swait.ge [sflag:s6], $0x80  }
0x51: {  	[sflag:s6] =	ssyncset.done $0x0  }
0x52: {  	[sflag:s6] =	ssyncadd.s32 $0xFFFFFF80  }
0x53: {  	[spmem:s2] =	stream.indirect.scatter.add.f32 [tilespmem:s29], [sflag:$0x5], $0x80, s30, s25, $0xb8;
	[tilespmem:$0x1E900] =	vst v63  }
0x54: {  	_ =	swait.ge [sflag:s24], $0x4000  }
0x55: {  	s19 =	simm.s32 $0x180;
	s16 =	simm.s32 $0x20;
	[sflag:s24] =	ssyncset.done $0x0  }
0x56: {  	s17 =	simm.s32 $0x280;
	s18 =	sadd.s32 $0x0, s22;
	[sflag:s24] =	ssyncadd.s32 $0xFFFFC000  }
0x57: {  	[tilespmem:s29], [sflag:$0x2] =	stream.indirect.gather [hbm4b:s4+s25], $0x80, s19, s25, $0xb8;
	[tilespmem:$0x1E900] =	vst v63  }
.LBB2_2:
0x58: {  	[tilespmem:s30], [sflag:$0x4] =	stream.linear.gather [hbm4b:s18+s3], $0x80, $0x38;
	[tilespmem:$0x1E900] =	vst v63  }
0x59: {  	s18 =	smov.u32 s16  }
0x5a: {  	p0 =	sne.s32 s16, $0x4A0;
	s16 =	sadd.s32 $0x20, s16;
	_ =	swait.ge [sflag:s31], $0x4000  }
0x5b: {  	[sflag:s31] =	ssyncset.done $0x0  }
0x5c: {  	[sflag:s31] =	ssyncadd.s32 $0xFFFFC000  }
0x5d: {  	_ =	swait.ge [sflag:s1], $0x80  }
0x5e: {  	[sflag:s1] =	ssyncset.done $0x0  }
0x5f: {  	[sflag:s1] =	ssyncadd.s32 $0xFFFFFF80  }
0x60: {  	[spmem:s2] =	stream.indirect.scatter.add.f32 [tilespmem:s26], [sflag:$0x5], $0x80, s28, s25, $0xb8;
	[tilespmem:$0x1E900] =	vst v63  }
0x61: {  	_ =	swait.ge [sflag:s24], $0x4000  }
0x62: {  	[sflag:s24] =	ssyncset.done $0x0  }
0x63: {  	s19 =	sadd.s32 $0xFFFFFF80, s17;
	[sflag:s24] =	ssyncadd.s32 $0xFFFFC000  }
0x64: {  	[tilespmem:s26], [sflag:$0x1] =	stream.indirect.gather [hbm4b:s4+s25], $0x80, s19, s25, $0xb8;
	[tilespmem:$0x1E900] =	vst v63  }
0x65: {  	s19 =	sadd.s32 s18, s23  }
0x66: {  	[tilespmem:s28], [sflag:$0x3] =	stream.linear.gather [hbm4b:s19+s3], $0x80, $0x38;
	[tilespmem:$0x1E900] =	vst v63  }
0x67: {  	_ =	swait.ge [sflag:s0], $0x4000  }
0x68: {  	[sflag:s0] =	ssyncset.done $0x0  }
0x69: {  	[sflag:s0] =	ssyncadd.s32 $0xFFFFC000  }
0x6a: {  	_ =	swait.ge [sflag:s6], $0x80  }
0x6b: {  	[sflag:s6] =	ssyncset.done $0x0  }
0x6c: {  	[sflag:s6] =	ssyncadd.s32 $0xFFFFFF80  }
0x6d: {  	[spmem:s2] =	stream.indirect.scatter.add.f32 [tilespmem:s29], [sflag:$0x5], $0x80, s30, s25, $0xb8;
	[tilespmem:$0x1E900] =	vst v63  }
.Ltmp0:
0x6e: {  	_ =	swait.ge [sflag:s24], $0x4000;
	(pc) =	sbr.rel @p0 .LBB2_2-.Ltmp0, $4  }
0x6f: {  	[sflag:s24] =	ssyncset.done $0x0  }
0x70: {  	[sflag:s24] =	ssyncadd.s32 $0xFFFFC000  }
0x71: {  	[tilespmem:s29], [sflag:$0x2] =	stream.indirect.gather [hbm4b:s4+s25], $0x80, s17, s25, $0xb8;
	[tilespmem:$0x1E900] =	vst v63  }
0x72: {  	s18 =	sadd.s32 s18, s22;
	s17 =	sadd.s32 $0x100, s17  }
0x73: {  	[tilespmem:s30], [sflag:$0x4] =	stream.linear.gather [hbm4b:s18+s3], $0x80, $0x38;
	[tilespmem:$0x1E900] =	vst v63  }
0x74: {  	_ =	swait.ge [sflag:s31], $0x4000  }
0x75: {  	[sflag:s31] =	ssyncset.done $0x0  }
0x76: {  	[sflag:s31] =	ssyncadd.s32 $0xFFFFC000  }
0x77: {  	_ =	swait.ge [sflag:s1], $0x80  }
0x78: {  	[sflag:s1] =	ssyncset.done $0x0  }
0x79: {  	[sflag:s1] =	ssyncadd.s32 $0xFFFFFF80  }
0x7a: {  	[spmem:s2] =	stream.indirect.scatter.add.f32 [tilespmem:s26], [sflag:$0x5], $0x80, s28, s25, $0xb8;
	[tilespmem:$0x1E900] =	vst v63  }
0x7b: {  	_ =	swait.ge [sflag:s24], $0x4000  }
0x7c: {  	[sflag:s24] =	ssyncset.done $0x0  }
0x7d: {  	s16 =	simm.s32 $0x2700;
	[sflag:s24] =	ssyncadd.s32 $0xFFFFC000  }
0x7e: {  	[tilespmem:s26], [sflag:$0x1] =	stream.indirect.gather [hbm4b:s4+s25], $0x80, s16, s25, $0xb8;
	[tilespmem:$0x1E900] =	vst v63  }
0x7f: {  	_ = 	snop  }
0x80: {  	[tilespmem:s28], [sflag:$0x3] =	stream.linear.gather [hbm4b:s21+s3], $0x80, $0x38;
	[tilespmem:$0x1E900] =	vst v63  }
0x81: {  	_ =	swait.ge [sflag:s0], $0x4000  }
0x82: {  	[sflag:s0] =	ssyncset.done $0x0  }
0x83: {  	[sflag:s0] =	ssyncadd.s32 $0xFFFFC000  }
0x84: {  	_ =	swait.ge [sflag:s6], $0x80  }
0x85: {  	[sflag:s6] =	ssyncset.done $0x0  }
0x86: {  	[sflag:s6] =	ssyncadd.s32 $0xFFFFFF80  }
0x87: {  	[spmem:s2] =	stream.indirect.scatter.add.f32 [tilespmem:s29], [sflag:$0x5], $0x80, s30, s25, $0xb8;
	[tilespmem:$0x1E900] =	vst v63  }
0x88: {  	_ =	swait.ge [sflag:s24], $0x4000  }
0x89: {  	[sflag:s24] =	ssyncset.done $0x0  }
0x8a: {  	[sflag:s24] =	ssyncadd.s32 $0xFFFFC000  }
0x8b: {  	[tilespmem:s29], [sflag:$0x2] =	stream.indirect.gather [hbm4b:s4+s25], $0x80, s7, s25, $0xb8;
	[tilespmem:$0x1E900] =	vst v63  }
0x8c: {  	_ = 	snop  }
0x8d: {  	[tilespmem:s30], [sflag:$0x4] =	stream.linear.gather [hbm4b:s20+s3], $0x80, $0x38;
	[tilespmem:$0x1E900] =	vst v63  }
0x8e: {  	_ =	swait.ge [sflag:s31], $0x4000  }
0x8f: {  	[sflag:s31] =	ssyncset.done $0x0  }
0x90: {  	[sflag:s31] =	ssyncadd.s32 $0xFFFFC000  }
0x91: {  	_ =	swait.ge [sflag:s1], $0x80  }
0x92: {  	[sflag:s1] =	ssyncset.done $0x0  }
0x93: {  	[sflag:s1] =	ssyncadd.s32 $0xFFFFFF80  }
0x94: {  	[spmem:s2] =	stream.indirect.scatter.add.f32 [tilespmem:s26], [sflag:$0x5], $0x80, s28, s25, $0xb8;
	[tilespmem:$0x1E900] =	vst v63  }
0x95: {  	_ =	swait.ge [sflag:s24], $0x4000  }
0x96: {  	[sflag:s24] =	ssyncset.done $0x0  }
0x97: {  	[sflag:s24] =	ssyncadd.s32 $0xFFFFC000  }
0x98: {  	[tilespmem:s26], [sflag:$0x1] =	stream.indirect.gather [hbm4b:s4+s25], $0x80, s7, s25, $0xb8;
	[tilespmem:$0x1E900] =	vst v63  }
0x99: {  	_ = 	snop  }
0x9a: {  	[tilespmem:s28], [sflag:$0x3] =	stream.linear.gather [hbm4b:s20+s3], $0x80, $0x38;
	[tilespmem:$0x1E900] =	vst v63  }
0x9b: {  	_ =	swait.ge [sflag:s0], $0x4000  }
0x9c: {  	[sflag:s0] =	ssyncset.done $0x0  }
0x9d: {  	[sflag:s0] =	ssyncadd.s32 $0xFFFFC000  }
0x9e: {  	_ =	swait.ge [sflag:s6], $0x80  }
0x9f: {  	[sflag:s6] =	ssyncset.done $0x0  }
0xa0: {  	[sflag:s6] =	ssyncadd.s32 $0xFFFFFF80  }
0xa1: {  	[spmem:s2] =	stream.indirect.scatter.add.f32 [tilespmem:s29], [sflag:$0x5], $0x80, s30, s25, $0xb8;
	[tilespmem:$0x1E900] =	vst v63  }
0xa2: {  	_ =	swait.ge [sflag:s24], $0x4000  }
0xa3: {  	[sflag:s24] =	ssyncset.done $0x0  }
0xa4: {  	[sflag:s24] =	ssyncadd.s32 $0xFFFFC000  }
0xa5: {  	[tilespmem:s29], [sflag:$0x2] =	stream.indirect.gather [hbm4b:s4+s25], $0x80, s7, s25, $0xb8;
	[tilespmem:$0x1E900] =	vst v63  }
0xa6: {  	_ = 	snop  }
0xa7: {  	[tilespmem:s30], [sflag:$0x4] =	stream.linear.gather [hbm4b:s20+s3], $0x80, $0x38;
	[tilespmem:$0x1E900] =	vst v63  }
0xa8: {  	_ =	swait.ge [sflag:s31], $0x4000  }
0xa9: {  	[sflag:s31] =	ssyncset.done $0x0  }
0xaa: {  	[sflag:s31] =	ssyncadd.s32 $0xFFFFC000  }
0xab: {  	_ =	swait.ge [sflag:s1], $0x80  }
0xac: {  	[sflag:s1] =	ssyncset.done $0x0  }
0xad: {  	[sflag:s1] =	ssyncadd.s32 $0xFFFFFF80  }
0xae: {  	_ =	swait.ge [sflag:s0], $0x4000  }
0xaf: {  	[sflag:s0] =	ssyncset.done $0x0  }
0xb0: {  	[sflag:s0] =	ssyncadd.s32 $0xFFFFC000  }
0xb1: {  	_ =	swait.ge [sflag:s6], $0x80  }
0xb2: {  	[sflag:s6] =	ssyncset.done $0x0  }
0xb3: {  	[sflag:s6] =	ssyncadd.s32 $0xFFFFFF80  }
0xb4: {  	[bflag:$0x0] =	sbarrier.arrive $0xFFFF  }
0xb5: {  	s18 =	rddreg [dreg:$0xa]  }
0xb6: {  	[hbm:s18], [sflag:s9] =	dma.local [spmem:s10], $0x800  }
0xb7: {  	_ =	swait.ge [sflag:s24], $0x800  }
0xb8: {  	[sflag:s24] =	ssyncset.done $0x0  }
0xb9: {  	s19 =	rddreg [dreg:$0xb];
	[sflag:s24] =	ssyncadd.s32 $0xFFFFF800  }
0xba: {  	[hbm:s19], [sflag:s9] =	dma.local [spmem:s11], $0x800  }
0xbb: {  	_ =	swait.ge [sflag:s24], $0x800  }
0xbc: {  	[sflag:s24] =	ssyncset.done $0x0  }
0xbd: {  	s16 =	rddreg [dreg:$0xc];
	[sflag:s24] =	ssyncadd.s32 $0xFFFFF800  }
0xbe: {  	[hbm:s16], [sflag:s9] =	dma.local [spmem:s13], $0x800  }
0xbf: {  	_ =	swait.ge [sflag:s24], $0x800  }
0xc0: {  	[sflag:s24] =	ssyncset.done $0x0  }
0xc1: {  	s17 =	rddreg [dreg:$0xd];
	[sflag:s24] =	ssyncadd.s32 $0xFFFFF800  }
0xc2: {  	[hbm:s17], [sflag:s9] =	dma.local [spmem:s14], $0x800  }
0xc3: {  	_ =	swait.ge [sflag:s24], $0x800  }
0xc4: {  	[sflag:s24] =	ssyncset.done $0x0  }
0xc5: {  	s18 =	rddreg [dreg:$0xe];
	[sflag:s24] =	ssyncadd.s32 $0xFFFFF800  }
0xc6: {  	[hbm:s18], [sflag:s9] =	dma.local [spmem:s15], $0x800  }
0xc7: {  	_ =	swait.ge [sflag:s24], $0x800  }
0xc8: {  	s8 =	sadd.s32 $0x1, s8;
	s19 =	rddreg [dreg:$0xf]  }
0xc9: {  	p0 =	sne.s32 s8, s19  }
.Ltmp1:
0xca: {  	_ = 	snop;
	(pc) =	sbr.rel @p0 .LBB2_1-.Ltmp1, $3  }
0xcb: {  	_ =	sdelay $0x1  }
0xcc: {  	[sflag:s24] =	ssyncset.done $0x0  }
0xcd: {  	[sflag:s24] =	ssyncadd.s32 $0xFFFFF800  }
0xce: {  	_ =	sfence.sel $0x180000  }
0xcf: {  	[bflag:$0x0] =	sbarrier.arrive $0xFFFF  }
0xd0: {  	_ =	strace $0x9000004D  }
0xd1: {  	s0 =	stileid.u32;
	[bflag:$0x2] =	sbarrier.arrive $0xFFFF  }
0xd2: {  	p0 =	sne.s32 s0, $0x0;
	s0 =	rddreg [dreg:$0x2]  }
0xd3: {  	s0 =	sadd.s32 @!p0 $0x100000, s0  }
0xd4: {  	[sflag:s0] =	ssyncadd.tile.s32 @!p0 $0x1;
	_ =	shalt  }
.Lfunc_end2:
_tile_overlayer_lowered:
.L_overlay_start_2:
0xd5: {  	(tag) =	ssettag $0x2  }
0xd6: {  	s0 =	rddreg [dreg:$0x0];
	s2 =	stileid.u32  }
0xd7: {  	s1 =	rddreg [dreg:$0x1];
	p0 =	sne.s32 s2, $0x0  }
0xd8: {  	s3 =	rddreg [dreg:$0x2];
	[bflag:$0x3] =	sbarrier.arrive $0xFFFF;
	s2 =	simm.s32 @!p0 $0x1C05  }
0xd9: {  	[timem:s3], [sflag:s2] =	dma.local @!p0 [hbm:s0], s1  }
0xda: {  	s0 =	simm.s32 @!p0 $0x5  }
0xdb: {  	_ =	swait.ge @!p0 [sflag:s0], s1  }
0xdc: {  	s1 =	ssub.s32 @!p0 $0x0, s1;
	[sflag:s0] =	ssyncset.done @!p0 $0x0  }
0xdd: {  	[sflag:s0] =	ssyncadd.s32 @!p0 s1  }
0xde: {  	[bflag:$0x3] =	sbarrier.arrive $0xFFFF  }
0xdf: {  	_ =	shalt  }

// kernel: kernel.21.cloned.1.call-start
scs
__scs_entry_jumppad:
0x0: {  	(pc) =	sbr.rel $0x88, $3  }
0x1: {  	(tag) =	ssettag $0x0;
	lr =	simm.s32 $0x1  }
0x2: {  	[smem:$0x3F98] =	sst lr;
	_ =	strace $0xD0000000  }
0x3: {  	_ = 	snop  }
0x4: {  	_ = 	snop  }
0x5: {  	_ = 	snop  }
0x6: {  	_ = 	snop  }
0x7: {  	_ = 	snop  }
__scs_overlays_trampoline_lowered:
0x8: {  	[smem:$0x3FA7] =	sst s0  }
0x9: {  	[smem:$0x3FA8] =	sst s1  }
0xa: {  	[smem:$0x3FA9] =	sst s2  }
0xb: {  	[smem:$0x3FAA] =	sst s3  }
0xc: {  	[smem:$0x3FAB] =	sst s4  }
0xd: {  	[smem:$0x3FAC] =	sst s5  }
0xe: {  	[smem:$0x3FAD] =	sst s6  }
0xf: {  	[smem:$0x3FAE] =	sst s7  }
0x10: {  	[smem:$0x3FAF] =	sst s8  }
0x11: {  	[smem:$0x3FB0] =	sst s9;
	s0 =	simm.s32 @!p0 $0x0  }
0x12: {  	s1 =	sld [smem:$0x3F96];
	s0 =	simm.s32 @p0 $0x1  }
0x13: {  	[smem:$0x3FB1] =	sst s0;
	s0 =	simm.s32 @!p1 $0x0  }
0x14: {  	s2 =	sld [smem:$0x3F95];
	s0 =	simm.s32 @p1 $0x1  }
0x15: {  	[smem:$0x3FB2] =	sst s0;
	s0 =	simm.s32 @!p2 $0x0  }
0x16: {  	s3 =	sld [smem:$0x3FDB];
	s0 =	simm.s32 @p2 $0x1  }
0x17: {  	s4 =	simm.s32 $0x1BF5;
	[smem:$0x3FB4] =	sst s0  }
0x18: {  	s0 =	sld [smem:$0x3F97];
	_ =	swait.ge [sflag:s4], $0x0  }
0x19: {  	s7 =	sld [smem:$0x3F98]  }
0x1a: {  	s8 =	sadd.s32 $0xFFFFE003, lr  }
0x1b: {  	s9 =	sadd.s32 $0xFFFFFEF7, lr;
	s5 =	simm.s32 $0xFFFFFFFF;
	p2 =	slt.u32 s8, $0xFFFFF086  }
0x1c: {  	p1 =	slt.u32 s9, $0xF7A;
	s5 =	simm.s32 @!p2 $0x0  }
0x1d: {  	s5 =	simm.s32 @p1 $0x1;
	p0 =	seq.s32 s7, s2  }
0x1e: {  	s7 =	smul.u32 @!p0 $0xF7A, s2;
	p2 =	seq.s32 @!p0 s5, $0x0  }
0x1f: {  	s9 =	smul.u32 $0xF7A, s1;
	s8 =	simm.s32 @!p0 $0x1BF5;
	p2 =	por !p2, p0  }
0x20: {  	[sflag:s8] =	ssyncset.s32 @!p0 $0xFFFFF086;
	s6 =	sadd.s32 @!p0 s3, s7;
	s7 =	simm.s32 @!p0 $0x108  }
0x21: {  	s3 =	sadd.s32 s3, s9;
	s6 =	sadd.s32 @!p0 $0x88, s6;
	s7 =	simm.s32 @p2 $0x1082  }
0x22: {  	[simem:s7], [sflag:s8] =	dma.local @!p0 [hbm:s6], $0xF7A  }
0x23: {  	s9 =	sor.u32 $0xD0000000, s2;
	s6 =	simm.s32 $0x108;
	_ =	swait.ge @!p0 [sflag:s8], $0x0  }
0x24: {  	s3 =	sadd.s32 $0x88, s3;
	s6 =	simm.s32 @!p1 $0x1082;
	[sflag:s4] =	ssyncset.s32 $0xFFFFF086  }
0x25: {  	[simem:s6], [sflag:s4] =	dma.local [hbm:s3], $0xF7A  }
0x26: {  	[smem:$0x3F98] =	sst s1;
	(tag) =	ssettag s2;
	_ =	strace s9  }
0x27: {  	s1 =	sld [smem:$0x3FA8]  }
0x28: {  	s2 =	sld [smem:$0x3FA9]  }
0x29: {  	s4 =	sld [smem:$0x3FAB]  }
0x2a: {  	p0 =	seq.s32 s5, $0x0;
	s5 =	sld [smem:$0x3FAC]  }
0x2b: {  	s6 =	sld [smem:$0x3FAD]  }
0x2c: {  	s7 =	sld [smem:$0x3FAE]  }
0x2d: {  	s3 =	simm.s32 $0x108;
	s8 =	sld [smem:$0x3FAF]  }
0x2e: {  	s3 =	simm.s32 @!p0 $0x1082;
	s9 =	sld [smem:$0x3FB0]  }
0x2f: {  	lr =	sadd.s32 s0, s3;
	s0 =	sld [smem:$0x3FA7]  }
0x30: {  	s3 =	sld [smem:$0x3FAA]  }
0x31: {  	[smem:$0x3FB3] =	sst s10  }
0x32: {  	s10 =	sld [smem:$0x3FB1];
	_ =	sdelay $0x3  }
0x33: {  	p0 =	seq.s32 s10, $0x1;
	s10 =	sld [smem:$0x3FB3];
	_ =	sdelay $0x3  }
0x34: {  	[smem:$0x3FB3] =	sst s10  }
0x35: {  	s10 =	sld [smem:$0x3FB2];
	_ =	sdelay $0x3  }
0x36: {  	p1 =	seq.s32 s10, $0x1;
	s10 =	sld [smem:$0x3FB3];
	_ =	sdelay $0x3  }
0x37: {  	[smem:$0x3FB3] =	sst s10  }
0x38: {  	s10 =	sld [smem:$0x3FB4]  }
0x39: {  	_ = 	snop;
	(pc) =	sbr.ind lr, $3  }
0x3a: {  	_ = 	snop  }
0x3b: {  	_ = 	snop  }
0x3c: {  	p2 =	seq.s32 s10, $0x1;
	s10 =	sld [smem:$0x3FB3]  }
0x3d: {  	_ =	shalt  }
0x3e: {  	_ =	shalt  }
0x3f: {  	_ =	shalt  }
0x40: {  	_ =	shalt  }
0x41: {  	_ =	shalt  }
0x42: {  	_ =	shalt  }
0x43: {  	_ =	shalt  }
0x44: {  	_ =	shalt  }
0x45: {  	_ =	shalt  }
0x46: {  	_ =	shalt  }
0x47: {  	_ =	shalt  }
0x48: {  	_ =	shalt  }
0x49: {  	_ =	shalt  }
0x4a: {  	_ =	shalt  }
0x4b: {  	_ =	shalt  }
0x4c: {  	_ =	shalt  }
0x4d: {  	_ =	shalt  }
0x4e: {  	_ =	shalt  }
0x4f: {  	_ =	shalt  }
0x50: {  	_ =	shalt  }
0x51: {  	_ =	shalt  }
0x52: {  	_ =	shalt  }
0x53: {  	_ =	shalt  }
0x54: {  	_ =	shalt  }
0x55: {  	_ =	shalt  }
0x56: {  	_ =	shalt  }
0x57: {  	_ =	shalt  }
0x58: {  	_ =	shalt  }
0x59: {  	_ =	shalt  }
0x5a: {  	_ =	shalt  }
0x5b: {  	_ =	shalt  }
0x5c: {  	_ =	shalt  }
0x5d: {  	_ =	shalt  }
0x5e: {  	_ =	shalt  }
0x5f: {  	_ =	shalt  }
0x60: {  	_ =	shalt  }
0x61: {  	_ =	shalt  }
0x62: {  	_ =	shalt  }
0x63: {  	_ =	shalt  }
0x64: {  	_ =	shalt  }
0x65: {  	_ =	shalt  }
0x66: {  	_ =	shalt  }
0x67: {  	_ =	shalt  }
0x68: {  	_ =	shalt  }
0x69: {  	_ =	shalt  }
0x6a: {  	_ =	shalt  }
0x6b: {  	_ =	shalt  }
0x6c: {  	_ =	shalt  }
0x6d: {  	_ =	shalt  }
0x6e: {  	_ =	shalt  }
0x6f: {  	_ =	shalt  }
0x70: {  	_ =	shalt  }
0x71: {  	_ =	shalt  }
0x72: {  	_ =	shalt  }
0x73: {  	_ =	shalt  }
0x74: {  	_ =	shalt  }
0x75: {  	_ =	shalt  }
0x76: {  	_ =	shalt  }
0x77: {  	_ =	shalt  }
0x78: {  	_ =	shalt  }
0x79: {  	_ =	shalt  }
0x7a: {  	_ =	shalt  }
0x7b: {  	_ =	shalt  }
0x7c: {  	_ =	shalt  }
0x7d: {  	_ =	shalt  }
0x7e: {  	_ =	shalt  }
0x7f: {  	_ =	shalt  }
0x80: {  	_ =	shalt  }
0x81: {  	_ =	shalt  }
0x82: {  	_ =	shalt  }
0x83: {  	_ =	shalt  }
0x84: {  	_ =	shalt  }
0x85: {  	_ =	shalt  }
0x86: {  	_ =	shalt  }
0x87: {  	_ =	shalt  }
.Lfunc_end0:
.L_simem_size_0:
called_computation.3_lowered:
.L_overlay_start_0:
0x88: {  	s2 =	sld [smem:$0x3FD9]  }
0x89: {  	s3 =	sld [smem:$0x3FFE];
	_ =	sdelay $0x1  }
0x8a: {  	s1 =	srdreg.scid  }
0x8b: {  	s0 =	sand.u32 $0x1, s1  }
0x8c: {  	s16 =	sshll.u32 s0, $0xA;
	s2 =	sadd.s32 s3, s2  }
0x8d: {  	s2 =	sadd.s32 s2, s16  }
0x8e: {  	[smem:$0x3FBF] =	sst s2  }
0x8f: {  	_ = 	snop  }
0x90: {  	(tm) =	ssettm $0x1  }
0x91: {  	s17 =	sld [smem:$0x3FFB];
	_ =	sdelay $0x3  }
0x92: {  	_ =	strace s17  }
0x93: {  	s2 =	sld [smem:$0x3FFC];
	_ =	sdelay $0x3  }
0x94: {  	_ =	strace s2  }
0x95: {  	s2 =	sld [smem:$0x3FFD];
	_ =	sdelay $0x3  }
0x96: {  	_ =	strace s2  }
0x97: {  	_ =	strace $0x8FFFFFFF  }
0x98: {  	s18 =	sld [smem:$0x3FDB];
	_ =	sdelay $0x1  }
0x99: {  	s19 =	simm.s32 $_scs_section_size  }
0x9a: {  	s4 =	simm.s32 $_size__tile_overlayer_lowered;
	s5 =	simm.s32 $_tile_overlayer_lowered  }
0x9b: {  	s22 =	simm.s32 $0x1BFF;
	s21 =	sshll.u32 s5, $0x1;
	s2 =	sadd.s32 s19, s18  }
0x9c: {  	s6 =	simm.s32 $0x0;
	s20 =	sshll.u32 s4, $0x1;
	s4 =	sadd.s32 s21, s2  }
0x9d: {  	[timem:s6], [sflag:s22] =	dma.local [hbm:s4], s20  }
0x9e: {  	_ =	swait.ge [sflag:s22], s20  }
0x9f: {  	s3 =	ssub.s32 $0x0, s20;
	[sflag:s22] =	ssyncset.done $0x0  }
0xa0: {  	[sflag:s22] =	ssyncadd.s32 s3;
	_ =	sdelay $0x1  }
0xa1: {  	s23 =	simm.s32 $0x1B8B  }
0xa2: {  	_ =	swait.ge [sflag:s23], $0x1  }
0xa3: {  	[sflag:s23] =	ssyncset.done $0x0  }
0xa4: {  	s25 =	simm.s32 $0x1B8E;
	s24 =	sld [smem:$0x3FFE];
	[sflag:s23] =	ssyncadd.s32 $0xFFFFFFFF  }
0xa5: {  	s26 =	simm.s32 $execute0_lowered;
	[smem:$0x3FD2] =	sst s25  }
0xa6: {  	s4 =	sshll.u32 s26, $0x1;
	_ =	strace $0x8000004F;
	[dreg:$0x1] =	wrdreg $0xFFFFFFFF  }
0xa7: {  	s28 =	simm.s32 $_size_execute0_lowered;
	s2 =	sadd.s32 s2, s4;
	[dreg:$0x0] =	wrdreg $0x0  }
0xa8: {  	s4 =	sshll.u32 s28, $0x1;
	[dreg:$0x2] =	wrdreg s2  }
0xa9: {  	[dreg:$0x3] =	wrdreg s4  }
0xaa: {  	[dreg:$0x4] =	wrdreg $0xC0  }
0xab: {  	_ =	task [dreg:s6], $0x5FFFF  }
0xac: {  	[dreg:$0x1] =	wrdreg $0xFFFFFFFF  }
0xad: {  	[dreg:$0x0] =	wrdreg $0x60  }
0xae: {  	[dreg:$0x2] =	wrdreg s24  }
0xaf: {  	[dreg:$0x3] =	wrdreg $0xA9000  }
0xb0: {  	[dreg:$0x4] =	wrdreg $0x9  }
0xb1: {  	_ =	task.clear_ibuf [dreg:s6], $0x5FFFF;
	_ =	strace $0x9000004F  }
0xb2: {  	s29 =	simm.s32 $0x9;
	_ =	strace $0x80000051  }
0xb3: {  	_ =	swait.ge [sflag:s29], $0x1  }
0xb4: {  	[sflag:s29] =	ssyncadd.s32 $0xFFFFFFFF  }
0xb5: {  	_ =	strace $0x90000051  }
0xb6: {  	_ =	sfence  }
0xb7: {  	s30 =	sld [smem:$0x0];
	_ =	sdelay $0x2  }
0xb8: {  	s31 =	sshll.u32 s1, $0xD;
	s1 =	sshrl.u32 s1, $0x2  }
0xb9: {  	s3 =	sand.u32 $0x4000, s31;
	s1 =	sadd.s32 s1, s30  }
0xba: {  	s0 =	sor.u32 s3, s0;
	s1 =	sshll.u32 s1, $0x11  }
0xbb: {  	s0 =	sor.u32 s1, s0  }
0xbc: {  	s0 =	sadd.s32 $0x8F2B, s0  }
0xbd: {  	[sflag:s0] =	ssyncadd.remote.s32 $0x1  }
0xbe: {  	_ =	sfence.sel $0xFFFF  }
0xbf: {  	[dreg:$0x0] =	wrdreg $0xFFFFFFFF;
	(pc) =	sbr.abs _section_cstart, $3  }
0xc0: {  	[dreg:$0x1] =	wrdreg $0xFFFFFFFF  }
0xc1: {  	_ =	task.clear_ibuf [dreg:s6], $0x2FFFF;
	_ =	strace $0x9FFFFFFF  }
0xc2: {  	(tm) =	ssettm $0x7FFFFFFF  }
0xc3: {  	_ =	shalt  }
tec
execute0_lowered:
.L_overlay_start_1:
0x0: {  	(tag) =	ssettag $0x1  }
0x1: {  	s0 =	srdreg.scid;
	s1 =	rddreg [dreg:$0x0]  }
0x2: {  	s16 =	stileid.u32;
	s2 =	rddreg [dreg:$0x1]  }
0x3: {  	s28 =	simm.s32 $0xA800;
	s29 =	simm.s32 $0x6800;
	s9 =	smul.u32 $0x50000, s16  }
0x4: {  	s30 =	simm.s32 $0xA880;
	s0 =	sand.u32 $0x1, s0;
	s13 =	smul.u32 $0x14000, s16  }
0x5: {  	s31 =	simm.s32 $0x1;
	s3 =	sshll.u32 s16, $0x1;
	s15 =	smul.u32 $0x140000, s0  }
0x6: {  	s4 =	sor.u32 s0, s3;
	s8 =	ssub.s32 $0x2, s0;
	s0 =	smul.u32 $0x2800, s0  }
0x7: {  	s10 =	sadd.s32 $0x3A00, s1;
	s3 =	simm.s32 $0x0;
	s5 =	smul.u32 $0x2800, s4  }
0x8: {  	[smem:$0x7FF] =	sst s3;
	s4 =	sadd.s32 $0x17A00, s1;
	s11 =	sshrl.u32 s8, $0x1  }
0x9: {  	s19 =	sshrl.u32 s9, $0x2;
	s20 =	sadd.s32 $0x4000, s13;
	s22 =	sadd.s32 $0x8000, s13  }
0xa: {  	s23 =	sadd.s32 $0xC000, s13;
	s14 =	sadd.s32 $0x10000, s13;
	_ =	strace $0x80000050  }
0xb: {  	s8 =	ssub.s32 s8, s11;
	s21 =	sadd.s32 s20, s2;
	s12 =	sadd.s32 s22, s2  }
0xc: {  	s24 =	sadd.s32 s23, s2;
	s25 =	sadd.s32 s14, s2;
	[dreg:$0x5] =	wrdreg s21  }
0xd: {  	s26 =	sadd.s32 s13, s15;
	s9 =	sadd.s32 s15, s20;
	[dreg:$0x6] =	wrdreg s12  }
0xe: {  	s20 =	sadd.s32 s15, s23;
	s6 =	sshrl.u32 s5, $0x3;
	[dreg:$0x7] =	wrdreg s24  }
0xf: {  	s5 =	sadd.s32 $0x41200, s1;
	[dreg:$0x8] =	wrdreg s25;
	s9 =	sshrl.u32 s9, $0x3  }
0x10: {  	s21 =	smul.u32 $0x5000, s16;
	s25 =	smax.u32 s8, $0x1;
	s8 =	simm.s32 $0x0  }
0x11: {  	s7 =	sadd.s32 s6, s1;
	s1 =	sadd.s32 $0x41A00, s1;
	s12 =	sadd.s32 s10, s6  }
0x12: {  	s6 =	sshrl.u32 s26, $0x3;
	[dreg:$0xf] =	wrdreg s25;
	s7 =	sadd.s32 $0xDA00, s7  }
0x13: {  	s25 =	simm.s32 $0x80;
	s17 =	sadd.s32 $0x10, s12;
	[dreg:$0x3] =	wrdreg s7  }
0x14: {  	s6 =	sadd.s32 s1, s6;
	s18 =	sadd.s32 s1, s9;
	[dreg:$0x9] =	wrdreg s17  }
0x15: {  	s0 =	sadd.s32 s0, s21;
	s21 =	sadd.s32 $0x4E0, s12;
	[dreg:$0xa] =	wrdreg s6  }
0x16: {  	s7 =	sadd.s32 s19, s2;
	[dreg:$0xb] =	wrdreg s18;
	s19 =	sadd.s32 s15, s22  }
0x17: {  	s22 =	sadd.s32 s15, s14;
	s26 =	sor.u32 $0x180, s0;
	s0 =	sor.u32 $0x100, s0  }
0x18: {  	[dreg:$0x4] =	wrdreg s7;
	s6 =	sshrl.u32 s19, $0x3;
	s7 =	sshrl.u32 s20, $0x3  }
0x19: {  	s24 =	sshrl.u32 s22, $0x3;
	s20 =	sadd.s32 $0x4F0, s12;
	s6 =	sadd.s32 s1, s6  }
0x1a: {  	s0 =	sshrl.u32 s0, $0x3;
	s23 =	sadd.s32 s1, s7;
	[dreg:$0xc] =	wrdreg s6  }
0x1b: {  	s1 =	sadd.s32 s1, s24;
	s24 =	simm.s32 $0x5;
	[dreg:$0xd] =	wrdreg s23  }
0x1c: {  	s7 =	simm.s32 $0x2780;
	[dreg:$0xe] =	wrdreg s1;
	s1 =	sshrl.u32 s26, $0x3  }
0x1d: {  	s23 =	sadd.s32 s0, s10;
	s26 =	simm.s32 $0x2800;
	s0 =	simm.s32 $0x2  }
0x1e: {  	s6 =	simm.s32 $0x4;
	s22 =	sadd.s32 s1, s10;
	s1 =	simm.s32 $0x3  }
.LBB2_1:
0x1f: {  	s9 =	rddreg [dreg:$0x3]  }
0x20: {  	[tilespmem:s3], [sflag:$0x5] =	stream.linear.gather [hbm4b:s9+s3], $0x2800, $0x38;
	[tilespmem:$0x1E900] =	vst v63  }
0x21: {  	s16 =	stileid.u32;
	_ =	swait.ge [sflag:s24], $0x2800  }
0x22: {  	s9 =	sshll.u32 s16, $0x6;
	[sflag:s24] =	ssyncset.done $0x0;
	s10 =	rddreg [dreg:$0x4]  }
0x23: {  	s9 =	sor.u32 $0x1C05, s9;
	[sflag:s24] =	ssyncadd.s32 $0xFFFFD800;
	s10 =	sshrl.u32 s10, $0x3  }
0x24: {  	[spmem:s10], [sflag:s9] =	dma.local [hbm:s5], $0x800  }
0x25: {  	_ =	swait.ge [sflag:s24], $0x800  }
0x26: {  	[sflag:s24] =	ssyncset.done $0x0;
	s11 =	rddreg [dreg:$0x5]  }
0x27: {  	[sflag:s24] =	ssyncadd.s32 $0xFFFFF800;
	s11 =	sshrl.u32 s11, $0x3  }
0x28: {  	[spmem:s11], [sflag:s9] =	dma.local [hbm:s5], $0x800  }
0x29: {  	_ =	swait.ge [sflag:s24], $0x800  }
0x2a: {  	[sflag:s24] =	ssyncset.done $0x0;
	s13 =	rddreg [dreg:$0x6]  }
0x2b: {  	[sflag:s24] =	ssyncadd.s32 $0xFFFFF800;
	s13 =	sshrl.u32 s13, $0x3  }
0x2c: {  	[spmem:s13], [sflag:s9] =	dma.local [hbm:s5], $0x800  }
0x2d: {  	_ =	swait.ge [sflag:s24], $0x800  }
0x2e: {  	[sflag:s24] =	ssyncset.done $0x0;
	s14 =	rddreg [dreg:$0x7]  }
0x2f: {  	[sflag:s24] =	ssyncadd.s32 $0xFFFFF800;
	s14 =	sshrl.u32 s14, $0x3  }
0x30: {  	[spmem:s14], [sflag:s9] =	dma.local [hbm:s5], $0x800  }
0x31: {  	_ =	swait.ge [sflag:s24], $0x800  }
0x32: {  	[sflag:s24] =	ssyncset.done $0x0;
	s15 =	rddreg [dreg:$0x8]  }
0x33: {  	[sflag:s24] =	ssyncadd.s32 $0xFFFFF800;
	s15 =	sshrl.u32 s15, $0x3  }
0x34: {  	[spmem:s15], [sflag:s9] =	dma.local [hbm:s5], $0x800  }
0x35: {  	_ =	swait.ge [sflag:s24], $0x800  }
0x36: {  	[sflag:s24] =	ssyncset.done $0x0  }
0x37: {  	[sflag:s24] =	ssyncadd.s32 $0xFFFFF800  }
0x38: {  	[bflag:$0x0] =	sbarrier.arrive $0xFFFF  }
0x39: {  	[tilespmem:s26], [sflag:$0x1] =	stream.indirect.gather [hbm4b:s4+s25], $0x80, s3, s25, $0xb8;
	[tilespmem:$0x1E900] =	vst v63  }
0x3a: {  	_ = 	snop  }
0x3b: {  	[tilespmem:s28], [sflag:$0x3] =	stream.linear.gather [hbm4b:s12+s3], $0x80, $0x38;
	[tilespmem:$0x1E900] =	vst v63  }
0x3c: {  	_ = 	snop  }
0x3d: {  	[tilespmem:s29], [sflag:$0x2] =	stream.indirect.gather [hbm4b:s4+s25], $0x80, s25, s25, $0xb8;
	[tilespmem:$0x1E900] =	vst v63  }
0x3e: {  	s16 =	rddreg [dreg:$0x9]  }
0x3f: {  	[tilespmem:s30], [sflag:$0x4] =	stream.linear.gather [hbm4b:s16+s3], $0x80, $0x38;
	[tilespmem:$0x1E900] =	vst v63  }
0x40: {  	_ =	swait.ge [sflag:s31], $0x4000  }
0x41: {  	[sflag:s31] =	ssyncset.done $0x0  }
0x42: {  	[sflag:s31] =	ssyncadd.s32 $0xFFFFC000  }
0x43: {  	_ =	swait.ge [sflag:s1], $0x80  }
0x44: {  	[sflag:s1] =	ssyncset.done $0x0  }
0x45: {  	[sflag:s1] =	ssyncadd.s32 $0xFFFFFF80  }
0x46: {  	[spmem:s2] =	stream.indirect.scatter.add.f32 [tilespmem:s26], [sflag:$0x5], $0x80, s28, s25, $0xb8;
	[tilespmem:$0x1E900] =	vst v63  }
0x47: {  	_ =	swait.ge [sflag:s24], $0x4000  }
0x48: {  	[sflag:s24] =	ssyncset.done $0x0  }
0x49: {  	s17 =	simm.s32 $0x100;
	[sflag:s24] =	ssyncadd.s32 $0xFFFFC000  }
0x4a: {  	[tilespmem:s26], [sflag:$0x1] =	stream.indirect.gather [hbm4b:s4+s25], $0x80, s17, s25, $0xb8;
	[tilespmem:$0x1E900] =	vst v63  }
0x4b: {  	s18 =	sadd.s32 $0x0, s23  }
0x4c: {  	[tilespmem:s28], [sflag:$0x3] =	stream.linear.gather [hbm4b:s18+s3], $0x80, $0x38;
	[tilespmem:$0x1E900] =	vst v63  }
0x4d: {  	_ =	swait.ge [sflag:s0], $0x4000  }
0x4e: {  	[sflag:s0] =	ssyncset.done $0x0  }
0x4f: {  	[sflag:s0] =	ssyncadd.s32 $0xFFFFC000  }
0x50: {  	_ =	swait.ge [sflag:s6], $0x80  }
0x51: {  	[sflag:s6] =	ssyncset.done $0x0  }
0x52: {  	[sflag:s6] =	ssyncadd.s32 $0xFFFFFF80  }
0x53: {  	[spmem:s2] =	stream.indirect.scatter.add.f32 [tilespmem:s29], [sflag:$0x5], $0x80, s30, s25, $0xb8;
	[tilespmem:$0x1E900] =	vst v63  }
0x54: {  	_ =	swait.ge [sflag:s24], $0x4000  }
0x55: {  	s19 =	simm.s32 $0x180;
	s16 =	simm.s32 $0x20;
	[sflag:s24] =	ssyncset.done $0x0  }
0x56: {  	s17 =	simm.s32 $0x280;
	s18 =	sadd.s32 $0x0, s22;
	[sflag:s24] =	ssyncadd.s32 $0xFFFFC000  }
0x57: {  	[tilespmem:s29], [sflag:$0x2] =	stream.indirect.gather [hbm4b:s4+s25], $0x80, s19, s25, $0xb8;
	[tilespmem:$0x1E900] =	vst v63  }
.LBB2_2:
0x58: {  	[tilespmem:s30], [sflag:$0x4] =	stream.linear.gather [hbm4b:s18+s3], $0x80, $0x38;
	[tilespmem:$0x1E900] =	vst v63  }
0x59: {  	s18 =	smov.u32 s16  }
0x5a: {  	p0 =	sne.s32 s16, $0x4A0;
	s16 =	sadd.s32 $0x20, s16;
	_ =	swait.ge [sflag:s31], $0x4000  }
0x5b: {  	[sflag:s31] =	ssyncset.done $0x0  }
0x5c: {  	[sflag:s31] =	ssyncadd.s32 $0xFFFFC000  }
0x5d: {  	_ =	swait.ge [sflag:s1], $0x80  }
0x5e: {  	[sflag:s1] =	ssyncset.done $0x0  }
0x5f: {  	[sflag:s1] =	ssyncadd.s32 $0xFFFFFF80  }
0x60: {  	[spmem:s2] =	stream.indirect.scatter.add.f32 [tilespmem:s26], [sflag:$0x5], $0x80, s28, s25, $0xb8;
	[tilespmem:$0x1E900] =	vst v63  }
0x61: {  	_ =	swait.ge [sflag:s24], $0x4000  }
0x62: {  	[sflag:s24] =	ssyncset.done $0x0  }
0x63: {  	s19 =	sadd.s32 $0xFFFFFF80, s17;
	[sflag:s24] =	ssyncadd.s32 $0xFFFFC000  }
0x64: {  	[tilespmem:s26], [sflag:$0x1] =	stream.indirect.gather [hbm4b:s4+s25], $0x80, s19, s25, $0xb8;
	[tilespmem:$0x1E900] =	vst v63  }
0x65: {  	s19 =	sadd.s32 s18, s23  }
0x66: {  	[tilespmem:s28], [sflag:$0x3] =	stream.linear.gather [hbm4b:s19+s3], $0x80, $0x38;
	[tilespmem:$0x1E900] =	vst v63  }
0x67: {  	_ =	swait.ge [sflag:s0], $0x4000  }
0x68: {  	[sflag:s0] =	ssyncset.done $0x0  }
0x69: {  	[sflag:s0] =	ssyncadd.s32 $0xFFFFC000  }
0x6a: {  	_ =	swait.ge [sflag:s6], $0x80  }
0x6b: {  	[sflag:s6] =	ssyncset.done $0x0  }
0x6c: {  	[sflag:s6] =	ssyncadd.s32 $0xFFFFFF80  }
0x6d: {  	[spmem:s2] =	stream.indirect.scatter.add.f32 [tilespmem:s29], [sflag:$0x5], $0x80, s30, s25, $0xb8;
	[tilespmem:$0x1E900] =	vst v63  }
.Ltmp0:
0x6e: {  	_ =	swait.ge [sflag:s24], $0x4000;
	(pc) =	sbr.rel @p0 .LBB2_2-.Ltmp0, $4  }
0x6f: {  	[sflag:s24] =	ssyncset.done $0x0  }
0x70: {  	[sflag:s24] =	ssyncadd.s32 $0xFFFFC000  }
0x71: {  	[tilespmem:s29], [sflag:$0x2] =	stream.indirect.gather [hbm4b:s4+s25], $0x80, s17, s25, $0xb8;
	[tilespmem:$0x1E900] =	vst v63  }
0x72: {  	s18 =	sadd.s32 s18, s22;
	s17 =	sadd.s32 $0x100, s17  }
0x73: {  	[tilespmem:s30], [sflag:$0x4] =	stream.linear.gather [hbm4b:s18+s3], $0x80, $0x38;
	[tilespmem:$0x1E900] =	vst v63  }
0x74: {  	_ =	swait.ge [sflag:s31], $0x4000  }
0x75: {  	[sflag:s31] =	ssyncset.done $0x0  }
0x76: {  	[sflag:s31] =	ssyncadd.s32 $0xFFFFC000  }
0x77: {  	_ =	swait.ge [sflag:s1], $0x80  }
0x78: {  	[sflag:s1] =	ssyncset.done $0x0  }
0x79: {  	[sflag:s1] =	ssyncadd.s32 $0xFFFFFF80  }
0x7a: {  	[spmem:s2] =	stream.indirect.scatter.add.f32 [tilespmem:s26], [sflag:$0x5], $0x80, s28, s25, $0xb8;
	[tilespmem:$0x1E900] =	vst v63  }
0x7b: {  	_ =	swait.ge [sflag:s24], $0x4000  }
0x7c: {  	[sflag:s24] =	ssyncset.done $0x0  }
0x7d: {  	s16 =	simm.s32 $0x2700;
	[sflag:s24] =	ssyncadd.s32 $0xFFFFC000  }
0x7e: {  	[tilespmem:s26], [sflag:$0x1] =	stream.indirect.gather [hbm4b:s4+s25], $0x80, s16, s25, $0xb8;
	[tilespmem:$0x1E900] =	vst v63  }
0x7f: {  	_ = 	snop  }
0x80: {  	[tilespmem:s28], [sflag:$0x3] =	stream.linear.gather [hbm4b:s21+s3], $0x80, $0x38;
	[tilespmem:$0x1E900] =	vst v63  }
0x81: {  	_ =	swait.ge [sflag:s0], $0x4000  }
0x82: {  	[sflag:s0] =	ssyncset.done $0x0  }
0x83: {  	[sflag:s0] =	ssyncadd.s32 $0xFFFFC000  }
0x84: {  	_ =	swait.ge [sflag:s6], $0x80  }
0x85: {  	[sflag:s6] =	ssyncset.done $0x0  }
0x86: {  	[sflag:s6] =	ssyncadd.s32 $0xFFFFFF80  }
0x87: {  	[spmem:s2] =	stream.indirect.scatter.add.f32 [tilespmem:s29], [sflag:$0x5], $0x80, s30, s25, $0xb8;
	[tilespmem:$0x1E900] =	vst v63  }
0x88: {  	_ =	swait.ge [sflag:s24], $0x4000  }
0x89: {  	[sflag:s24] =	ssyncset.done $0x0  }
0x8a: {  	[sflag:s24] =	ssyncadd.s32 $0xFFFFC000  }
0x8b: {  	[tilespmem:s29], [sflag:$0x2] =	stream.indirect.gather [hbm4b:s4+s25], $0x80, s7, s25, $0xb8;
	[tilespmem:$0x1E900] =	vst v63  }
0x8c: {  	_ = 	snop  }
0x8d: {  	[tilespmem:s30], [sflag:$0x4] =	stream.linear.gather [hbm4b:s20+s3], $0x80, $0x38;
	[tilespmem:$0x1E900] =	vst v63  }
0x8e: {  	_ =	swait.ge [sflag:s31], $0x4000  }
0x8f: {  	[sflag:s31] =	ssyncset.done $0x0  }
0x90: {  	[sflag:s31] =	ssyncadd.s32 $0xFFFFC000  }
0x91: {  	_ =	swait.ge [sflag:s1], $0x80  }
0x92: {  	[sflag:s1] =	ssyncset.done $0x0  }
0x93: {  	[sflag:s1] =	ssyncadd.s32 $0xFFFFFF80  }
0x94: {  	[spmem:s2] =	stream.indirect.scatter.add.f32 [tilespmem:s26], [sflag:$0x5], $0x80, s28, s25, $0xb8;
	[tilespmem:$0x1E900] =	vst v63  }
0x95: {  	_ =	swait.ge [sflag:s24], $0x4000  }
0x96: {  	[sflag:s24] =	ssyncset.done $0x0  }
0x97: {  	[sflag:s24] =	ssyncadd.s32 $0xFFFFC000  }
0x98: {  	[tilespmem:s26], [sflag:$0x1] =	stream.indirect.gather [hbm4b:s4+s25], $0x80, s7, s25, $0xb8;
	[tilespmem:$0x1E900] =	vst v63  }
0x99: {  	_ = 	snop  }
0x9a: {  	[tilespmem:s28], [sflag:$0x3] =	stream.linear.gather [hbm4b:s20+s3], $0x80, $0x38;
	[tilespmem:$0x1E900] =	vst v63  }
0x9b: {  	_ =	swait.ge [sflag:s0], $0x4000  }
0x9c: {  	[sflag:s0] =	ssyncset.done $0x0  }
0x9d: {  	[sflag:s0] =	ssyncadd.s32 $0xFFFFC000  }
0x9e: {  	_ =	swait.ge [sflag:s6], $0x80  }
0x9f: {  	[sflag:s6] =	ssyncset.done $0x0  }
0xa0: {  	[sflag:s6] =	ssyncadd.s32 $0xFFFFFF80  }
0xa1: {  	[spmem:s2] =	stream.indirect.scatter.add.f32 [tilespmem:s29], [sflag:$0x5], $0x80, s30, s25, $0xb8;
	[tilespmem:$0x1E900] =	vst v63  }
0xa2: {  	_ =	swait.ge [sflag:s24], $0x4000  }
0xa3: {  	[sflag:s24] =	ssyncset.done $0x0  }
0xa4: {  	[sflag:s24] =	ssyncadd.s32 $0xFFFFC000  }
0xa5: {  	[tilespmem:s29], [sflag:$0x2] =	stream.indirect.gather [hbm4b:s4+s25], $0x80, s7, s25, $0xb8;
	[tilespmem:$0x1E900] =	vst v63  }
0xa6: {  	_ = 	snop  }
0xa7: {  	[tilespmem:s30], [sflag:$0x4] =	stream.linear.gather [hbm4b:s20+s3], $0x80, $0x38;
	[tilespmem:$0x1E900] =	vst v63  }
0xa8: {  	_ =	swait.ge [sflag:s31], $0x4000  }
0xa9: {  	[sflag:s31] =	ssyncset.done $0x0  }
0xaa: {  	[sflag:s31] =	ssyncadd.s32 $0xFFFFC000  }
0xab: {  	_ =	swait.ge [sflag:s1], $0x80  }
0xac: {  	[sflag:s1] =	ssyncset.done $0x0  }
0xad: {  	[sflag:s1] =	ssyncadd.s32 $0xFFFFFF80  }
0xae: {  	_ =	swait.ge [sflag:s0], $0x4000  }
0xaf: {  	[sflag:s0] =	ssyncset.done $0x0  }
0xb0: {  	[sflag:s0] =	ssyncadd.s32 $0xFFFFC000  }
0xb1: {  	_ =	swait.ge [sflag:s6], $0x80  }
0xb2: {  	[sflag:s6] =	ssyncset.done $0x0  }
0xb3: {  	[sflag:s6] =	ssyncadd.s32 $0xFFFFFF80  }
0xb4: {  	[bflag:$0x0] =	sbarrier.arrive $0xFFFF  }
0xb5: {  	s18 =	rddreg [dreg:$0xa]  }
0xb6: {  	[hbm:s18], [sflag:s9] =	dma.local [spmem:s10], $0x800  }
0xb7: {  	_ =	swait.ge [sflag:s24], $0x800  }
0xb8: {  	[sflag:s24] =	ssyncset.done $0x0  }
0xb9: {  	s19 =	rddreg [dreg:$0xb];
	[sflag:s24] =	ssyncadd.s32 $0xFFFFF800  }
0xba: {  	[hbm:s19], [sflag:s9] =	dma.local [spmem:s11], $0x800  }
0xbb: {  	_ =	swait.ge [sflag:s24], $0x800  }
0xbc: {  	[sflag:s24] =	ssyncset.done $0x0  }
0xbd: {  	s16 =	rddreg [dreg:$0xc];
	[sflag:s24] =	ssyncadd.s32 $0xFFFFF800  }
0xbe: {  	[hbm:s16], [sflag:s9] =	dma.local [spmem:s13], $0x800  }
0xbf: {  	_ =	swait.ge [sflag:s24], $0x800  }
0xc0: {  	[sflag:s24] =	ssyncset.done $0x0  }
0xc1: {  	s17 =	rddreg [dreg:$0xd];
	[sflag:s24] =	ssyncadd.s32 $0xFFFFF800  }
0xc2: {  	[hbm:s17], [sflag:s9] =	dma.local [spmem:s14], $0x800  }
0xc3: {  	_ =	swait.ge [sflag:s24], $0x800  }
0xc4: {  	[sflag:s24] =	ssyncset.done $0x0  }
0xc5: {  	s18 =	rddreg [dreg:$0xe];
	[sflag:s24] =	ssyncadd.s32 $0xFFFFF800  }
0xc6: {  	[hbm:s18], [sflag:s9] =	dma.local [spmem:s15], $0x800  }
0xc7: {  	_ =	swait.ge [sflag:s24], $0x800  }
0xc8: {  	s8 =	sadd.s32 $0x1, s8;
	s19 =	rddreg [dreg:$0xf]  }
0xc9: {  	p0 =	sne.s32 s8, s19  }
.Ltmp1:
0xca: {  	_ = 	snop;
	(pc) =	sbr.rel @p0 .LBB2_1-.Ltmp1, $3  }
0xcb: {  	_ =	sdelay $0x1  }
0xcc: {  	[sflag:s24] =	ssyncset.done $0x0  }
0xcd: {  	[sflag:s24] =	ssyncadd.s32 $0xFFFFF800  }
0xce: {  	_ =	sfence.sel $0x180000  }
0xcf: {  	[bflag:$0x0] =	sbarrier.arrive $0xFFFF  }
0xd0: {  	_ =	strace $0x90000050  }
0xd1: {  	s0 =	stileid.u32;
	[bflag:$0x2] =	sbarrier.arrive $0xFFFF  }
0xd2: {  	p0 =	sne.s32 s0, $0x0;
	s0 =	rddreg [dreg:$0x2]  }
0xd3: {  	s0 =	sadd.s32 @!p0 $0x100000, s0  }
0xd4: {  	[sflag:s0] =	ssyncadd.tile.s32 @!p0 $0x1;
	_ =	shalt  }
.Lfunc_end2:
_tile_overlayer_lowered:
.L_overlay_start_2:
0xd5: {  	(tag) =	ssettag $0x2  }
0xd6: {  	s0 =	rddreg [dreg:$0x0];
	s2 =	stileid.u32  }
0xd7: {  	s1 =	rddreg [dreg:$0x1];
	p0 =	sne.s32 s2, $0x0  }
0xd8: {  	s3 =	rddreg [dreg:$0x2];
	[bflag:$0x3] =	sbarrier.arrive $0xFFFF;
	s2 =	simm.s32 @!p0 $0x1C05  }
0xd9: {  	[timem:s3], [sflag:s2] =	dma.local @!p0 [hbm:s0], s1  }
0xda: {  	s0 =	simm.s32 @!p0 $0x5  }
0xdb: {  	_ =	swait.ge @!p0 [sflag:s0], s1  }
0xdc: {  	s1 =	ssub.s32 @!p0 $0x0, s1;
	[sflag:s0] =	ssyncset.done @!p0 $0x0  }
0xdd: {  	[sflag:s0] =	ssyncadd.s32 @!p0 s1  }
0xde: {  	[bflag:$0x3] =	sbarrier.arrive $0xFFFF  }
0xdf: {  	_ =	shalt  }

// kernel: kernel.24.cloned.1.call-start
scs
__scs_entry_jumppad:
0x0: {  	(pc) =	sbr.rel $0x88, $3  }
0x1: {  	(tag) =	ssettag $0x0;
	lr =	simm.s32 $0x1  }
0x2: {  	[smem:$0x3F98] =	sst lr;
	_ =	strace $0xD0000000  }
0x3: {  	_ = 	snop  }
0x4: {  	_ = 	snop  }
0x5: {  	_ = 	snop  }
0x6: {  	_ = 	snop  }
0x7: {  	_ = 	snop  }
__scs_overlays_trampoline_lowered:
0x8: {  	[smem:$0x3FA7] =	sst s0  }
0x9: {  	[smem:$0x3FA8] =	sst s1  }
0xa: {  	[smem:$0x3FA9] =	sst s2  }
0xb: {  	[smem:$0x3FAA] =	sst s3  }
0xc: {  	[smem:$0x3FAB] =	sst s4  }
0xd: {  	[smem:$0x3FAC] =	sst s5  }
0xe: {  	[smem:$0x3FAD] =	sst s6  }
0xf: {  	[smem:$0x3FAE] =	sst s7  }
0x10: {  	[smem:$0x3FAF] =	sst s8  }
0x11: {  	[smem:$0x3FB0] =	sst s9;
	s0 =	simm.s32 @!p0 $0x0  }
0x12: {  	s1 =	sld [smem:$0x3F96];
	s0 =	simm.s32 @p0 $0x1  }
0x13: {  	[smem:$0x3FB1] =	sst s0;
	s0 =	simm.s32 @!p1 $0x0  }
0x14: {  	s2 =	sld [smem:$0x3F95];
	s0 =	simm.s32 @p1 $0x1  }
0x15: {  	[smem:$0x3FB2] =	sst s0;
	s0 =	simm.s32 @!p2 $0x0  }
0x16: {  	s3 =	sld [smem:$0x3FDB];
	s0 =	simm.s32 @p2 $0x1  }
0x17: {  	s4 =	simm.s32 $0x1BF5;
	[smem:$0x3FB4] =	sst s0  }
0x18: {  	s0 =	sld [smem:$0x3F97];
	_ =	swait.ge [sflag:s4], $0x0  }
0x19: {  	s7 =	sld [smem:$0x3F98]  }
0x1a: {  	s8 =	sadd.s32 $0xFFFFE003, lr  }
0x1b: {  	s9 =	sadd.s32 $0xFFFFFEF7, lr;
	s5 =	simm.s32 $0xFFFFFFFF;
	p2 =	slt.u32 s8, $0xFFFFF086  }
0x1c: {  	p1 =	slt.u32 s9, $0xF7A;
	s5 =	simm.s32 @!p2 $0x0  }
0x1d: {  	s5 =	simm.s32 @p1 $0x1;
	p0 =	seq.s32 s7, s2  }
0x1e: {  	s7 =	smul.u32 @!p0 $0xF7A, s2;
	p2 =	seq.s32 @!p0 s5, $0x0  }
0x1f: {  	s9 =	smul.u32 $0xF7A, s1;
	s8 =	simm.s32 @!p0 $0x1BF5;
	p2 =	por !p2, p0  }
0x20: {  	[sflag:s8] =	ssyncset.s32 @!p0 $0xFFFFF086;
	s6 =	sadd.s32 @!p0 s3, s7;
	s7 =	simm.s32 @!p0 $0x108  }
0x21: {  	s3 =	sadd.s32 s3, s9;
	s6 =	sadd.s32 @!p0 $0x88, s6;
	s7 =	simm.s32 @p2 $0x1082  }
0x22: {  	[simem:s7], [sflag:s8] =	dma.local @!p0 [hbm:s6], $0xF7A  }
0x23: {  	s9 =	sor.u32 $0xD0000000, s2;
	s6 =	simm.s32 $0x108;
	_ =	swait.ge @!p0 [sflag:s8], $0x0  }
0x24: {  	s3 =	sadd.s32 $0x88, s3;
	s6 =	simm.s32 @!p1 $0x1082;
	[sflag:s4] =	ssyncset.s32 $0xFFFFF086  }
0x25: {  	[simem:s6], [sflag:s4] =	dma.local [hbm:s3], $0xF7A  }
0x26: {  	[smem:$0x3F98] =	sst s1;
	(tag) =	ssettag s2;
	_ =	strace s9  }
0x27: {  	s1 =	sld [smem:$0x3FA8]  }
0x28: {  	s2 =	sld [smem:$0x3FA9]  }
0x29: {  	s4 =	sld [smem:$0x3FAB]  }
0x2a: {  	p0 =	seq.s32 s5, $0x0;
	s5 =	sld [smem:$0x3FAC]  }
0x2b: {  	s6 =	sld [smem:$0x3FAD]  }
0x2c: {  	s7 =	sld [smem:$0x3FAE]  }
0x2d: {  	s3 =	simm.s32 $0x108;
	s8 =	sld [smem:$0x3FAF]  }
0x2e: {  	s3 =	simm.s32 @!p0 $0x1082;
	s9 =	sld [smem:$0x3FB0]  }
0x2f: {  	lr =	sadd.s32 s0, s3;
	s0 =	sld [smem:$0x3FA7]  }
0x30: {  	s3 =	sld [smem:$0x3FAA]  }
0x31: {  	[smem:$0x3FB3] =	sst s10  }
0x32: {  	s10 =	sld [smem:$0x3FB1];
	_ =	sdelay $0x3  }
0x33: {  	p0 =	seq.s32 s10, $0x1;
	s10 =	sld [smem:$0x3FB3];
	_ =	sdelay $0x3  }
0x34: {  	[smem:$0x3FB3] =	sst s10  }
0x35: {  	s10 =	sld [smem:$0x3FB2];
	_ =	sdelay $0x3  }
0x36: {  	p1 =	seq.s32 s10, $0x1;
	s10 =	sld [smem:$0x3FB3];
	_ =	sdelay $0x3  }
0x37: {  	[smem:$0x3FB3] =	sst s10  }
0x38: {  	s10 =	sld [smem:$0x3FB4]  }
0x39: {  	_ = 	snop;
	(pc) =	sbr.ind lr, $3  }
0x3a: {  	_ = 	snop  }
0x3b: {  	_ = 	snop  }
0x3c: {  	p2 =	seq.s32 s10, $0x1;
	s10 =	sld [smem:$0x3FB3]  }
0x3d: {  	_ =	shalt  }
0x3e: {  	_ =	shalt  }
0x3f: {  	_ =	shalt  }
0x40: {  	_ =	shalt  }
0x41: {  	_ =	shalt  }
0x42: {  	_ =	shalt  }
0x43: {  	_ =	shalt  }
0x44: {  	_ =	shalt  }
0x45: {  	_ =	shalt  }
0x46: {  	_ =	shalt  }
0x47: {  	_ =	shalt  }
0x48: {  	_ =	shalt  }
0x49: {  	_ =	shalt  }
0x4a: {  	_ =	shalt  }
0x4b: {  	_ =	shalt  }
0x4c: {  	_ =	shalt  }
0x4d: {  	_ =	shalt  }
0x4e: {  	_ =	shalt  }
0x4f: {  	_ =	shalt  }
0x50: {  	_ =	shalt  }
0x51: {  	_ =	shalt  }
0x52: {  	_ =	shalt  }
0x53: {  	_ =	shalt  }
0x54: {  	_ =	shalt  }
0x55: {  	_ =	shalt  }
0x56: {  	_ =	shalt  }
0x57: {  	_ =	shalt  }
0x58: {  	_ =	shalt  }
0x59: {  	_ =	shalt  }
0x5a: {  	_ =	shalt  }
0x5b: {  	_ =	shalt  }
0x5c: {  	_ =	shalt  }
0x5d: {  	_ =	shalt  }
0x5e: {  	_ =	shalt  }
0x5f: {  	_ =	shalt  }
0x60: {  	_ =	shalt  }
0x61: {  	_ =	shalt  }
0x62: {  	_ =	shalt  }
0x63: {  	_ =	shalt  }
0x64: {  	_ =	shalt  }
0x65: {  	_ =	shalt  }
0x66: {  	_ =	shalt  }
0x67: {  	_ =	shalt  }
0x68: {  	_ =	shalt  }
0x69: {  	_ =	shalt  }
0x6a: {  	_ =	shalt  }
0x6b: {  	_ =	shalt  }
0x6c: {  	_ =	shalt  }
0x6d: {  	_ =	shalt  }
0x6e: {  	_ =	shalt  }
0x6f: {  	_ =	shalt  }
0x70: {  	_ =	shalt  }
0x71: {  	_ =	shalt  }
0x72: {  	_ =	shalt  }
0x73: {  	_ =	shalt  }
0x74: {  	_ =	shalt  }
0x75: {  	_ =	shalt  }
0x76: {  	_ =	shalt  }
0x77: {  	_ =	shalt  }
0x78: {  	_ =	shalt  }
0x79: {  	_ =	shalt  }
0x7a: {  	_ =	shalt  }
0x7b: {  	_ =	shalt  }
0x7c: {  	_ =	shalt  }
0x7d: {  	_ =	shalt  }
0x7e: {  	_ =	shalt  }
0x7f: {  	_ =	shalt  }
0x80: {  	_ =	shalt  }
0x81: {  	_ =	shalt  }
0x82: {  	_ =	shalt  }
0x83: {  	_ =	shalt  }
0x84: {  	_ =	shalt  }
0x85: {  	_ =	shalt  }
0x86: {  	_ =	shalt  }
0x87: {  	_ =	shalt  }
.Lfunc_end0:
.L_simem_size_0:
called_computation.4_lowered:
.L_overlay_start_0:
0x88: {  	s2 =	sld [smem:$0x3FD9]  }
0x89: {  	s3 =	sld [smem:$0x3FFE];
	_ =	sdelay $0x1  }
0x8a: {  	s1 =	srdreg.scid  }
0x8b: {  	s0 =	sand.u32 $0x1, s1  }
0x8c: {  	s16 =	sshll.u32 s0, $0xA;
	s2 =	sadd.s32 s3, s2  }
0x8d: {  	s2 =	sadd.s32 s2, s16  }
0x8e: {  	[smem:$0x3FBF] =	sst s2  }
0x8f: {  	_ = 	snop  }
0x90: {  	(tm) =	ssettm $0x1  }
0x91: {  	s17 =	sld [smem:$0x3FFB];
	_ =	sdelay $0x3  }
0x92: {  	_ =	strace s17  }
0x93: {  	s2 =	sld [smem:$0x3FFC];
	_ =	sdelay $0x3  }
0x94: {  	_ =	strace s2  }
0x95: {  	s2 =	sld [smem:$0x3FFD];
	_ =	sdelay $0x3  }
0x96: {  	_ =	strace s2  }
0x97: {  	_ =	strace $0x8FFFFFFF  }
0x98: {  	s18 =	sld [smem:$0x3FDB];
	_ =	sdelay $0x1  }
0x99: {  	s19 =	simm.s32 $_scs_section_size  }
0x9a: {  	s4 =	simm.s32 $_size__tile_overlayer_lowered;
	s5 =	simm.s32 $_tile_overlayer_lowered  }
0x9b: {  	s22 =	simm.s32 $0x1BFF;
	s21 =	sshll.u32 s5, $0x1;
	s2 =	sadd.s32 s19, s18  }
0x9c: {  	s6 =	simm.s32 $0x0;
	s20 =	sshll.u32 s4, $0x1;
	s4 =	sadd.s32 s21, s2  }
0x9d: {  	[timem:s6], [sflag:s22] =	dma.local [hbm:s4], s20  }
0x9e: {  	_ =	swait.ge [sflag:s22], s20  }
0x9f: {  	s3 =	ssub.s32 $0x0, s20;
	[sflag:s22] =	ssyncset.done $0x0  }
0xa0: {  	[sflag:s22] =	ssyncadd.s32 s3;
	_ =	sdelay $0x1  }
0xa1: {  	s23 =	simm.s32 $0x1B8B  }
0xa2: {  	_ =	swait.ge [sflag:s23], $0x1  }
0xa3: {  	[sflag:s23] =	ssyncset.done $0x0  }
0xa4: {  	s25 =	simm.s32 $0x1B8E;
	s24 =	sld [smem:$0x3FFE];
	[sflag:s23] =	ssyncadd.s32 $0xFFFFFFFF  }
0xa5: {  	s26 =	simm.s32 $execute0_lowered;
	[smem:$0x3FD2] =	sst s25  }
0xa6: {  	s4 =	sshll.u32 s26, $0x1;
	_ =	strace $0x80000052;
	[dreg:$0x1] =	wrdreg $0xFFFFFFFF  }
0xa7: {  	s28 =	simm.s32 $_size_execute0_lowered;
	s2 =	sadd.s32 s2, s4;
	[dreg:$0x0] =	wrdreg $0x0  }
0xa8: {  	s4 =	sshll.u32 s28, $0x1;
	[dreg:$0x2] =	wrdreg s2  }
0xa9: {  	[dreg:$0x3] =	wrdreg s4  }
0xaa: {  	[dreg:$0x4] =	wrdreg $0xC0  }
0xab: {  	_ =	task [dreg:s6], $0x5FFFF  }
0xac: {  	[dreg:$0x1] =	wrdreg $0xFFFFFFFF  }
0xad: {  	[dreg:$0x0] =	wrdreg $0x60  }
0xae: {  	[dreg:$0x2] =	wrdreg s24  }
0xaf: {  	[dreg:$0x3] =	wrdreg $0xA9000  }
0xb0: {  	[dreg:$0x4] =	wrdreg $0x9  }
0xb1: {  	_ =	task.clear_ibuf [dreg:s6], $0x5FFFF;
	_ =	strace $0x90000052  }
0xb2: {  	s29 =	simm.s32 $0x9;
	_ =	strace $0x80000054  }
0xb3: {  	_ =	swait.ge [sflag:s29], $0x1  }
0xb4: {  	[sflag:s29] =	ssyncadd.s32 $0xFFFFFFFF  }
0xb5: {  	_ =	strace $0x90000054  }
0xb6: {  	_ =	sfence  }
0xb7: {  	s30 =	sld [smem:$0x0];
	_ =	sdelay $0x2  }
0xb8: {  	s31 =	sshll.u32 s1, $0xD;
	s1 =	sshrl.u32 s1, $0x2  }
0xb9: {  	s3 =	sand.u32 $0x4000, s31;
	s1 =	sadd.s32 s1, s30  }
0xba: {  	s0 =	sor.u32 s3, s0;
	s1 =	sshll.u32 s1, $0x11  }
0xbb: {  	s0 =	sor.u32 s1, s0  }
0xbc: {  	s0 =	sadd.s32 $0x8F2B, s0  }
0xbd: {  	[sflag:s0] =	ssyncadd.remote.s32 $0x1  }
0xbe: {  	_ =	sfence.sel $0xFFFF  }
0xbf: {  	[dreg:$0x0] =	wrdreg $0xFFFFFFFF;
	(pc) =	sbr.abs _section_cstart, $3  }
0xc0: {  	[dreg:$0x1] =	wrdreg $0xFFFFFFFF  }
0xc1: {  	_ =	task.clear_ibuf [dreg:s6], $0x2FFFF;
	_ =	strace $0x9FFFFFFF  }
0xc2: {  	(tm) =	ssettm $0x7FFFFFFF  }
0xc3: {  	_ =	shalt  }
tec
execute0_lowered:
.L_overlay_start_1:
0x0: {  	(tag) =	ssettag $0x1  }
0x1: {  	s0 =	srdreg.scid;
	s1 =	rddreg [dreg:$0x0]  }
0x2: {  	s16 =	stileid.u32;
	s2 =	rddreg [dreg:$0x1]  }
0x3: {  	s28 =	simm.s32 $0xA800;
	s29 =	simm.s32 $0x6800;
	s9 =	smul.u32 $0x50000, s16  }
0x4: {  	s30 =	simm.s32 $0xA880;
	s0 =	sand.u32 $0x1, s0;
	s13 =	smul.u32 $0x14000, s16  }
0x5: {  	s31 =	simm.s32 $0x1;
	s3 =	sshll.u32 s16, $0x1;
	s15 =	smul.u32 $0x140000, s0  }
0x6: {  	s4 =	sor.u32 s0, s3;
	s8 =	ssub.s32 $0x2, s0;
	s0 =	smul.u32 $0x2800, s0  }
0x7: {  	s10 =	sadd.s32 $0xDA00, s1;
	s3 =	simm.s32 $0x0;
	s5 =	smul.u32 $0x2800, s4  }
0x8: {  	[smem:$0x7FF] =	sst s3;
	s4 =	sadd.s32 $0x17A00, s1;
	s11 =	sshrl.u32 s8, $0x1  }
0x9: {  	s19 =	sshrl.u32 s9, $0x2;
	s20 =	sadd.s32 $0x4000, s13;
	s22 =	sadd.s32 $0x8000, s13  }
0xa: {  	s23 =	sadd.s32 $0xC000, s13;
	s14 =	sadd.s32 $0x10000, s13;
	_ =	strace $0x80000053  }
0xb: {  	s8 =	ssub.s32 s8, s11;
	s21 =	sadd.s32 s20, s2;
	s12 =	sadd.s32 s22, s2  }
0xc: {  	s24 =	sadd.s32 s23, s2;
	s25 =	sadd.s32 s14, s2;
	[dreg:$0x5] =	wrdreg s21  }
0xd: {  	s26 =	sadd.s32 s13, s15;
	s9 =	sadd.s32 s15, s20;
	[dreg:$0x6] =	wrdreg s12  }
0xe: {  	s20 =	sadd.s32 s15, s23;
	s6 =	sshrl.u32 s5, $0x3;
	[dreg:$0x7] =	wrdreg s24  }
0xf: {  	s5 =	sadd.s32 $0x41200, s1;
	[dreg:$0x8] =	wrdreg s25;
	s9 =	sshrl.u32 s9, $0x3  }
0x10: {  	s21 =	smul.u32 $0x5000, s16;
	s25 =	smax.u32 s8, $0x1;
	s8 =	simm.s32 $0x0  }
0x11: {  	s7 =	sadd.s32 s6, s1;
	s1 =	sadd.s32 $0x41A00, s1;
	s12 =	sadd.s32 s10, s6  }
0x12: {  	s6 =	sshrl.u32 s26, $0x3;
	[dreg:$0xf] =	wrdreg s25;
	s7 =	sadd.s32 $0x3A00, s7  }
0x13: {  	s25 =	simm.s32 $0x80;
	s17 =	sadd.s32 $0x10, s12;
	[dreg:$0x3] =	wrdreg s7  }
0x14: {  	s6 =	sadd.s32 s1, s6;
	s18 =	sadd.s32 s1, s9;
	[dreg:$0x9] =	wrdreg s17  }
0x15: {  	s0 =	sadd.s32 s0, s21;
	s21 =	sadd.s32 $0x4E0, s12;
	[dreg:$0xa] =	wrdreg s6  }
0x16: {  	s7 =	sadd.s32 s19, s2;
	[dreg:$0xb] =	wrdreg s18;
	s19 =	sadd.s32 s15, s22  }
0x17: {  	s22 =	sadd.s32 s15, s14;
	s26 =	sor.u32 $0x180, s0;
	s0 =	sor.u32 $0x100, s0  }
0x18: {  	[dreg:$0x4] =	wrdreg s7;
	s6 =	sshrl.u32 s19, $0x3;
	s7 =	sshrl.u32 s20, $0x3  }
0x19: {  	s24 =	sshrl.u32 s22, $0x3;
	s20 =	sadd.s32 $0x4F0, s12;
	s6 =	sadd.s32 s1, s6  }
0x1a: {  	s0 =	sshrl.u32 s0, $0x3;
	s23 =	sadd.s32 s1, s7;
	[dreg:$0xc] =	wrdreg s6  }
0x1b: {  	s1 =	sadd.s32 s1, s24;
	s24 =	simm.s32 $0x5;
	[dreg:$0xd] =	wrdreg s23  }
0x1c: {  	s7 =	simm.s32 $0x2780;
	[dreg:$0xe] =	wrdreg s1;
	s1 =	sshrl.u32 s26, $0x3  }
0x1d: {  	s23 =	sadd.s32 s0, s10;
	s26 =	simm.s32 $0x2800;
	s0 =	simm.s32 $0x2  }
0x1e: {  	s6 =	simm.s32 $0x4;
	s22 =	sadd.s32 s1, s10;
	s1 =	simm.s32 $0x3  }
.LBB2_1:
0x1f: {  	s9 =	rddreg [dreg:$0x3]  }
0x20: {  	[tilespmem:s3], [sflag:$0x5] =	stream.linear.gather [hbm4b:s9+s3], $0x2800, $0x38;
	[tilespmem:$0x1E900] =	vst v63  }
0x21: {  	s16 =	stileid.u32;
	_ =	swait.ge [sflag:s24], $0x2800  }
0x22: {  	s9 =	sshll.u32 s16, $0x6;
	[sflag:s24] =	ssyncset.done $0x0;
	s10 =	rddreg [dreg:$0x4]  }
0x23: {  	s9 =	sor.u32 $0x1C05, s9;
	[sflag:s24] =	ssyncadd.s32 $0xFFFFD800;
	s10 =	sshrl.u32 s10, $0x3  }
0x24: {  	[spmem:s10], [sflag:s9] =	dma.local [hbm:s5], $0x800  }
0x25: {  	_ =	swait.ge [sflag:s24], $0x800  }
0x26: {  	[sflag:s24] =	ssyncset.done $0x0;
	s11 =	rddreg [dreg:$0x5]  }
0x27: {  	[sflag:s24] =	ssyncadd.s32 $0xFFFFF800;
	s11 =	sshrl.u32 s11, $0x3  }
0x28: {  	[spmem:s11], [sflag:s9] =	dma.local [hbm:s5], $0x800  }
0x29: {  	_ =	swait.ge [sflag:s24], $0x800  }
0x2a: {  	[sflag:s24] =	ssyncset.done $0x0;
	s13 =	rddreg [dreg:$0x6]  }
0x2b: {  	[sflag:s24] =	ssyncadd.s32 $0xFFFFF800;
	s13 =	sshrl.u32 s13, $0x3  }
0x2c: {  	[spmem:s13], [sflag:s9] =	dma.local [hbm:s5], $0x800  }
0x2d: {  	_ =	swait.ge [sflag:s24], $0x800  }
0x2e: {  	[sflag:s24] =	ssyncset.done $0x0;
	s14 =	rddreg [dreg:$0x7]  }
0x2f: {  	[sflag:s24] =	ssyncadd.s32 $0xFFFFF800;
	s14 =	sshrl.u32 s14, $0x3  }
0x30: {  	[spmem:s14], [sflag:s9] =	dma.local [hbm:s5], $0x800  }
0x31: {  	_ =	swait.ge [sflag:s24], $0x800  }
0x32: {  	[sflag:s24] =	ssyncset.done $0x0;
	s15 =	rddreg [dreg:$0x8]  }
0x33: {  	[sflag:s24] =	ssyncadd.s32 $0xFFFFF800;
	s15 =	sshrl.u32 s15, $0x3  }
0x34: {  	[spmem:s15], [sflag:s9] =	dma.local [hbm:s5], $0x800  }
0x35: {  	_ =	swait.ge [sflag:s24], $0x800  }
0x36: {  	[sflag:s24] =	ssyncset.done $0x0  }
0x37: {  	[sflag:s24] =	ssyncadd.s32 $0xFFFFF800  }
0x38: {  	[bflag:$0x0] =	sbarrier.arrive $0xFFFF  }
0x39: {  	[tilespmem:s26], [sflag:$0x1] =	stream.indirect.gather [hbm4b:s4+s25], $0x80, s3, s25, $0xb8;
	[tilespmem:$0x1E900] =	vst v63  }
0x3a: {  	_ = 	snop  }
0x3b: {  	[tilespmem:s28], [sflag:$0x3] =	stream.linear.gather [hbm4b:s12+s3], $0x80, $0x38;
	[tilespmem:$0x1E900] =	vst v63  }
0x3c: {  	_ = 	snop  }
0x3d: {  	[tilespmem:s29], [sflag:$0x2] =	stream.indirect.gather [hbm4b:s4+s25], $0x80, s25, s25, $0xb8;
	[tilespmem:$0x1E900] =	vst v63  }
0x3e: {  	s16 =	rddreg [dreg:$0x9]  }
0x3f: {  	[tilespmem:s30], [sflag:$0x4] =	stream.linear.gather [hbm4b:s16+s3], $0x80, $0x38;
	[tilespmem:$0x1E900] =	vst v63  }
0x40: {  	_ =	swait.ge [sflag:s31], $0x4000  }
0x41: {  	[sflag:s31] =	ssyncset.done $0x0  }
0x42: {  	[sflag:s31] =	ssyncadd.s32 $0xFFFFC000  }
0x43: {  	_ =	swait.ge [sflag:s1], $0x80  }
0x44: {  	[sflag:s1] =	ssyncset.done $0x0  }
0x45: {  	[sflag:s1] =	ssyncadd.s32 $0xFFFFFF80  }
0x46: {  	[spmem:s2] =	stream.indirect.scatter.add.f32 [tilespmem:s26], [sflag:$0x5], $0x80, s28, s25, $0xb8;
	[tilespmem:$0x1E900] =	vst v63  }
0x47: {  	_ =	swait.ge [sflag:s24], $0x4000  }
0x48: {  	[sflag:s24] =	ssyncset.done $0x0  }
0x49: {  	s17 =	simm.s32 $0x100;
	[sflag:s24] =	ssyncadd.s32 $0xFFFFC000  }
0x4a: {  	[tilespmem:s26], [sflag:$0x1] =	stream.indirect.gather [hbm4b:s4+s25], $0x80, s17, s25, $0xb8;
	[tilespmem:$0x1E900] =	vst v63  }
0x4b: {  	s18 =	sadd.s32 $0x0, s23  }
0x4c: {  	[tilespmem:s28], [sflag:$0x3] =	stream.linear.gather [hbm4b:s18+s3], $0x80, $0x38;
	[tilespmem:$0x1E900] =	vst v63  }
0x4d: {  	_ =	swait.ge [sflag:s0], $0x4000  }
0x4e: {  	[sflag:s0] =	ssyncset.done $0x0  }
0x4f: {  	[sflag:s0] =	ssyncadd.s32 $0xFFFFC000  }
0x50: {  	_ =	swait.ge [sflag:s6], $0x80  }
0x51: {  	[sflag:s6] =	ssyncset.done $0x0  }
0x52: {  	[sflag:s6] =	ssyncadd.s32 $0xFFFFFF80  }
0x53: {  	[spmem:s2] =	stream.indirect.scatter.add.f32 [tilespmem:s29], [sflag:$0x5], $0x80, s30, s25, $0xb8;
	[tilespmem:$0x1E900] =	vst v63  }
0x54: {  	_ =	swait.ge [sflag:s24], $0x4000  }
0x55: {  	s19 =	simm.s32 $0x180;
	s16 =	simm.s32 $0x20;
	[sflag:s24] =	ssyncset.done $0x0  }
0x56: {  	s17 =	simm.s32 $0x280;
	s18 =	sadd.s32 $0x0, s22;
	[sflag:s24] =	ssyncadd.s32 $0xFFFFC000  }
0x57: {  	[tilespmem:s29], [sflag:$0x2] =	stream.indirect.gather [hbm4b:s4+s25], $0x80, s19, s25, $0xb8;
	[tilespmem:$0x1E900] =	vst v63  }
.LBB2_2:
0x58: {  	[tilespmem:s30], [sflag:$0x4] =	stream.linear.gather [hbm4b:s18+s3], $0x80, $0x38;
	[tilespmem:$0x1E900] =	vst v63  }
0x59: {  	s18 =	smov.u32 s16  }
0x5a: {  	p0 =	sne.s32 s16, $0x4A0;
	s16 =	sadd.s32 $0x20, s16;
	_ =	swait.ge [sflag:s31], $0x4000  }
0x5b: {  	[sflag:s31] =	ssyncset.done $0x0  }
0x5c: {  	[sflag:s31] =	ssyncadd.s32 $0xFFFFC000  }
0x5d: {  	_ =	swait.ge [sflag:s1], $0x80  }
0x5e: {  	[sflag:s1] =	ssyncset.done $0x0  }
0x5f: {  	[sflag:s1] =	ssyncadd.s32 $0xFFFFFF80  }
0x60: {  	[spmem:s2] =	stream.indirect.scatter.add.f32 [tilespmem:s26], [sflag:$0x5], $0x80, s28, s25, $0xb8;
	[tilespmem:$0x1E900] =	vst v63  }
0x61: {  	_ =	swait.ge [sflag:s24], $0x4000  }
0x62: {  	[sflag:s24] =	ssyncset.done $0x0  }
0x63: {  	s19 =	sadd.s32 $0xFFFFFF80, s17;
	[sflag:s24] =	ssyncadd.s32 $0xFFFFC000  }
0x64: {  	[tilespmem:s26], [sflag:$0x1] =	stream.indirect.gather [hbm4b:s4+s25], $0x80, s19, s25, $0xb8;
	[tilespmem:$0x1E900] =	vst v63  }
0x65: {  	s19 =	sadd.s32 s18, s23  }
0x66: {  	[tilespmem:s28], [sflag:$0x3] =	stream.linear.gather [hbm4b:s19+s3], $0x80, $0x38;
	[tilespmem:$0x1E900] =	vst v63  }
0x67: {  	_ =	swait.ge [sflag:s0], $0x4000  }
0x68: {  	[sflag:s0] =	ssyncset.done $0x0  }
0x69: {  	[sflag:s0] =	ssyncadd.s32 $0xFFFFC000  }
0x6a: {  	_ =	swait.ge [sflag:s6], $0x80  }
0x6b: {  	[sflag:s6] =	ssyncset.done $0x0  }
0x6c: {  	[sflag:s6] =	ssyncadd.s32 $0xFFFFFF80  }
0x6d: {  	[spmem:s2] =	stream.indirect.scatter.add.f32 [tilespmem:s29], [sflag:$0x5], $0x80, s30, s25, $0xb8;
	[tilespmem:$0x1E900] =	vst v63  }
.Ltmp0:
0x6e: {  	_ =	swait.ge [sflag:s24], $0x4000;
	(pc) =	sbr.rel @p0 .LBB2_2-.Ltmp0, $4  }
0x6f: {  	[sflag:s24] =	ssyncset.done $0x0  }
0x70: {  	[sflag:s24] =	ssyncadd.s32 $0xFFFFC000  }
0x71: {  	[tilespmem:s29], [sflag:$0x2] =	stream.indirect.gather [hbm4b:s4+s25], $0x80, s17, s25, $0xb8;
	[tilespmem:$0x1E900] =	vst v63  }
0x72: {  	s18 =	sadd.s32 s18, s22;
	s17 =	sadd.s32 $0x100, s17  }
0x73: {  	[tilespmem:s30], [sflag:$0x4] =	stream.linear.gather [hbm4b:s18+s3], $0x80, $0x38;
	[tilespmem:$0x1E900] =	vst v63  }
0x74: {  	_ =	swait.ge [sflag:s31], $0x4000  }
0x75: {  	[sflag:s31] =	ssyncset.done $0x0  }
0x76: {  	[sflag:s31] =	ssyncadd.s32 $0xFFFFC000  }
0x77: {  	_ =	swait.ge [sflag:s1], $0x80  }
0x78: {  	[sflag:s1] =	ssyncset.done $0x0  }
0x79: {  	[sflag:s1] =	ssyncadd.s32 $0xFFFFFF80  }
0x7a: {  	[spmem:s2] =	stream.indirect.scatter.add.f32 [tilespmem:s26], [sflag:$0x5], $0x80, s28, s25, $0xb8;
	[tilespmem:$0x1E900] =	vst v63  }
0x7b: {  	_ =	swait.ge [sflag:s24], $0x4000  }
0x7c: {  	[sflag:s24] =	ssyncset.done $0x0  }
0x7d: {  	s16 =	simm.s32 $0x2700;
	[sflag:s24] =	ssyncadd.s32 $0xFFFFC000  }
0x7e: {  	[tilespmem:s26], [sflag:$0x1] =	stream.indirect.gather [hbm4b:s4+s25], $0x80, s16, s25, $0xb8;
	[tilespmem:$0x1E900] =	vst v63  }
0x7f: {  	_ = 	snop  }
0x80: {  	[tilespmem:s28], [sflag:$0x3] =	stream.linear.gather [hbm4b:s21+s3], $0x80, $0x38;
	[tilespmem:$0x1E900] =	vst v63  }
0x81: {  	_ =	swait.ge [sflag:s0], $0x4000  }
0x82: {  	[sflag:s0] =	ssyncset.done $0x0  }
0x83: {  	[sflag:s0] =	ssyncadd.s32 $0xFFFFC000  }
0x84: {  	_ =	swait.ge [sflag:s6], $0x80  }
0x85: {  	[sflag:s6] =	ssyncset.done $0x0  }
0x86: {  	[sflag:s6] =	ssyncadd.s32 $0xFFFFFF80  }
0x87: {  	[spmem:s2] =	stream.indirect.scatter.add.f32 [tilespmem:s29], [sflag:$0x5], $0x80, s30, s25, $0xb8;
	[tilespmem:$0x1E900] =	vst v63  }
0x88: {  	_ =	swait.ge [sflag:s24], $0x4000  }
0x89: {  	[sflag:s24] =	ssyncset.done $0x0  }
0x8a: {  	[sflag:s24] =	ssyncadd.s32 $0xFFFFC000  }
0x8b: {  	[tilespmem:s29], [sflag:$0x2] =	stream.indirect.gather [hbm4b:s4+s25], $0x80, s7, s25, $0xb8;
	[tilespmem:$0x1E900] =	vst v63  }
0x8c: {  	_ = 	snop  }
0x8d: {  	[tilespmem:s30], [sflag:$0x4] =	stream.linear.gather [hbm4b:s20+s3], $0x80, $0x38;
	[tilespmem:$0x1E900] =	vst v63  }
0x8e: {  	_ =	swait.ge [sflag:s31], $0x4000  }
0x8f: {  	[sflag:s31] =	ssyncset.done $0x0  }
0x90: {  	[sflag:s31] =	ssyncadd.s32 $0xFFFFC000  }
0x91: {  	_ =	swait.ge [sflag:s1], $0x80  }
0x92: {  	[sflag:s1] =	ssyncset.done $0x0  }
0x93: {  	[sflag:s1] =	ssyncadd.s32 $0xFFFFFF80  }
0x94: {  	[spmem:s2] =	stream.indirect.scatter.add.f32 [tilespmem:s26], [sflag:$0x5], $0x80, s28, s25, $0xb8;
	[tilespmem:$0x1E900] =	vst v63  }
0x95: {  	_ =	swait.ge [sflag:s24], $0x4000  }
0x96: {  	[sflag:s24] =	ssyncset.done $0x0  }
0x97: {  	[sflag:s24] =	ssyncadd.s32 $0xFFFFC000  }
0x98: {  	[tilespmem:s26], [sflag:$0x1] =	stream.indirect.gather [hbm4b:s4+s25], $0x80, s7, s25, $0xb8;
	[tilespmem:$0x1E900] =	vst v63  }
0x99: {  	_ = 	snop  }
0x9a: {  	[tilespmem:s28], [sflag:$0x3] =	stream.linear.gather [hbm4b:s20+s3], $0x80, $0x38;
	[tilespmem:$0x1E900] =	vst v63  }
0x9b: {  	_ =	swait.ge [sflag:s0], $0x4000  }
0x9c: {  	[sflag:s0] =	ssyncset.done $0x0  }
0x9d: {  	[sflag:s0] =	ssyncadd.s32 $0xFFFFC000  }
0x9e: {  	_ =	swait.ge [sflag:s6], $0x80  }
0x9f: {  	[sflag:s6] =	ssyncset.done $0x0  }
0xa0: {  	[sflag:s6] =	ssyncadd.s32 $0xFFFFFF80  }
0xa1: {  	[spmem:s2] =	stream.indirect.scatter.add.f32 [tilespmem:s29], [sflag:$0x5], $0x80, s30, s25, $0xb8;
	[tilespmem:$0x1E900] =	vst v63  }
0xa2: {  	_ =	swait.ge [sflag:s24], $0x4000  }
0xa3: {  	[sflag:s24] =	ssyncset.done $0x0  }
0xa4: {  	[sflag:s24] =	ssyncadd.s32 $0xFFFFC000  }
0xa5: {  	[tilespmem:s29], [sflag:$0x2] =	stream.indirect.gather [hbm4b:s4+s25], $0x80, s7, s25, $0xb8;
	[tilespmem:$0x1E900] =	vst v63  }
0xa6: {  	_ = 	snop  }
0xa7: {  	[tilespmem:s30], [sflag:$0x4] =	stream.linear.gather [hbm4b:s20+s3], $0x80, $0x38;
	[tilespmem:$0x1E900] =	vst v63  }
0xa8: {  	_ =	swait.ge [sflag:s31], $0x4000  }
0xa9: {  	[sflag:s31] =	ssyncset.done $0x0  }
0xaa: {  	[sflag:s31] =	ssyncadd.s32 $0xFFFFC000  }
0xab: {  	_ =	swait.ge [sflag:s1], $0x80  }
0xac: {  	[sflag:s1] =	ssyncset.done $0x0  }
0xad: {  	[sflag:s1] =	ssyncadd.s32 $0xFFFFFF80  }
0xae: {  	_ =	swait.ge [sflag:s0], $0x4000  }
0xaf: {  	[sflag:s0] =	ssyncset.done $0x0  }
0xb0: {  	[sflag:s0] =	ssyncadd.s32 $0xFFFFC000  }
0xb1: {  	_ =	swait.ge [sflag:s6], $0x80  }
0xb2: {  	[sflag:s6] =	ssyncset.done $0x0  }
0xb3: {  	[sflag:s6] =	ssyncadd.s32 $0xFFFFFF80  }
0xb4: {  	[bflag:$0x0] =	sbarrier.arrive $0xFFFF  }
0xb5: {  	s18 =	rddreg [dreg:$0xa]  }
0xb6: {  	[hbm:s18], [sflag:s9] =	dma.local [spmem:s10], $0x800  }
0xb7: {  	_ =	swait.ge [sflag:s24], $0x800  }
0xb8: {  	[sflag:s24] =	ssyncset.done $0x0  }
0xb9: {  	s19 =	rddreg [dreg:$0xb];
	[sflag:s24] =	ssyncadd.s32 $0xFFFFF800  }
0xba: {  	[hbm:s19], [sflag:s9] =	dma.local [spmem:s11], $0x800  }
0xbb: {  	_ =	swait.ge [sflag:s24], $0x800  }
0xbc: {  	[sflag:s24] =	ssyncset.done $0x0  }
0xbd: {  	s16 =	rddreg [dreg:$0xc];
	[sflag:s24] =	ssyncadd.s32 $0xFFFFF800  }
0xbe: {  	[hbm:s16], [sflag:s9] =	dma.local [spmem:s13], $0x800  }
0xbf: {  	_ =	swait.ge [sflag:s24], $0x800  }
0xc0: {  	[sflag:s24] =	ssyncset.done $0x0  }
0xc1: {  	s17 =	rddreg [dreg:$0xd];
	[sflag:s24] =	ssyncadd.s32 $0xFFFFF800  }
0xc2: {  	[hbm:s17], [sflag:s9] =	dma.local [spmem:s14], $0x800  }
0xc3: {  	_ =	swait.ge [sflag:s24], $0x800  }
0xc4: {  	[sflag:s24] =	ssyncset.done $0x0  }
0xc5: {  	s18 =	rddreg [dreg:$0xe];
	[sflag:s24] =	ssyncadd.s32 $0xFFFFF800  }
0xc6: {  	[hbm:s18], [sflag:s9] =	dma.local [spmem:s15], $0x800  }
0xc7: {  	_ =	swait.ge [sflag:s24], $0x800  }
0xc8: {  	s8 =	sadd.s32 $0x1, s8;
	s19 =	rddreg [dreg:$0xf]  }
0xc9: {  	p0 =	sne.s32 s8, s19  }
.Ltmp1:
0xca: {  	_ = 	snop;
	(pc) =	sbr.rel @p0 .LBB2_1-.Ltmp1, $3  }
0xcb: {  	_ =	sdelay $0x1  }
0xcc: {  	[sflag:s24] =	ssyncset.done $0x0  }
0xcd: {  	[sflag:s24] =	ssyncadd.s32 $0xFFFFF800  }
0xce: {  	_ =	sfence.sel $0x180000  }
0xcf: {  	[bflag:$0x0] =	sbarrier.arrive $0xFFFF  }
0xd0: {  	_ =	strace $0x90000053  }
0xd1: {  	s0 =	stileid.u32;
	[bflag:$0x2] =	sbarrier.arrive $0xFFFF  }
0xd2: {  	p0 =	sne.s32 s0, $0x0;
	s0 =	rddreg [dreg:$0x2]  }
0xd3: {  	s0 =	sadd.s32 @!p0 $0x100000, s0  }
0xd4: {  	[sflag:s0] =	ssyncadd.tile.s32 @!p0 $0x1;
	_ =	shalt  }
.Lfunc_end2:
_tile_overlayer_lowered:
.L_overlay_start_2:
0xd5: {  	(tag) =	ssettag $0x2  }
0xd6: {  	s0 =	rddreg [dreg:$0x0];
	s2 =	stileid.u32  }
0xd7: {  	s1 =	rddreg [dreg:$0x1];
	p0 =	sne.s32 s2, $0x0  }
0xd8: {  	s3 =	rddreg [dreg:$0x2];
	[bflag:$0x3] =	sbarrier.arrive $0xFFFF;
	s2 =	simm.s32 @!p0 $0x1C05  }
0xd9: {  	[timem:s3], [sflag:s2] =	dma.local @!p0 [hbm:s0], s1  }
0xda: {  	s0 =	simm.s32 @!p0 $0x5  }
0xdb: {  	_ =	swait.ge @!p0 [sflag:s0], s1  }
0xdc: {  	s1 =	ssub.s32 @!p0 $0x0, s1;
	[sflag:s0] =	ssyncset.done @!p0 $0x0  }
0xdd: {  	[sflag:s0] =	ssyncadd.s32 @!p0 s1  }
0xde: {  	[bflag:$0x3] =	sbarrier.arrive $0xFFFF  }
0xdf: {  	_ =	shalt  }

</sc_bundles>
